<compile_context>
chip_gen: v7x
topology: tpu7x:2x2x1
jax: 0.10.2.dev20260603
libtpu: 0.0.44.dev20260713+nightly
codegen_flags: <defaults>
</compile_context>

<pallas_src>
import functools

import jax
import jax.numpy as jnp
from jax import lax
from jax.experimental import pallas as pl
from jax.experimental.pallas import tpu as pltpu
from jax.experimental.pallas import tpu_sc as plsc

H = 64
N_NODES = 50000
N_PAD = 50048
NC = 2
NS = 16
NW = NC * NS
E_TOTAL = 800000
EPW = 25088
E_PAD = NW * EPW
C1 = 3136
NCH1 = EPW // C1
C2 = 128
NCH2 = EPW // C2
SENTINEL = -1.0e30

_mesh = plsc.VectorSubcoreMesh(core_axis_name="c", subcore_axis_name="s")
_sc_params = pltpu.CompilerParams(needs_layout_passes=False,
                                  use_tc_tiling_on_sc=False)


def _worker_id():
    return lax.axis_index("s") * NC + lax.axis_index("c")



def _precompute_body(zc_ref, zp_ref, w1t_ref, wa_ref, u_ref, v_ref, ac_ref, ap_ref):
    zc = zc_ref[...]
    zp = zp_ref[...]
    w1t = w1t_ref[...]
    wa = wa_ref[...]
    u_ref[...] = jnp.dot(zc, w1t[:H, :], preferred_element_type=jnp.float32)
    v_ref[...] = jnp.dot(zp, w1t[H:, :], preferred_element_type=jnp.float32)
    ac_ref[...] = jnp.sum(zc * wa[0, :H][None, :], axis=1, keepdims=True)
    ap_ref[...] = jnp.sum(zp * wa[0, H:][None, :], axis=1, keepdims=True)


def _precompute(z_c, z_p, w1t, attn_w):
    R = 512
    grid = (pl.cdiv(N_PAD, R),)
    return pl.pallas_call(
        _precompute_body,
        grid=grid,
        in_specs=[
            pl.BlockSpec((R, H), lambda i: (i, 0)),
            pl.BlockSpec((R, H), lambda i: (i, 0)),
            pl.BlockSpec((2 * H, H), lambda i: (0, 0)),
            pl.BlockSpec((1, 2 * H), lambda i: (0, 0)),
        ],
        out_specs=[
            pl.BlockSpec((R, H), lambda i: (i, 0)),
            pl.BlockSpec((R, H), lambda i: (i, 0)),
            pl.BlockSpec((R, 1), lambda i: (i, 0)),
            pl.BlockSpec((R, 1), lambda i: (i, 0)),
        ],
        out_shape=[
            jax.ShapeDtypeStruct((N_PAD, H), jnp.float32),
            jax.ShapeDtypeStruct((N_PAD, H), jnp.float32),
            jax.ShapeDtypeStruct((N_NODES, 1), jnp.float32),
            jax.ShapeDtypeStruct((N_NODES, 1), jnp.float32),
        ],
    )(z_c, z_p, w1t, attn_w)



def _logits_body(src_h, dst_h, ac_h, ap_h, lg_h, tmax_h, tsum_h,
                 acv, apv, srcv, dstv, lgv, statv):
    wid = _worker_id()
    base = wid * EPW
    pltpu.sync_copy(ac_h, acv)
    pltpu.sync_copy(ap_h, apv)

    def chunk_body(j, carry):
        m, s = carry
        off = base + j * C1
        pltpu.sync_copy(src_h.at[pl.ds(off, C1)], srcv)
        pltpu.sync_copy(dst_h.at[pl.ds(off, C1)], dstv)

        def step(t, carry2):
            m, s = carry2
            si = srcv[pl.ds(t * 16, 16)]
            di = dstv[pl.ds(t * 16, 16)]
            l = plsc.load_gather(acv, [si]) + plsc.load_gather(apv, [di])
            lgv[pl.ds(t * 16, 16)] = l
            mn = jnp.maximum(m, l)
            s = s * jnp.exp(m - mn) + jnp.exp(l - mn)
            return mn, s

        m, s = lax.fori_loop(0, C1 // 16, step, (m, s))
        pltpu.sync_copy(lgv, lg_h.at[pl.ds(off, C1)])
        return m, s

    m0 = jnp.full((16,), SENTINEL, jnp.float32)
    s0 = jnp.zeros((16,), jnp.float32)
    m, s = lax.fori_loop(0, NCH1, chunk_body, (m0, s0))
    statv[pl.ds(0, 16)] = m
    pltpu.sync_copy(statv, tmax_h.at[pl.ds(wid * 16, 16)])
    statv[pl.ds(0, 16)] = s
    pltpu.sync_copy(statv, tsum_h.at[pl.ds(wid * 16, 16)])


_logits_kernel = pl.kernel(
    _logits_body,
    out_type=(
        jax.ShapeDtypeStruct((E_PAD,), jnp.float32),
        jax.ShapeDtypeStruct((NW * 16,), jnp.float32),
        jax.ShapeDtypeStruct((NW * 16,), jnp.float32),
    ),
    mesh=_mesh,
    compiler_params=_sc_params,
    scratch_types=[
        pltpu.VMEM((N_PAD,), jnp.float32),
        pltpu.VMEM((N_PAD,), jnp.float32),
        pltpu.VMEM((C1,), jnp.int32),
        pltpu.VMEM((C1,), jnp.int32),
        pltpu.VMEM((C1,), jnp.float32),
        pltpu.VMEM((16,), jnp.float32),
    ],
)



def _decode_body(src_h, dst_h, lg_h, tmax_h, tsum_h, u_h, v_h, c_h, out_h,
                 src0, dst0, lg0, uv0, vv0, ov0,
                 src1, dst1, lg1, uv1, vv1, ov1,
                 cv, mxv, smv,
                 semi0, semi1, semg0, semg1, semo0, semo1):
    wid = _worker_id()
    base = wid * EPW
    pltpu.sync_copy(c_h, cv)
    pltpu.sync_copy(tmax_h, mxv)
    pltpu.sync_copy(tsum_h, smv)

    bufs = ((src0, dst0, lg0, uv0, vv0, ov0, semi0, semg0, semo0),
            (src1, dst1, lg1, uv1, vv1, ov1, semi1, semg1, semo1))

    m = jnp.full((16,), SENTINEL, jnp.float32)
    for i in range(NW):
        m = jnp.maximum(m, mxv[pl.ds(i * 16, 16)])
    M = jnp.max(m)
    sacc = jnp.zeros((16,), jnp.float32)
    for i in range(NW):
        sacc = sacc + smv[pl.ds(i * 16, 16)] * jnp.exp(mxv[pl.ds(i * 16, 16)] - M)
    S = jnp.sum(sacc)
    invS = (jnp.ones((16,), jnp.float32) / jnp.full((16,), S))[0]

    b2 = cv[pl.ds(2 * H, 16)][0]

    def idx_copies(j, b):
        off = base + j * C2
        sv, dv, lv = bufs[b][0], bufs[b][1], bufs[b][2]
        semi = bufs[b][6]
        return (pltpu.make_async_copy(src_h.at[pl.ds(off, C2)], sv, semi),
                pltpu.make_async_copy(dst_h.at[pl.ds(off, C2)], dv, semi),
                pltpu.make_async_copy(lg_h.at[pl.ds(off, C2)], lv, semi))

    def gather_copies(b):
        sv, dv, uv, vv = bufs[b][0], bufs[b][1], bufs[b][3], bufs[b][4]
        semg = bufs[b][7]
        return (pltpu.make_async_copy(u_h.at[sv], uv, semg),
                pltpu.make_async_copy(v_h.at[dv], vv, semg))

    def out_copy(j, b):
        off = base + j * C2
        return pltpu.make_async_copy(bufs[b][5], out_h.at[pl.ds(off, C2)],
                                     bufs[b][8])

    def start_all(descs):
        for d in descs:
            d.start()

    def wait_all(descs):
        for d in descs:
            d.wait()

    def compute(b):
        lv, uv, vv, ov = bufs[b][2], bufs[b][3], bufs[b][4], bufs[b][5]

        def grp(g, _g):
            e16 = lax.iota(jnp.int32, 16) + g * 16
            sc = jnp.exp(lv[pl.ds(g * 16, 16)] - M) * invS
            accs = [jnp.zeros((16,), jnp.float32) for _ in range(4)]
            for fg in range(H // 16):
                b1v = cv[pl.ds(fg * 16, 16)]
                w2v = cv[pl.ds(H + fg * 16, 16)]
                for k in range(16):
                    f = fg * 16 + k
                    colf = jnp.full((16,), f, jnp.int32)
                    uf = plsc.load_gather(uv, [e16, colf])
                    vf = plsc.load_gather(vv, [e16, colf])
                    t = (uf + vf) * sc + b1v[k]
                    r = jnp.maximum(t, 0.0)
                    accs[f % 4] = accs[f % 4] + r * w2v[k]
            o = (accs[0] + accs[1]) + (accs[2] + accs[3]) + b2
            o = 1.0 / (1.0 + jnp.exp(-o))
            ov[pl.ds(g * 16, 16)] = o
            return 0

        lax.fori_loop(0, C2 // 16, grp, 0)

    start_all(idx_copies(0, 0))
    start_all(idx_copies(1, 1))
    wait_all(idx_copies(0, 0))
    start_all(gather_copies(0))

    def pair(jj, _):
        for b in (0, 1):
            j = 2 * jj + b
            nb = 1 - b

            @pl.when(j + 1 < NCH2)
            def _():
                wait_all(idx_copies(j + 1, nb))
                start_all(gather_copies(nb))

            wait_all(gather_copies(b))

            @pl.when(j + 2 < NCH2)
            def _():
                start_all(idx_copies(j + 2, b))

            @pl.when(j >= 2)
            def _():
                out_copy(j - 2, b).wait()

            compute(b)
            out_copy(j, b).start()
        return 0

    lax.fori_loop(0, NCH2 // 2, pair, 0)
    out_copy(NCH2 - 2, 0).wait()
    out_copy(NCH2 - 1, 1).wait()


_decode_kernel = pl.kernel(
    _decode_body,
    out_type=jax.ShapeDtypeStruct((E_PAD,), jnp.float32),
    mesh=_mesh,
    compiler_params=_sc_params,
    scratch_types=[
        pltpu.VMEM((C2,), jnp.int32),
        pltpu.VMEM((C2,), jnp.int32),
        pltpu.VMEM((C2,), jnp.float32),
        pltpu.VMEM((C2, H), jnp.float32),
        pltpu.VMEM((C2, H), jnp.float32),
        pltpu.VMEM((C2,), jnp.float32),
        pltpu.VMEM((C2,), jnp.int32),
        pltpu.VMEM((C2,), jnp.int32),
        pltpu.VMEM((C2,), jnp.float32),
        pltpu.VMEM((C2, H), jnp.float32),
        pltpu.VMEM((C2, H), jnp.float32),
        pltpu.VMEM((C2,), jnp.float32),
        pltpu.VMEM((2 * H + 16,), jnp.float32),
        pltpu.VMEM((NW * 16,), jnp.float32),
        pltpu.VMEM((NW * 16,), jnp.float32),
        pltpu.SemaphoreType.DMA,
        pltpu.SemaphoreType.DMA,
        pltpu.SemaphoreType.DMA,
        pltpu.SemaphoreType.DMA,
        pltpu.SemaphoreType.DMA,
        pltpu.SemaphoreType.DMA,
    ],
)


def kernel(z_compound, z_protein, edge_label_index, attn_w, attn_b,
           lin1_w, lin1_b, lin2_w, lin2_b):
    del attn_b
    f32 = jnp.float32
    w1t = lin1_w.T.astype(f32)
    U, V, ac, ap = _precompute(z_compound, z_protein, w1t, attn_w)

    pad = E_PAD - E_TOTAL
    src = jnp.concatenate([edge_label_index[0].astype(jnp.int32),
                           jnp.full((pad,), N_NODES, jnp.int32)])
    dst = jnp.concatenate([edge_label_index[1].astype(jnp.int32),
                           jnp.full((pad,), N_NODES, jnp.int32)])
    sent = jnp.full((N_PAD - N_NODES,), SENTINEL, f32)
    ac_t = jnp.concatenate([ac.reshape(-1), sent])
    ap_t = jnp.concatenate([ap.reshape(-1), sent])

    logits, tmax, tsum = _logits_kernel(src, dst, ac_t, ap_t)

    consts = jnp.concatenate([lin1_b.astype(f32), lin2_w.reshape(-1).astype(f32),
                              jnp.broadcast_to(lin2_b.astype(f32), (16,))])
    out = _decode_kernel(src, dst, logits, tmax, tsum, U, V, consts)
    return out[:E_TOTAL]

# --- scband reference (transcript-rebuilt; emitter-appended) ---
"""Pipeline reference for scband-edge-decoder-16741782520033 (READ-ONLY COPY).

The authoritative reference and input builder live on the scoring server;
editing this copy changes nothing except your own understanding.
"""

import jax, jax.numpy as jnp
import numpy as np

HIDDEN = 64
N_COMPOUND = 50000
N_PROTEIN = 50000
N_EDGES = 800000


def setup_inputs(seed: int = 0) -> dict:
    key = jax.random.key(seed)
    k1, k2, k3, k4, k5, k6 = jax.random.split(key, 6)
    z_compound = jax.random.normal(k1, (N_COMPOUND, HIDDEN), dtype=jnp.float32)
    z_protein = jax.random.normal(k2, (N_PROTEIN, HIDDEN), dtype=jnp.float32)
    ei_src = jax.random.randint(k3, (1, N_EDGES), 0, N_COMPOUND, dtype=jnp.int64) if jax.config.jax_enable_x64 else jax.random.randint(k3, (1, N_EDGES), 0, N_COMPOUND, dtype=jnp.int32)
    ei_dst = jax.random.randint(jax.random.fold_in(k3, 1), (1, N_EDGES), 0, N_PROTEIN, dtype=ei_src.dtype)
    edge_label_index = jnp.concatenate([ei_src, ei_dst], axis=0)
    # learned params (PyTorch Linear: y = x @ W.T + b)
    s_attn = 1.0 / np.sqrt(2 * HIDDEN)
    attn_w = jax.random.uniform(k4, (1, 2 * HIDDEN), jnp.float32, -s_attn, s_attn)
    attn_b = jax.random.uniform(jax.random.fold_in(k4, 1), (1,), jnp.float32, -s_attn, s_attn)
    s1 = 1.0 / np.sqrt(2 * HIDDEN)
    lin1_w = jax.random.uniform(k5, (HIDDEN, 2 * HIDDEN), jnp.float32, -s1, s1)
    lin1_b = jax.random.uniform(jax.random.fold_in(k5, 1), (HIDDEN,), jnp.float32, -s1, s1)
    s2 = 1.0 / np.sqrt(HIDDEN)
    lin2_w = jax.random.uniform(k6, (1, HIDDEN), jnp.float32, -s2, s2)
    lin2_b = jax.random.uniform(jax.random.fold_in(k6, 1), (1,), jnp.float32, -s2, s2)
    return {
        'z_compound': z_compound,
        'z_protein': z_protein,
        'edge_label_index': edge_label_index,
        'attn_w': attn_w, 'attn_b': attn_b,
        'lin1_w': lin1_w, 'lin1_b': lin1_b,
        'lin2_w': lin2_w, 'lin2_b': lin2_b,
    }


def reference(z_compound, z_protein, edge_label_index, attn_w, attn_b, lin1_w, lin1_b, lin2_w, lin2_b):
    # gather endpoint embeddings and concat -> [E, 2*HIDDEN]
    z = jnp.concatenate([
        jnp.take(z_compound, edge_label_index[0], axis=0),
        jnp.take(z_protein, edge_label_index[1], axis=0),
    ], axis=-1)
    # attn_lin -> [E, 1]; softmax over dim=0 (across all edges)
    attn_logits = z @ attn_w.T + attn_b
    attn_scores = jax.nn.softmax(attn_logits, axis=0)
    z = attn_scores * z
    z = jax.nn.relu(z @ lin1_w.T + lin1_b)
    z = jax.nn.sigmoid(z @ lin2_w.T + lin2_b)
    return z.reshape(-1)

if __name__ == "__main__":
    import jax
    _d = setup_inputs()
    print(jax.jit(kernel)(*tuple(_d.values())))

</pallas_src>

<mosaic_0001>
#map = affine_map<(d0, d1) -> (0)>
#map1 = affine_map<(d0, d1) -> (0, 0)>
module attributes {stable_mosaic.version = 14 : i64} {
  func.func @_decode_body(%arg0: i32, %arg1: i32, %arg2: memref<802816xi32, #tpu.memory_space<hbm>>, %arg3: memref<802816xi32, #tpu.memory_space<hbm>>, %arg4: memref<802816xf32, #tpu.memory_space<hbm>>, %arg5: memref<512xf32, #tpu.memory_space<hbm>>, %arg6: memref<512xf32, #tpu.memory_space<hbm>>, %arg7: memref<50048x64xf32, #tpu.memory_space<hbm>>, %arg8: memref<50048x64xf32, #tpu.memory_space<hbm>>, %arg9: memref<144xf32, #tpu.memory_space<hbm>>, %arg10: memref<802816xf32, #tpu.memory_space<hbm>>, %arg11: memref<128xi32, #tpu.memory_space<vmem>>, %arg12: memref<128xi32, #tpu.memory_space<vmem>>, %arg13: memref<128xf32, #tpu.memory_space<vmem>>, %arg14: memref<128x64xf32, #tpu.memory_space<vmem>>, %arg15: memref<128x64xf32, #tpu.memory_space<vmem>>, %arg16: memref<128xf32, #tpu.memory_space<vmem>>, %arg17: memref<128xi32, #tpu.memory_space<vmem>>, %arg18: memref<128xi32, #tpu.memory_space<vmem>>, %arg19: memref<128xf32, #tpu.memory_space<vmem>>, %arg20: memref<128x64xf32, #tpu.memory_space<vmem>>, %arg21: memref<128x64xf32, #tpu.memory_space<vmem>>, %arg22: memref<128xf32, #tpu.memory_space<vmem>>, %arg23: memref<144xf32, #tpu.memory_space<vmem>>, %arg24: memref<512xf32, #tpu.memory_space<vmem>>, %arg25: memref<512xf32, #tpu.memory_space<vmem>>, %arg26: memref<!tpu.dma_semaphore, #tpu.memory_space<semaphore_mem>>, %arg27: memref<!tpu.dma_semaphore, #tpu.memory_space<semaphore_mem>>, %arg28: memref<!tpu.dma_semaphore, #tpu.memory_space<semaphore_mem>>, %arg29: memref<!tpu.dma_semaphore, #tpu.memory_space<semaphore_mem>>, %arg30: memref<!tpu.dma_semaphore, #tpu.memory_space<semaphore_mem>>, %arg31: memref<!tpu.dma_semaphore, #tpu.memory_space<semaphore_mem>>) attributes {dimension_semantics = [#tpu.dimension_semantics<core_parallel>, #tpu.dimension_semantics<subcore_parallel>], iteration_bounds = array<i64: 2, 16>, scalar_prefetch = 0 : i64, scratch_operands = 21 : i64, tpu.core_type = #tpu.core_type<sc_vector_subcore>, window_params = [{transform_indices = #map}, {transform_indices = #map}, {transform_indices = #map}, {transform_indices = #map}, {transform_indices = #map}, {transform_indices = #map1}, {transform_indices = #map1}, {transform_indices = #map}, {transform_indices = #map}]} {
    %mul3A = arith.constant 2 : i32
    %mul3A_0 = arith.muli %arg1, %mul3A : i32
    %add3A = arith.addi %mul3A_0, %arg0 : i32
    %mul3A_1 = arith.constant 25088 : i32
    %mul3A_2 = arith.muli %add3A, %mul3A_1 : i32
    "tpu.region"() ({
      %run_scoped3A = tpu.sem_alloc : memref<!tpu.dma_semaphore, #tpu.memory_space<semaphore_mem>>
      tpu.enqueue_dma source(%arg9 : memref<144xf32, #tpu.memory_space<hbm>>) target(%arg23 : memref<144xf32, #tpu.memory_space<vmem>>) target_semaphore(%run_scoped3A : memref<!tpu.dma_semaphore, #tpu.memory_space<semaphore_mem>>)
      tpu.wait_dma2 semaphore(%run_scoped3A : memref<!tpu.dma_semaphore, #tpu.memory_space<semaphore_mem>>) src(%arg9 : memref<144xf32, #tpu.memory_space<hbm>>) dst(%arg23 : memref<144xf32, #tpu.memory_space<vmem>>)
      tpu.yield
    }) : () -> ()
    "tpu.region"() ({
      %run_scoped3A = tpu.sem_alloc : memref<!tpu.dma_semaphore, #tpu.memory_space<semaphore_mem>>
      tpu.enqueue_dma source(%arg5 : memref<512xf32, #tpu.memory_space<hbm>>) target(%arg24 : memref<512xf32, #tpu.memory_space<vmem>>) target_semaphore(%run_scoped3A : memref<!tpu.dma_semaphore, #tpu.memory_space<semaphore_mem>>)
      tpu.wait_dma2 semaphore(%run_scoped3A : memref<!tpu.dma_semaphore, #tpu.memory_space<semaphore_mem>>) src(%arg5 : memref<512xf32, #tpu.memory_space<hbm>>) dst(%arg24 : memref<512xf32, #tpu.memory_space<vmem>>)
      tpu.yield
    }) : () -> ()
    "tpu.region"() ({
      %run_scoped3A = tpu.sem_alloc : memref<!tpu.dma_semaphore, #tpu.memory_space<semaphore_mem>>
      tpu.enqueue_dma source(%arg6 : memref<512xf32, #tpu.memory_space<hbm>>) target(%arg25 : memref<512xf32, #tpu.memory_space<vmem>>) target_semaphore(%run_scoped3A : memref<!tpu.dma_semaphore, #tpu.memory_space<semaphore_mem>>)
      tpu.wait_dma2 semaphore(%run_scoped3A : memref<!tpu.dma_semaphore, #tpu.memory_space<semaphore_mem>>) src(%arg6 : memref<512xf32, #tpu.memory_space<hbm>>) dst(%arg25 : memref<512xf32, #tpu.memory_space<vmem>>)
      tpu.yield
    }) : () -> ()
    %broadcast_in_dim3A = arith.constant -1.000000e+30 : f32
    %broadcast_in_dim3A_3 = vector.broadcast %broadcast_in_dim3A : f32 to vector<16xf32>
    %get3A = arith.constant 0 : index
    %get3A_4 = tpu.vector_load %arg24[%get3A] {strides = array<i32>} : memref<512xf32, #tpu.memory_space<vmem>>, vector<16xf32>,
    %max3A = arith.maximumf %broadcast_in_dim3A_3, %get3A_4 : vector<16xf32>
    %get3A_5 = arith.constant 16 : index
    %get3A_6 = tpu.vector_load %arg24[%get3A_5] {strides = array<i32>} : memref<512xf32, #tpu.memory_space<vmem>>, vector<16xf32>,
    %max3A_7 = arith.maximumf %max3A, %get3A_6 : vector<16xf32>
    %get3A_8 = arith.constant 32 : index
    %get3A_9 = tpu.vector_load %arg24[%get3A_8] {strides = array<i32>} : memref<512xf32, #tpu.memory_space<vmem>>, vector<16xf32>,
    %max3A_10 = arith.maximumf %max3A_7, %get3A_9 : vector<16xf32>
    %get3A_11 = arith.constant 48 : index
    %get3A_12 = tpu.vector_load %arg24[%get3A_11] {strides = array<i32>} : memref<512xf32, #tpu.memory_space<vmem>>, vector<16xf32>,
    %max3A_13 = arith.maximumf %max3A_10, %get3A_12 : vector<16xf32>
    %get3A_14 = arith.constant 64 : index
    %get3A_15 = tpu.vector_load %arg24[%get3A_14] {strides = array<i32>} : memref<512xf32, #tpu.memory_space<vmem>>, vector<16xf32>,
    %max3A_16 = arith.maximumf %max3A_13, %get3A_15 : vector<16xf32>
    %get3A_17 = arith.constant 80 : index
    %get3A_18 = tpu.vector_load %arg24[%get3A_17] {strides = array<i32>} : memref<512xf32, #tpu.memory_space<vmem>>, vector<16xf32>,
    %max3A_19 = arith.maximumf %max3A_16, %get3A_18 : vector<16xf32>
    %get3A_20 = arith.constant 96 : index
    %get3A_21 = tpu.vector_load %arg24[%get3A_20] {strides = array<i32>} : memref<512xf32, #tpu.memory_space<vmem>>, vector<16xf32>,
    %max3A_22 = arith.maximumf %max3A_19, %get3A_21 : vector<16xf32>
    %get3A_23 = arith.constant 112 : index
    %get3A_24 = tpu.vector_load %arg24[%get3A_23] {strides = array<i32>} : memref<512xf32, #tpu.memory_space<vmem>>, vector<16xf32>,
    %max3A_25 = arith.maximumf %max3A_22, %get3A_24 : vector<16xf32>
    %get3A_26 = arith.constant 128 : index
    %get3A_27 = tpu.vector_load %arg24[%get3A_26] {strides = array<i32>} : memref<512xf32, #tpu.memory_space<vmem>>, vector<16xf32>,
    %max3A_28 = arith.maximumf %max3A_25, %get3A_27 : vector<16xf32>
    %get3A_29 = arith.constant 144 : index
    %get3A_30 = tpu.vector_load %arg24[%get3A_29] {strides = array<i32>} : memref<512xf32, #tpu.memory_space<vmem>>, vector<16xf32>,
    %max3A_31 = arith.maximumf %max3A_28, %get3A_30 : vector<16xf32>
    %get3A_32 = arith.constant 160 : index
    %get3A_33 = tpu.vector_load %arg24[%get3A_32] {strides = array<i32>} : memref<512xf32, #tpu.memory_space<vmem>>, vector<16xf32>,
    %max3A_34 = arith.maximumf %max3A_31, %get3A_33 : vector<16xf32>
    %get3A_35 = arith.constant 176 : index
    %get3A_36 = tpu.vector_load %arg24[%get3A_35] {strides = array<i32>} : memref<512xf32, #tpu.memory_space<vmem>>, vector<16xf32>,
    %max3A_37 = arith.maximumf %max3A_34, %get3A_36 : vector<16xf32>
    %get3A_38 = arith.constant 192 : index
    %get3A_39 = tpu.vector_load %arg24[%get3A_38] {strides = array<i32>} : memref<512xf32, #tpu.memory_space<vmem>>, vector<16xf32>,
    %max3A_40 = arith.maximumf %max3A_37, %get3A_39 : vector<16xf32>
    %get3A_41 = arith.constant 208 : index
    %get3A_42 = tpu.vector_load %arg24[%get3A_41] {strides = array<i32>} : memref<512xf32, #tpu.memory_space<vmem>>, vector<16xf32>,
    %max3A_43 = arith.maximumf %max3A_40, %get3A_42 : vector<16xf32>
    %get3A_44 = arith.constant 224 : index
    %get3A_45 = tpu.vector_load %arg24[%get3A_44] {strides = array<i32>} : memref<512xf32, #tpu.memory_space<vmem>>, vector<16xf32>,
    %max3A_46 = arith.maximumf %max3A_43, %get3A_45 : vector<16xf32>
    %get3A_47 = arith.constant 240 : index
    %get3A_48 = tpu.vector_load %arg24[%get3A_47] {strides = array<i32>} : memref<512xf32, #tpu.memory_space<vmem>>, vector<16xf32>,
    %max3A_49 = arith.maximumf %max3A_46, %get3A_48 : vector<16xf32>
    %get3A_50 = arith.constant 256 : index
    %get3A_51 = tpu.vector_load %arg24[%get3A_50] {strides = array<i32>} : memref<512xf32, #tpu.memory_space<vmem>>, vector<16xf32>,
    %max3A_52 = arith.maximumf %max3A_49, %get3A_51 : vector<16xf32>
    %get3A_53 = arith.constant 272 : index
    %get3A_54 = tpu.vector_load %arg24[%get3A_53] {strides = array<i32>} : memref<512xf32, #tpu.memory_space<vmem>>, vector<16xf32>,
    %max3A_55 = arith.maximumf %max3A_52, %get3A_54 : vector<16xf32>
    %get3A_56 = arith.constant 288 : index
    %get3A_57 = tpu.vector_load %arg24[%get3A_56] {strides = array<i32>} : memref<512xf32, #tpu.memory_space<vmem>>, vector<16xf32>,
    %max3A_58 = arith.maximumf %max3A_55, %get3A_57 : vector<16xf32>
    %get3A_59 = arith.constant 304 : index
    %get3A_60 = tpu.vector_load %arg24[%get3A_59] {strides = array<i32>} : memref<512xf32, #tpu.memory_space<vmem>>, vector<16xf32>,
    %max3A_61 = arith.maximumf %max3A_58, %get3A_60 : vector<16xf32>
    %get3A_62 = arith.constant 320 : index
    %get3A_63 = tpu.vector_load %arg24[%get3A_62] {strides = array<i32>} : memref<512xf32, #tpu.memory_space<vmem>>, vector<16xf32>,
    %max3A_64 = arith.maximumf %max3A_61, %get3A_63 : vector<16xf32>
    %get3A_65 = arith.constant 336 : index
    %get3A_66 = tpu.vector_load %arg24[%get3A_65] {strides = array<i32>} : memref<512xf32, #tpu.memory_space<vmem>>, vector<16xf32>,
    %max3A_67 = arith.maximumf %max3A_64, %get3A_66 : vector<16xf32>
    %get3A_68 = arith.constant 352 : index
    %get3A_69 = tpu.vector_load %arg24[%get3A_68] {strides = array<i32>} : memref<512xf32, #tpu.memory_space<vmem>>, vector<16xf32>,
    %max3A_70 = arith.maximumf %max3A_67, %get3A_69 : vector<16xf32>
    %get3A_71 = arith.constant 368 : index
    %get3A_72 = tpu.vector_load %arg24[%get3A_71] {strides = array<i32>} : memref<512xf32, #tpu.memory_space<vmem>>, vector<16xf32>,
    %max3A_73 = arith.maximumf %max3A_70, %get3A_72 : vector<16xf32>
    %get3A_74 = arith.constant 384 : index
    %get3A_75 = tpu.vector_load %arg24[%get3A_74] {strides = array<i32>} : memref<512xf32, #tpu.memory_space<vmem>>, vector<16xf32>,
    %max3A_76 = arith.maximumf %max3A_73, %get3A_75 : vector<16xf32>
    %get3A_77 = arith.constant 400 : index
    %get3A_78 = tpu.vector_load %arg24[%get3A_77] {strides = array<i32>} : memref<512xf32, #tpu.memory_space<vmem>>, vector<16xf32>,
    %max3A_79 = arith.maximumf %max3A_76, %get3A_78 : vector<16xf32>
    %get3A_80 = arith.constant 416 : index
    %get3A_81 = tpu.vector_load %arg24[%get3A_80] {strides = array<i32>} : memref<512xf32, #tpu.memory_space<vmem>>, vector<16xf32>,
    %max3A_82 = arith.maximumf %max3A_79, %get3A_81 : vector<16xf32>
    %get3A_83 = arith.constant 432 : index
    %get3A_84 = tpu.vector_load %arg24[%get3A_83] {strides = array<i32>} : memref<512xf32, #tpu.memory_space<vmem>>, vector<16xf32>,
    %max3A_85 = arith.maximumf %max3A_82, %get3A_84 : vector<16xf32>
    %get3A_86 = arith.constant 448 : index
    %get3A_87 = tpu.vector_load %arg24[%get3A_86] {strides = array<i32>} : memref<512xf32, #tpu.memory_space<vmem>>, vector<16xf32>,
    %max3A_88 = arith.maximumf %max3A_85, %get3A_87 : vector<16xf32>
    %get3A_89 = arith.constant 464 : index
    %get3A_90 = tpu.vector_load %arg24[%get3A_89] {strides = array<i32>} : memref<512xf32, #tpu.memory_space<vmem>>, vector<16xf32>,
    %max3A_91 = arith.maximumf %max3A_88, %get3A_90 : vector<16xf32>
    %get3A_92 = arith.constant 480 : index
    %get3A_93 = tpu.vector_load %arg24[%get3A_92] {strides = array<i32>} : memref<512xf32, #tpu.memory_space<vmem>>, vector<16xf32>,
    %max3A_94 = arith.maximumf %max3A_91, %get3A_93 : vector<16xf32>
    %get3A_95 = arith.constant 496 : index
    %get3A_96 = tpu.vector_load %arg24[%get3A_95] {strides = array<i32>} : memref<512xf32, #tpu.memory_space<vmem>>, vector<16xf32>,
    %max3A_97 = arith.maximumf %max3A_94, %get3A_96 : vector<16xf32>
    %reduce_max3A = arith.constant true
    %reduce_max3A_98 = vector.broadcast %reduce_max3A : i1 to vector<16xi1>
    %reduce_max3A_99 = tpu.scan <max>, %max3A_97 masked %reduce_max3A_98 : vector<16xf32>, vector<16xi1> -> vector<16xf32>
    %reduce_max3A_100 = vector.extract %reduce_max3A_99[15] : f32 from vector<16xf32>
    %broadcast_in_dim3A_101 = arith.constant 0.000000e+00 : f32
    %broadcast_in_dim3A_102 = vector.broadcast %broadcast_in_dim3A_101 : f32 to vector<16xf32>
    %get3A_103 = arith.constant 0 : index
    %get3A_104 = tpu.vector_load %arg25[%get3A_103] {strides = array<i32>} : memref<512xf32, #tpu.memory_space<vmem>>, vector<16xf32>,
    %get3A_105 = arith.constant 0 : index
    %get3A_106 = tpu.vector_load %arg24[%get3A_105] {strides = array<i32>} : memref<512xf32, #tpu.memory_space<vmem>>, vector<16xf32>,
    %sub3A = vector.broadcast %reduce_max3A_100 : f32 to vector<16xf32>
    %sub3A_107 = arith.subf %get3A_106, %sub3A : vector<16xf32>
    %exp3A = math.exp %sub3A_107 : vector<16xf32>
    %mul3A_108 = arith.mulf %get3A_104, %exp3A : vector<16xf32>
    %add3A_109 = arith.addf %broadcast_in_dim3A_102, %mul3A_108 : vector<16xf32>
    %get3A_110 = arith.constant 16 : index
    %get3A_111 = tpu.vector_load %arg25[%get3A_110] {strides = array<i32>} : memref<512xf32, #tpu.memory_space<vmem>>, vector<16xf32>,
    %get3A_112 = arith.constant 16 : index
    %get3A_113 = tpu.vector_load %arg24[%get3A_112] {strides = array<i32>} : memref<512xf32, #tpu.memory_space<vmem>>, vector<16xf32>,
    %sub3A_114 = vector.broadcast %reduce_max3A_100 : f32 to vector<16xf32>
    %sub3A_115 = arith.subf %get3A_113, %sub3A_114 : vector<16xf32>
    %exp3A_116 = math.exp %sub3A_115 : vector<16xf32>
    %mul3A_117 = arith.mulf %get3A_111, %exp3A_116 : vector<16xf32>
    %add3A_118 = arith.addf %add3A_109, %mul3A_117 : vector<16xf32>
    %get3A_119 = arith.constant 32 : index
    %get3A_120 = tpu.vector_load %arg25[%get3A_119] {strides = array<i32>} : memref<512xf32, #tpu.memory_space<vmem>>, vector<16xf32>,
    %get3A_121 = arith.constant 32 : index
    %get3A_122 = tpu.vector_load %arg24[%get3A_121] {strides = array<i32>} : memref<512xf32, #tpu.memory_space<vmem>>, vector<16xf32>,
    %sub3A_123 = vector.broadcast %reduce_max3A_100 : f32 to vector<16xf32>
    %sub3A_124 = arith.subf %get3A_122, %sub3A_123 : vector<16xf32>
    %exp3A_125 = math.exp %sub3A_124 : vector<16xf32>
    %mul3A_126 = arith.mulf %get3A_120, %exp3A_125 : vector<16xf32>
    %add3A_127 = arith.addf %add3A_118, %mul3A_126 : vector<16xf32>
    %get3A_128 = arith.constant 48 : index
    %get3A_129 = tpu.vector_load %arg25[%get3A_128] {strides = array<i32>} : memref<512xf32, #tpu.memory_space<vmem>>, vector<16xf32>,
    %get3A_130 = arith.constant 48 : index
    %get3A_131 = tpu.vector_load %arg24[%get3A_130] {strides = array<i32>} : memref<512xf32, #tpu.memory_space<vmem>>, vector<16xf32>,
    %sub3A_132 = vector.broadcast %reduce_max3A_100 : f32 to vector<16xf32>
    %sub3A_133 = arith.subf %get3A_131, %sub3A_132 : vector<16xf32>
    %exp3A_134 = math.exp %sub3A_133 : vector<16xf32>
    %mul3A_135 = arith.mulf %get3A_129, %exp3A_134 : vector<16xf32>
    %add3A_136 = arith.addf %add3A_127, %mul3A_135 : vector<16xf32>
    %get3A_137 = arith.constant 64 : index
    %get3A_138 = tpu.vector_load %arg25[%get3A_137] {strides = array<i32>} : memref<512xf32, #tpu.memory_space<vmem>>, vector<16xf32>,
    %get3A_139 = arith.constant 64 : index
    %get3A_140 = tpu.vector_load %arg24[%get3A_139] {strides = array<i32>} : memref<512xf32, #tpu.memory_space<vmem>>, vector<16xf32>,
    %sub3A_141 = vector.broadcast %reduce_max3A_100 : f32 to vector<16xf32>
    %sub3A_142 = arith.subf %get3A_140, %sub3A_141 : vector<16xf32>
    %exp3A_143 = math.exp %sub3A_142 : vector<16xf32>
    %mul3A_144 = arith.mulf %get3A_138, %exp3A_143 : vector<16xf32>
    %add3A_145 = arith.addf %add3A_136, %mul3A_144 : vector<16xf32>
    %get3A_146 = arith.constant 80 : index
    %get3A_147 = tpu.vector_load %arg25[%get3A_146] {strides = array<i32>} : memref<512xf32, #tpu.memory_space<vmem>>, vector<16xf32>,
    %get3A_148 = arith.constant 80 : index
    %get3A_149 = tpu.vector_load %arg24[%get3A_148] {strides = array<i32>} : memref<512xf32, #tpu.memory_space<vmem>>, vector<16xf32>,
    %sub3A_150 = vector.broadcast %reduce_max3A_100 : f32 to vector<16xf32>
    %sub3A_151 = arith.subf %get3A_149, %sub3A_150 : vector<16xf32>
    %exp3A_152 = math.exp %sub3A_151 : vector<16xf32>
    %mul3A_153 = arith.mulf %get3A_147, %exp3A_152 : vector<16xf32>
    %add3A_154 = arith.addf %add3A_145, %mul3A_153 : vector<16xf32>
    %get3A_155 = arith.constant 96 : index
    %get3A_156 = tpu.vector_load %arg25[%get3A_155] {strides = array<i32>} : memref<512xf32, #tpu.memory_space<vmem>>, vector<16xf32>,
    %get3A_157 = arith.constant 96 : index
    %get3A_158 = tpu.vector_load %arg24[%get3A_157] {strides = array<i32>} : memref<512xf32, #tpu.memory_space<vmem>>, vector<16xf32>,
    %sub3A_159 = vector.broadcast %reduce_max3A_100 : f32 to vector<16xf32>
    %sub3A_160 = arith.subf %get3A_158, %sub3A_159 : vector<16xf32>
    %exp3A_161 = math.exp %sub3A_160 : vector<16xf32>
    %mul3A_162 = arith.mulf %get3A_156, %exp3A_161 : vector<16xf32>
    %add3A_163 = arith.addf %add3A_154, %mul3A_162 : vector<16xf32>
    %get3A_164 = arith.constant 112 : index
    %get3A_165 = tpu.vector_load %arg25[%get3A_164] {strides = array<i32>} : memref<512xf32, #tpu.memory_space<vmem>>, vector<16xf32>,
    %get3A_166 = arith.constant 112 : index
    %get3A_167 = tpu.vector_load %arg24[%get3A_166] {strides = array<i32>} : memref<512xf32, #tpu.memory_space<vmem>>, vector<16xf32>,
    %sub3A_168 = vector.broadcast %reduce_max3A_100 : f32 to vector<16xf32>
    %sub3A_169 = arith.subf %get3A_167, %sub3A_168 : vector<16xf32>
    %exp3A_170 = math.exp %sub3A_169 : vector<16xf32>
    %mul3A_171 = arith.mulf %get3A_165, %exp3A_170 : vector<16xf32>
    %add3A_172 = arith.addf %add3A_163, %mul3A_171 : vector<16xf32>
    %get3A_173 = arith.constant 128 : index
    %get3A_174 = tpu.vector_load %arg25[%get3A_173] {strides = array<i32>} : memref<512xf32, #tpu.memory_space<vmem>>, vector<16xf32>,
    %get3A_175 = arith.constant 128 : index
    %get3A_176 = tpu.vector_load %arg24[%get3A_175] {strides = array<i32>} : memref<512xf32, #tpu.memory_space<vmem>>, vector<16xf32>,
    %sub3A_177 = vector.broadcast %reduce_max3A_100 : f32 to vector<16xf32>
    %sub3A_178 = arith.subf %get3A_176, %sub3A_177 : vector<16xf32>
    %exp3A_179 = math.exp %sub3A_178 : vector<16xf32>
    %mul3A_180 = arith.mulf %get3A_174, %exp3A_179 : vector<16xf32>
    %add3A_181 = arith.addf %add3A_172, %mul3A_180 : vector<16xf32>
    %get3A_182 = arith.constant 144 : index
    %get3A_183 = tpu.vector_load %arg25[%get3A_182] {strides = array<i32>} : memref<512xf32, #tpu.memory_space<vmem>>, vector<16xf32>,
    %get3A_184 = arith.constant 144 : index
    %get3A_185 = tpu.vector_load %arg24[%get3A_184] {strides = array<i32>} : memref<512xf32, #tpu.memory_space<vmem>>, vector<16xf32>,
    %sub3A_186 = vector.broadcast %reduce_max3A_100 : f32 to vector<16xf32>
    %sub3A_187 = arith.subf %get3A_185, %sub3A_186 : vector<16xf32>
    %exp3A_188 = math.exp %sub3A_187 : vector<16xf32>
    %mul3A_189 = arith.mulf %get3A_183, %exp3A_188 : vector<16xf32>
    %add3A_190 = arith.addf %add3A_181, %mul3A_189 : vector<16xf32>
    %get3A_191 = arith.constant 160 : index
    %get3A_192 = tpu.vector_load %arg25[%get3A_191] {strides = array<i32>} : memref<512xf32, #tpu.memory_space<vmem>>, vector<16xf32>,
    %get3A_193 = arith.constant 160 : index
    %get3A_194 = tpu.vector_load %arg24[%get3A_193] {strides = array<i32>} : memref<512xf32, #tpu.memory_space<vmem>>, vector<16xf32>,
    %sub3A_195 = vector.broadcast %reduce_max3A_100 : f32 to vector<16xf32>
    %sub3A_196 = arith.subf %get3A_194, %sub3A_195 : vector<16xf32>
    %exp3A_197 = math.exp %sub3A_196 : vector<16xf32>
    %mul3A_198 = arith.mulf %get3A_192, %exp3A_197 : vector<16xf32>
    %add3A_199 = arith.addf %add3A_190, %mul3A_198 : vector<16xf32>
    %get3A_200 = arith.constant 176 : index
    %get3A_201 = tpu.vector_load %arg25[%get3A_200] {strides = array<i32>} : memref<512xf32, #tpu.memory_space<vmem>>, vector<16xf32>,
    %get3A_202 = arith.constant 176 : index
    %get3A_203 = tpu.vector_load %arg24[%get3A_202] {strides = array<i32>} : memref<512xf32, #tpu.memory_space<vmem>>, vector<16xf32>,
    %sub3A_204 = vector.broadcast %reduce_max3A_100 : f32 to vector<16xf32>
    %sub3A_205 = arith.subf %get3A_203, %sub3A_204 : vector<16xf32>
    %exp3A_206 = math.exp %sub3A_205 : vector<16xf32>
    %mul3A_207 = arith.mulf %get3A_201, %exp3A_206 : vector<16xf32>
    %add3A_208 = arith.addf %add3A_199, %mul3A_207 : vector<16xf32>
    %get3A_209 = arith.constant 192 : index
    %get3A_210 = tpu.vector_load %arg25[%get3A_209] {strides = array<i32>} : memref<512xf32, #tpu.memory_space<vmem>>, vector<16xf32>,
    %get3A_211 = arith.constant 192 : index
    %get3A_212 = tpu.vector_load %arg24[%get3A_211] {strides = array<i32>} : memref<512xf32, #tpu.memory_space<vmem>>, vector<16xf32>,
    %sub3A_213 = vector.broadcast %reduce_max3A_100 : f32 to vector<16xf32>
    %sub3A_214 = arith.subf %get3A_212, %sub3A_213 : vector<16xf32>
    %exp3A_215 = math.exp %sub3A_214 : vector<16xf32>
    %mul3A_216 = arith.mulf %get3A_210, %exp3A_215 : vector<16xf32>
    %add3A_217 = arith.addf %add3A_208, %mul3A_216 : vector<16xf32>
    %get3A_218 = arith.constant 208 : index
    %get3A_219 = tpu.vector_load %arg25[%get3A_218] {strides = array<i32>} : memref<512xf32, #tpu.memory_space<vmem>>, vector<16xf32>,
    %get3A_220 = arith.constant 208 : index
    %get3A_221 = tpu.vector_load %arg24[%get3A_220] {strides = array<i32>} : memref<512xf32, #tpu.memory_space<vmem>>, vector<16xf32>,
    %sub3A_222 = vector.broadcast %reduce_max3A_100 : f32 to vector<16xf32>
    %sub3A_223 = arith.subf %get3A_221, %sub3A_222 : vector<16xf32>
    %exp3A_224 = math.exp %sub3A_223 : vector<16xf32>
    %mul3A_225 = arith.mulf %get3A_219, %exp3A_224 : vector<16xf32>
    %add3A_226 = arith.addf %add3A_217, %mul3A_225 : vector<16xf32>
    %get3A_227 = arith.constant 224 : index
    %get3A_228 = tpu.vector_load %arg25[%get3A_227] {strides = array<i32>} : memref<512xf32, #tpu.memory_space<vmem>>, vector<16xf32>,
    %get3A_229 = arith.constant 224 : index
    %get3A_230 = tpu.vector_load %arg24[%get3A_229] {strides = array<i32>} : memref<512xf32, #tpu.memory_space<vmem>>, vector<16xf32>,
    %sub3A_231 = vector.broadcast %reduce_max3A_100 : f32 to vector<16xf32>
    %sub3A_232 = arith.subf %get3A_230, %sub3A_231 : vector<16xf32>
    %exp3A_233 = math.exp %sub3A_232 : vector<16xf32>
    %mul3A_234 = arith.mulf %get3A_228, %exp3A_233 : vector<16xf32>
    %add3A_235 = arith.addf %add3A_226, %mul3A_234 : vector<16xf32>
    %get3A_236 = arith.constant 240 : index
    %get3A_237 = tpu.vector_load %arg25[%get3A_236] {strides = array<i32>} : memref<512xf32, #tpu.memory_space<vmem>>, vector<16xf32>,
    %get3A_238 = arith.constant 240 : index
    %get3A_239 = tpu.vector_load %arg24[%get3A_238] {strides = array<i32>} : memref<512xf32, #tpu.memory_space<vmem>>, vector<16xf32>,
    %sub3A_240 = vector.broadcast %reduce_max3A_100 : f32 to vector<16xf32>
    %sub3A_241 = arith.subf %get3A_239, %sub3A_240 : vector<16xf32>
    %exp3A_242 = math.exp %sub3A_241 : vector<16xf32>
    %mul3A_243 = arith.mulf %get3A_237, %exp3A_242 : vector<16xf32>
    %add3A_244 = arith.addf %add3A_235, %mul3A_243 : vector<16xf32>
    %get3A_245 = arith.constant 256 : index
    %get3A_246 = tpu.vector_load %arg25[%get3A_245] {strides = array<i32>} : memref<512xf32, #tpu.memory_space<vmem>>, vector<16xf32>,
    %get3A_247 = arith.constant 256 : index
    %get3A_248 = tpu.vector_load %arg24[%get3A_247] {strides = array<i32>} : memref<512xf32, #tpu.memory_space<vmem>>, vector<16xf32>,
    %sub3A_249 = vector.broadcast %reduce_max3A_100 : f32 to vector<16xf32>
    %sub3A_250 = arith.subf %get3A_248, %sub3A_249 : vector<16xf32>
    %exp3A_251 = math.exp %sub3A_250 : vector<16xf32>
    %mul3A_252 = arith.mulf %get3A_246, %exp3A_251 : vector<16xf32>
    %add3A_253 = arith.addf %add3A_244, %mul3A_252 : vector<16xf32>
    %get3A_254 = arith.constant 272 : index
    %get3A_255 = tpu.vector_load %arg25[%get3A_254] {strides = array<i32>} : memref<512xf32, #tpu.memory_space<vmem>>, vector<16xf32>,
    %get3A_256 = arith.constant 272 : index
    %get3A_257 = tpu.vector_load %arg24[%get3A_256] {strides = array<i32>} : memref<512xf32, #tpu.memory_space<vmem>>, vector<16xf32>,
    %sub3A_258 = vector.broadcast %reduce_max3A_100 : f32 to vector<16xf32>
    %sub3A_259 = arith.subf %get3A_257, %sub3A_258 : vector<16xf32>
    %exp3A_260 = math.exp %sub3A_259 : vector<16xf32>
    %mul3A_261 = arith.mulf %get3A_255, %exp3A_260 : vector<16xf32>
    %add3A_262 = arith.addf %add3A_253, %mul3A_261 : vector<16xf32>
    %get3A_263 = arith.constant 288 : index
    %get3A_264 = tpu.vector_load %arg25[%get3A_263] {strides = array<i32>} : memref<512xf32, #tpu.memory_space<vmem>>, vector<16xf32>,
    %get3A_265 = arith.constant 288 : index
    %get3A_266 = tpu.vector_load %arg24[%get3A_265] {strides = array<i32>} : memref<512xf32, #tpu.memory_space<vmem>>, vector<16xf32>,
    %sub3A_267 = vector.broadcast %reduce_max3A_100 : f32 to vector<16xf32>
    %sub3A_268 = arith.subf %get3A_266, %sub3A_267 : vector<16xf32>
    %exp3A_269 = math.exp %sub3A_268 : vector<16xf32>
    %mul3A_270 = arith.mulf %get3A_264, %exp3A_269 : vector<16xf32>
    %add3A_271 = arith.addf %add3A_262, %mul3A_270 : vector<16xf32>
    %get3A_272 = arith.constant 304 : index
    %get3A_273 = tpu.vector_load %arg25[%get3A_272] {strides = array<i32>} : memref<512xf32, #tpu.memory_space<vmem>>, vector<16xf32>,
    %get3A_274 = arith.constant 304 : index
    %get3A_275 = tpu.vector_load %arg24[%get3A_274] {strides = array<i32>} : memref<512xf32, #tpu.memory_space<vmem>>, vector<16xf32>,
    %sub3A_276 = vector.broadcast %reduce_max3A_100 : f32 to vector<16xf32>
    %sub3A_277 = arith.subf %get3A_275, %sub3A_276 : vector<16xf32>
    %exp3A_278 = math.exp %sub3A_277 : vector<16xf32>
    %mul3A_279 = arith.mulf %get3A_273, %exp3A_278 : vector<16xf32>
    %add3A_280 = arith.addf %add3A_271, %mul3A_279 : vector<16xf32>
    %get3A_281 = arith.constant 320 : index
    %get3A_282 = tpu.vector_load %arg25[%get3A_281] {strides = array<i32>} : memref<512xf32, #tpu.memory_space<vmem>>, vector<16xf32>,
    %get3A_283 = arith.constant 320 : index
    %get3A_284 = tpu.vector_load %arg24[%get3A_283] {strides = array<i32>} : memref<512xf32, #tpu.memory_space<vmem>>, vector<16xf32>,
    %sub3A_285 = vector.broadcast %reduce_max3A_100 : f32 to vector<16xf32>
    %sub3A_286 = arith.subf %get3A_284, %sub3A_285 : vector<16xf32>
    %exp3A_287 = math.exp %sub3A_286 : vector<16xf32>
    %mul3A_288 = arith.mulf %get3A_282, %exp3A_287 : vector<16xf32>
    %add3A_289 = arith.addf %add3A_280, %mul3A_288 : vector<16xf32>
    %get3A_290 = arith.constant 336 : index
    %get3A_291 = tpu.vector_load %arg25[%get3A_290] {strides = array<i32>} : memref<512xf32, #tpu.memory_space<vmem>>, vector<16xf32>,
    %get3A_292 = arith.constant 336 : index
    %get3A_293 = tpu.vector_load %arg24[%get3A_292] {strides = array<i32>} : memref<512xf32, #tpu.memory_space<vmem>>, vector<16xf32>,
    %sub3A_294 = vector.broadcast %reduce_max3A_100 : f32 to vector<16xf32>
    %sub3A_295 = arith.subf %get3A_293, %sub3A_294 : vector<16xf32>
    %exp3A_296 = math.exp %sub3A_295 : vector<16xf32>
    %mul3A_297 = arith.mulf %get3A_291, %exp3A_296 : vector<16xf32>
    %add3A_298 = arith.addf %add3A_289, %mul3A_297 : vector<16xf32>
    %get3A_299 = arith.constant 352 : index
    %get3A_300 = tpu.vector_load %arg25[%get3A_299] {strides = array<i32>} : memref<512xf32, #tpu.memory_space<vmem>>, vector<16xf32>,
    %get3A_301 = arith.constant 352 : index
    %get3A_302 = tpu.vector_load %arg24[%get3A_301] {strides = array<i32>} : memref<512xf32, #tpu.memory_space<vmem>>, vector<16xf32>,
    %sub3A_303 = vector.broadcast %reduce_max3A_100 : f32 to vector<16xf32>
    %sub3A_304 = arith.subf %get3A_302, %sub3A_303 : vector<16xf32>
    %exp3A_305 = math.exp %sub3A_304 : vector<16xf32>
    %mul3A_306 = arith.mulf %get3A_300, %exp3A_305 : vector<16xf32>
    %add3A_307 = arith.addf %add3A_298, %mul3A_306 : vector<16xf32>
    %get3A_308 = arith.constant 368 : index
    %get3A_309 = tpu.vector_load %arg25[%get3A_308] {strides = array<i32>} : memref<512xf32, #tpu.memory_space<vmem>>, vector<16xf32>,
    %get3A_310 = arith.constant 368 : index
    %get3A_311 = tpu.vector_load %arg24[%get3A_310] {strides = array<i32>} : memref<512xf32, #tpu.memory_space<vmem>>, vector<16xf32>,
    %sub3A_312 = vector.broadcast %reduce_max3A_100 : f32 to vector<16xf32>
    %sub3A_313 = arith.subf %get3A_311, %sub3A_312 : vector<16xf32>
    %exp3A_314 = math.exp %sub3A_313 : vector<16xf32>
    %mul3A_315 = arith.mulf %get3A_309, %exp3A_314 : vector<16xf32>
    %add3A_316 = arith.addf %add3A_307, %mul3A_315 : vector<16xf32>
    %get3A_317 = arith.constant 384 : index
    %get3A_318 = tpu.vector_load %arg25[%get3A_317] {strides = array<i32>} : memref<512xf32, #tpu.memory_space<vmem>>, vector<16xf32>,
    %get3A_319 = arith.constant 384 : index
    %get3A_320 = tpu.vector_load %arg24[%get3A_319] {strides = array<i32>} : memref<512xf32, #tpu.memory_space<vmem>>, vector<16xf32>,
    %sub3A_321 = vector.broadcast %reduce_max3A_100 : f32 to vector<16xf32>
    %sub3A_322 = arith.subf %get3A_320, %sub3A_321 : vector<16xf32>
    %exp3A_323 = math.exp %sub3A_322 : vector<16xf32>
    %mul3A_324 = arith.mulf %get3A_318, %exp3A_323 : vector<16xf32>
    %add3A_325 = arith.addf %add3A_316, %mul3A_324 : vector<16xf32>
    %get3A_326 = arith.constant 400 : index
    %get3A_327 = tpu.vector_load %arg25[%get3A_326] {strides = array<i32>} : memref<512xf32, #tpu.memory_space<vmem>>, vector<16xf32>,
    %get3A_328 = arith.constant 400 : index
    %get3A_329 = tpu.vector_load %arg24[%get3A_328] {strides = array<i32>} : memref<512xf32, #tpu.memory_space<vmem>>, vector<16xf32>,
    %sub3A_330 = vector.broadcast %reduce_max3A_100 : f32 to vector<16xf32>
    %sub3A_331 = arith.subf %get3A_329, %sub3A_330 : vector<16xf32>
    %exp3A_332 = math.exp %sub3A_331 : vector<16xf32>
    %mul3A_333 = arith.mulf %get3A_327, %exp3A_332 : vector<16xf32>
    %add3A_334 = arith.addf %add3A_325, %mul3A_333 : vector<16xf32>
    %get3A_335 = arith.constant 416 : index
    %get3A_336 = tpu.vector_load %arg25[%get3A_335] {strides = array<i32>} : memref<512xf32, #tpu.memory_space<vmem>>, vector<16xf32>,
    %get3A_337 = arith.constant 416 : index
    %get3A_338 = tpu.vector_load %arg24[%get3A_337] {strides = array<i32>} : memref<512xf32, #tpu.memory_space<vmem>>, vector<16xf32>,
    %sub3A_339 = vector.broadcast %reduce_max3A_100 : f32 to vector<16xf32>
    %sub3A_340 = arith.subf %get3A_338, %sub3A_339 : vector<16xf32>
    %exp3A_341 = math.exp %sub3A_340 : vector<16xf32>
    %mul3A_342 = arith.mulf %get3A_336, %exp3A_341 : vector<16xf32>
    %add3A_343 = arith.addf %add3A_334, %mul3A_342 : vector<16xf32>
    %get3A_344 = arith.constant 432 : index
    %get3A_345 = tpu.vector_load %arg25[%get3A_344] {strides = array<i32>} : memref<512xf32, #tpu.memory_space<vmem>>, vector<16xf32>,
    %get3A_346 = arith.constant 432 : index
    %get3A_347 = tpu.vector_load %arg24[%get3A_346] {strides = array<i32>} : memref<512xf32, #tpu.memory_space<vmem>>, vector<16xf32>,
    %sub3A_348 = vector.broadcast %reduce_max3A_100 : f32 to vector<16xf32>
    %sub3A_349 = arith.subf %get3A_347, %sub3A_348 : vector<16xf32>
    %exp3A_350 = math.exp %sub3A_349 : vector<16xf32>
    %mul3A_351 = arith.mulf %get3A_345, %exp3A_350 : vector<16xf32>
    %add3A_352 = arith.addf %add3A_343, %mul3A_351 : vector<16xf32>
    %get3A_353 = arith.constant 448 : index
    %get3A_354 = tpu.vector_load %arg25[%get3A_353] {strides = array<i32>} : memref<512xf32, #tpu.memory_space<vmem>>, vector<16xf32>,
    %get3A_355 = arith.constant 448 : index
    %get3A_356 = tpu.vector_load %arg24[%get3A_355] {strides = array<i32>} : memref<512xf32, #tpu.memory_space<vmem>>, vector<16xf32>,
    %sub3A_357 = vector.broadcast %reduce_max3A_100 : f32 to vector<16xf32>
    %sub3A_358 = arith.subf %get3A_356, %sub3A_357 : vector<16xf32>
    %exp3A_359 = math.exp %sub3A_358 : vector<16xf32>
    %mul3A_360 = arith.mulf %get3A_354, %exp3A_359 : vector<16xf32>
    %add3A_361 = arith.addf %add3A_352, %mul3A_360 : vector<16xf32>
    %get3A_362 = arith.constant 464 : index
    %get3A_363 = tpu.vector_load %arg25[%get3A_362] {strides = array<i32>} : memref<512xf32, #tpu.memory_space<vmem>>, vector<16xf32>,
    %get3A_364 = arith.constant 464 : index
    %get3A_365 = tpu.vector_load %arg24[%get3A_364] {strides = array<i32>} : memref<512xf32, #tpu.memory_space<vmem>>, vector<16xf32>,
    %sub3A_366 = vector.broadcast %reduce_max3A_100 : f32 to vector<16xf32>
    %sub3A_367 = arith.subf %get3A_365, %sub3A_366 : vector<16xf32>
    %exp3A_368 = math.exp %sub3A_367 : vector<16xf32>
    %mul3A_369 = arith.mulf %get3A_363, %exp3A_368 : vector<16xf32>
    %add3A_370 = arith.addf %add3A_361, %mul3A_369 : vector<16xf32>
    %get3A_371 = arith.constant 480 : index
    %get3A_372 = tpu.vector_load %arg25[%get3A_371] {strides = array<i32>} : memref<512xf32, #tpu.memory_space<vmem>>, vector<16xf32>,
    %get3A_373 = arith.constant 480 : index
    %get3A_374 = tpu.vector_load %arg24[%get3A_373] {strides = array<i32>} : memref<512xf32, #tpu.memory_space<vmem>>, vector<16xf32>,
    %sub3A_375 = vector.broadcast %reduce_max3A_100 : f32 to vector<16xf32>
    %sub3A_376 = arith.subf %get3A_374, %sub3A_375 : vector<16xf32>
    %exp3A_377 = math.exp %sub3A_376 : vector<16xf32>
    %mul3A_378 = arith.mulf %get3A_372, %exp3A_377 : vector<16xf32>
    %add3A_379 = arith.addf %add3A_370, %mul3A_378 : vector<16xf32>
    %get3A_380 = arith.constant 496 : index
    %get3A_381 = tpu.vector_load %arg25[%get3A_380] {strides = array<i32>} : memref<512xf32, #tpu.memory_space<vmem>>, vector<16xf32>,
    %get3A_382 = arith.constant 496 : index
    %get3A_383 = tpu.vector_load %arg24[%get3A_382] {strides = array<i32>} : memref<512xf32, #tpu.memory_space<vmem>>, vector<16xf32>,
    %sub3A_384 = vector.broadcast %reduce_max3A_100 : f32 to vector<16xf32>
    %sub3A_385 = arith.subf %get3A_383, %sub3A_384 : vector<16xf32>
    %exp3A_386 = math.exp %sub3A_385 : vector<16xf32>
    %mul3A_387 = arith.mulf %get3A_381, %exp3A_386 : vector<16xf32>
    %add3A_388 = arith.addf %add3A_379, %mul3A_387 : vector<16xf32>
    %reduce_sum3A = arith.constant true
    %reduce_sum3A_389 = vector.broadcast %reduce_sum3A : i1 to vector<16xi1>
    %reduce_sum3A_390 = tpu.scan <sum>, %add3A_388 masked %reduce_sum3A_389 : vector<16xf32>, vector<16xi1> -> vector<16xf32>
    %reduce_sum3A_391 = vector.extract %reduce_sum3A_390[15] : f32 from vector<16xf32>
    %broadcast_in_dim3A_392 = arith.constant 1.000000e+00 : f32
    %broadcast_in_dim3A_393 = vector.broadcast %broadcast_in_dim3A_392 : f32 to vector<16xf32>
    %broadcast_in_dim3A_394 = vector.broadcast %reduce_sum3A_391 : f32 to vector<16xf32>
    %div3A = arith.divf %broadcast_in_dim3A_393, %broadcast_in_dim3A_394 : vector<16xf32>
    %slice3A = vector.extract_strided_slice %div3A {offsets = [0], sizes = [1], strides = [1]} : vector<16xf32> to vector<1xf32>
    %squeeze3A = vector.extract %slice3A[0] : f32 from vector<1xf32>
    %get3A_395 = arith.constant 128 : index
    %get3A_396 = tpu.vector_load %arg23[%get3A_395] {strides = array<i32>} : memref<144xf32, #tpu.memory_space<vmem>>, vector<16xf32>,
    %slice3A_397 = vector.extract_strided_slice %get3A_396 {offsets = [0], sizes = [1], strides = [1]} : vector<16xf32> to vector<1xf32>
    %squeeze3A_398 = vector.extract %slice3A_397[0] : f32 from vector<1xf32>
    %add3A_399 = arith.constant 0 : i32
    %add3A_400 = arith.addi %mul3A_2, %add3A_399 : i32
    %dma_start3A = tpu.memref_slice %arg2[%add3A_400] : memref<802816xi32, #tpu.memory_space<hbm>> -> memref<128xi32, #tpu.memory_space<hbm>>
    %dma_start3A_401 = tpu.memref_slice %arg2[%add3A_400] : memref<802816xi32, #tpu.memory_space<hbm>> -> memref<128xi32, #tpu.memory_space<hbm>>
    tpu.enqueue_dma source(%dma_start3A_401 : memref<128xi32, #tpu.memory_space<hbm>>) target(%arg11 : memref<128xi32, #tpu.memory_space<vmem>>) target_semaphore(%arg26 : memref<!tpu.dma_semaphore, #tpu.memory_space<semaphore_mem>>)
    %dma_start3A_402 = tpu.memref_slice %arg3[%add3A_400] : memref<802816xi32, #tpu.memory_space<hbm>> -> memref<128xi32, #tpu.memory_space<hbm>>
    %dma_start3A_403 = tpu.memref_slice %arg3[%add3A_400] : memref<802816xi32, #tpu.memory_space<hbm>> -> memref<128xi32, #tpu.memory_space<hbm>>
    tpu.enqueue_dma source(%dma_start3A_403 : memref<128xi32, #tpu.memory_space<hbm>>) target(%arg12 : memref<128xi32, #tpu.memory_space<vmem>>) target_semaphore(%arg26 : memref<!tpu.dma_semaphore, #tpu.memory_space<semaphore_mem>>)
    %dma_start3A_404 = tpu.memref_slice %arg4[%add3A_400] : memref<802816xf32, #tpu.memory_space<hbm>> -> memref<128xf32, #tpu.memory_space<hbm>>
    %dma_start3A_405 = tpu.memref_slice %arg4[%add3A_400] : memref<802816xf32, #tpu.memory_space<hbm>> -> memref<128xf32, #tpu.memory_space<hbm>>
    tpu.enqueue_dma source(%dma_start3A_405 : memref<128xf32, #tpu.memory_space<hbm>>) target(%arg13 : memref<128xf32, #tpu.memory_space<vmem>>) target_semaphore(%arg26 : memref<!tpu.dma_semaphore, #tpu.memory_space<semaphore_mem>>)
    %add3A_406 = arith.constant 128 : i32
    %add3A_407 = arith.addi %mul3A_2, %add3A_406 : i32
    %dma_start3A_408 = tpu.memref_slice %arg2[%add3A_407] : memref<802816xi32, #tpu.memory_space<hbm>> -> memref<128xi32, #tpu.memory_space<hbm>>
    %dma_start3A_409 = tpu.memref_slice %arg2[%add3A_407] : memref<802816xi32, #tpu.memory_space<hbm>> -> memref<128xi32, #tpu.memory_space<hbm>>
    tpu.enqueue_dma source(%dma_start3A_409 : memref<128xi32, #tpu.memory_space<hbm>>) target(%arg17 : memref<128xi32, #tpu.memory_space<vmem>>) target_semaphore(%arg27 : memref<!tpu.dma_semaphore, #tpu.memory_space<semaphore_mem>>)
    %dma_start3A_410 = tpu.memref_slice %arg3[%add3A_407] : memref<802816xi32, #tpu.memory_space<hbm>> -> memref<128xi32, #tpu.memory_space<hbm>>
    %dma_start3A_411 = tpu.memref_slice %arg3[%add3A_407] : memref<802816xi32, #tpu.memory_space<hbm>> -> memref<128xi32, #tpu.memory_space<hbm>>
    tpu.enqueue_dma source(%dma_start3A_411 : memref<128xi32, #tpu.memory_space<hbm>>) target(%arg18 : memref<128xi32, #tpu.memory_space<vmem>>) target_semaphore(%arg27 : memref<!tpu.dma_semaphore, #tpu.memory_space<semaphore_mem>>)
    %dma_start3A_412 = tpu.memref_slice %arg4[%add3A_407] : memref<802816xf32, #tpu.memory_space<hbm>> -> memref<128xf32, #tpu.memory_space<hbm>>
    %dma_start3A_413 = tpu.memref_slice %arg4[%add3A_407] : memref<802816xf32, #tpu.memory_space<hbm>> -> memref<128xf32, #tpu.memory_space<hbm>>
    tpu.enqueue_dma source(%dma_start3A_413 : memref<128xf32, #tpu.memory_space<hbm>>) target(%arg19 : memref<128xf32, #tpu.memory_space<vmem>>) target_semaphore(%arg27 : memref<!tpu.dma_semaphore, #tpu.memory_space<semaphore_mem>>)
    %add3A_414 = arith.constant 0 : i32
    %add3A_415 = arith.addi %mul3A_2, %add3A_414 : i32
    %dma_wait3A = tpu.memref_slice %arg2[%add3A_415] : memref<802816xi32, #tpu.memory_space<hbm>> -> memref<128xi32, #tpu.memory_space<hbm>>
    %dma_wait3A_416 = tpu.memref_slice %arg2[%add3A_415] : memref<802816xi32, #tpu.memory_space<hbm>> -> memref<128xi32, #tpu.memory_space<hbm>>
    tpu.wait_dma2 semaphore(%arg26 : memref<!tpu.dma_semaphore, #tpu.memory_space<semaphore_mem>>) src(%dma_wait3A_416 : memref<128xi32, #tpu.memory_space<hbm>>) dst(%arg11 : memref<128xi32, #tpu.memory_space<vmem>>)
    %dma_wait3A_417 = tpu.memref_slice %arg3[%add3A_415] : memref<802816xi32, #tpu.memory_space<hbm>> -> memref<128xi32, #tpu.memory_space<hbm>>
    %dma_wait3A_418 = tpu.memref_slice %arg3[%add3A_415] : memref<802816xi32, #tpu.memory_space<hbm>> -> memref<128xi32, #tpu.memory_space<hbm>>
    tpu.wait_dma2 semaphore(%arg26 : memref<!tpu.dma_semaphore, #tpu.memory_space<semaphore_mem>>) src(%dma_wait3A_418 : memref<128xi32, #tpu.memory_space<hbm>>) dst(%arg12 : memref<128xi32, #tpu.memory_space<vmem>>)
    %dma_wait3A_419 = tpu.memref_slice %arg4[%add3A_415] : memref<802816xf32, #tpu.memory_space<hbm>> -> memref<128xf32, #tpu.memory_space<hbm>>
    %dma_wait3A_420 = tpu.memref_slice %arg4[%add3A_415] : memref<802816xf32, #tpu.memory_space<hbm>> -> memref<128xf32, #tpu.memory_space<hbm>>
    tpu.wait_dma2 semaphore(%arg26 : memref<!tpu.dma_semaphore, #tpu.memory_space<semaphore_mem>>) src(%dma_wait3A_420 : memref<128xf32, #tpu.memory_space<hbm>>) dst(%arg13 : memref<128xf32, #tpu.memory_space<vmem>>)
    %dma_start3A_421 = arith.constant 0 : i32
    %dma_start3A_422 = arith.constant 0 : i32
    %dma_start3A_423 = tpu.memref_slice %arg7[%dma_start3A_421, %dma_start3A_422] : memref<50048x64xf32, #tpu.memory_space<hbm>> -> memref<50048x64xf32, #tpu.memory_space<hbm>>
    tpu.enqueue_indirect_dma source(%dma_start3A_423 : memref<50048x64xf32, #tpu.memory_space<hbm>>) target(%arg14 : memref<128x64xf32, #tpu.memory_space<vmem>>) offsets(%arg11 : memref<128xi32, #tpu.memory_space<vmem>>) semaphore(%arg28 : memref<!tpu.dma_semaphore, #tpu.memory_space<semaphore_mem>>)
    %dma_start3A_424 = arith.constant 0 : i32
    %dma_start3A_425 = arith.constant 0 : i32
    %dma_start3A_426 = tpu.memref_slice %arg8[%dma_start3A_424, %dma_start3A_425] : memref<50048x64xf32, #tpu.memory_space<hbm>> -> memref<50048x64xf32, #tpu.memory_space<hbm>>
    tpu.enqueue_indirect_dma source(%dma_start3A_426 : memref<50048x64xf32, #tpu.memory_space<hbm>>) target(%arg15 : memref<128x64xf32, #tpu.memory_space<vmem>>) offsets(%arg12 : memref<128xi32, #tpu.memory_space<vmem>>) semaphore(%arg28 : memref<!tpu.dma_semaphore, #tpu.memory_space<semaphore_mem>>)
    %scan3A = arith.constant 0 : i32
    %scan3A_427 = arith.constant 0 : i32
    %scan3A_428 = arith.constant 98 : i32
    %scan3A_429 = arith.addi %scan3A_427, %scan3A_428 : i32
    %scan3A_430 = arith.constant 1 : i32
    %scan3A_431 = scf.for %scan3A_441 = %scan3A_427 to %scan3A_429 step %scan3A_430 iter_args(%scan3A_442 = %scan3A) -> (i32)  : i32 {
      %mul3A_443 = arith.constant 2 : i32
      %mul3A_444 = arith.muli %mul3A_443, %scan3A_441 : i32
      %add3A_445 = arith.constant 0 : i32
      %add3A_446 = arith.addi %mul3A_444, %add3A_445 : i32
      %add3A_447 = arith.constant 1 : i32
      %add3A_448 = arith.addi %add3A_446, %add3A_447 : i32
      %lt3A = arith.constant 196 : i32
      %lt3A_449 = arith.cmpi slt, %add3A_448, %lt3A : i32
      %convert_element_type3A = arith.extui %lt3A_449 : i1 to i32
      %cond3A = arith.constant 0 : i32
      %cond3A_450 = arith.cmpi ne, %convert_element_type3A, %cond3A : i32
      scf.if %cond3A_450 {
        %add3A_522 = arith.constant 1 : i32
        %add3A_523 = arith.addi %add3A_446, %add3A_522 : i32
        %mul3A_524 = arith.constant 128 : i32
        %mul3A_525 = arith.muli %add3A_523, %mul3A_524 : i32
        %add3A_526 = arith.addi %mul3A_2, %mul3A_525 : i32
        %dma_wait3A_527 = tpu.memref_slice %arg2[%add3A_526] : memref<802816xi32, #tpu.memory_space<hbm>> -> memref<128xi32, #tpu.memory_space<hbm>>
        %dma_wait3A_528 = tpu.memref_slice %arg2[%add3A_526] : memref<802816xi32, #tpu.memory_space<hbm>> -> memref<128xi32, #tpu.memory_space<hbm>>
        tpu.wait_dma2 semaphore(%arg27 : memref<!tpu.dma_semaphore, #tpu.memory_space<semaphore_mem>>) src(%dma_wait3A_528 : memref<128xi32, #tpu.memory_space<hbm>>) dst(%arg17 : memref<128xi32, #tpu.memory_space<vmem>>)
        %dma_wait3A_529 = tpu.memref_slice %arg3[%add3A_526] : memref<802816xi32, #tpu.memory_space<hbm>> -> memref<128xi32, #tpu.memory_space<hbm>>
        %dma_wait3A_530 = tpu.memref_slice %arg3[%add3A_526] : memref<802816xi32, #tpu.memory_space<hbm>> -> memref<128xi32, #tpu.memory_space<hbm>>
        tpu.wait_dma2 semaphore(%arg27 : memref<!tpu.dma_semaphore, #tpu.memory_space<semaphore_mem>>) src(%dma_wait3A_530 : memref<128xi32, #tpu.memory_space<hbm>>) dst(%arg18 : memref<128xi32, #tpu.memory_space<vmem>>)
        %dma_wait3A_531 = tpu.memref_slice %arg4[%add3A_526] : memref<802816xf32, #tpu.memory_space<hbm>> -> memref<128xf32, #tpu.memory_space<hbm>>
        %dma_wait3A_532 = tpu.memref_slice %arg4[%add3A_526] : memref<802816xf32, #tpu.memory_space<hbm>> -> memref<128xf32, #tpu.memory_space<hbm>>
        tpu.wait_dma2 semaphore(%arg27 : memref<!tpu.dma_semaphore, #tpu.memory_space<semaphore_mem>>) src(%dma_wait3A_532 : memref<128xf32, #tpu.memory_space<hbm>>) dst(%arg19 : memref<128xf32, #tpu.memory_space<vmem>>)
        %dma_start3A_533 = arith.constant 0 : i32
        %dma_start3A_534 = arith.constant 0 : i32
        %dma_start3A_535 = tpu.memref_slice %arg7[%dma_start3A_533, %dma_start3A_534] : memref<50048x64xf32, #tpu.memory_space<hbm>> -> memref<50048x64xf32, #tpu.memory_space<hbm>>
        tpu.enqueue_indirect_dma source(%dma_start3A_535 : memref<50048x64xf32, #tpu.memory_space<hbm>>) target(%arg20 : memref<128x64xf32, #tpu.memory_space<vmem>>) offsets(%arg17 : memref<128xi32, #tpu.memory_space<vmem>>) semaphore(%arg29 : memref<!tpu.dma_semaphore, #tpu.memory_space<semaphore_mem>>)
        %dma_start3A_536 = arith.constant 0 : i32
        %dma_start3A_537 = arith.constant 0 : i32
        %dma_start3A_538 = tpu.memref_slice %arg8[%dma_start3A_536, %dma_start3A_537] : memref<50048x64xf32, #tpu.memory_space<hbm>> -> memref<50048x64xf32, #tpu.memory_space<hbm>>
        tpu.enqueue_indirect_dma source(%dma_start3A_538 : memref<50048x64xf32, #tpu.memory_space<hbm>>) target(%arg21 : memref<128x64xf32, #tpu.memory_space<vmem>>) offsets(%arg18 : memref<128xi32, #tpu.memory_space<vmem>>) semaphore(%arg29 : memref<!tpu.dma_semaphore, #tpu.memory_space<semaphore_mem>>)
      } else {
      }
      %dma_wait3A_451 = arith.constant 0 : i32
      %dma_wait3A_452 = arith.constant 0 : i32
      %dma_wait3A_453 = tpu.memref_slice %arg7[%dma_wait3A_451, %dma_wait3A_452] : memref<50048x64xf32, #tpu.memory_space<hbm>> -> memref<50048x64xf32, #tpu.memory_space<hbm>>
      tpu.wait_indirect_dma semaphore(%arg28 : memref<!tpu.dma_semaphore, #tpu.memory_space<semaphore_mem>>) src(%dma_wait3A_453 : memref<50048x64xf32, #tpu.memory_space<hbm>>) dst(%arg14 : memref<128x64xf32, #tpu.memory_space<vmem>>)
      %dma_wait3A_454 = arith.constant 0 : i32
      %dma_wait3A_455 = arith.constant 0 : i32
      %dma_wait3A_456 = tpu.memref_slice %arg8[%dma_wait3A_454, %dma_wait3A_455] : memref<50048x64xf32, #tpu.memory_space<hbm>> -> memref<50048x64xf32, #tpu.memory_space<hbm>>
      tpu.wait_indirect_dma semaphore(%arg28 : memref<!tpu.dma_semaphore, #tpu.memory_space<semaphore_mem>>) src(%dma_wait3A_456 : memref<50048x64xf32, #tpu.memory_space<hbm>>) dst(%arg15 : memref<128x64xf32, #tpu.memory_space<vmem>>)
      %add3A_457 = arith.constant 2 : i32
      %add3A_458 = arith.addi %add3A_446, %add3A_457 : i32
      %lt3A_459 = arith.constant 196 : i32
      %lt3A_460 = arith.cmpi slt, %add3A_458, %lt3A_459 : i32
      %convert_element_type3A_461 = arith.extui %lt3A_460 : i1 to i32
      %cond3A_462 = arith.constant 0 : i32
      %cond3A_463 = arith.cmpi ne, %convert_element_type3A_461, %cond3A_462 : i32
      scf.if %cond3A_463 {
        %add3A_522 = arith.constant 2 : i32
        %add3A_523 = arith.addi %add3A_446, %add3A_522 : i32
        %mul3A_524 = arith.constant 128 : i32
        %mul3A_525 = arith.muli %add3A_523, %mul3A_524 : i32
        %add3A_526 = arith.addi %mul3A_2, %mul3A_525 : i32
        %dma_start3A_527 = tpu.memref_slice %arg2[%add3A_526] : memref<802816xi32, #tpu.memory_space<hbm>> -> memref<128xi32, #tpu.memory_space<hbm>>
        %dma_start3A_528 = tpu.memref_slice %arg2[%add3A_526] : memref<802816xi32, #tpu.memory_space<hbm>> -> memref<128xi32, #tpu.memory_space<hbm>>
        tpu.enqueue_dma source(%dma_start3A_528 : memref<128xi32, #tpu.memory_space<hbm>>) target(%arg11 : memref<128xi32, #tpu.memory_space<vmem>>) target_semaphore(%arg26 : memref<!tpu.dma_semaphore, #tpu.memory_space<semaphore_mem>>)
        %dma_start3A_529 = tpu.memref_slice %arg3[%add3A_526] : memref<802816xi32, #tpu.memory_space<hbm>> -> memref<128xi32, #tpu.memory_space<hbm>>
        %dma_start3A_530 = tpu.memref_slice %arg3[%add3A_526] : memref<802816xi32, #tpu.memory_space<hbm>> -> memref<128xi32, #tpu.memory_space<hbm>>
        tpu.enqueue_dma source(%dma_start3A_530 : memref<128xi32, #tpu.memory_space<hbm>>) target(%arg12 : memref<128xi32, #tpu.memory_space<vmem>>) target_semaphore(%arg26 : memref<!tpu.dma_semaphore, #tpu.memory_space<semaphore_mem>>)
        %dma_start3A_531 = tpu.memref_slice %arg4[%add3A_526] : memref<802816xf32, #tpu.memory_space<hbm>> -> memref<128xf32, #tpu.memory_space<hbm>>
        %dma_start3A_532 = tpu.memref_slice %arg4[%add3A_526] : memref<802816xf32, #tpu.memory_space<hbm>> -> memref<128xf32, #tpu.memory_space<hbm>>
        tpu.enqueue_dma source(%dma_start3A_532 : memref<128xf32, #tpu.memory_space<hbm>>) target(%arg13 : memref<128xf32, #tpu.memory_space<vmem>>) target_semaphore(%arg26 : memref<!tpu.dma_semaphore, #tpu.memory_space<semaphore_mem>>)
      } else {
      }
      %ge3A = arith.constant 2 : i32
      %ge3A_464 = arith.cmpi sge, %add3A_446, %ge3A : i32
      %convert_element_type3A_465 = arith.extui %ge3A_464 : i1 to i32
      %cond3A_466 = arith.constant 0 : i32
      %cond3A_467 = arith.cmpi ne, %convert_element_type3A_465, %cond3A_466 : i32
      scf.if %cond3A_467 {
        %sub3A_522 = arith.constant 2 : i32
        %sub3A_523 = arith.subi %add3A_446, %sub3A_522 : i32
        %mul3A_524 = arith.constant 128 : i32
        %mul3A_525 = arith.muli %sub3A_523, %mul3A_524 : i32
        %add3A_526 = arith.addi %mul3A_2, %mul3A_525 : i32
        %dma_wait3A_527 = tpu.memref_slice %arg10[%add3A_526] : memref<802816xf32, #tpu.memory_space<hbm>> -> memref<128xf32, #tpu.memory_space<hbm>>
        %dma_wait3A_528 = tpu.memref_slice %arg10[%add3A_526] : memref<802816xf32, #tpu.memory_space<hbm>> -> memref<128xf32, #tpu.memory_space<hbm>>
        tpu.wait_dma2 semaphore(%arg30 : memref<!tpu.dma_semaphore, #tpu.memory_space<semaphore_mem>>) src(%arg16 : memref<128xf32, #tpu.memory_space<vmem>>) dst(%dma_wait3A_528 : memref<128xf32, #tpu.memory_space<hbm>>)
      } else {
      }
      %scan3A_468 = arith.constant 0 : i32
      %scan3A_469 = arith.constant 0 : i32
      %scan3A_470 = arith.constant 8 : i32
      %scan3A_471 = arith.addi %scan3A_469, %scan3A_470 : i32
      %scan3A_472 = arith.constant 1 : i32
      %scan3A_473 = scf.for %scan3A_522 = %scan3A_469 to %scan3A_471 step %scan3A_472 iter_args(%scan3A_523 = %scan3A_468) -> (i32)  : i32 {
        %iota3A = tpu.iota {dimensions = array<i32: 0>} : vector<16xi32>
        %mul3A_524 = arith.constant 16 : i32
        %mul3A_525 = arith.muli %scan3A_522, %mul3A_524 : i32
        %add3A_526 = vector.broadcast %mul3A_525 : i32 to vector<16xi32>
        %add3A_527 = arith.addi %iota3A, %add3A_526 : vector<16xi32>
        %mul3A_528 = arith.constant 16 : i32
        %mul3A_529 = arith.muli %scan3A_522, %mul3A_528 : i32
        %get3A_530 = arith.index_cast %mul3A_529 : i32 to index
        %get3A_531 = tpu.vector_load %arg13[%get3A_530] {strides = array<i32>} : memref<128xf32, #tpu.memory_space<vmem>>, vector<16xf32>,
        %sub3A_532 = vector.broadcast %reduce_max3A_100 : f32 to vector<16xf32>
        %sub3A_533 = arith.subf %get3A_531, %sub3A_532 : vector<16xf32>
        %exp3A_534 = math.exp %sub3A_533 : vector<16xf32>
        %mul3A_535 = vector.broadcast %squeeze3A : f32 to vector<16xf32>
        %mul3A_536 = arith.mulf %exp3A_534, %mul3A_535 : vector<16xf32>
        %broadcast_in_dim3A_537 = arith.constant 0.000000e+00 : f32
        %broadcast_in_dim3A_538 = vector.broadcast %broadcast_in_dim3A_537 : f32 to vector<16xf32>
        %broadcast_in_dim3A_539 = arith.constant 0.000000e+00 : f32
        %broadcast_in_dim3A_540 = vector.broadcast %broadcast_in_dim3A_539 : f32 to vector<16xf32>
        %broadcast_in_dim3A_541 = arith.constant 0.000000e+00 : f32
        %broadcast_in_dim3A_542 = vector.broadcast %broadcast_in_dim3A_541 : f32 to vector<16xf32>
        %broadcast_in_dim3A_543 = arith.constant 0.000000e+00 : f32
        %broadcast_in_dim3A_544 = vector.broadcast %broadcast_in_dim3A_543 : f32 to vector<16xf32>
        %get3A_545 = arith.constant 0 : index
        %get3A_546 = tpu.vector_load %arg23[%get3A_545] {strides = array<i32>} : memref<144xf32, #tpu.memory_space<vmem>>, vector<16xf32>,
        %get3A_547 = arith.constant 64 : index
        %get3A_548 = tpu.vector_load %arg23[%get3A_547] {strides = array<i32>} : memref<144xf32, #tpu.memory_space<vmem>>, vector<16xf32>,
        %broadcast_in_dim3A_549 = arith.constant 0 : i32
        %broadcast_in_dim3A_550 = vector.broadcast %broadcast_in_dim3A_549 : i32 to vector<16xi32>
        %gather3A = tpu.vector_load_idx %arg14[%add3A_527, %broadcast_in_dim3A_550] : memref<128x64xf32, #tpu.memory_space<vmem>>[vector<16xi32>, vector<16xi32>], vector<16xf32>,
        %gather3A_551 = tpu.vector_load_idx %arg15[%add3A_527, %broadcast_in_dim3A_550] : memref<128x64xf32, #tpu.memory_space<vmem>>[vector<16xi32>, vector<16xi32>], vector<16xf32>,
        %add3A_552 = arith.addf %gather3A, %gather3A_551 : vector<16xf32>
        %mul3A_553 = arith.mulf %add3A_552, %mul3A_536 : vector<16xf32>
        %slice3A_554 = vector.extract_strided_slice %get3A_546 {offsets = [0], sizes = [1], strides = [1]} : vector<16xf32> to vector<1xf32>
        %squeeze3A_555 = vector.extract %slice3A_554[0] : f32 from vector<1xf32>
        %add3A_556 = vector.broadcast %squeeze3A_555 : f32 to vector<16xf32>
        %add3A_557 = arith.addf %mul3A_553, %add3A_556 : vector<16xf32>
        %max3A_558 = arith.constant 0.000000e+00 : f32
        %max3A_559 = vector.broadcast %max3A_558 : f32 to vector<16xf32>
        %max3A_560 = arith.maximumf %add3A_557, %max3A_559 : vector<16xf32>
        %slice3A_561 = vector.extract_strided_slice %get3A_548 {offsets = [0], sizes = [1], strides = [1]} : vector<16xf32> to vector<1xf32>
        %squeeze3A_562 = vector.extract %slice3A_561[0] : f32 from vector<1xf32>
        %mul3A_563 = vector.broadcast %squeeze3A_562 : f32 to vector<16xf32>
        %mul3A_564 = arith.mulf %max3A_560, %mul3A_563 : vector<16xf32>
        %add3A_565 = arith.addf %broadcast_in_dim3A_538, %mul3A_564 : vector<16xf32>
        %broadcast_in_dim3A_566 = arith.constant 1 : i32
        %broadcast_in_dim3A_567 = vector.broadcast %broadcast_in_dim3A_566 : i32 to vector<16xi32>
        %gather3A_568 = tpu.vector_load_idx %arg14[%add3A_527, %broadcast_in_dim3A_567] : memref<128x64xf32, #tpu.memory_space<vmem>>[vector<16xi32>, vector<16xi32>], vector<16xf32>,
        %gather3A_569 = tpu.vector_load_idx %arg15[%add3A_527, %broadcast_in_dim3A_567] : memref<128x64xf32, #tpu.memory_space<vmem>>[vector<16xi32>, vector<16xi32>], vector<16xf32>,
        %add3A_570 = arith.addf %gather3A_568, %gather3A_569 : vector<16xf32>
        %mul3A_571 = arith.mulf %add3A_570, %mul3A_536 : vector<16xf32>
        %slice3A_572 = vector.extract_strided_slice %get3A_546 {offsets = [1], sizes = [1], strides = [1]} : vector<16xf32> to vector<1xf32>
        %squeeze3A_573 = vector.extract %slice3A_572[0] : f32 from vector<1xf32>
        %add3A_574 = vector.broadcast %squeeze3A_573 : f32 to vector<16xf32>
        %add3A_575 = arith.addf %mul3A_571, %add3A_574 : vector<16xf32>
        %max3A_576 = arith.constant 0.000000e+00 : f32
        %max3A_577 = vector.broadcast %max3A_576 : f32 to vector<16xf32>
        %max3A_578 = arith.maximumf %add3A_575, %max3A_577 : vector<16xf32>
        %slice3A_579 = vector.extract_strided_slice %get3A_548 {offsets = [1], sizes = [1], strides = [1]} : vector<16xf32> to vector<1xf32>
        %squeeze3A_580 = vector.extract %slice3A_579[0] : f32 from vector<1xf32>
        %mul3A_581 = vector.broadcast %squeeze3A_580 : f32 to vector<16xf32>
        %mul3A_582 = arith.mulf %max3A_578, %mul3A_581 : vector<16xf32>
        %add3A_583 = arith.addf %broadcast_in_dim3A_540, %mul3A_582 : vector<16xf32>
        %broadcast_in_dim3A_584 = arith.constant 2 : i32
        %broadcast_in_dim3A_585 = vector.broadcast %broadcast_in_dim3A_584 : i32 to vector<16xi32>
        %gather3A_586 = tpu.vector_load_idx %arg14[%add3A_527, %broadcast_in_dim3A_585] : memref<128x64xf32, #tpu.memory_space<vmem>>[vector<16xi32>, vector<16xi32>], vector<16xf32>,
        %gather3A_587 = tpu.vector_load_idx %arg15[%add3A_527, %broadcast_in_dim3A_585] : memref<128x64xf32, #tpu.memory_space<vmem>>[vector<16xi32>, vector<16xi32>], vector<16xf32>,
        %add3A_588 = arith.addf %gather3A_586, %gather3A_587 : vector<16xf32>
        %mul3A_589 = arith.mulf %add3A_588, %mul3A_536 : vector<16xf32>
        %slice3A_590 = vector.extract_strided_slice %get3A_546 {offsets = [2], sizes = [1], strides = [1]} : vector<16xf32> to vector<1xf32>
        %squeeze3A_591 = vector.extract %slice3A_590[0] : f32 from vector<1xf32>
        %add3A_592 = vector.broadcast %squeeze3A_591 : f32 to vector<16xf32>
        %add3A_593 = arith.addf %mul3A_589, %add3A_592 : vector<16xf32>
        %max3A_594 = arith.constant 0.000000e+00 : f32
        %max3A_595 = vector.broadcast %max3A_594 : f32 to vector<16xf32>
        %max3A_596 = arith.maximumf %add3A_593, %max3A_595 : vector<16xf32>
        %slice3A_597 = vector.extract_strided_slice %get3A_548 {offsets = [2], sizes = [1], strides = [1]} : vector<16xf32> to vector<1xf32>
        %squeeze3A_598 = vector.extract %slice3A_597[0] : f32 from vector<1xf32>
        %mul3A_599 = vector.broadcast %squeeze3A_598 : f32 to vector<16xf32>
        %mul3A_600 = arith.mulf %max3A_596, %mul3A_599 : vector<16xf32>
        %add3A_601 = arith.addf %broadcast_in_dim3A_542, %mul3A_600 : vector<16xf32>
        %broadcast_in_dim3A_602 = arith.constant 3 : i32
        %broadcast_in_dim3A_603 = vector.broadcast %broadcast_in_dim3A_602 : i32 to vector<16xi32>
        %gather3A_604 = tpu.vector_load_idx %arg14[%add3A_527, %broadcast_in_dim3A_603] : memref<128x64xf32, #tpu.memory_space<vmem>>[vector<16xi32>, vector<16xi32>], vector<16xf32>,
        %gather3A_605 = tpu.vector_load_idx %arg15[%add3A_527, %broadcast_in_dim3A_603] : memref<128x64xf32, #tpu.memory_space<vmem>>[vector<16xi32>, vector<16xi32>], vector<16xf32>,
        %add3A_606 = arith.addf %gather3A_604, %gather3A_605 : vector<16xf32>
        %mul3A_607 = arith.mulf %add3A_606, %mul3A_536 : vector<16xf32>
        %slice3A_608 = vector.extract_strided_slice %get3A_546 {offsets = [3], sizes = [1], strides = [1]} : vector<16xf32> to vector<1xf32>
        %squeeze3A_609 = vector.extract %slice3A_608[0] : f32 from vector<1xf32>
        %add3A_610 = vector.broadcast %squeeze3A_609 : f32 to vector<16xf32>
        %add3A_611 = arith.addf %mul3A_607, %add3A_610 : vector<16xf32>
        %max3A_612 = arith.constant 0.000000e+00 : f32
        %max3A_613 = vector.broadcast %max3A_612 : f32 to vector<16xf32>
        %max3A_614 = arith.maximumf %add3A_611, %max3A_613 : vector<16xf32>
        %slice3A_615 = vector.extract_strided_slice %get3A_548 {offsets = [3], sizes = [1], strides = [1]} : vector<16xf32> to vector<1xf32>
        %squeeze3A_616 = vector.extract %slice3A_615[0] : f32 from vector<1xf32>
        %mul3A_617 = vector.broadcast %squeeze3A_616 : f32 to vector<16xf32>
        %mul3A_618 = arith.mulf %max3A_614, %mul3A_617 : vector<16xf32>
        %add3A_619 = arith.addf %broadcast_in_dim3A_544, %mul3A_618 : vector<16xf32>
        %broadcast_in_dim3A_620 = arith.constant 4 : i32
        %broadcast_in_dim3A_621 = vector.broadcast %broadcast_in_dim3A_620 : i32 to vector<16xi32>
        %gather3A_622 = tpu.vector_load_idx %arg14[%add3A_527, %broadcast_in_dim3A_621] : memref<128x64xf32, #tpu.memory_space<vmem>>[vector<16xi32>, vector<16xi32>], vector<16xf32>,
        %gather3A_623 = tpu.vector_load_idx %arg15[%add3A_527, %broadcast_in_dim3A_621] : memref<128x64xf32, #tpu.memory_space<vmem>>[vector<16xi32>, vector<16xi32>], vector<16xf32>,
        %add3A_624 = arith.addf %gather3A_622, %gather3A_623 : vector<16xf32>
        %mul3A_625 = arith.mulf %add3A_624, %mul3A_536 : vector<16xf32>
        %slice3A_626 = vector.extract_strided_slice %get3A_546 {offsets = [4], sizes = [1], strides = [1]} : vector<16xf32> to vector<1xf32>
        %squeeze3A_627 = vector.extract %slice3A_626[0] : f32 from vector<1xf32>
        %add3A_628 = vector.broadcast %squeeze3A_627 : f32 to vector<16xf32>
        %add3A_629 = arith.addf %mul3A_625, %add3A_628 : vector<16xf32>
        %max3A_630 = arith.constant 0.000000e+00 : f32
        %max3A_631 = vector.broadcast %max3A_630 : f32 to vector<16xf32>
        %max3A_632 = arith.maximumf %add3A_629, %max3A_631 : vector<16xf32>
        %slice3A_633 = vector.extract_strided_slice %get3A_548 {offsets = [4], sizes = [1], strides = [1]} : vector<16xf32> to vector<1xf32>
        %squeeze3A_634 = vector.extract %slice3A_633[0] : f32 from vector<1xf32>
        %mul3A_635 = vector.broadcast %squeeze3A_634 : f32 to vector<16xf32>
        %mul3A_636 = arith.mulf %max3A_632, %mul3A_635 : vector<16xf32>
        %add3A_637 = arith.addf %add3A_565, %mul3A_636 : vector<16xf32>
        %broadcast_in_dim3A_638 = arith.constant 5 : i32
        %broadcast_in_dim3A_639 = vector.broadcast %broadcast_in_dim3A_638 : i32 to vector<16xi32>
        %gather3A_640 = tpu.vector_load_idx %arg14[%add3A_527, %broadcast_in_dim3A_639] : memref<128x64xf32, #tpu.memory_space<vmem>>[vector<16xi32>, vector<16xi32>], vector<16xf32>,
        %gather3A_641 = tpu.vector_load_idx %arg15[%add3A_527, %broadcast_in_dim3A_639] : memref<128x64xf32, #tpu.memory_space<vmem>>[vector<16xi32>, vector<16xi32>], vector<16xf32>,
        %add3A_642 = arith.addf %gather3A_640, %gather3A_641 : vector<16xf32>
        %mul3A_643 = arith.mulf %add3A_642, %mul3A_536 : vector<16xf32>
        %slice3A_644 = vector.extract_strided_slice %get3A_546 {offsets = [5], sizes = [1], strides = [1]} : vector<16xf32> to vector<1xf32>
        %squeeze3A_645 = vector.extract %slice3A_644[0] : f32 from vector<1xf32>
        %add3A_646 = vector.broadcast %squeeze3A_645 : f32 to vector<16xf32>
        %add3A_647 = arith.addf %mul3A_643, %add3A_646 : vector<16xf32>
        %max3A_648 = arith.constant 0.000000e+00 : f32
        %max3A_649 = vector.broadcast %max3A_648 : f32 to vector<16xf32>
        %max3A_650 = arith.maximumf %add3A_647, %max3A_649 : vector<16xf32>
        %slice3A_651 = vector.extract_strided_slice %get3A_548 {offsets = [5], sizes = [1], strides = [1]} : vector<16xf32> to vector<1xf32>
        %squeeze3A_652 = vector.extract %slice3A_651[0] : f32 from vector<1xf32>
        %mul3A_653 = vector.broadcast %squeeze3A_652 : f32 to vector<16xf32>
        %mul3A_654 = arith.mulf %max3A_650, %mul3A_653 : vector<16xf32>
        %add3A_655 = arith.addf %add3A_583, %mul3A_654 : vector<16xf32>
        %broadcast_in_dim3A_656 = arith.constant 6 : i32
        %broadcast_in_dim3A_657 = vector.broadcast %broadcast_in_dim3A_656 : i32 to vector<16xi32>
        %gather3A_658 = tpu.vector_load_idx %arg14[%add3A_527, %broadcast_in_dim3A_657] : memref<128x64xf32, #tpu.memory_space<vmem>>[vector<16xi32>, vector<16xi32>], vector<16xf32>,
        %gather3A_659 = tpu.vector_load_idx %arg15[%add3A_527, %broadcast_in_dim3A_657] : memref<128x64xf32, #tpu.memory_space<vmem>>[vector<16xi32>, vector<16xi32>], vector<16xf32>,
        %add3A_660 = arith.addf %gather3A_658, %gather3A_659 : vector<16xf32>
        %mul3A_661 = arith.mulf %add3A_660, %mul3A_536 : vector<16xf32>
        %slice3A_662 = vector.extract_strided_slice %get3A_546 {offsets = [6], sizes = [1], strides = [1]} : vector<16xf32> to vector<1xf32>
        %squeeze3A_663 = vector.extract %slice3A_662[0] : f32 from vector<1xf32>
        %add3A_664 = vector.broadcast %squeeze3A_663 : f32 to vector<16xf32>
        %add3A_665 = arith.addf %mul3A_661, %add3A_664 : vector<16xf32>
        %max3A_666 = arith.constant 0.000000e+00 : f32
        %max3A_667 = vector.broadcast %max3A_666 : f32 to vector<16xf32>
        %max3A_668 = arith.maximumf %add3A_665, %max3A_667 : vector<16xf32>
        %slice3A_669 = vector.extract_strided_slice %get3A_548 {offsets = [6], sizes = [1], strides = [1]} : vector<16xf32> to vector<1xf32>
        %squeeze3A_670 = vector.extract %slice3A_669[0] : f32 from vector<1xf32>
        %mul3A_671 = vector.broadcast %squeeze3A_670 : f32 to vector<16xf32>
        %mul3A_672 = arith.mulf %max3A_668, %mul3A_671 : vector<16xf32>
        %add3A_673 = arith.addf %add3A_601, %mul3A_672 : vector<16xf32>
        %broadcast_in_dim3A_674 = arith.constant 7 : i32
        %broadcast_in_dim3A_675 = vector.broadcast %broadcast_in_dim3A_674 : i32 to vector<16xi32>
        %gather3A_676 = tpu.vector_load_idx %arg14[%add3A_527, %broadcast_in_dim3A_675] : memref<128x64xf32, #tpu.memory_space<vmem>>[vector<16xi32>, vector<16xi32>], vector<16xf32>,
        %gather3A_677 = tpu.vector_load_idx %arg15[%add3A_527, %broadcast_in_dim3A_675] : memref<128x64xf32, #tpu.memory_space<vmem>>[vector<16xi32>, vector<16xi32>], vector<16xf32>,
        %add3A_678 = arith.addf %gather3A_676, %gather3A_677 : vector<16xf32>
        %mul3A_679 = arith.mulf %add3A_678, %mul3A_536 : vector<16xf32>
        %slice3A_680 = vector.extract_strided_slice %get3A_546 {offsets = [7], sizes = [1], strides = [1]} : vector<16xf32> to vector<1xf32>
        %squeeze3A_681 = vector.extract %slice3A_680[0] : f32 from vector<1xf32>
        %add3A_682 = vector.broadcast %squeeze3A_681 : f32 to vector<16xf32>
        %add3A_683 = arith.addf %mul3A_679, %add3A_682 : vector<16xf32>
        %max3A_684 = arith.constant 0.000000e+00 : f32
        %max3A_685 = vector.broadcast %max3A_684 : f32 to vector<16xf32>
        %max3A_686 = arith.maximumf %add3A_683, %max3A_685 : vector<16xf32>
        %slice3A_687 = vector.extract_strided_slice %get3A_548 {offsets = [7], sizes = [1], strides = [1]} : vector<16xf32> to vector<1xf32>
        %squeeze3A_688 = vector.extract %slice3A_687[0] : f32 from vector<1xf32>
        %mul3A_689 = vector.broadcast %squeeze3A_688 : f32 to vector<16xf32>
        %mul3A_690 = arith.mulf %max3A_686, %mul3A_689 : vector<16xf32>
        %add3A_691 = arith.addf %add3A_619, %mul3A_690 : vector<16xf32>
        %broadcast_in_dim3A_692 = arith.constant 8 : i32
        %broadcast_in_dim3A_693 = vector.broadcast %broadcast_in_dim3A_692 : i32 to vector<16xi32>
        %gather3A_694 = tpu.vector_load_idx %arg14[%add3A_527, %broadcast_in_dim3A_693] : memref<128x64xf32, #tpu.memory_space<vmem>>[vector<16xi32>, vector<16xi32>], vector<16xf32>,
        %gather3A_695 = tpu.vector_load_idx %arg15[%add3A_527, %broadcast_in_dim3A_693] : memref<128x64xf32, #tpu.memory_space<vmem>>[vector<16xi32>, vector<16xi32>], vector<16xf32>,
        %add3A_696 = arith.addf %gather3A_694, %gather3A_695 : vector<16xf32>
        %mul3A_697 = arith.mulf %add3A_696, %mul3A_536 : vector<16xf32>
        %slice3A_698 = vector.extract_strided_slice %get3A_546 {offsets = [8], sizes = [1], strides = [1]} : vector<16xf32> to vector<1xf32>
        %squeeze3A_699 = vector.extract %slice3A_698[0] : f32 from vector<1xf32>
        %add3A_700 = vector.broadcast %squeeze3A_699 : f32 to vector<16xf32>
        %add3A_701 = arith.addf %mul3A_697, %add3A_700 : vector<16xf32>
        %max3A_702 = arith.constant 0.000000e+00 : f32
        %max3A_703 = vector.broadcast %max3A_702 : f32 to vector<16xf32>
        %max3A_704 = arith.maximumf %add3A_701, %max3A_703 : vector<16xf32>
        %slice3A_705 = vector.extract_strided_slice %get3A_548 {offsets = [8], sizes = [1], strides = [1]} : vector<16xf32> to vector<1xf32>
        %squeeze3A_706 = vector.extract %slice3A_705[0] : f32 from vector<1xf32>
        %mul3A_707 = vector.broadcast %squeeze3A_706 : f32 to vector<16xf32>
        %mul3A_708 = arith.mulf %max3A_704, %mul3A_707 : vector<16xf32>
        %add3A_709 = arith.addf %add3A_637, %mul3A_708 : vector<16xf32>
        %broadcast_in_dim3A_710 = arith.constant 9 : i32
        %broadcast_in_dim3A_711 = vector.broadcast %broadcast_in_dim3A_710 : i32 to vector<16xi32>
        %gather3A_712 = tpu.vector_load_idx %arg14[%add3A_527, %broadcast_in_dim3A_711] : memref<128x64xf32, #tpu.memory_space<vmem>>[vector<16xi32>, vector<16xi32>], vector<16xf32>,
        %gather3A_713 = tpu.vector_load_idx %arg15[%add3A_527, %broadcast_in_dim3A_711] : memref<128x64xf32, #tpu.memory_space<vmem>>[vector<16xi32>, vector<16xi32>], vector<16xf32>,
        %add3A_714 = arith.addf %gather3A_712, %gather3A_713 : vector<16xf32>
        %mul3A_715 = arith.mulf %add3A_714, %mul3A_536 : vector<16xf32>
        %slice3A_716 = vector.extract_strided_slice %get3A_546 {offsets = [9], sizes = [1], strides = [1]} : vector<16xf32> to vector<1xf32>
        %squeeze3A_717 = vector.extract %slice3A_716[0] : f32 from vector<1xf32>
        %add3A_718 = vector.broadcast %squeeze3A_717 : f32 to vector<16xf32>
        %add3A_719 = arith.addf %mul3A_715, %add3A_718 : vector<16xf32>
        %max3A_720 = arith.constant 0.000000e+00 : f32
        %max3A_721 = vector.broadcast %max3A_720 : f32 to vector<16xf32>
        %max3A_722 = arith.maximumf %add3A_719, %max3A_721 : vector<16xf32>
        %slice3A_723 = vector.extract_strided_slice %get3A_548 {offsets = [9], sizes = [1], strides = [1]} : vector<16xf32> to vector<1xf32>
        %squeeze3A_724 = vector.extract %slice3A_723[0] : f32 from vector<1xf32>
        %mul3A_725 = vector.broadcast %squeeze3A_724 : f32 to vector<16xf32>
        %mul3A_726 = arith.mulf %max3A_722, %mul3A_725 : vector<16xf32>
        %add3A_727 = arith.addf %add3A_655, %mul3A_726 : vector<16xf32>
        %broadcast_in_dim3A_728 = arith.constant 10 : i32
        %broadcast_in_dim3A_729 = vector.broadcast %broadcast_in_dim3A_728 : i32 to vector<16xi32>
        %gather3A_730 = tpu.vector_load_idx %arg14[%add3A_527, %broadcast_in_dim3A_729] : memref<128x64xf32, #tpu.memory_space<vmem>>[vector<16xi32>, vector<16xi32>], vector<16xf32>,
        %gather3A_731 = tpu.vector_load_idx %arg15[%add3A_527, %broadcast_in_dim3A_729] : memref<128x64xf32, #tpu.memory_space<vmem>>[vector<16xi32>, vector<16xi32>], vector<16xf32>,
        %add3A_732 = arith.addf %gather3A_730, %gather3A_731 : vector<16xf32>
        %mul3A_733 = arith.mulf %add3A_732, %mul3A_536 : vector<16xf32>
        %slice3A_734 = vector.extract_strided_slice %get3A_546 {offsets = [10], sizes = [1], strides = [1]} : vector<16xf32> to vector<1xf32>
        %squeeze3A_735 = vector.extract %slice3A_734[0] : f32 from vector<1xf32>
        %add3A_736 = vector.broadcast %squeeze3A_735 : f32 to vector<16xf32>
        %add3A_737 = arith.addf %mul3A_733, %add3A_736 : vector<16xf32>
        %max3A_738 = arith.constant 0.000000e+00 : f32
        %max3A_739 = vector.broadcast %max3A_738 : f32 to vector<16xf32>
        %max3A_740 = arith.maximumf %add3A_737, %max3A_739 : vector<16xf32>
        %slice3A_741 = vector.extract_strided_slice %get3A_548 {offsets = [10], sizes = [1], strides = [1]} : vector<16xf32> to vector<1xf32>
        %squeeze3A_742 = vector.extract %slice3A_741[0] : f32 from vector<1xf32>
        %mul3A_743 = vector.broadcast %squeeze3A_742 : f32 to vector<16xf32>
        %mul3A_744 = arith.mulf %max3A_740, %mul3A_743 : vector<16xf32>
        %add3A_745 = arith.addf %add3A_673, %mul3A_744 : vector<16xf32>
        %broadcast_in_dim3A_746 = arith.constant 11 : i32
        %broadcast_in_dim3A_747 = vector.broadcast %broadcast_in_dim3A_746 : i32 to vector<16xi32>
        %gather3A_748 = tpu.vector_load_idx %arg14[%add3A_527, %broadcast_in_dim3A_747] : memref<128x64xf32, #tpu.memory_space<vmem>>[vector<16xi32>, vector<16xi32>], vector<16xf32>,
        %gather3A_749 = tpu.vector_load_idx %arg15[%add3A_527, %broadcast_in_dim3A_747] : memref<128x64xf32, #tpu.memory_space<vmem>>[vector<16xi32>, vector<16xi32>], vector<16xf32>,
        %add3A_750 = arith.addf %gather3A_748, %gather3A_749 : vector<16xf32>
        %mul3A_751 = arith.mulf %add3A_750, %mul3A_536 : vector<16xf32>
        %slice3A_752 = vector.extract_strided_slice %get3A_546 {offsets = [11], sizes = [1], strides = [1]} : vector<16xf32> to vector<1xf32>
        %squeeze3A_753 = vector.extract %slice3A_752[0] : f32 from vector<1xf32>
        %add3A_754 = vector.broadcast %squeeze3A_753 : f32 to vector<16xf32>
        %add3A_755 = arith.addf %mul3A_751, %add3A_754 : vector<16xf32>
        %max3A_756 = arith.constant 0.000000e+00 : f32
        %max3A_757 = vector.broadcast %max3A_756 : f32 to vector<16xf32>
        %max3A_758 = arith.maximumf %add3A_755, %max3A_757 : vector<16xf32>
        %slice3A_759 = vector.extract_strided_slice %get3A_548 {offsets = [11], sizes = [1], strides = [1]} : vector<16xf32> to vector<1xf32>
        %squeeze3A_760 = vector.extract %slice3A_759[0] : f32 from vector<1xf32>
        %mul3A_761 = vector.broadcast %squeeze3A_760 : f32 to vector<16xf32>
        %mul3A_762 = arith.mulf %max3A_758, %mul3A_761 : vector<16xf32>
        %add3A_763 = arith.addf %add3A_691, %mul3A_762 : vector<16xf32>
        %broadcast_in_dim3A_764 = arith.constant 12 : i32
        %broadcast_in_dim3A_765 = vector.broadcast %broadcast_in_dim3A_764 : i32 to vector<16xi32>
        %gather3A_766 = tpu.vector_load_idx %arg14[%add3A_527, %broadcast_in_dim3A_765] : memref<128x64xf32, #tpu.memory_space<vmem>>[vector<16xi32>, vector<16xi32>], vector<16xf32>,
        %gather3A_767 = tpu.vector_load_idx %arg15[%add3A_527, %broadcast_in_dim3A_765] : memref<128x64xf32, #tpu.memory_space<vmem>>[vector<16xi32>, vector<16xi32>], vector<16xf32>,
        %add3A_768 = arith.addf %gather3A_766, %gather3A_767 : vector<16xf32>
        %mul3A_769 = arith.mulf %add3A_768, %mul3A_536 : vector<16xf32>
        %slice3A_770 = vector.extract_strided_slice %get3A_546 {offsets = [12], sizes = [1], strides = [1]} : vector<16xf32> to vector<1xf32>
        %squeeze3A_771 = vector.extract %slice3A_770[0] : f32 from vector<1xf32>
        %add3A_772 = vector.broadcast %squeeze3A_771 : f32 to vector<16xf32>
        %add3A_773 = arith.addf %mul3A_769, %add3A_772 : vector<16xf32>
        %max3A_774 = arith.constant 0.000000e+00 : f32
        %max3A_775 = vector.broadcast %max3A_774 : f32 to vector<16xf32>
        %max3A_776 = arith.maximumf %add3A_773, %max3A_775 : vector<16xf32>
        %slice3A_777 = vector.extract_strided_slice %get3A_548 {offsets = [12], sizes = [1], strides = [1]} : vector<16xf32> to vector<1xf32>
        %squeeze3A_778 = vector.extract %slice3A_777[0] : f32 from vector<1xf32>
        %mul3A_779 = vector.broadcast %squeeze3A_778 : f32 to vector<16xf32>
        %mul3A_780 = arith.mulf %max3A_776, %mul3A_779 : vector<16xf32>
        %add3A_781 = arith.addf %add3A_709, %mul3A_780 : vector<16xf32>
        %broadcast_in_dim3A_782 = arith.constant 13 : i32
        %broadcast_in_dim3A_783 = vector.broadcast %broadcast_in_dim3A_782 : i32 to vector<16xi32>
        %gather3A_784 = tpu.vector_load_idx %arg14[%add3A_527, %broadcast_in_dim3A_783] : memref<128x64xf32, #tpu.memory_space<vmem>>[vector<16xi32>, vector<16xi32>], vector<16xf32>,
        %gather3A_785 = tpu.vector_load_idx %arg15[%add3A_527, %broadcast_in_dim3A_783] : memref<128x64xf32, #tpu.memory_space<vmem>>[vector<16xi32>, vector<16xi32>], vector<16xf32>,
        %add3A_786 = arith.addf %gather3A_784, %gather3A_785 : vector<16xf32>
        %mul3A_787 = arith.mulf %add3A_786, %mul3A_536 : vector<16xf32>
        %slice3A_788 = vector.extract_strided_slice %get3A_546 {offsets = [13], sizes = [1], strides = [1]} : vector<16xf32> to vector<1xf32>
        %squeeze3A_789 = vector.extract %slice3A_788[0] : f32 from vector<1xf32>
        %add3A_790 = vector.broadcast %squeeze3A_789 : f32 to vector<16xf32>
        %add3A_791 = arith.addf %mul3A_787, %add3A_790 : vector<16xf32>
        %max3A_792 = arith.constant 0.000000e+00 : f32
        %max3A_793 = vector.broadcast %max3A_792 : f32 to vector<16xf32>
        %max3A_794 = arith.maximumf %add3A_791, %max3A_793 : vector<16xf32>
        %slice3A_795 = vector.extract_strided_slice %get3A_548 {offsets = [13], sizes = [1], strides = [1]} : vector<16xf32> to vector<1xf32>
        %squeeze3A_796 = vector.extract %slice3A_795[0] : f32 from vector<1xf32>
        %mul3A_797 = vector.broadcast %squeeze3A_796 : f32 to vector<16xf32>
        %mul3A_798 = arith.mulf %max3A_794, %mul3A_797 : vector<16xf32>
        %add3A_799 = arith.addf %add3A_727, %mul3A_798 : vector<16xf32>
        %broadcast_in_dim3A_800 = arith.constant 14 : i32
        %broadcast_in_dim3A_801 = vector.broadcast %broadcast_in_dim3A_800 : i32 to vector<16xi32>
        %gather3A_802 = tpu.vector_load_idx %arg14[%add3A_527, %broadcast_in_dim3A_801] : memref<128x64xf32, #tpu.memory_space<vmem>>[vector<16xi32>, vector<16xi32>], vector<16xf32>,
        %gather3A_803 = tpu.vector_load_idx %arg15[%add3A_527, %broadcast_in_dim3A_801] : memref<128x64xf32, #tpu.memory_space<vmem>>[vector<16xi32>, vector<16xi32>], vector<16xf32>,
        %add3A_804 = arith.addf %gather3A_802, %gather3A_803 : vector<16xf32>
        %mul3A_805 = arith.mulf %add3A_804, %mul3A_536 : vector<16xf32>
        %slice3A_806 = vector.extract_strided_slice %get3A_546 {offsets = [14], sizes = [1], strides = [1]} : vector<16xf32> to vector<1xf32>
        %squeeze3A_807 = vector.extract %slice3A_806[0] : f32 from vector<1xf32>
        %add3A_808 = vector.broadcast %squeeze3A_807 : f32 to vector<16xf32>
        %add3A_809 = arith.addf %mul3A_805, %add3A_808 : vector<16xf32>
        %max3A_810 = arith.constant 0.000000e+00 : f32
        %max3A_811 = vector.broadcast %max3A_810 : f32 to vector<16xf32>
        %max3A_812 = arith.maximumf %add3A_809, %max3A_811 : vector<16xf32>
        %slice3A_813 = vector.extract_strided_slice %get3A_548 {offsets = [14], sizes = [1], strides = [1]} : vector<16xf32> to vector<1xf32>
        %squeeze3A_814 = vector.extract %slice3A_813[0] : f32 from vector<1xf32>
        %mul3A_815 = vector.broadcast %squeeze3A_814 : f32 to vector<16xf32>
        %mul3A_816 = arith.mulf %max3A_812, %mul3A_815 : vector<16xf32>
        %add3A_817 = arith.addf %add3A_745, %mul3A_816 : vector<16xf32>
        %broadcast_in_dim3A_818 = arith.constant 15 : i32
        %broadcast_in_dim3A_819 = vector.broadcast %broadcast_in_dim3A_818 : i32 to vector<16xi32>
        %gather3A_820 = tpu.vector_load_idx %arg14[%add3A_527, %broadcast_in_dim3A_819] : memref<128x64xf32, #tpu.memory_space<vmem>>[vector<16xi32>, vector<16xi32>], vector<16xf32>,
        %gather3A_821 = tpu.vector_load_idx %arg15[%add3A_527, %broadcast_in_dim3A_819] : memref<128x64xf32, #tpu.memory_space<vmem>>[vector<16xi32>, vector<16xi32>], vector<16xf32>,
        %add3A_822 = arith.addf %gather3A_820, %gather3A_821 : vector<16xf32>
        %mul3A_823 = arith.mulf %add3A_822, %mul3A_536 : vector<16xf32>
        %slice3A_824 = vector.extract_strided_slice %get3A_546 {offsets = [15], sizes = [1], strides = [1]} : vector<16xf32> to vector<1xf32>
        %squeeze3A_825 = vector.extract %slice3A_824[0] : f32 from vector<1xf32>
        %add3A_826 = vector.broadcast %squeeze3A_825 : f32 to vector<16xf32>
        %add3A_827 = arith.addf %mul3A_823, %add3A_826 : vector<16xf32>
        %max3A_828 = arith.constant 0.000000e+00 : f32
        %max3A_829 = vector.broadcast %max3A_828 : f32 to vector<16xf32>
        %max3A_830 = arith.maximumf %add3A_827, %max3A_829 : vector<16xf32>
        %slice3A_831 = vector.extract_strided_slice %get3A_548 {offsets = [15], sizes = [1], strides = [1]} : vector<16xf32> to vector<1xf32>
        %squeeze3A_832 = vector.extract %slice3A_831[0] : f32 from vector<1xf32>
        %mul3A_833 = vector.broadcast %squeeze3A_832 : f32 to vector<16xf32>
        %mul3A_834 = arith.mulf %max3A_830, %mul3A_833 : vector<16xf32>
        %add3A_835 = arith.addf %add3A_763, %mul3A_834 : vector<16xf32>
        %get3A_836 = arith.constant 16 : index
        %get3A_837 = tpu.vector_load %arg23[%get3A_836] {strides = array<i32>} : memref<144xf32, #tpu.memory_space<vmem>>, vector<16xf32>,
        %get3A_838 = arith.constant 80 : index
        %get3A_839 = tpu.vector_load %arg23[%get3A_838] {strides = array<i32>} : memref<144xf32, #tpu.memory_space<vmem>>, vector<16xf32>,
        %broadcast_in_dim3A_840 = arith.constant 16 : i32
        %broadcast_in_dim3A_841 = vector.broadcast %broadcast_in_dim3A_840 : i32 to vector<16xi32>
        %gather3A_842 = tpu.vector_load_idx %arg14[%add3A_527, %broadcast_in_dim3A_841] : memref<128x64xf32, #tpu.memory_space<vmem>>[vector<16xi32>, vector<16xi32>], vector<16xf32>,
        %gather3A_843 = tpu.vector_load_idx %arg15[%add3A_527, %broadcast_in_dim3A_841] : memref<128x64xf32, #tpu.memory_space<vmem>>[vector<16xi32>, vector<16xi32>], vector<16xf32>,
        %add3A_844 = arith.addf %gather3A_842, %gather3A_843 : vector<16xf32>
        %mul3A_845 = arith.mulf %add3A_844, %mul3A_536 : vector<16xf32>
        %slice3A_846 = vector.extract_strided_slice %get3A_837 {offsets = [0], sizes = [1], strides = [1]} : vector<16xf32> to vector<1xf32>
        %squeeze3A_847 = vector.extract %slice3A_846[0] : f32 from vector<1xf32>
        %add3A_848 = vector.broadcast %squeeze3A_847 : f32 to vector<16xf32>
        %add3A_849 = arith.addf %mul3A_845, %add3A_848 : vector<16xf32>
        %max3A_850 = arith.constant 0.000000e+00 : f32
        %max3A_851 = vector.broadcast %max3A_850 : f32 to vector<16xf32>
        %max3A_852 = arith.maximumf %add3A_849, %max3A_851 : vector<16xf32>
        %slice3A_853 = vector.extract_strided_slice %get3A_839 {offsets = [0], sizes = [1], strides = [1]} : vector<16xf32> to vector<1xf32>
        %squeeze3A_854 = vector.extract %slice3A_853[0] : f32 from vector<1xf32>
        %mul3A_855 = vector.broadcast %squeeze3A_854 : f32 to vector<16xf32>
        %mul3A_856 = arith.mulf %max3A_852, %mul3A_855 : vector<16xf32>
        %add3A_857 = arith.addf %add3A_781, %mul3A_856 : vector<16xf32>
        %broadcast_in_dim3A_858 = arith.constant 17 : i32
        %broadcast_in_dim3A_859 = vector.broadcast %broadcast_in_dim3A_858 : i32 to vector<16xi32>
        %gather3A_860 = tpu.vector_load_idx %arg14[%add3A_527, %broadcast_in_dim3A_859] : memref<128x64xf32, #tpu.memory_space<vmem>>[vector<16xi32>, vector<16xi32>], vector<16xf32>,
        %gather3A_861 = tpu.vector_load_idx %arg15[%add3A_527, %broadcast_in_dim3A_859] : memref<128x64xf32, #tpu.memory_space<vmem>>[vector<16xi32>, vector<16xi32>], vector<16xf32>,
        %add3A_862 = arith.addf %gather3A_860, %gather3A_861 : vector<16xf32>
        %mul3A_863 = arith.mulf %add3A_862, %mul3A_536 : vector<16xf32>
        %slice3A_864 = vector.extract_strided_slice %get3A_837 {offsets = [1], sizes = [1], strides = [1]} : vector<16xf32> to vector<1xf32>
        %squeeze3A_865 = vector.extract %slice3A_864[0] : f32 from vector<1xf32>
        %add3A_866 = vector.broadcast %squeeze3A_865 : f32 to vector<16xf32>
        %add3A_867 = arith.addf %mul3A_863, %add3A_866 : vector<16xf32>
        %max3A_868 = arith.constant 0.000000e+00 : f32
        %max3A_869 = vector.broadcast %max3A_868 : f32 to vector<16xf32>
        %max3A_870 = arith.maximumf %add3A_867, %max3A_869 : vector<16xf32>
        %slice3A_871 = vector.extract_strided_slice %get3A_839 {offsets = [1], sizes = [1], strides = [1]} : vector<16xf32> to vector<1xf32>
        %squeeze3A_872 = vector.extract %slice3A_871[0] : f32 from vector<1xf32>
        %mul3A_873 = vector.broadcast %squeeze3A_872 : f32 to vector<16xf32>
        %mul3A_874 = arith.mulf %max3A_870, %mul3A_873 : vector<16xf32>
        %add3A_875 = arith.addf %add3A_799, %mul3A_874 : vector<16xf32>
        %broadcast_in_dim3A_876 = arith.constant 18 : i32
        %broadcast_in_dim3A_877 = vector.broadcast %broadcast_in_dim3A_876 : i32 to vector<16xi32>
        %gather3A_878 = tpu.vector_load_idx %arg14[%add3A_527, %broadcast_in_dim3A_877] : memref<128x64xf32, #tpu.memory_space<vmem>>[vector<16xi32>, vector<16xi32>], vector<16xf32>,
        %gather3A_879 = tpu.vector_load_idx %arg15[%add3A_527, %broadcast_in_dim3A_877] : memref<128x64xf32, #tpu.memory_space<vmem>>[vector<16xi32>, vector<16xi32>], vector<16xf32>,
        %add3A_880 = arith.addf %gather3A_878, %gather3A_879 : vector<16xf32>
        %mul3A_881 = arith.mulf %add3A_880, %mul3A_536 : vector<16xf32>
        %slice3A_882 = vector.extract_strided_slice %get3A_837 {offsets = [2], sizes = [1], strides = [1]} : vector<16xf32> to vector<1xf32>
        %squeeze3A_883 = vector.extract %slice3A_882[0] : f32 from vector<1xf32>
        %add3A_884 = vector.broadcast %squeeze3A_883 : f32 to vector<16xf32>
        %add3A_885 = arith.addf %mul3A_881, %add3A_884 : vector<16xf32>
        %max3A_886 = arith.constant 0.000000e+00 : f32
        %max3A_887 = vector.broadcast %max3A_886 : f32 to vector<16xf32>
        %max3A_888 = arith.maximumf %add3A_885, %max3A_887 : vector<16xf32>
        %slice3A_889 = vector.extract_strided_slice %get3A_839 {offsets = [2], sizes = [1], strides = [1]} : vector<16xf32> to vector<1xf32>
        %squeeze3A_890 = vector.extract %slice3A_889[0] : f32 from vector<1xf32>
        %mul3A_891 = vector.broadcast %squeeze3A_890 : f32 to vector<16xf32>
        %mul3A_892 = arith.mulf %max3A_888, %mul3A_891 : vector<16xf32>
        %add3A_893 = arith.addf %add3A_817, %mul3A_892 : vector<16xf32>
        %broadcast_in_dim3A_894 = arith.constant 19 : i32
        %broadcast_in_dim3A_895 = vector.broadcast %broadcast_in_dim3A_894 : i32 to vector<16xi32>
        %gather3A_896 = tpu.vector_load_idx %arg14[%add3A_527, %broadcast_in_dim3A_895] : memref<128x64xf32, #tpu.memory_space<vmem>>[vector<16xi32>, vector<16xi32>], vector<16xf32>,
        %gather3A_897 = tpu.vector_load_idx %arg15[%add3A_527, %broadcast_in_dim3A_895] : memref<128x64xf32, #tpu.memory_space<vmem>>[vector<16xi32>, vector<16xi32>], vector<16xf32>,
        %add3A_898 = arith.addf %gather3A_896, %gather3A_897 : vector<16xf32>
        %mul3A_899 = arith.mulf %add3A_898, %mul3A_536 : vector<16xf32>
        %slice3A_900 = vector.extract_strided_slice %get3A_837 {offsets = [3], sizes = [1], strides = [1]} : vector<16xf32> to vector<1xf32>
        %squeeze3A_901 = vector.extract %slice3A_900[0] : f32 from vector<1xf32>
        %add3A_902 = vector.broadcast %squeeze3A_901 : f32 to vector<16xf32>
        %add3A_903 = arith.addf %mul3A_899, %add3A_902 : vector<16xf32>
        %max3A_904 = arith.constant 0.000000e+00 : f32
        %max3A_905 = vector.broadcast %max3A_904 : f32 to vector<16xf32>
        %max3A_906 = arith.maximumf %add3A_903, %max3A_905 : vector<16xf32>
        %slice3A_907 = vector.extract_strided_slice %get3A_839 {offsets = [3], sizes = [1], strides = [1]} : vector<16xf32> to vector<1xf32>
        %squeeze3A_908 = vector.extract %slice3A_907[0] : f32 from vector<1xf32>
        %mul3A_909 = vector.broadcast %squeeze3A_908 : f32 to vector<16xf32>
        %mul3A_910 = arith.mulf %max3A_906, %mul3A_909 : vector<16xf32>
        %add3A_911 = arith.addf %add3A_835, %mul3A_910 : vector<16xf32>
        %broadcast_in_dim3A_912 = arith.constant 20 : i32
        %broadcast_in_dim3A_913 = vector.broadcast %broadcast_in_dim3A_912 : i32 to vector<16xi32>
        %gather3A_914 = tpu.vector_load_idx %arg14[%add3A_527, %broadcast_in_dim3A_913] : memref<128x64xf32, #tpu.memory_space<vmem>>[vector<16xi32>, vector<16xi32>], vector<16xf32>,
        %gather3A_915 = tpu.vector_load_idx %arg15[%add3A_527, %broadcast_in_dim3A_913] : memref<128x64xf32, #tpu.memory_space<vmem>>[vector<16xi32>, vector<16xi32>], vector<16xf32>,
        %add3A_916 = arith.addf %gather3A_914, %gather3A_915 : vector<16xf32>
        %mul3A_917 = arith.mulf %add3A_916, %mul3A_536 : vector<16xf32>
        %slice3A_918 = vector.extract_strided_slice %get3A_837 {offsets = [4], sizes = [1], strides = [1]} : vector<16xf32> to vector<1xf32>
        %squeeze3A_919 = vector.extract %slice3A_918[0] : f32 from vector<1xf32>
        %add3A_920 = vector.broadcast %squeeze3A_919 : f32 to vector<16xf32>
        %add3A_921 = arith.addf %mul3A_917, %add3A_920 : vector<16xf32>
        %max3A_922 = arith.constant 0.000000e+00 : f32
        %max3A_923 = vector.broadcast %max3A_922 : f32 to vector<16xf32>
        %max3A_924 = arith.maximumf %add3A_921, %max3A_923 : vector<16xf32>
        %slice3A_925 = vector.extract_strided_slice %get3A_839 {offsets = [4], sizes = [1], strides = [1]} : vector<16xf32> to vector<1xf32>
        %squeeze3A_926 = vector.extract %slice3A_925[0] : f32 from vector<1xf32>
        %mul3A_927 = vector.broadcast %squeeze3A_926 : f32 to vector<16xf32>
        %mul3A_928 = arith.mulf %max3A_924, %mul3A_927 : vector<16xf32>
        %add3A_929 = arith.addf %add3A_857, %mul3A_928 : vector<16xf32>
        %broadcast_in_dim3A_930 = arith.constant 21 : i32
        %broadcast_in_dim3A_931 = vector.broadcast %broadcast_in_dim3A_930 : i32 to vector<16xi32>
        %gather3A_932 = tpu.vector_load_idx %arg14[%add3A_527, %broadcast_in_dim3A_931] : memref<128x64xf32, #tpu.memory_space<vmem>>[vector<16xi32>, vector<16xi32>], vector<16xf32>,
        %gather3A_933 = tpu.vector_load_idx %arg15[%add3A_527, %broadcast_in_dim3A_931] : memref<128x64xf32, #tpu.memory_space<vmem>>[vector<16xi32>, vector<16xi32>], vector<16xf32>,
        %add3A_934 = arith.addf %gather3A_932, %gather3A_933 : vector<16xf32>
        %mul3A_935 = arith.mulf %add3A_934, %mul3A_536 : vector<16xf32>
        %slice3A_936 = vector.extract_strided_slice %get3A_837 {offsets = [5], sizes = [1], strides = [1]} : vector<16xf32> to vector<1xf32>
        %squeeze3A_937 = vector.extract %slice3A_936[0] : f32 from vector<1xf32>
        %add3A_938 = vector.broadcast %squeeze3A_937 : f32 to vector<16xf32>
        %add3A_939 = arith.addf %mul3A_935, %add3A_938 : vector<16xf32>
        %max3A_940 = arith.constant 0.000000e+00 : f32
        %max3A_941 = vector.broadcast %max3A_940 : f32 to vector<16xf32>
        %max3A_942 = arith.maximumf %add3A_939, %max3A_941 : vector<16xf32>
        %slice3A_943 = vector.extract_strided_slice %get3A_839 {offsets = [5], sizes = [1], strides = [1]} : vector<16xf32> to vector<1xf32>
        %squeeze3A_944 = vector.extract %slice3A_943[0] : f32 from vector<1xf32>
        %mul3A_945 = vector.broadcast %squeeze3A_944 : f32 to vector<16xf32>
        %mul3A_946 = arith.mulf %max3A_942, %mul3A_945 : vector<16xf32>
        %add3A_947 = arith.addf %add3A_875, %mul3A_946 : vector<16xf32>
        %broadcast_in_dim3A_948 = arith.constant 22 : i32
        %broadcast_in_dim3A_949 = vector.broadcast %broadcast_in_dim3A_948 : i32 to vector<16xi32>
        %gather3A_950 = tpu.vector_load_idx %arg14[%add3A_527, %broadcast_in_dim3A_949] : memref<128x64xf32, #tpu.memory_space<vmem>>[vector<16xi32>, vector<16xi32>], vector<16xf32>,
        %gather3A_951 = tpu.vector_load_idx %arg15[%add3A_527, %broadcast_in_dim3A_949] : memref<128x64xf32, #tpu.memory_space<vmem>>[vector<16xi32>, vector<16xi32>], vector<16xf32>,
        %add3A_952 = arith.addf %gather3A_950, %gather3A_951 : vector<16xf32>
        %mul3A_953 = arith.mulf %add3A_952, %mul3A_536 : vector<16xf32>
        %slice3A_954 = vector.extract_strided_slice %get3A_837 {offsets = [6], sizes = [1], strides = [1]} : vector<16xf32> to vector<1xf32>
        %squeeze3A_955 = vector.extract %slice3A_954[0] : f32 from vector<1xf32>
        %add3A_956 = vector.broadcast %squeeze3A_955 : f32 to vector<16xf32>
        %add3A_957 = arith.addf %mul3A_953, %add3A_956 : vector<16xf32>
        %max3A_958 = arith.constant 0.000000e+00 : f32
        %max3A_959 = vector.broadcast %max3A_958 : f32 to vector<16xf32>
        %max3A_960 = arith.maximumf %add3A_957, %max3A_959 : vector<16xf32>
        %slice3A_961 = vector.extract_strided_slice %get3A_839 {offsets = [6], sizes = [1], strides = [1]} : vector<16xf32> to vector<1xf32>
        %squeeze3A_962 = vector.extract %slice3A_961[0] : f32 from vector<1xf32>
        %mul3A_963 = vector.broadcast %squeeze3A_962 : f32 to vector<16xf32>
        %mul3A_964 = arith.mulf %max3A_960, %mul3A_963 : vector<16xf32>
        %add3A_965 = arith.addf %add3A_893, %mul3A_964 : vector<16xf32>
        %broadcast_in_dim3A_966 = arith.constant 23 : i32
        %broadcast_in_dim3A_967 = vector.broadcast %broadcast_in_dim3A_966 : i32 to vector<16xi32>
        %gather3A_968 = tpu.vector_load_idx %arg14[%add3A_527, %broadcast_in_dim3A_967] : memref<128x64xf32, #tpu.memory_space<vmem>>[vector<16xi32>, vector<16xi32>], vector<16xf32>,
        %gather3A_969 = tpu.vector_load_idx %arg15[%add3A_527, %broadcast_in_dim3A_967] : memref<128x64xf32, #tpu.memory_space<vmem>>[vector<16xi32>, vector<16xi32>], vector<16xf32>,
        %add3A_970 = arith.addf %gather3A_968, %gather3A_969 : vector<16xf32>
        %mul3A_971 = arith.mulf %add3A_970, %mul3A_536 : vector<16xf32>
        %slice3A_972 = vector.extract_strided_slice %get3A_837 {offsets = [7], sizes = [1], strides = [1]} : vector<16xf32> to vector<1xf32>
        %squeeze3A_973 = vector.extract %slice3A_972[0] : f32 from vector<1xf32>
        %add3A_974 = vector.broadcast %squeeze3A_973 : f32 to vector<16xf32>
        %add3A_975 = arith.addf %mul3A_971, %add3A_974 : vector<16xf32>
        %max3A_976 = arith.constant 0.000000e+00 : f32
        %max3A_977 = vector.broadcast %max3A_976 : f32 to vector<16xf32>
        %max3A_978 = arith.maximumf %add3A_975, %max3A_977 : vector<16xf32>
        %slice3A_979 = vector.extract_strided_slice %get3A_839 {offsets = [7], sizes = [1], strides = [1]} : vector<16xf32> to vector<1xf32>
        %squeeze3A_980 = vector.extract %slice3A_979[0] : f32 from vector<1xf32>
        %mul3A_981 = vector.broadcast %squeeze3A_980 : f32 to vector<16xf32>
        %mul3A_982 = arith.mulf %max3A_978, %mul3A_981 : vector<16xf32>
        %add3A_983 = arith.addf %add3A_911, %mul3A_982 : vector<16xf32>
        %broadcast_in_dim3A_984 = arith.constant 24 : i32
        %broadcast_in_dim3A_985 = vector.broadcast %broadcast_in_dim3A_984 : i32 to vector<16xi32>
        %gather3A_986 = tpu.vector_load_idx %arg14[%add3A_527, %broadcast_in_dim3A_985] : memref<128x64xf32, #tpu.memory_space<vmem>>[vector<16xi32>, vector<16xi32>], vector<16xf32>,
        %gather3A_987 = tpu.vector_load_idx %arg15[%add3A_527, %broadcast_in_dim3A_985] : memref<128x64xf32, #tpu.memory_space<vmem>>[vector<16xi32>, vector<16xi32>], vector<16xf32>,
        %add3A_988 = arith.addf %gather3A_986, %gather3A_987 : vector<16xf32>
        %mul3A_989 = arith.mulf %add3A_988, %mul3A_536 : vector<16xf32>
        %slice3A_990 = vector.extract_strided_slice %get3A_837 {offsets = [8], sizes = [1], strides = [1]} : vector<16xf32> to vector<1xf32>
        %squeeze3A_991 = vector.extract %slice3A_990[0] : f32 from vector<1xf32>
        %add3A_992 = vector.broadcast %squeeze3A_991 : f32 to vector<16xf32>
        %add3A_993 = arith.addf %mul3A_989, %add3A_992 : vector<16xf32>
        %max3A_994 = arith.constant 0.000000e+00 : f32
        %max3A_995 = vector.broadcast %max3A_994 : f32 to vector<16xf32>
        %max3A_996 = arith.maximumf %add3A_993, %max3A_995 : vector<16xf32>
        %slice3A_997 = vector.extract_strided_slice %get3A_839 {offsets = [8], sizes = [1], strides = [1]} : vector<16xf32> to vector<1xf32>
        %squeeze3A_998 = vector.extract %slice3A_997[0] : f32 from vector<1xf32>
        %mul3A_999 = vector.broadcast %squeeze3A_998 : f32 to vector<16xf32>
        %mul3A_1000 = arith.mulf %max3A_996, %mul3A_999 : vector<16xf32>
        %add3A_1001 = arith.addf %add3A_929, %mul3A_1000 : vector<16xf32>
        %broadcast_in_dim3A_1002 = arith.constant 25 : i32
        %broadcast_in_dim3A_1003 = vector.broadcast %broadcast_in_dim3A_1002 : i32 to vector<16xi32>
        %gather3A_1004 = tpu.vector_load_idx %arg14[%add3A_527, %broadcast_in_dim3A_1003] : memref<128x64xf32, #tpu.memory_space<vmem>>[vector<16xi32>, vector<16xi32>], vector<16xf32>,
        %gather3A_1005 = tpu.vector_load_idx %arg15[%add3A_527, %broadcast_in_dim3A_1003] : memref<128x64xf32, #tpu.memory_space<vmem>>[vector<16xi32>, vector<16xi32>], vector<16xf32>,
        %add3A_1006 = arith.addf %gather3A_1004, %gather3A_1005 : vector<16xf32>
        %mul3A_1007 = arith.mulf %add3A_1006, %mul3A_536 : vector<16xf32>
        %slice3A_1008 = vector.extract_strided_slice %get3A_837 {offsets = [9], sizes = [1], strides = [1]} : vector<16xf32> to vector<1xf32>
        %squeeze3A_1009 = vector.extract %slice3A_1008[0] : f32 from vector<1xf32>
        %add3A_1010 = vector.broadcast %squeeze3A_1009 : f32 to vector<16xf32>
        %add3A_1011 = arith.addf %mul3A_1007, %add3A_1010 : vector<16xf32>
        %max3A_1012 = arith.constant 0.000000e+00 : f32
        %max3A_1013 = vector.broadcast %max3A_1012 : f32 to vector<16xf32>
        %max3A_1014 = arith.maximumf %add3A_1011, %max3A_1013 : vector<16xf32>
        %slice3A_1015 = vector.extract_strided_slice %get3A_839 {offsets = [9], sizes = [1], strides = [1]} : vector<16xf32> to vector<1xf32>
        %squeeze3A_1016 = vector.extract %slice3A_1015[0] : f32 from vector<1xf32>
        %mul3A_1017 = vector.broadcast %squeeze3A_1016 : f32 to vector<16xf32>
        %mul3A_1018 = arith.mulf %max3A_1014, %mul3A_1017 : vector<16xf32>
        %add3A_1019 = arith.addf %add3A_947, %mul3A_1018 : vector<16xf32>
        %broadcast_in_dim3A_1020 = arith.constant 26 : i32
        %broadcast_in_dim3A_1021 = vector.broadcast %broadcast_in_dim3A_1020 : i32 to vector<16xi32>
        %gather3A_1022 = tpu.vector_load_idx %arg14[%add3A_527, %broadcast_in_dim3A_1021] : memref<128x64xf32, #tpu.memory_space<vmem>>[vector<16xi32>, vector<16xi32>], vector<16xf32>,
        %gather3A_1023 = tpu.vector_load_idx %arg15[%add3A_527, %broadcast_in_dim3A_1021] : memref<128x64xf32, #tpu.memory_space<vmem>>[vector<16xi32>, vector<16xi32>], vector<16xf32>,
        %add3A_1024 = arith.addf %gather3A_1022, %gather3A_1023 : vector<16xf32>
        %mul3A_1025 = arith.mulf %add3A_1024, %mul3A_536 : vector<16xf32>
        %slice3A_1026 = vector.extract_strided_slice %get3A_837 {offsets = [10], sizes = [1], strides = [1]} : vector<16xf32> to vector<1xf32>
        %squeeze3A_1027 = vector.extract %slice3A_1026[0] : f32 from vector<1xf32>
        %add3A_1028 = vector.broadcast %squeeze3A_1027 : f32 to vector<16xf32>
        %add3A_1029 = arith.addf %mul3A_1025, %add3A_1028 : vector<16xf32>
        %max3A_1030 = arith.constant 0.000000e+00 : f32
        %max3A_1031 = vector.broadcast %max3A_1030 : f32 to vector<16xf32>
        %max3A_1032 = arith.maximumf %add3A_1029, %max3A_1031 : vector<16xf32>
        %slice3A_1033 = vector.extract_strided_slice %get3A_839 {offsets = [10], sizes = [1], strides = [1]} : vector<16xf32> to vector<1xf32>
        %squeeze3A_1034 = vector.extract %slice3A_1033[0] : f32 from vector<1xf32>
        %mul3A_1035 = vector.broadcast %squeeze3A_1034 : f32 to vector<16xf32>
        %mul3A_1036 = arith.mulf %max3A_1032, %mul3A_1035 : vector<16xf32>
        %add3A_1037 = arith.addf %add3A_965, %mul3A_1036 : vector<16xf32>
        %broadcast_in_dim3A_1038 = arith.constant 27 : i32
        %broadcast_in_dim3A_1039 = vector.broadcast %broadcast_in_dim3A_1038 : i32 to vector<16xi32>
        %gather3A_1040 = tpu.vector_load_idx %arg14[%add3A_527, %broadcast_in_dim3A_1039] : memref<128x64xf32, #tpu.memory_space<vmem>>[vector<16xi32>, vector<16xi32>], vector<16xf32>,
        %gather3A_1041 = tpu.vector_load_idx %arg15[%add3A_527, %broadcast_in_dim3A_1039] : memref<128x64xf32, #tpu.memory_space<vmem>>[vector<16xi32>, vector<16xi32>], vector<16xf32>,
        %add3A_1042 = arith.addf %gather3A_1040, %gather3A_1041 : vector<16xf32>
        %mul3A_1043 = arith.mulf %add3A_1042, %mul3A_536 : vector<16xf32>
        %slice3A_1044 = vector.extract_strided_slice %get3A_837 {offsets = [11], sizes = [1], strides = [1]} : vector<16xf32> to vector<1xf32>
        %squeeze3A_1045 = vector.extract %slice3A_1044[0] : f32 from vector<1xf32>
        %add3A_1046 = vector.broadcast %squeeze3A_1045 : f32 to vector<16xf32>
        %add3A_1047 = arith.addf %mul3A_1043, %add3A_1046 : vector<16xf32>
        %max3A_1048 = arith.constant 0.000000e+00 : f32
        %max3A_1049 = vector.broadcast %max3A_1048 : f32 to vector<16xf32>
        %max3A_1050 = arith.maximumf %add3A_1047, %max3A_1049 : vector<16xf32>
        %slice3A_1051 = vector.extract_strided_slice %get3A_839 {offsets = [11], sizes = [1], strides = [1]} : vector<16xf32> to vector<1xf32>
        %squeeze3A_1052 = vector.extract %slice3A_1051[0] : f32 from vector<1xf32>
        %mul3A_1053 = vector.broadcast %squeeze3A_1052 : f32 to vector<16xf32>
        %mul3A_1054 = arith.mulf %max3A_1050, %mul3A_1053 : vector<16xf32>
        %add3A_1055 = arith.addf %add3A_983, %mul3A_1054 : vector<16xf32>
        %broadcast_in_dim3A_1056 = arith.constant 28 : i32
        %broadcast_in_dim3A_1057 = vector.broadcast %broadcast_in_dim3A_1056 : i32 to vector<16xi32>
        %gather3A_1058 = tpu.vector_load_idx %arg14[%add3A_527, %broadcast_in_dim3A_1057] : memref<128x64xf32, #tpu.memory_space<vmem>>[vector<16xi32>, vector<16xi32>], vector<16xf32>,
        %gather3A_1059 = tpu.vector_load_idx %arg15[%add3A_527, %broadcast_in_dim3A_1057] : memref<128x64xf32, #tpu.memory_space<vmem>>[vector<16xi32>, vector<16xi32>], vector<16xf32>,
        %add3A_1060 = arith.addf %gather3A_1058, %gather3A_1059 : vector<16xf32>
        %mul3A_1061 = arith.mulf %add3A_1060, %mul3A_536 : vector<16xf32>
        %slice3A_1062 = vector.extract_strided_slice %get3A_837 {offsets = [12], sizes = [1], strides = [1]} : vector<16xf32> to vector<1xf32>
        %squeeze3A_1063 = vector.extract %slice3A_1062[0] : f32 from vector<1xf32>
        %add3A_1064 = vector.broadcast %squeeze3A_1063 : f32 to vector<16xf32>
        %add3A_1065 = arith.addf %mul3A_1061, %add3A_1064 : vector<16xf32>
        %max3A_1066 = arith.constant 0.000000e+00 : f32
        %max3A_1067 = vector.broadcast %max3A_1066 : f32 to vector<16xf32>
        %max3A_1068 = arith.maximumf %add3A_1065, %max3A_1067 : vector<16xf32>
        %slice3A_1069 = vector.extract_strided_slice %get3A_839 {offsets = [12], sizes = [1], strides = [1]} : vector<16xf32> to vector<1xf32>
        %squeeze3A_1070 = vector.extract %slice3A_1069[0] : f32 from vector<1xf32>
        %mul3A_1071 = vector.broadcast %squeeze3A_1070 : f32 to vector<16xf32>
        %mul3A_1072 = arith.mulf %max3A_1068, %mul3A_1071 : vector<16xf32>
        %add3A_1073 = arith.addf %add3A_1001, %mul3A_1072 : vector<16xf32>
        %broadcast_in_dim3A_1074 = arith.constant 29 : i32
        %broadcast_in_dim3A_1075 = vector.broadcast %broadcast_in_dim3A_1074 : i32 to vector<16xi32>
        %gather3A_1076 = tpu.vector_load_idx %arg14[%add3A_527, %broadcast_in_dim3A_1075] : memref<128x64xf32, #tpu.memory_space<vmem>>[vector<16xi32>, vector<16xi32>], vector<16xf32>,
        %gather3A_1077 = tpu.vector_load_idx %arg15[%add3A_527, %broadcast_in_dim3A_1075] : memref<128x64xf32, #tpu.memory_space<vmem>>[vector<16xi32>, vector<16xi32>], vector<16xf32>,
        %add3A_1078 = arith.addf %gather3A_1076, %gather3A_1077 : vector<16xf32>
        %mul3A_1079 = arith.mulf %add3A_1078, %mul3A_536 : vector<16xf32>
        %slice3A_1080 = vector.extract_strided_slice %get3A_837 {offsets = [13], sizes = [1], strides = [1]} : vector<16xf32> to vector<1xf32>
        %squeeze3A_1081 = vector.extract %slice3A_1080[0] : f32 from vector<1xf32>
        %add3A_1082 = vector.broadcast %squeeze3A_1081 : f32 to vector<16xf32>
        %add3A_1083 = arith.addf %mul3A_1079, %add3A_1082 : vector<16xf32>
        %max3A_1084 = arith.constant 0.000000e+00 : f32
        %max3A_1085 = vector.broadcast %max3A_1084 : f32 to vector<16xf32>
        %max3A_1086 = arith.maximumf %add3A_1083, %max3A_1085 : vector<16xf32>
        %slice3A_1087 = vector.extract_strided_slice %get3A_839 {offsets = [13], sizes = [1], strides = [1]} : vector<16xf32> to vector<1xf32>
        %squeeze3A_1088 = vector.extract %slice3A_1087[0] : f32 from vector<1xf32>
        %mul3A_1089 = vector.broadcast %squeeze3A_1088 : f32 to vector<16xf32>
        %mul3A_1090 = arith.mulf %max3A_1086, %mul3A_1089 : vector<16xf32>
        %add3A_1091 = arith.addf %add3A_1019, %mul3A_1090 : vector<16xf32>
        %broadcast_in_dim3A_1092 = arith.constant 30 : i32
        %broadcast_in_dim3A_1093 = vector.broadcast %broadcast_in_dim3A_1092 : i32 to vector<16xi32>
        %gather3A_1094 = tpu.vector_load_idx %arg14[%add3A_527, %broadcast_in_dim3A_1093] : memref<128x64xf32, #tpu.memory_space<vmem>>[vector<16xi32>, vector<16xi32>], vector<16xf32>,
        %gather3A_1095 = tpu.vector_load_idx %arg15[%add3A_527, %broadcast_in_dim3A_1093] : memref<128x64xf32, #tpu.memory_space<vmem>>[vector<16xi32>, vector<16xi32>], vector<16xf32>,
        %add3A_1096 = arith.addf %gather3A_1094, %gather3A_1095 : vector<16xf32>
        %mul3A_1097 = arith.mulf %add3A_1096, %mul3A_536 : vector<16xf32>
        %slice3A_1098 = vector.extract_strided_slice %get3A_837 {offsets = [14], sizes = [1], strides = [1]} : vector<16xf32> to vector<1xf32>
        %squeeze3A_1099 = vector.extract %slice3A_1098[0] : f32 from vector<1xf32>
        %add3A_1100 = vector.broadcast %squeeze3A_1099 : f32 to vector<16xf32>
        %add3A_1101 = arith.addf %mul3A_1097, %add3A_1100 : vector<16xf32>
        %max3A_1102 = arith.constant 0.000000e+00 : f32
        %max3A_1103 = vector.broadcast %max3A_1102 : f32 to vector<16xf32>
        %max3A_1104 = arith.maximumf %add3A_1101, %max3A_1103 : vector<16xf32>
        %slice3A_1105 = vector.extract_strided_slice %get3A_839 {offsets = [14], sizes = [1], strides = [1]} : vector<16xf32> to vector<1xf32>
        %squeeze3A_1106 = vector.extract %slice3A_1105[0] : f32 from vector<1xf32>
        %mul3A_1107 = vector.broadcast %squeeze3A_1106 : f32 to vector<16xf32>
        %mul3A_1108 = arith.mulf %max3A_1104, %mul3A_1107 : vector<16xf32>
        %add3A_1109 = arith.addf %add3A_1037, %mul3A_1108 : vector<16xf32>
        %broadcast_in_dim3A_1110 = arith.constant 31 : i32
        %broadcast_in_dim3A_1111 = vector.broadcast %broadcast_in_dim3A_1110 : i32 to vector<16xi32>
        %gather3A_1112 = tpu.vector_load_idx %arg14[%add3A_527, %broadcast_in_dim3A_1111] : memref<128x64xf32, #tpu.memory_space<vmem>>[vector<16xi32>, vector<16xi32>], vector<16xf32>,
        %gather3A_1113 = tpu.vector_load_idx %arg15[%add3A_527, %broadcast_in_dim3A_1111] : memref<128x64xf32, #tpu.memory_space<vmem>>[vector<16xi32>, vector<16xi32>], vector<16xf32>,
        %add3A_1114 = arith.addf %gather3A_1112, %gather3A_1113 : vector<16xf32>
        %mul3A_1115 = arith.mulf %add3A_1114, %mul3A_536 : vector<16xf32>
        %slice3A_1116 = vector.extract_strided_slice %get3A_837 {offsets = [15], sizes = [1], strides = [1]} : vector<16xf32> to vector<1xf32>
        %squeeze3A_1117 = vector.extract %slice3A_1116[0] : f32 from vector<1xf32>
        %add3A_1118 = vector.broadcast %squeeze3A_1117 : f32 to vector<16xf32>
        %add3A_1119 = arith.addf %mul3A_1115, %add3A_1118 : vector<16xf32>
        %max3A_1120 = arith.constant 0.000000e+00 : f32
        %max3A_1121 = vector.broadcast %max3A_1120 : f32 to vector<16xf32>
        %max3A_1122 = arith.maximumf %add3A_1119, %max3A_1121 : vector<16xf32>
        %slice3A_1123 = vector.extract_strided_slice %get3A_839 {offsets = [15], sizes = [1], strides = [1]} : vector<16xf32> to vector<1xf32>
        %squeeze3A_1124 = vector.extract %slice3A_1123[0] : f32 from vector<1xf32>
        %mul3A_1125 = vector.broadcast %squeeze3A_1124 : f32 to vector<16xf32>
        %mul3A_1126 = arith.mulf %max3A_1122, %mul3A_1125 : vector<16xf32>
        %add3A_1127 = arith.addf %add3A_1055, %mul3A_1126 : vector<16xf32>
        %get3A_1128 = arith.constant 32 : index
        %get3A_1129 = tpu.vector_load %arg23[%get3A_1128] {strides = array<i32>} : memref<144xf32, #tpu.memory_space<vmem>>, vector<16xf32>,
        %get3A_1130 = arith.constant 96 : index
        %get3A_1131 = tpu.vector_load %arg23[%get3A_1130] {strides = array<i32>} : memref<144xf32, #tpu.memory_space<vmem>>, vector<16xf32>,
        %broadcast_in_dim3A_1132 = arith.constant 32 : i32
        %broadcast_in_dim3A_1133 = vector.broadcast %broadcast_in_dim3A_1132 : i32 to vector<16xi32>
        %gather3A_1134 = tpu.vector_load_idx %arg14[%add3A_527, %broadcast_in_dim3A_1133] : memref<128x64xf32, #tpu.memory_space<vmem>>[vector<16xi32>, vector<16xi32>], vector<16xf32>,
        %gather3A_1135 = tpu.vector_load_idx %arg15[%add3A_527, %broadcast_in_dim3A_1133] : memref<128x64xf32, #tpu.memory_space<vmem>>[vector<16xi32>, vector<16xi32>], vector<16xf32>,
        %add3A_1136 = arith.addf %gather3A_1134, %gather3A_1135 : vector<16xf32>
        %mul3A_1137 = arith.mulf %add3A_1136, %mul3A_536 : vector<16xf32>
        %slice3A_1138 = vector.extract_strided_slice %get3A_1129 {offsets = [0], sizes = [1], strides = [1]} : vector<16xf32> to vector<1xf32>
        %squeeze3A_1139 = vector.extract %slice3A_1138[0] : f32 from vector<1xf32>
        %add3A_1140 = vector.broadcast %squeeze3A_1139 : f32 to vector<16xf32>
        %add3A_1141 = arith.addf %mul3A_1137, %add3A_1140 : vector<16xf32>
        %max3A_1142 = arith.constant 0.000000e+00 : f32
        %max3A_1143 = vector.broadcast %max3A_1142 : f32 to vector<16xf32>
        %max3A_1144 = arith.maximumf %add3A_1141, %max3A_1143 : vector<16xf32>
        %slice3A_1145 = vector.extract_strided_slice %get3A_1131 {offsets = [0], sizes = [1], strides = [1]} : vector<16xf32> to vector<1xf32>
        %squeeze3A_1146 = vector.extract %slice3A_1145[0] : f32 from vector<1xf32>
        %mul3A_1147 = vector.broadcast %squeeze3A_1146 : f32 to vector<16xf32>
        %mul3A_1148 = arith.mulf %max3A_1144, %mul3A_1147 : vector<16xf32>
        %add3A_1149 = arith.addf %add3A_1073, %mul3A_1148 : vector<16xf32>
        %broadcast_in_dim3A_1150 = arith.constant 33 : i32
        %broadcast_in_dim3A_1151 = vector.broadcast %broadcast_in_dim3A_1150 : i32 to vector<16xi32>
        %gather3A_1152 = tpu.vector_load_idx %arg14[%add3A_527, %broadcast_in_dim3A_1151] : memref<128x64xf32, #tpu.memory_space<vmem>>[vector<16xi32>, vector<16xi32>], vector<16xf32>,
        %gather3A_1153 = tpu.vector_load_idx %arg15[%add3A_527, %broadcast_in_dim3A_1151] : memref<128x64xf32, #tpu.memory_space<vmem>>[vector<16xi32>, vector<16xi32>], vector<16xf32>,
        %add3A_1154 = arith.addf %gather3A_1152, %gather3A_1153 : vector<16xf32>
        %mul3A_1155 = arith.mulf %add3A_1154, %mul3A_536 : vector<16xf32>
        %slice3A_1156 = vector.extract_strided_slice %get3A_1129 {offsets = [1], sizes = [1], strides = [1]} : vector<16xf32> to vector<1xf32>
        %squeeze3A_1157 = vector.extract %slice3A_1156[0] : f32 from vector<1xf32>
        %add3A_1158 = vector.broadcast %squeeze3A_1157 : f32 to vector<16xf32>
        %add3A_1159 = arith.addf %mul3A_1155, %add3A_1158 : vector<16xf32>
        %max3A_1160 = arith.constant 0.000000e+00 : f32
        %max3A_1161 = vector.broadcast %max3A_1160 : f32 to vector<16xf32>
        %max3A_1162 = arith.maximumf %add3A_1159, %max3A_1161 : vector<16xf32>
        %slice3A_1163 = vector.extract_strided_slice %get3A_1131 {offsets = [1], sizes = [1], strides = [1]} : vector<16xf32> to vector<1xf32>
        %squeeze3A_1164 = vector.extract %slice3A_1163[0] : f32 from vector<1xf32>
        %mul3A_1165 = vector.broadcast %squeeze3A_1164 : f32 to vector<16xf32>
        %mul3A_1166 = arith.mulf %max3A_1162, %mul3A_1165 : vector<16xf32>
        %add3A_1167 = arith.addf %add3A_1091, %mul3A_1166 : vector<16xf32>
        %broadcast_in_dim3A_1168 = arith.constant 34 : i32
        %broadcast_in_dim3A_1169 = vector.broadcast %broadcast_in_dim3A_1168 : i32 to vector<16xi32>
        %gather3A_1170 = tpu.vector_load_idx %arg14[%add3A_527, %broadcast_in_dim3A_1169] : memref<128x64xf32, #tpu.memory_space<vmem>>[vector<16xi32>, vector<16xi32>], vector<16xf32>,
        %gather3A_1171 = tpu.vector_load_idx %arg15[%add3A_527, %broadcast_in_dim3A_1169] : memref<128x64xf32, #tpu.memory_space<vmem>>[vector<16xi32>, vector<16xi32>], vector<16xf32>,
        %add3A_1172 = arith.addf %gather3A_1170, %gather3A_1171 : vector<16xf32>
        %mul3A_1173 = arith.mulf %add3A_1172, %mul3A_536 : vector<16xf32>
        %slice3A_1174 = vector.extract_strided_slice %get3A_1129 {offsets = [2], sizes = [1], strides = [1]} : vector<16xf32> to vector<1xf32>
        %squeeze3A_1175 = vector.extract %slice3A_1174[0] : f32 from vector<1xf32>
        %add3A_1176 = vector.broadcast %squeeze3A_1175 : f32 to vector<16xf32>
        %add3A_1177 = arith.addf %mul3A_1173, %add3A_1176 : vector<16xf32>
        %max3A_1178 = arith.constant 0.000000e+00 : f32
        %max3A_1179 = vector.broadcast %max3A_1178 : f32 to vector<16xf32>
        %max3A_1180 = arith.maximumf %add3A_1177, %max3A_1179 : vector<16xf32>
        %slice3A_1181 = vector.extract_strided_slice %get3A_1131 {offsets = [2], sizes = [1], strides = [1]} : vector<16xf32> to vector<1xf32>
        %squeeze3A_1182 = vector.extract %slice3A_1181[0] : f32 from vector<1xf32>
        %mul3A_1183 = vector.broadcast %squeeze3A_1182 : f32 to vector<16xf32>
        %mul3A_1184 = arith.mulf %max3A_1180, %mul3A_1183 : vector<16xf32>
        %add3A_1185 = arith.addf %add3A_1109, %mul3A_1184 : vector<16xf32>
        %broadcast_in_dim3A_1186 = arith.constant 35 : i32
        %broadcast_in_dim3A_1187 = vector.broadcast %broadcast_in_dim3A_1186 : i32 to vector<16xi32>
        %gather3A_1188 = tpu.vector_load_idx %arg14[%add3A_527, %broadcast_in_dim3A_1187] : memref<128x64xf32, #tpu.memory_space<vmem>>[vector<16xi32>, vector<16xi32>], vector<16xf32>,
        %gather3A_1189 = tpu.vector_load_idx %arg15[%add3A_527, %broadcast_in_dim3A_1187] : memref<128x64xf32, #tpu.memory_space<vmem>>[vector<16xi32>, vector<16xi32>], vector<16xf32>,
        %add3A_1190 = arith.addf %gather3A_1188, %gather3A_1189 : vector<16xf32>
        %mul3A_1191 = arith.mulf %add3A_1190, %mul3A_536 : vector<16xf32>
        %slice3A_1192 = vector.extract_strided_slice %get3A_1129 {offsets = [3], sizes = [1], strides = [1]} : vector<16xf32> to vector<1xf32>
        %squeeze3A_1193 = vector.extract %slice3A_1192[0] : f32 from vector<1xf32>
        %add3A_1194 = vector.broadcast %squeeze3A_1193 : f32 to vector<16xf32>
        %add3A_1195 = arith.addf %mul3A_1191, %add3A_1194 : vector<16xf32>
        %max3A_1196 = arith.constant 0.000000e+00 : f32
        %max3A_1197 = vector.broadcast %max3A_1196 : f32 to vector<16xf32>
        %max3A_1198 = arith.maximumf %add3A_1195, %max3A_1197 : vector<16xf32>
        %slice3A_1199 = vector.extract_strided_slice %get3A_1131 {offsets = [3], sizes = [1], strides = [1]} : vector<16xf32> to vector<1xf32>
        %squeeze3A_1200 = vector.extract %slice3A_1199[0] : f32 from vector<1xf32>
        %mul3A_1201 = vector.broadcast %squeeze3A_1200 : f32 to vector<16xf32>
        %mul3A_1202 = arith.mulf %max3A_1198, %mul3A_1201 : vector<16xf32>
        %add3A_1203 = arith.addf %add3A_1127, %mul3A_1202 : vector<16xf32>
        %broadcast_in_dim3A_1204 = arith.constant 36 : i32
        %broadcast_in_dim3A_1205 = vector.broadcast %broadcast_in_dim3A_1204 : i32 to vector<16xi32>
        %gather3A_1206 = tpu.vector_load_idx %arg14[%add3A_527, %broadcast_in_dim3A_1205] : memref<128x64xf32, #tpu.memory_space<vmem>>[vector<16xi32>, vector<16xi32>], vector<16xf32>,
        %gather3A_1207 = tpu.vector_load_idx %arg15[%add3A_527, %broadcast_in_dim3A_1205] : memref<128x64xf32, #tpu.memory_space<vmem>>[vector<16xi32>, vector<16xi32>], vector<16xf32>,
        %add3A_1208 = arith.addf %gather3A_1206, %gather3A_1207 : vector<16xf32>
        %mul3A_1209 = arith.mulf %add3A_1208, %mul3A_536 : vector<16xf32>
        %slice3A_1210 = vector.extract_strided_slice %get3A_1129 {offsets = [4], sizes = [1], strides = [1]} : vector<16xf32> to vector<1xf32>
        %squeeze3A_1211 = vector.extract %slice3A_1210[0] : f32 from vector<1xf32>
        %add3A_1212 = vector.broadcast %squeeze3A_1211 : f32 to vector<16xf32>
        %add3A_1213 = arith.addf %mul3A_1209, %add3A_1212 : vector<16xf32>
        %max3A_1214 = arith.constant 0.000000e+00 : f32
        %max3A_1215 = vector.broadcast %max3A_1214 : f32 to vector<16xf32>
        %max3A_1216 = arith.maximumf %add3A_1213, %max3A_1215 : vector<16xf32>
        %slice3A_1217 = vector.extract_strided_slice %get3A_1131 {offsets = [4], sizes = [1], strides = [1]} : vector<16xf32> to vector<1xf32>
        %squeeze3A_1218 = vector.extract %slice3A_1217[0] : f32 from vector<1xf32>
        %mul3A_1219 = vector.broadcast %squeeze3A_1218 : f32 to vector<16xf32>
        %mul3A_1220 = arith.mulf %max3A_1216, %mul3A_1219 : vector<16xf32>
        %add3A_1221 = arith.addf %add3A_1149, %mul3A_1220 : vector<16xf32>
        %broadcast_in_dim3A_1222 = arith.constant 37 : i32
        %broadcast_in_dim3A_1223 = vector.broadcast %broadcast_in_dim3A_1222 : i32 to vector<16xi32>
        %gather3A_1224 = tpu.vector_load_idx %arg14[%add3A_527, %broadcast_in_dim3A_1223] : memref<128x64xf32, #tpu.memory_space<vmem>>[vector<16xi32>, vector<16xi32>], vector<16xf32>,
        %gather3A_1225 = tpu.vector_load_idx %arg15[%add3A_527, %broadcast_in_dim3A_1223] : memref<128x64xf32, #tpu.memory_space<vmem>>[vector<16xi32>, vector<16xi32>], vector<16xf32>,
        %add3A_1226 = arith.addf %gather3A_1224, %gather3A_1225 : vector<16xf32>
        %mul3A_1227 = arith.mulf %add3A_1226, %mul3A_536 : vector<16xf32>
        %slice3A_1228 = vector.extract_strided_slice %get3A_1129 {offsets = [5], sizes = [1], strides = [1]} : vector<16xf32> to vector<1xf32>
        %squeeze3A_1229 = vector.extract %slice3A_1228[0] : f32 from vector<1xf32>
        %add3A_1230 = vector.broadcast %squeeze3A_1229 : f32 to vector<16xf32>
        %add3A_1231 = arith.addf %mul3A_1227, %add3A_1230 : vector<16xf32>
        %max3A_1232 = arith.constant 0.000000e+00 : f32
        %max3A_1233 = vector.broadcast %max3A_1232 : f32 to vector<16xf32>
        %max3A_1234 = arith.maximumf %add3A_1231, %max3A_1233 : vector<16xf32>
        %slice3A_1235 = vector.extract_strided_slice %get3A_1131 {offsets = [5], sizes = [1], strides = [1]} : vector<16xf32> to vector<1xf32>
        %squeeze3A_1236 = vector.extract %slice3A_1235[0] : f32 from vector<1xf32>
        %mul3A_1237 = vector.broadcast %squeeze3A_1236 : f32 to vector<16xf32>
        %mul3A_1238 = arith.mulf %max3A_1234, %mul3A_1237 : vector<16xf32>
        %add3A_1239 = arith.addf %add3A_1167, %mul3A_1238 : vector<16xf32>
        %broadcast_in_dim3A_1240 = arith.constant 38 : i32
        %broadcast_in_dim3A_1241 = vector.broadcast %broadcast_in_dim3A_1240 : i32 to vector<16xi32>
        %gather3A_1242 = tpu.vector_load_idx %arg14[%add3A_527, %broadcast_in_dim3A_1241] : memref<128x64xf32, #tpu.memory_space<vmem>>[vector<16xi32>, vector<16xi32>], vector<16xf32>,
        %gather3A_1243 = tpu.vector_load_idx %arg15[%add3A_527, %broadcast_in_dim3A_1241] : memref<128x64xf32, #tpu.memory_space<vmem>>[vector<16xi32>, vector<16xi32>], vector<16xf32>,
        %add3A_1244 = arith.addf %gather3A_1242, %gather3A_1243 : vector<16xf32>
        %mul3A_1245 = arith.mulf %add3A_1244, %mul3A_536 : vector<16xf32>
        %slice3A_1246 = vector.extract_strided_slice %get3A_1129 {offsets = [6], sizes = [1], strides = [1]} : vector<16xf32> to vector<1xf32>
        %squeeze3A_1247 = vector.extract %slice3A_1246[0] : f32 from vector<1xf32>
        %add3A_1248 = vector.broadcast %squeeze3A_1247 : f32 to vector<16xf32>
        %add3A_1249 = arith.addf %mul3A_1245, %add3A_1248 : vector<16xf32>
        %max3A_1250 = arith.constant 0.000000e+00 : f32
        %max3A_1251 = vector.broadcast %max3A_1250 : f32 to vector<16xf32>
        %max3A_1252 = arith.maximumf %add3A_1249, %max3A_1251 : vector<16xf32>
        %slice3A_1253 = vector.extract_strided_slice %get3A_1131 {offsets = [6], sizes = [1], strides = [1]} : vector<16xf32> to vector<1xf32>
        %squeeze3A_1254 = vector.extract %slice3A_1253[0] : f32 from vector<1xf32>
        %mul3A_1255 = vector.broadcast %squeeze3A_1254 : f32 to vector<16xf32>
        %mul3A_1256 = arith.mulf %max3A_1252, %mul3A_1255 : vector<16xf32>
        %add3A_1257 = arith.addf %add3A_1185, %mul3A_1256 : vector<16xf32>
        %broadcast_in_dim3A_1258 = arith.constant 39 : i32
        %broadcast_in_dim3A_1259 = vector.broadcast %broadcast_in_dim3A_1258 : i32 to vector<16xi32>
        %gather3A_1260 = tpu.vector_load_idx %arg14[%add3A_527, %broadcast_in_dim3A_1259] : memref<128x64xf32, #tpu.memory_space<vmem>>[vector<16xi32>, vector<16xi32>], vector<16xf32>,
        %gather3A_1261 = tpu.vector_load_idx %arg15[%add3A_527, %broadcast_in_dim3A_1259] : memref<128x64xf32, #tpu.memory_space<vmem>>[vector<16xi32>, vector<16xi32>], vector<16xf32>,
        %add3A_1262 = arith.addf %gather3A_1260, %gather3A_1261 : vector<16xf32>
        %mul3A_1263 = arith.mulf %add3A_1262, %mul3A_536 : vector<16xf32>
        %slice3A_1264 = vector.extract_strided_slice %get3A_1129 {offsets = [7], sizes = [1], strides = [1]} : vector<16xf32> to vector<1xf32>
        %squeeze3A_1265 = vector.extract %slice3A_1264[0] : f32 from vector<1xf32>
        %add3A_1266 = vector.broadcast %squeeze3A_1265 : f32 to vector<16xf32>
        %add3A_1267 = arith.addf %mul3A_1263, %add3A_1266 : vector<16xf32>
        %max3A_1268 = arith.constant 0.000000e+00 : f32
        %max3A_1269 = vector.broadcast %max3A_1268 : f32 to vector<16xf32>
        %max3A_1270 = arith.maximumf %add3A_1267, %max3A_1269 : vector<16xf32>
        %slice3A_1271 = vector.extract_strided_slice %get3A_1131 {offsets = [7], sizes = [1], strides = [1]} : vector<16xf32> to vector<1xf32>
        %squeeze3A_1272 = vector.extract %slice3A_1271[0] : f32 from vector<1xf32>
        %mul3A_1273 = vector.broadcast %squeeze3A_1272 : f32 to vector<16xf32>
        %mul3A_1274 = arith.mulf %max3A_1270, %mul3A_1273 : vector<16xf32>
        %add3A_1275 = arith.addf %add3A_1203, %mul3A_1274 : vector<16xf32>
        %broadcast_in_dim3A_1276 = arith.constant 40 : i32
        %broadcast_in_dim3A_1277 = vector.broadcast %broadcast_in_dim3A_1276 : i32 to vector<16xi32>
        %gather3A_1278 = tpu.vector_load_idx %arg14[%add3A_527, %broadcast_in_dim3A_1277] : memref<128x64xf32, #tpu.memory_space<vmem>>[vector<16xi32>, vector<16xi32>], vector<16xf32>,
        %gather3A_1279 = tpu.vector_load_idx %arg15[%add3A_527, %broadcast_in_dim3A_1277] : memref<128x64xf32, #tpu.memory_space<vmem>>[vector<16xi32>, vector<16xi32>], vector<16xf32>,
        %add3A_1280 = arith.addf %gather3A_1278, %gather3A_1279 : vector<16xf32>
        %mul3A_1281 = arith.mulf %add3A_1280, %mul3A_536 : vector<16xf32>
        %slice3A_1282 = vector.extract_strided_slice %get3A_1129 {offsets = [8], sizes = [1], strides = [1]} : vector<16xf32> to vector<1xf32>
        %squeeze3A_1283 = vector.extract %slice3A_1282[0] : f32 from vector<1xf32>
        %add3A_1284 = vector.broadcast %squeeze3A_1283 : f32 to vector<16xf32>
        %add3A_1285 = arith.addf %mul3A_1281, %add3A_1284 : vector<16xf32>
        %max3A_1286 = arith.constant 0.000000e+00 : f32
        %max3A_1287 = vector.broadcast %max3A_1286 : f32 to vector<16xf32>
        %max3A_1288 = arith.maximumf %add3A_1285, %max3A_1287 : vector<16xf32>
        %slice3A_1289 = vector.extract_strided_slice %get3A_1131 {offsets = [8], sizes = [1], strides = [1]} : vector<16xf32> to vector<1xf32>
        %squeeze3A_1290 = vector.extract %slice3A_1289[0] : f32 from vector<1xf32>
        %mul3A_1291 = vector.broadcast %squeeze3A_1290 : f32 to vector<16xf32>
        %mul3A_1292 = arith.mulf %max3A_1288, %mul3A_1291 : vector<16xf32>
        %add3A_1293 = arith.addf %add3A_1221, %mul3A_1292 : vector<16xf32>
        %broadcast_in_dim3A_1294 = arith.constant 41 : i32
        %broadcast_in_dim3A_1295 = vector.broadcast %broadcast_in_dim3A_1294 : i32 to vector<16xi32>
        %gather3A_1296 = tpu.vector_load_idx %arg14[%add3A_527, %broadcast_in_dim3A_1295] : memref<128x64xf32, #tpu.memory_space<vmem>>[vector<16xi32>, vector<16xi32>], vector<16xf32>,
        %gather3A_1297 = tpu.vector_load_idx %arg15[%add3A_527, %broadcast_in_dim3A_1295] : memref<128x64xf32, #tpu.memory_space<vmem>>[vector<16xi32>, vector<16xi32>], vector<16xf32>,
        %add3A_1298 = arith.addf %gather3A_1296, %gather3A_1297 : vector<16xf32>
        %mul3A_1299 = arith.mulf %add3A_1298, %mul3A_536 : vector<16xf32>
        %slice3A_1300 = vector.extract_strided_slice %get3A_1129 {offsets = [9], sizes = [1], strides = [1]} : vector<16xf32> to vector<1xf32>
        %squeeze3A_1301 = vector.extract %slice3A_1300[0] : f32 from vector<1xf32>
        %add3A_1302 = vector.broadcast %squeeze3A_1301 : f32 to vector<16xf32>
        %add3A_1303 = arith.addf %mul3A_1299, %add3A_1302 : vector<16xf32>
        %max3A_1304 = arith.constant 0.000000e+00 : f32
        %max3A_1305 = vector.broadcast %max3A_1304 : f32 to vector<16xf32>
        %max3A_1306 = arith.maximumf %add3A_1303, %max3A_1305 : vector<16xf32>
        %slice3A_1307 = vector.extract_strided_slice %get3A_1131 {offsets = [9], sizes = [1], strides = [1]} : vector<16xf32> to vector<1xf32>
        %squeeze3A_1308 = vector.extract %slice3A_1307[0] : f32 from vector<1xf32>
        %mul3A_1309 = vector.broadcast %squeeze3A_1308 : f32 to vector<16xf32>
        %mul3A_1310 = arith.mulf %max3A_1306, %mul3A_1309 : vector<16xf32>
        %add3A_1311 = arith.addf %add3A_1239, %mul3A_1310 : vector<16xf32>
        %broadcast_in_dim3A_1312 = arith.constant 42 : i32
        %broadcast_in_dim3A_1313 = vector.broadcast %broadcast_in_dim3A_1312 : i32 to vector<16xi32>
        %gather3A_1314 = tpu.vector_load_idx %arg14[%add3A_527, %broadcast_in_dim3A_1313] : memref<128x64xf32, #tpu.memory_space<vmem>>[vector<16xi32>, vector<16xi32>], vector<16xf32>,
        %gather3A_1315 = tpu.vector_load_idx %arg15[%add3A_527, %broadcast_in_dim3A_1313] : memref<128x64xf32, #tpu.memory_space<vmem>>[vector<16xi32>, vector<16xi32>], vector<16xf32>,
        %add3A_1316 = arith.addf %gather3A_1314, %gather3A_1315 : vector<16xf32>
        %mul3A_1317 = arith.mulf %add3A_1316, %mul3A_536 : vector<16xf32>
        %slice3A_1318 = vector.extract_strided_slice %get3A_1129 {offsets = [10], sizes = [1], strides = [1]} : vector<16xf32> to vector<1xf32>
        %squeeze3A_1319 = vector.extract %slice3A_1318[0] : f32 from vector<1xf32>
        %add3A_1320 = vector.broadcast %squeeze3A_1319 : f32 to vector<16xf32>
        %add3A_1321 = arith.addf %mul3A_1317, %add3A_1320 : vector<16xf32>
        %max3A_1322 = arith.constant 0.000000e+00 : f32
        %max3A_1323 = vector.broadcast %max3A_1322 : f32 to vector<16xf32>
        %max3A_1324 = arith.maximumf %add3A_1321, %max3A_1323 : vector<16xf32>
        %slice3A_1325 = vector.extract_strided_slice %get3A_1131 {offsets = [10], sizes = [1], strides = [1]} : vector<16xf32> to vector<1xf32>
        %squeeze3A_1326 = vector.extract %slice3A_1325[0] : f32 from vector<1xf32>
        %mul3A_1327 = vector.broadcast %squeeze3A_1326 : f32 to vector<16xf32>
        %mul3A_1328 = arith.mulf %max3A_1324, %mul3A_1327 : vector<16xf32>
        %add3A_1329 = arith.addf %add3A_1257, %mul3A_1328 : vector<16xf32>
        %broadcast_in_dim3A_1330 = arith.constant 43 : i32
        %broadcast_in_dim3A_1331 = vector.broadcast %broadcast_in_dim3A_1330 : i32 to vector<16xi32>
        %gather3A_1332 = tpu.vector_load_idx %arg14[%add3A_527, %broadcast_in_dim3A_1331] : memref<128x64xf32, #tpu.memory_space<vmem>>[vector<16xi32>, vector<16xi32>], vector<16xf32>,
        %gather3A_1333 = tpu.vector_load_idx %arg15[%add3A_527, %broadcast_in_dim3A_1331] : memref<128x64xf32, #tpu.memory_space<vmem>>[vector<16xi32>, vector<16xi32>], vector<16xf32>,
        %add3A_1334 = arith.addf %gather3A_1332, %gather3A_1333 : vector<16xf32>
        %mul3A_1335 = arith.mulf %add3A_1334, %mul3A_536 : vector<16xf32>
        %slice3A_1336 = vector.extract_strided_slice %get3A_1129 {offsets = [11], sizes = [1], strides = [1]} : vector<16xf32> to vector<1xf32>
        %squeeze3A_1337 = vector.extract %slice3A_1336[0] : f32 from vector<1xf32>
        %add3A_1338 = vector.broadcast %squeeze3A_1337 : f32 to vector<16xf32>
        %add3A_1339 = arith.addf %mul3A_1335, %add3A_1338 : vector<16xf32>
        %max3A_1340 = arith.constant 0.000000e+00 : f32
        %max3A_1341 = vector.broadcast %max3A_1340 : f32 to vector<16xf32>
        %max3A_1342 = arith.maximumf %add3A_1339, %max3A_1341 : vector<16xf32>
        %slice3A_1343 = vector.extract_strided_slice %get3A_1131 {offsets = [11], sizes = [1], strides = [1]} : vector<16xf32> to vector<1xf32>
        %squeeze3A_1344 = vector.extract %slice3A_1343[0] : f32 from vector<1xf32>
        %mul3A_1345 = vector.broadcast %squeeze3A_1344 : f32 to vector<16xf32>
        %mul3A_1346 = arith.mulf %max3A_1342, %mul3A_1345 : vector<16xf32>
        %add3A_1347 = arith.addf %add3A_1275, %mul3A_1346 : vector<16xf32>
        %broadcast_in_dim3A_1348 = arith.constant 44 : i32
        %broadcast_in_dim3A_1349 = vector.broadcast %broadcast_in_dim3A_1348 : i32 to vector<16xi32>
        %gather3A_1350 = tpu.vector_load_idx %arg14[%add3A_527, %broadcast_in_dim3A_1349] : memref<128x64xf32, #tpu.memory_space<vmem>>[vector<16xi32>, vector<16xi32>], vector<16xf32>,
        %gather3A_1351 = tpu.vector_load_idx %arg15[%add3A_527, %broadcast_in_dim3A_1349] : memref<128x64xf32, #tpu.memory_space<vmem>>[vector<16xi32>, vector<16xi32>], vector<16xf32>,
        %add3A_1352 = arith.addf %gather3A_1350, %gather3A_1351 : vector<16xf32>
        %mul3A_1353 = arith.mulf %add3A_1352, %mul3A_536 : vector<16xf32>
        %slice3A_1354 = vector.extract_strided_slice %get3A_1129 {offsets = [12], sizes = [1], strides = [1]} : vector<16xf32> to vector<1xf32>
        %squeeze3A_1355 = vector.extract %slice3A_1354[0] : f32 from vector<1xf32>
        %add3A_1356 = vector.broadcast %squeeze3A_1355 : f32 to vector<16xf32>
        %add3A_1357 = arith.addf %mul3A_1353, %add3A_1356 : vector<16xf32>
        %max3A_1358 = arith.constant 0.000000e+00 : f32
        %max3A_1359 = vector.broadcast %max3A_1358 : f32 to vector<16xf32>
        %max3A_1360 = arith.maximumf %add3A_1357, %max3A_1359 : vector<16xf32>
        %slice3A_1361 = vector.extract_strided_slice %get3A_1131 {offsets = [12], sizes = [1], strides = [1]} : vector<16xf32> to vector<1xf32>
        %squeeze3A_1362 = vector.extract %slice3A_1361[0] : f32 from vector<1xf32>
        %mul3A_1363 = vector.broadcast %squeeze3A_1362 : f32 to vector<16xf32>
        %mul3A_1364 = arith.mulf %max3A_1360, %mul3A_1363 : vector<16xf32>
        %add3A_1365 = arith.addf %add3A_1293, %mul3A_1364 : vector<16xf32>
        %broadcast_in_dim3A_1366 = arith.constant 45 : i32
        %broadcast_in_dim3A_1367 = vector.broadcast %broadcast_in_dim3A_1366 : i32 to vector<16xi32>
        %gather3A_1368 = tpu.vector_load_idx %arg14[%add3A_527, %broadcast_in_dim3A_1367] : memref<128x64xf32, #tpu.memory_space<vmem>>[vector<16xi32>, vector<16xi32>], vector<16xf32>,
        %gather3A_1369 = tpu.vector_load_idx %arg15[%add3A_527, %broadcast_in_dim3A_1367] : memref<128x64xf32, #tpu.memory_space<vmem>>[vector<16xi32>, vector<16xi32>], vector<16xf32>,
        %add3A_1370 = arith.addf %gather3A_1368, %gather3A_1369 : vector<16xf32>
        %mul3A_1371 = arith.mulf %add3A_1370, %mul3A_536 : vector<16xf32>
        %slice3A_1372 = vector.extract_strided_slice %get3A_1129 {offsets = [13], sizes = [1], strides = [1]} : vector<16xf32> to vector<1xf32>
        %squeeze3A_1373 = vector.extract %slice3A_1372[0] : f32 from vector<1xf32>
        %add3A_1374 = vector.broadcast %squeeze3A_1373 : f32 to vector<16xf32>
        %add3A_1375 = arith.addf %mul3A_1371, %add3A_1374 : vector<16xf32>
        %max3A_1376 = arith.constant 0.000000e+00 : f32
        %max3A_1377 = vector.broadcast %max3A_1376 : f32 to vector<16xf32>
        %max3A_1378 = arith.maximumf %add3A_1375, %max3A_1377 : vector<16xf32>
        %slice3A_1379 = vector.extract_strided_slice %get3A_1131 {offsets = [13], sizes = [1], strides = [1]} : vector<16xf32> to vector<1xf32>
        %squeeze3A_1380 = vector.extract %slice3A_1379[0] : f32 from vector<1xf32>
        %mul3A_1381 = vector.broadcast %squeeze3A_1380 : f32 to vector<16xf32>
        %mul3A_1382 = arith.mulf %max3A_1378, %mul3A_1381 : vector<16xf32>
        %add3A_1383 = arith.addf %add3A_1311, %mul3A_1382 : vector<16xf32>
        %broadcast_in_dim3A_1384 = arith.constant 46 : i32
        %broadcast_in_dim3A_1385 = vector.broadcast %broadcast_in_dim3A_1384 : i32 to vector<16xi32>
        %gather3A_1386 = tpu.vector_load_idx %arg14[%add3A_527, %broadcast_in_dim3A_1385] : memref<128x64xf32, #tpu.memory_space<vmem>>[vector<16xi32>, vector<16xi32>], vector<16xf32>,
        %gather3A_1387 = tpu.vector_load_idx %arg15[%add3A_527, %broadcast_in_dim3A_1385] : memref<128x64xf32, #tpu.memory_space<vmem>>[vector<16xi32>, vector<16xi32>], vector<16xf32>,
        %add3A_1388 = arith.addf %gather3A_1386, %gather3A_1387 : vector<16xf32>
        %mul3A_1389 = arith.mulf %add3A_1388, %mul3A_536 : vector<16xf32>
        %slice3A_1390 = vector.extract_strided_slice %get3A_1129 {offsets = [14], sizes = [1], strides = [1]} : vector<16xf32> to vector<1xf32>
        %squeeze3A_1391 = vector.extract %slice3A_1390[0] : f32 from vector<1xf32>
        %add3A_1392 = vector.broadcast %squeeze3A_1391 : f32 to vector<16xf32>
        %add3A_1393 = arith.addf %mul3A_1389, %add3A_1392 : vector<16xf32>
        %max3A_1394 = arith.constant 0.000000e+00 : f32
        %max3A_1395 = vector.broadcast %max3A_1394 : f32 to vector<16xf32>
        %max3A_1396 = arith.maximumf %add3A_1393, %max3A_1395 : vector<16xf32>
        %slice3A_1397 = vector.extract_strided_slice %get3A_1131 {offsets = [14], sizes = [1], strides = [1]} : vector<16xf32> to vector<1xf32>
        %squeeze3A_1398 = vector.extract %slice3A_1397[0] : f32 from vector<1xf32>
        %mul3A_1399 = vector.broadcast %squeeze3A_1398 : f32 to vector<16xf32>
        %mul3A_1400 = arith.mulf %max3A_1396, %mul3A_1399 : vector<16xf32>
        %add3A_1401 = arith.addf %add3A_1329, %mul3A_1400 : vector<16xf32>
        %broadcast_in_dim3A_1402 = arith.constant 47 : i32
        %broadcast_in_dim3A_1403 = vector.broadcast %broadcast_in_dim3A_1402 : i32 to vector<16xi32>
        %gather3A_1404 = tpu.vector_load_idx %arg14[%add3A_527, %broadcast_in_dim3A_1403] : memref<128x64xf32, #tpu.memory_space<vmem>>[vector<16xi32>, vector<16xi32>], vector<16xf32>,
        %gather3A_1405 = tpu.vector_load_idx %arg15[%add3A_527, %broadcast_in_dim3A_1403] : memref<128x64xf32, #tpu.memory_space<vmem>>[vector<16xi32>, vector<16xi32>], vector<16xf32>,
        %add3A_1406 = arith.addf %gather3A_1404, %gather3A_1405 : vector<16xf32>
        %mul3A_1407 = arith.mulf %add3A_1406, %mul3A_536 : vector<16xf32>
        %slice3A_1408 = vector.extract_strided_slice %get3A_1129 {offsets = [15], sizes = [1], strides = [1]} : vector<16xf32> to vector<1xf32>
        %squeeze3A_1409 = vector.extract %slice3A_1408[0] : f32 from vector<1xf32>
        %add3A_1410 = vector.broadcast %squeeze3A_1409 : f32 to vector<16xf32>
        %add3A_1411 = arith.addf %mul3A_1407, %add3A_1410 : vector<16xf32>
        %max3A_1412 = arith.constant 0.000000e+00 : f32
        %max3A_1413 = vector.broadcast %max3A_1412 : f32 to vector<16xf32>
        %max3A_1414 = arith.maximumf %add3A_1411, %max3A_1413 : vector<16xf32>
        %slice3A_1415 = vector.extract_strided_slice %get3A_1131 {offsets = [15], sizes = [1], strides = [1]} : vector<16xf32> to vector<1xf32>
        %squeeze3A_1416 = vector.extract %slice3A_1415[0] : f32 from vector<1xf32>
        %mul3A_1417 = vector.broadcast %squeeze3A_1416 : f32 to vector<16xf32>
        %mul3A_1418 = arith.mulf %max3A_1414, %mul3A_1417 : vector<16xf32>
        %add3A_1419 = arith.addf %add3A_1347, %mul3A_1418 : vector<16xf32>
        %get3A_1420 = arith.constant 48 : index
        %get3A_1421 = tpu.vector_load %arg23[%get3A_1420] {strides = array<i32>} : memref<144xf32, #tpu.memory_space<vmem>>, vector<16xf32>,
        %get3A_1422 = arith.constant 112 : index
        %get3A_1423 = tpu.vector_load %arg23[%get3A_1422] {strides = array<i32>} : memref<144xf32, #tpu.memory_space<vmem>>, vector<16xf32>,
        %broadcast_in_dim3A_1424 = arith.constant 48 : i32
        %broadcast_in_dim3A_1425 = vector.broadcast %broadcast_in_dim3A_1424 : i32 to vector<16xi32>
        %gather3A_1426 = tpu.vector_load_idx %arg14[%add3A_527, %broadcast_in_dim3A_1425] : memref<128x64xf32, #tpu.memory_space<vmem>>[vector<16xi32>, vector<16xi32>], vector<16xf32>,
        %gather3A_1427 = tpu.vector_load_idx %arg15[%add3A_527, %broadcast_in_dim3A_1425] : memref<128x64xf32, #tpu.memory_space<vmem>>[vector<16xi32>, vector<16xi32>], vector<16xf32>,
        %add3A_1428 = arith.addf %gather3A_1426, %gather3A_1427 : vector<16xf32>
        %mul3A_1429 = arith.mulf %add3A_1428, %mul3A_536 : vector<16xf32>
        %slice3A_1430 = vector.extract_strided_slice %get3A_1421 {offsets = [0], sizes = [1], strides = [1]} : vector<16xf32> to vector<1xf32>
        %squeeze3A_1431 = vector.extract %slice3A_1430[0] : f32 from vector<1xf32>
        %add3A_1432 = vector.broadcast %squeeze3A_1431 : f32 to vector<16xf32>
        %add3A_1433 = arith.addf %mul3A_1429, %add3A_1432 : vector<16xf32>
        %max3A_1434 = arith.constant 0.000000e+00 : f32
        %max3A_1435 = vector.broadcast %max3A_1434 : f32 to vector<16xf32>
        %max3A_1436 = arith.maximumf %add3A_1433, %max3A_1435 : vector<16xf32>
        %slice3A_1437 = vector.extract_strided_slice %get3A_1423 {offsets = [0], sizes = [1], strides = [1]} : vector<16xf32> to vector<1xf32>
        %squeeze3A_1438 = vector.extract %slice3A_1437[0] : f32 from vector<1xf32>
        %mul3A_1439 = vector.broadcast %squeeze3A_1438 : f32 to vector<16xf32>
        %mul3A_1440 = arith.mulf %max3A_1436, %mul3A_1439 : vector<16xf32>
        %add3A_1441 = arith.addf %add3A_1365, %mul3A_1440 : vector<16xf32>
        %broadcast_in_dim3A_1442 = arith.constant 49 : i32
        %broadcast_in_dim3A_1443 = vector.broadcast %broadcast_in_dim3A_1442 : i32 to vector<16xi32>
        %gather3A_1444 = tpu.vector_load_idx %arg14[%add3A_527, %broadcast_in_dim3A_1443] : memref<128x64xf32, #tpu.memory_space<vmem>>[vector<16xi32>, vector<16xi32>], vector<16xf32>,
        %gather3A_1445 = tpu.vector_load_idx %arg15[%add3A_527, %broadcast_in_dim3A_1443] : memref<128x64xf32, #tpu.memory_space<vmem>>[vector<16xi32>, vector<16xi32>], vector<16xf32>,
        %add3A_1446 = arith.addf %gather3A_1444, %gather3A_1445 : vector<16xf32>
        %mul3A_1447 = arith.mulf %add3A_1446, %mul3A_536 : vector<16xf32>
        %slice3A_1448 = vector.extract_strided_slice %get3A_1421 {offsets = [1], sizes = [1], strides = [1]} : vector<16xf32> to vector<1xf32>
        %squeeze3A_1449 = vector.extract %slice3A_1448[0] : f32 from vector<1xf32>
        %add3A_1450 = vector.broadcast %squeeze3A_1449 : f32 to vector<16xf32>
        %add3A_1451 = arith.addf %mul3A_1447, %add3A_1450 : vector<16xf32>
        %max3A_1452 = arith.constant 0.000000e+00 : f32
        %max3A_1453 = vector.broadcast %max3A_1452 : f32 to vector<16xf32>
        %max3A_1454 = arith.maximumf %add3A_1451, %max3A_1453 : vector<16xf32>
        %slice3A_1455 = vector.extract_strided_slice %get3A_1423 {offsets = [1], sizes = [1], strides = [1]} : vector<16xf32> to vector<1xf32>
        %squeeze3A_1456 = vector.extract %slice3A_1455[0] : f32 from vector<1xf32>
        %mul3A_1457 = vector.broadcast %squeeze3A_1456 : f32 to vector<16xf32>
        %mul3A_1458 = arith.mulf %max3A_1454, %mul3A_1457 : vector<16xf32>
        %add3A_1459 = arith.addf %add3A_1383, %mul3A_1458 : vector<16xf32>
        %broadcast_in_dim3A_1460 = arith.constant 50 : i32
        %broadcast_in_dim3A_1461 = vector.broadcast %broadcast_in_dim3A_1460 : i32 to vector<16xi32>
        %gather3A_1462 = tpu.vector_load_idx %arg14[%add3A_527, %broadcast_in_dim3A_1461] : memref<128x64xf32, #tpu.memory_space<vmem>>[vector<16xi32>, vector<16xi32>], vector<16xf32>,
        %gather3A_1463 = tpu.vector_load_idx %arg15[%add3A_527, %broadcast_in_dim3A_1461] : memref<128x64xf32, #tpu.memory_space<vmem>>[vector<16xi32>, vector<16xi32>], vector<16xf32>,
        %add3A_1464 = arith.addf %gather3A_1462, %gather3A_1463 : vector<16xf32>
        %mul3A_1465 = arith.mulf %add3A_1464, %mul3A_536 : vector<16xf32>
        %slice3A_1466 = vector.extract_strided_slice %get3A_1421 {offsets = [2], sizes = [1], strides = [1]} : vector<16xf32> to vector<1xf32>
        %squeeze3A_1467 = vector.extract %slice3A_1466[0] : f32 from vector<1xf32>
        %add3A_1468 = vector.broadcast %squeeze3A_1467 : f32 to vector<16xf32>
        %add3A_1469 = arith.addf %mul3A_1465, %add3A_1468 : vector<16xf32>
        %max3A_1470 = arith.constant 0.000000e+00 : f32
        %max3A_1471 = vector.broadcast %max3A_1470 : f32 to vector<16xf32>
        %max3A_1472 = arith.maximumf %add3A_1469, %max3A_1471 : vector<16xf32>
        %slice3A_1473 = vector.extract_strided_slice %get3A_1423 {offsets = [2], sizes = [1], strides = [1]} : vector<16xf32> to vector<1xf32>
        %squeeze3A_1474 = vector.extract %slice3A_1473[0] : f32 from vector<1xf32>
        %mul3A_1475 = vector.broadcast %squeeze3A_1474 : f32 to vector<16xf32>
        %mul3A_1476 = arith.mulf %max3A_1472, %mul3A_1475 : vector<16xf32>
        %add3A_1477 = arith.addf %add3A_1401, %mul3A_1476 : vector<16xf32>
        %broadcast_in_dim3A_1478 = arith.constant 51 : i32
        %broadcast_in_dim3A_1479 = vector.broadcast %broadcast_in_dim3A_1478 : i32 to vector<16xi32>
        %gather3A_1480 = tpu.vector_load_idx %arg14[%add3A_527, %broadcast_in_dim3A_1479] : memref<128x64xf32, #tpu.memory_space<vmem>>[vector<16xi32>, vector<16xi32>], vector<16xf32>,
        %gather3A_1481 = tpu.vector_load_idx %arg15[%add3A_527, %broadcast_in_dim3A_1479] : memref<128x64xf32, #tpu.memory_space<vmem>>[vector<16xi32>, vector<16xi32>], vector<16xf32>,
        %add3A_1482 = arith.addf %gather3A_1480, %gather3A_1481 : vector<16xf32>
        %mul3A_1483 = arith.mulf %add3A_1482, %mul3A_536 : vector<16xf32>
        %slice3A_1484 = vector.extract_strided_slice %get3A_1421 {offsets = [3], sizes = [1], strides = [1]} : vector<16xf32> to vector<1xf32>
        %squeeze3A_1485 = vector.extract %slice3A_1484[0] : f32 from vector<1xf32>
        %add3A_1486 = vector.broadcast %squeeze3A_1485 : f32 to vector<16xf32>
        %add3A_1487 = arith.addf %mul3A_1483, %add3A_1486 : vector<16xf32>
        %max3A_1488 = arith.constant 0.000000e+00 : f32
        %max3A_1489 = vector.broadcast %max3A_1488 : f32 to vector<16xf32>
        %max3A_1490 = arith.maximumf %add3A_1487, %max3A_1489 : vector<16xf32>
        %slice3A_1491 = vector.extract_strided_slice %get3A_1423 {offsets = [3], sizes = [1], strides = [1]} : vector<16xf32> to vector<1xf32>
        %squeeze3A_1492 = vector.extract %slice3A_1491[0] : f32 from vector<1xf32>
        %mul3A_1493 = vector.broadcast %squeeze3A_1492 : f32 to vector<16xf32>
        %mul3A_1494 = arith.mulf %max3A_1490, %mul3A_1493 : vector<16xf32>
        %add3A_1495 = arith.addf %add3A_1419, %mul3A_1494 : vector<16xf32>
        %broadcast_in_dim3A_1496 = arith.constant 52 : i32
        %broadcast_in_dim3A_1497 = vector.broadcast %broadcast_in_dim3A_1496 : i32 to vector<16xi32>
        %gather3A_1498 = tpu.vector_load_idx %arg14[%add3A_527, %broadcast_in_dim3A_1497] : memref<128x64xf32, #tpu.memory_space<vmem>>[vector<16xi32>, vector<16xi32>], vector<16xf32>,
        %gather3A_1499 = tpu.vector_load_idx %arg15[%add3A_527, %broadcast_in_dim3A_1497] : memref<128x64xf32, #tpu.memory_space<vmem>>[vector<16xi32>, vector<16xi32>], vector<16xf32>,
        %add3A_1500 = arith.addf %gather3A_1498, %gather3A_1499 : vector<16xf32>
        %mul3A_1501 = arith.mulf %add3A_1500, %mul3A_536 : vector<16xf32>
        %slice3A_1502 = vector.extract_strided_slice %get3A_1421 {offsets = [4], sizes = [1], strides = [1]} : vector<16xf32> to vector<1xf32>
        %squeeze3A_1503 = vector.extract %slice3A_1502[0] : f32 from vector<1xf32>
        %add3A_1504 = vector.broadcast %squeeze3A_1503 : f32 to vector<16xf32>
        %add3A_1505 = arith.addf %mul3A_1501, %add3A_1504 : vector<16xf32>
        %max3A_1506 = arith.constant 0.000000e+00 : f32
        %max3A_1507 = vector.broadcast %max3A_1506 : f32 to vector<16xf32>
        %max3A_1508 = arith.maximumf %add3A_1505, %max3A_1507 : vector<16xf32>
        %slice3A_1509 = vector.extract_strided_slice %get3A_1423 {offsets = [4], sizes = [1], strides = [1]} : vector<16xf32> to vector<1xf32>
        %squeeze3A_1510 = vector.extract %slice3A_1509[0] : f32 from vector<1xf32>
        %mul3A_1511 = vector.broadcast %squeeze3A_1510 : f32 to vector<16xf32>
        %mul3A_1512 = arith.mulf %max3A_1508, %mul3A_1511 : vector<16xf32>
        %add3A_1513 = arith.addf %add3A_1441, %mul3A_1512 : vector<16xf32>
        %broadcast_in_dim3A_1514 = arith.constant 53 : i32
        %broadcast_in_dim3A_1515 = vector.broadcast %broadcast_in_dim3A_1514 : i32 to vector<16xi32>
        %gather3A_1516 = tpu.vector_load_idx %arg14[%add3A_527, %broadcast_in_dim3A_1515] : memref<128x64xf32, #tpu.memory_space<vmem>>[vector<16xi32>, vector<16xi32>], vector<16xf32>,
        %gather3A_1517 = tpu.vector_load_idx %arg15[%add3A_527, %broadcast_in_dim3A_1515] : memref<128x64xf32, #tpu.memory_space<vmem>>[vector<16xi32>, vector<16xi32>], vector<16xf32>,
        %add3A_1518 = arith.addf %gather3A_1516, %gather3A_1517 : vector<16xf32>
        %mul3A_1519 = arith.mulf %add3A_1518, %mul3A_536 : vector<16xf32>
        %slice3A_1520 = vector.extract_strided_slice %get3A_1421 {offsets = [5], sizes = [1], strides = [1]} : vector<16xf32> to vector<1xf32>
        %squeeze3A_1521 = vector.extract %slice3A_1520[0] : f32 from vector<1xf32>
        %add3A_1522 = vector.broadcast %squeeze3A_1521 : f32 to vector<16xf32>
        %add3A_1523 = arith.addf %mul3A_1519, %add3A_1522 : vector<16xf32>
        %max3A_1524 = arith.constant 0.000000e+00 : f32
        %max3A_1525 = vector.broadcast %max3A_1524 : f32 to vector<16xf32>
        %max3A_1526 = arith.maximumf %add3A_1523, %max3A_1525 : vector<16xf32>
        %slice3A_1527 = vector.extract_strided_slice %get3A_1423 {offsets = [5], sizes = [1], strides = [1]} : vector<16xf32> to vector<1xf32>
        %squeeze3A_1528 = vector.extract %slice3A_1527[0] : f32 from vector<1xf32>
        %mul3A_1529 = vector.broadcast %squeeze3A_1528 : f32 to vector<16xf32>
        %mul3A_1530 = arith.mulf %max3A_1526, %mul3A_1529 : vector<16xf32>
        %add3A_1531 = arith.addf %add3A_1459, %mul3A_1530 : vector<16xf32>
        %broadcast_in_dim3A_1532 = arith.constant 54 : i32
        %broadcast_in_dim3A_1533 = vector.broadcast %broadcast_in_dim3A_1532 : i32 to vector<16xi32>
        %gather3A_1534 = tpu.vector_load_idx %arg14[%add3A_527, %broadcast_in_dim3A_1533] : memref<128x64xf32, #tpu.memory_space<vmem>>[vector<16xi32>, vector<16xi32>], vector<16xf32>,
        %gather3A_1535 = tpu.vector_load_idx %arg15[%add3A_527, %broadcast_in_dim3A_1533] : memref<128x64xf32, #tpu.memory_space<vmem>>[vector<16xi32>, vector<16xi32>], vector<16xf32>,
        %add3A_1536 = arith.addf %gather3A_1534, %gather3A_1535 : vector<16xf32>
        %mul3A_1537 = arith.mulf %add3A_1536, %mul3A_536 : vector<16xf32>
        %slice3A_1538 = vector.extract_strided_slice %get3A_1421 {offsets = [6], sizes = [1], strides = [1]} : vector<16xf32> to vector<1xf32>
        %squeeze3A_1539 = vector.extract %slice3A_1538[0] : f32 from vector<1xf32>
        %add3A_1540 = vector.broadcast %squeeze3A_1539 : f32 to vector<16xf32>
        %add3A_1541 = arith.addf %mul3A_1537, %add3A_1540 : vector<16xf32>
        %max3A_1542 = arith.constant 0.000000e+00 : f32
        %max3A_1543 = vector.broadcast %max3A_1542 : f32 to vector<16xf32>
        %max3A_1544 = arith.maximumf %add3A_1541, %max3A_1543 : vector<16xf32>
        %slice3A_1545 = vector.extract_strided_slice %get3A_1423 {offsets = [6], sizes = [1], strides = [1]} : vector<16xf32> to vector<1xf32>
        %squeeze3A_1546 = vector.extract %slice3A_1545[0] : f32 from vector<1xf32>
        %mul3A_1547 = vector.broadcast %squeeze3A_1546 : f32 to vector<16xf32>
        %mul3A_1548 = arith.mulf %max3A_1544, %mul3A_1547 : vector<16xf32>
        %add3A_1549 = arith.addf %add3A_1477, %mul3A_1548 : vector<16xf32>
        %broadcast_in_dim3A_1550 = arith.constant 55 : i32
        %broadcast_in_dim3A_1551 = vector.broadcast %broadcast_in_dim3A_1550 : i32 to vector<16xi32>
        %gather3A_1552 = tpu.vector_load_idx %arg14[%add3A_527, %broadcast_in_dim3A_1551] : memref<128x64xf32, #tpu.memory_space<vmem>>[vector<16xi32>, vector<16xi32>], vector<16xf32>,
        %gather3A_1553 = tpu.vector_load_idx %arg15[%add3A_527, %broadcast_in_dim3A_1551] : memref<128x64xf32, #tpu.memory_space<vmem>>[vector<16xi32>, vector<16xi32>], vector<16xf32>,
        %add3A_1554 = arith.addf %gather3A_1552, %gather3A_1553 : vector<16xf32>
        %mul3A_1555 = arith.mulf %add3A_1554, %mul3A_536 : vector<16xf32>
        %slice3A_1556 = vector.extract_strided_slice %get3A_1421 {offsets = [7], sizes = [1], strides = [1]} : vector<16xf32> to vector<1xf32>
        %squeeze3A_1557 = vector.extract %slice3A_1556[0] : f32 from vector<1xf32>
        %add3A_1558 = vector.broadcast %squeeze3A_1557 : f32 to vector<16xf32>
        %add3A_1559 = arith.addf %mul3A_1555, %add3A_1558 : vector<16xf32>
        %max3A_1560 = arith.constant 0.000000e+00 : f32
        %max3A_1561 = vector.broadcast %max3A_1560 : f32 to vector<16xf32>
        %max3A_1562 = arith.maximumf %add3A_1559, %max3A_1561 : vector<16xf32>
        %slice3A_1563 = vector.extract_strided_slice %get3A_1423 {offsets = [7], sizes = [1], strides = [1]} : vector<16xf32> to vector<1xf32>
        %squeeze3A_1564 = vector.extract %slice3A_1563[0] : f32 from vector<1xf32>
        %mul3A_1565 = vector.broadcast %squeeze3A_1564 : f32 to vector<16xf32>
        %mul3A_1566 = arith.mulf %max3A_1562, %mul3A_1565 : vector<16xf32>
        %add3A_1567 = arith.addf %add3A_1495, %mul3A_1566 : vector<16xf32>
        %broadcast_in_dim3A_1568 = arith.constant 56 : i32
        %broadcast_in_dim3A_1569 = vector.broadcast %broadcast_in_dim3A_1568 : i32 to vector<16xi32>
        %gather3A_1570 = tpu.vector_load_idx %arg14[%add3A_527, %broadcast_in_dim3A_1569] : memref<128x64xf32, #tpu.memory_space<vmem>>[vector<16xi32>, vector<16xi32>], vector<16xf32>,
        %gather3A_1571 = tpu.vector_load_idx %arg15[%add3A_527, %broadcast_in_dim3A_1569] : memref<128x64xf32, #tpu.memory_space<vmem>>[vector<16xi32>, vector<16xi32>], vector<16xf32>,
        %add3A_1572 = arith.addf %gather3A_1570, %gather3A_1571 : vector<16xf32>
        %mul3A_1573 = arith.mulf %add3A_1572, %mul3A_536 : vector<16xf32>
        %slice3A_1574 = vector.extract_strided_slice %get3A_1421 {offsets = [8], sizes = [1], strides = [1]} : vector<16xf32> to vector<1xf32>
        %squeeze3A_1575 = vector.extract %slice3A_1574[0] : f32 from vector<1xf32>
        %add3A_1576 = vector.broadcast %squeeze3A_1575 : f32 to vector<16xf32>
        %add3A_1577 = arith.addf %mul3A_1573, %add3A_1576 : vector<16xf32>
        %max3A_1578 = arith.constant 0.000000e+00 : f32
        %max3A_1579 = vector.broadcast %max3A_1578 : f32 to vector<16xf32>
        %max3A_1580 = arith.maximumf %add3A_1577, %max3A_1579 : vector<16xf32>
        %slice3A_1581 = vector.extract_strided_slice %get3A_1423 {offsets = [8], sizes = [1], strides = [1]} : vector<16xf32> to vector<1xf32>
        %squeeze3A_1582 = vector.extract %slice3A_1581[0] : f32 from vector<1xf32>
        %mul3A_1583 = vector.broadcast %squeeze3A_1582 : f32 to vector<16xf32>
        %mul3A_1584 = arith.mulf %max3A_1580, %mul3A_1583 : vector<16xf32>
        %add3A_1585 = arith.addf %add3A_1513, %mul3A_1584 : vector<16xf32>
        %broadcast_in_dim3A_1586 = arith.constant 57 : i32
        %broadcast_in_dim3A_1587 = vector.broadcast %broadcast_in_dim3A_1586 : i32 to vector<16xi32>
        %gather3A_1588 = tpu.vector_load_idx %arg14[%add3A_527, %broadcast_in_dim3A_1587] : memref<128x64xf32, #tpu.memory_space<vmem>>[vector<16xi32>, vector<16xi32>], vector<16xf32>,
        %gather3A_1589 = tpu.vector_load_idx %arg15[%add3A_527, %broadcast_in_dim3A_1587] : memref<128x64xf32, #tpu.memory_space<vmem>>[vector<16xi32>, vector<16xi32>], vector<16xf32>,
        %add3A_1590 = arith.addf %gather3A_1588, %gather3A_1589 : vector<16xf32>
        %mul3A_1591 = arith.mulf %add3A_1590, %mul3A_536 : vector<16xf32>
        %slice3A_1592 = vector.extract_strided_slice %get3A_1421 {offsets = [9], sizes = [1], strides = [1]} : vector<16xf32> to vector<1xf32>
        %squeeze3A_1593 = vector.extract %slice3A_1592[0] : f32 from vector<1xf32>
        %add3A_1594 = vector.broadcast %squeeze3A_1593 : f32 to vector<16xf32>
        %add3A_1595 = arith.addf %mul3A_1591, %add3A_1594 : vector<16xf32>
        %max3A_1596 = arith.constant 0.000000e+00 : f32
        %max3A_1597 = vector.broadcast %max3A_1596 : f32 to vector<16xf32>
        %max3A_1598 = arith.maximumf %add3A_1595, %max3A_1597 : vector<16xf32>
        %slice3A_1599 = vector.extract_strided_slice %get3A_1423 {offsets = [9], sizes = [1], strides = [1]} : vector<16xf32> to vector<1xf32>
        %squeeze3A_1600 = vector.extract %slice3A_1599[0] : f32 from vector<1xf32>
        %mul3A_1601 = vector.broadcast %squeeze3A_1600 : f32 to vector<16xf32>
        %mul3A_1602 = arith.mulf %max3A_1598, %mul3A_1601 : vector<16xf32>
        %add3A_1603 = arith.addf %add3A_1531, %mul3A_1602 : vector<16xf32>
        %broadcast_in_dim3A_1604 = arith.constant 58 : i32
        %broadcast_in_dim3A_1605 = vector.broadcast %broadcast_in_dim3A_1604 : i32 to vector<16xi32>
        %gather3A_1606 = tpu.vector_load_idx %arg14[%add3A_527, %broadcast_in_dim3A_1605] : memref<128x64xf32, #tpu.memory_space<vmem>>[vector<16xi32>, vector<16xi32>], vector<16xf32>,
        %gather3A_1607 = tpu.vector_load_idx %arg15[%add3A_527, %broadcast_in_dim3A_1605] : memref<128x64xf32, #tpu.memory_space<vmem>>[vector<16xi32>, vector<16xi32>], vector<16xf32>,
        %add3A_1608 = arith.addf %gather3A_1606, %gather3A_1607 : vector<16xf32>
        %mul3A_1609 = arith.mulf %add3A_1608, %mul3A_536 : vector<16xf32>
        %slice3A_1610 = vector.extract_strided_slice %get3A_1421 {offsets = [10], sizes = [1], strides = [1]} : vector<16xf32> to vector<1xf32>
        %squeeze3A_1611 = vector.extract %slice3A_1610[0] : f32 from vector<1xf32>
        %add3A_1612 = vector.broadcast %squeeze3A_1611 : f32 to vector<16xf32>
        %add3A_1613 = arith.addf %mul3A_1609, %add3A_1612 : vector<16xf32>
        %max3A_1614 = arith.constant 0.000000e+00 : f32
        %max3A_1615 = vector.broadcast %max3A_1614 : f32 to vector<16xf32>
        %max3A_1616 = arith.maximumf %add3A_1613, %max3A_1615 : vector<16xf32>
        %slice3A_1617 = vector.extract_strided_slice %get3A_1423 {offsets = [10], sizes = [1], strides = [1]} : vector<16xf32> to vector<1xf32>
        %squeeze3A_1618 = vector.extract %slice3A_1617[0] : f32 from vector<1xf32>
        %mul3A_1619 = vector.broadcast %squeeze3A_1618 : f32 to vector<16xf32>
        %mul3A_1620 = arith.mulf %max3A_1616, %mul3A_1619 : vector<16xf32>
        %add3A_1621 = arith.addf %add3A_1549, %mul3A_1620 : vector<16xf32>
        %broadcast_in_dim3A_1622 = arith.constant 59 : i32
        %broadcast_in_dim3A_1623 = vector.broadcast %broadcast_in_dim3A_1622 : i32 to vector<16xi32>
        %gather3A_1624 = tpu.vector_load_idx %arg14[%add3A_527, %broadcast_in_dim3A_1623] : memref<128x64xf32, #tpu.memory_space<vmem>>[vector<16xi32>, vector<16xi32>], vector<16xf32>,
        %gather3A_1625 = tpu.vector_load_idx %arg15[%add3A_527, %broadcast_in_dim3A_1623] : memref<128x64xf32, #tpu.memory_space<vmem>>[vector<16xi32>, vector<16xi32>], vector<16xf32>,
        %add3A_1626 = arith.addf %gather3A_1624, %gather3A_1625 : vector<16xf32>
        %mul3A_1627 = arith.mulf %add3A_1626, %mul3A_536 : vector<16xf32>
        %slice3A_1628 = vector.extract_strided_slice %get3A_1421 {offsets = [11], sizes = [1], strides = [1]} : vector<16xf32> to vector<1xf32>
        %squeeze3A_1629 = vector.extract %slice3A_1628[0] : f32 from vector<1xf32>
        %add3A_1630 = vector.broadcast %squeeze3A_1629 : f32 to vector<16xf32>
        %add3A_1631 = arith.addf %mul3A_1627, %add3A_1630 : vector<16xf32>
        %max3A_1632 = arith.constant 0.000000e+00 : f32
        %max3A_1633 = vector.broadcast %max3A_1632 : f32 to vector<16xf32>
        %max3A_1634 = arith.maximumf %add3A_1631, %max3A_1633 : vector<16xf32>
        %slice3A_1635 = vector.extract_strided_slice %get3A_1423 {offsets = [11], sizes = [1], strides = [1]} : vector<16xf32> to vector<1xf32>
        %squeeze3A_1636 = vector.extract %slice3A_1635[0] : f32 from vector<1xf32>
        %mul3A_1637 = vector.broadcast %squeeze3A_1636 : f32 to vector<16xf32>
        %mul3A_1638 = arith.mulf %max3A_1634, %mul3A_1637 : vector<16xf32>
        %add3A_1639 = arith.addf %add3A_1567, %mul3A_1638 : vector<16xf32>
        %broadcast_in_dim3A_1640 = arith.constant 60 : i32
        %broadcast_in_dim3A_1641 = vector.broadcast %broadcast_in_dim3A_1640 : i32 to vector<16xi32>
        %gather3A_1642 = tpu.vector_load_idx %arg14[%add3A_527, %broadcast_in_dim3A_1641] : memref<128x64xf32, #tpu.memory_space<vmem>>[vector<16xi32>, vector<16xi32>], vector<16xf32>,
        %gather3A_1643 = tpu.vector_load_idx %arg15[%add3A_527, %broadcast_in_dim3A_1641] : memref<128x64xf32, #tpu.memory_space<vmem>>[vector<16xi32>, vector<16xi32>], vector<16xf32>,
        %add3A_1644 = arith.addf %gather3A_1642, %gather3A_1643 : vector<16xf32>
        %mul3A_1645 = arith.mulf %add3A_1644, %mul3A_536 : vector<16xf32>
        %slice3A_1646 = vector.extract_strided_slice %get3A_1421 {offsets = [12], sizes = [1], strides = [1]} : vector<16xf32> to vector<1xf32>
        %squeeze3A_1647 = vector.extract %slice3A_1646[0] : f32 from vector<1xf32>
        %add3A_1648 = vector.broadcast %squeeze3A_1647 : f32 to vector<16xf32>
        %add3A_1649 = arith.addf %mul3A_1645, %add3A_1648 : vector<16xf32>
        %max3A_1650 = arith.constant 0.000000e+00 : f32
        %max3A_1651 = vector.broadcast %max3A_1650 : f32 to vector<16xf32>
        %max3A_1652 = arith.maximumf %add3A_1649, %max3A_1651 : vector<16xf32>
        %slice3A_1653 = vector.extract_strided_slice %get3A_1423 {offsets = [12], sizes = [1], strides = [1]} : vector<16xf32> to vector<1xf32>
        %squeeze3A_1654 = vector.extract %slice3A_1653[0] : f32 from vector<1xf32>
        %mul3A_1655 = vector.broadcast %squeeze3A_1654 : f32 to vector<16xf32>
        %mul3A_1656 = arith.mulf %max3A_1652, %mul3A_1655 : vector<16xf32>
        %add3A_1657 = arith.addf %add3A_1585, %mul3A_1656 : vector<16xf32>
        %broadcast_in_dim3A_1658 = arith.constant 61 : i32
        %broadcast_in_dim3A_1659 = vector.broadcast %broadcast_in_dim3A_1658 : i32 to vector<16xi32>
        %gather3A_1660 = tpu.vector_load_idx %arg14[%add3A_527, %broadcast_in_dim3A_1659] : memref<128x64xf32, #tpu.memory_space<vmem>>[vector<16xi32>, vector<16xi32>], vector<16xf32>,
        %gather3A_1661 = tpu.vector_load_idx %arg15[%add3A_527, %broadcast_in_dim3A_1659] : memref<128x64xf32, #tpu.memory_space<vmem>>[vector<16xi32>, vector<16xi32>], vector<16xf32>,
        %add3A_1662 = arith.addf %gather3A_1660, %gather3A_1661 : vector<16xf32>
        %mul3A_1663 = arith.mulf %add3A_1662, %mul3A_536 : vector<16xf32>
        %slice3A_1664 = vector.extract_strided_slice %get3A_1421 {offsets = [13], sizes = [1], strides = [1]} : vector<16xf32> to vector<1xf32>
        %squeeze3A_1665 = vector.extract %slice3A_1664[0] : f32 from vector<1xf32>
        %add3A_1666 = vector.broadcast %squeeze3A_1665 : f32 to vector<16xf32>
        %add3A_1667 = arith.addf %mul3A_1663, %add3A_1666 : vector<16xf32>
        %max3A_1668 = arith.constant 0.000000e+00 : f32
        %max3A_1669 = vector.broadcast %max3A_1668 : f32 to vector<16xf32>
        %max3A_1670 = arith.maximumf %add3A_1667, %max3A_1669 : vector<16xf32>
        %slice3A_1671 = vector.extract_strided_slice %get3A_1423 {offsets = [13], sizes = [1], strides = [1]} : vector<16xf32> to vector<1xf32>
        %squeeze3A_1672 = vector.extract %slice3A_1671[0] : f32 from vector<1xf32>
        %mul3A_1673 = vector.broadcast %squeeze3A_1672 : f32 to vector<16xf32>
        %mul3A_1674 = arith.mulf %max3A_1670, %mul3A_1673 : vector<16xf32>
        %add3A_1675 = arith.addf %add3A_1603, %mul3A_1674 : vector<16xf32>
        %broadcast_in_dim3A_1676 = arith.constant 62 : i32
        %broadcast_in_dim3A_1677 = vector.broadcast %broadcast_in_dim3A_1676 : i32 to vector<16xi32>
        %gather3A_1678 = tpu.vector_load_idx %arg14[%add3A_527, %broadcast_in_dim3A_1677] : memref<128x64xf32, #tpu.memory_space<vmem>>[vector<16xi32>, vector<16xi32>], vector<16xf32>,
        %gather3A_1679 = tpu.vector_load_idx %arg15[%add3A_527, %broadcast_in_dim3A_1677] : memref<128x64xf32, #tpu.memory_space<vmem>>[vector<16xi32>, vector<16xi32>], vector<16xf32>,
        %add3A_1680 = arith.addf %gather3A_1678, %gather3A_1679 : vector<16xf32>
        %mul3A_1681 = arith.mulf %add3A_1680, %mul3A_536 : vector<16xf32>
        %slice3A_1682 = vector.extract_strided_slice %get3A_1421 {offsets = [14], sizes = [1], strides = [1]} : vector<16xf32> to vector<1xf32>
        %squeeze3A_1683 = vector.extract %slice3A_1682[0] : f32 from vector<1xf32>
        %add3A_1684 = vector.broadcast %squeeze3A_1683 : f32 to vector<16xf32>
        %add3A_1685 = arith.addf %mul3A_1681, %add3A_1684 : vector<16xf32>
        %max3A_1686 = arith.constant 0.000000e+00 : f32
        %max3A_1687 = vector.broadcast %max3A_1686 : f32 to vector<16xf32>
        %max3A_1688 = arith.maximumf %add3A_1685, %max3A_1687 : vector<16xf32>
        %slice3A_1689 = vector.extract_strided_slice %get3A_1423 {offsets = [14], sizes = [1], strides = [1]} : vector<16xf32> to vector<1xf32>
        %squeeze3A_1690 = vector.extract %slice3A_1689[0] : f32 from vector<1xf32>
        %mul3A_1691 = vector.broadcast %squeeze3A_1690 : f32 to vector<16xf32>
        %mul3A_1692 = arith.mulf %max3A_1688, %mul3A_1691 : vector<16xf32>
        %add3A_1693 = arith.addf %add3A_1621, %mul3A_1692 : vector<16xf32>
        %broadcast_in_dim3A_1694 = arith.constant 63 : i32
        %broadcast_in_dim3A_1695 = vector.broadcast %broadcast_in_dim3A_1694 : i32 to vector<16xi32>
        %gather3A_1696 = tpu.vector_load_idx %arg14[%add3A_527, %broadcast_in_dim3A_1695] : memref<128x64xf32, #tpu.memory_space<vmem>>[vector<16xi32>, vector<16xi32>], vector<16xf32>,
        %gather3A_1697 = tpu.vector_load_idx %arg15[%add3A_527, %broadcast_in_dim3A_1695] : memref<128x64xf32, #tpu.memory_space<vmem>>[vector<16xi32>, vector<16xi32>], vector<16xf32>,
        %add3A_1698 = arith.addf %gather3A_1696, %gather3A_1697 : vector<16xf32>
        %mul3A_1699 = arith.mulf %add3A_1698, %mul3A_536 : vector<16xf32>
        %slice3A_1700 = vector.extract_strided_slice %get3A_1421 {offsets = [15], sizes = [1], strides = [1]} : vector<16xf32> to vector<1xf32>
        %squeeze3A_1701 = vector.extract %slice3A_1700[0] : f32 from vector<1xf32>
        %add3A_1702 = vector.broadcast %squeeze3A_1701 : f32 to vector<16xf32>
        %add3A_1703 = arith.addf %mul3A_1699, %add3A_1702 : vector<16xf32>
        %max3A_1704 = arith.constant 0.000000e+00 : f32
        %max3A_1705 = vector.broadcast %max3A_1704 : f32 to vector<16xf32>
        %max3A_1706 = arith.maximumf %add3A_1703, %max3A_1705 : vector<16xf32>
        %slice3A_1707 = vector.extract_strided_slice %get3A_1423 {offsets = [15], sizes = [1], strides = [1]} : vector<16xf32> to vector<1xf32>
        %squeeze3A_1708 = vector.extract %slice3A_1707[0] : f32 from vector<1xf32>
        %mul3A_1709 = vector.broadcast %squeeze3A_1708 : f32 to vector<16xf32>
        %mul3A_1710 = arith.mulf %max3A_1706, %mul3A_1709 : vector<16xf32>
        %add3A_1711 = arith.addf %add3A_1639, %mul3A_1710 : vector<16xf32>
        %add3A_1712 = arith.addf %add3A_1657, %add3A_1675 : vector<16xf32>
        %add3A_1713 = arith.addf %add3A_1693, %add3A_1711 : vector<16xf32>
        %add3A_1714 = arith.addf %add3A_1712, %add3A_1713 : vector<16xf32>
        %add3A_1715 = vector.broadcast %squeeze3A_398 : f32 to vector<16xf32>
        %add3A_1716 = arith.addf %add3A_1714, %add3A_1715 : vector<16xf32>
        %neg3A = arith.constant 0.000000e+00 : f32
        %neg3A_1717 = vector.broadcast %neg3A : f32 to vector<16xf32>
        %neg3A_1718 = arith.subf %neg3A_1717, %add3A_1716 : vector<16xf32>
        %exp3A_1719 = math.exp %neg3A_1718 : vector<16xf32>
        %add3A_1720 = arith.constant 1.000000e+00 : f32
        %add3A_1721 = vector.broadcast %add3A_1720 : f32 to vector<16xf32>
        %add3A_1722 = arith.addf %add3A_1721, %exp3A_1719 : vector<16xf32>
        %div3A_1723 = arith.constant 1.000000e+00 : f32
        %div3A_1724 = vector.broadcast %div3A_1723 : f32 to vector<16xf32>
        %div3A_1725 = arith.divf %div3A_1724, %add3A_1722 : vector<16xf32>
        %mul3A_1726 = arith.constant 16 : i32
        %mul3A_1727 = arith.muli %scan3A_522, %mul3A_1726 : i32
        %swap3A = arith.index_cast %mul3A_1727 : i32 to index
        %swap3A_1728 = tpu.vector_load %arg16[%swap3A] {strides = array<i32>} : memref<128xf32, #tpu.memory_space<vmem>>, vector<16xf32>,
        tpu.vector_store %arg16[%swap3A], %div3A_1725 {strides = array<i32>} : memref<128xf32, #tpu.memory_space<vmem>>, vector<16xf32>,
        %scan3A_1729 = arith.constant 0 : i32
        scf.yield %scan3A_1729 : i32
      }
      %scan3A_474 = arith.constant 8 : i32
      %mul3A_475 = arith.constant 128 : i32
      %mul3A_476 = arith.muli %add3A_446, %mul3A_475 : i32
      %add3A_477 = arith.addi %mul3A_2, %mul3A_476 : i32
      %dma_start3A_478 = tpu.memref_slice %arg10[%add3A_477] : memref<802816xf32, #tpu.memory_space<hbm>> -> memref<128xf32, #tpu.memory_space<hbm>>
      %dma_start3A_479 = tpu.memref_slice %arg10[%add3A_477] : memref<802816xf32, #tpu.memory_space<hbm>> -> memref<128xf32, #tpu.memory_space<hbm>>
      tpu.enqueue_dma source(%arg16 : memref<128xf32, #tpu.memory_space<vmem>>) target(%dma_start3A_479 : memref<128xf32, #tpu.memory_space<hbm>>) target_semaphore(%arg30 : memref<!tpu.dma_semaphore, #tpu.memory_space<semaphore_mem>>)
      %mul3A_480 = arith.constant 2 : i32
      %mul3A_481 = arith.muli %mul3A_480, %scan3A_441 : i32
      %add3A_482 = arith.constant 1 : i32
      %add3A_483 = arith.addi %mul3A_481, %add3A_482 : i32
      %add3A_484 = arith.constant 1 : i32
      %add3A_485 = arith.addi %add3A_483, %add3A_484 : i32
      %lt3A_486 = arith.constant 196 : i32
      %lt3A_487 = arith.cmpi slt, %add3A_485, %lt3A_486 : i32
      %convert_element_type3A_488 = arith.extui %lt3A_487 : i1 to i32
      %cond3A_489 = arith.constant 0 : i32
      %cond3A_490 = arith.cmpi ne, %convert_element_type3A_488, %cond3A_489 : i32
      scf.if %cond3A_490 {
        %add3A_522 = arith.constant 1 : i32
        %add3A_523 = arith.addi %add3A_483, %add3A_522 : i32
        %mul3A_524 = arith.constant 128 : i32
        %mul3A_525 = arith.muli %add3A_523, %mul3A_524 : i32
        %add3A_526 = arith.addi %mul3A_2, %mul3A_525 : i32
        %dma_wait3A_527 = tpu.memref_slice %arg2[%add3A_526] : memref<802816xi32, #tpu.memory_space<hbm>> -> memref<128xi32, #tpu.memory_space<hbm>>
        %dma_wait3A_528 = tpu.memref_slice %arg2[%add3A_526] : memref<802816xi32, #tpu.memory_space<hbm>> -> memref<128xi32, #tpu.memory_space<hbm>>
        tpu.wait_dma2 semaphore(%arg26 : memref<!tpu.dma_semaphore, #tpu.memory_space<semaphore_mem>>) src(%dma_wait3A_528 : memref<128xi32, #tpu.memory_space<hbm>>) dst(%arg11 : memref<128xi32, #tpu.memory_space<vmem>>)
        %dma_wait3A_529 = tpu.memref_slice %arg3[%add3A_526] : memref<802816xi32, #tpu.memory_space<hbm>> -> memref<128xi32, #tpu.memory_space<hbm>>
        %dma_wait3A_530 = tpu.memref_slice %arg3[%add3A_526] : memref<802816xi32, #tpu.memory_space<hbm>> -> memref<128xi32, #tpu.memory_space<hbm>>
        tpu.wait_dma2 semaphore(%arg26 : memref<!tpu.dma_semaphore, #tpu.memory_space<semaphore_mem>>) src(%dma_wait3A_530 : memref<128xi32, #tpu.memory_space<hbm>>) dst(%arg12 : memref<128xi32, #tpu.memory_space<vmem>>)
        %dma_wait3A_531 = tpu.memref_slice %arg4[%add3A_526] : memref<802816xf32, #tpu.memory_space<hbm>> -> memref<128xf32, #tpu.memory_space<hbm>>
        %dma_wait3A_532 = tpu.memref_slice %arg4[%add3A_526] : memref<802816xf32, #tpu.memory_space<hbm>> -> memref<128xf32, #tpu.memory_space<hbm>>
        tpu.wait_dma2 semaphore(%arg26 : memref<!tpu.dma_semaphore, #tpu.memory_space<semaphore_mem>>) src(%dma_wait3A_532 : memref<128xf32, #tpu.memory_space<hbm>>) dst(%arg13 : memref<128xf32, #tpu.memory_space<vmem>>)
        %dma_start3A_533 = arith.constant 0 : i32
        %dma_start3A_534 = arith.constant 0 : i32
        %dma_start3A_535 = tpu.memref_slice %arg7[%dma_start3A_533, %dma_start3A_534] : memref<50048x64xf32, #tpu.memory_space<hbm>> -> memref<50048x64xf32, #tpu.memory_space<hbm>>
        tpu.enqueue_indirect_dma source(%dma_start3A_535 : memref<50048x64xf32, #tpu.memory_space<hbm>>) target(%arg14 : memref<128x64xf32, #tpu.memory_space<vmem>>) offsets(%arg11 : memref<128xi32, #tpu.memory_space<vmem>>) semaphore(%arg28 : memref<!tpu.dma_semaphore, #tpu.memory_space<semaphore_mem>>)
        %dma_start3A_536 = arith.constant 0 : i32
        %dma_start3A_537 = arith.constant 0 : i32
        %dma_start3A_538 = tpu.memref_slice %arg8[%dma_start3A_536, %dma_start3A_537] : memref<50048x64xf32, #tpu.memory_space<hbm>> -> memref<50048x64xf32, #tpu.memory_space<hbm>>
        tpu.enqueue_indirect_dma source(%dma_start3A_538 : memref<50048x64xf32, #tpu.memory_space<hbm>>) target(%arg15 : memref<128x64xf32, #tpu.memory_space<vmem>>) offsets(%arg12 : memref<128xi32, #tpu.memory_space<vmem>>) semaphore(%arg28 : memref<!tpu.dma_semaphore, #tpu.memory_space<semaphore_mem>>)
      } else {
      }
      %dma_wait3A_491 = arith.constant 0 : i32
      %dma_wait3A_492 = arith.constant 0 : i32
      %dma_wait3A_493 = tpu.memref_slice %arg7[%dma_wait3A_491, %dma_wait3A_492] : memref<50048x64xf32, #tpu.memory_space<hbm>> -> memref<50048x64xf32, #tpu.memory_space<hbm>>
      tpu.wait_indirect_dma semaphore(%arg29 : memref<!tpu.dma_semaphore, #tpu.memory_space<semaphore_mem>>) src(%dma_wait3A_493 : memref<50048x64xf32, #tpu.memory_space<hbm>>) dst(%arg20 : memref<128x64xf32, #tpu.memory_space<vmem>>)
      %dma_wait3A_494 = arith.constant 0 : i32
      %dma_wait3A_495 = arith.constant 0 : i32
      %dma_wait3A_496 = tpu.memref_slice %arg8[%dma_wait3A_494, %dma_wait3A_495] : memref<50048x64xf32, #tpu.memory_space<hbm>> -> memref<50048x64xf32, #tpu.memory_space<hbm>>
      tpu.wait_indirect_dma semaphore(%arg29 : memref<!tpu.dma_semaphore, #tpu.memory_space<semaphore_mem>>) src(%dma_wait3A_496 : memref<50048x64xf32, #tpu.memory_space<hbm>>) dst(%arg21 : memref<128x64xf32, #tpu.memory_space<vmem>>)
      %add3A_497 = arith.constant 2 : i32
      %add3A_498 = arith.addi %add3A_483, %add3A_497 : i32
      %lt3A_499 = arith.constant 196 : i32
      %lt3A_500 = arith.cmpi slt, %add3A_498, %lt3A_499 : i32
      %convert_element_type3A_501 = arith.extui %lt3A_500 : i1 to i32
      %cond3A_502 = arith.constant 0 : i32
      %cond3A_503 = arith.cmpi ne, %convert_element_type3A_501, %cond3A_502 : i32
      scf.if %cond3A_503 {
        %add3A_522 = arith.constant 2 : i32
        %add3A_523 = arith.addi %add3A_483, %add3A_522 : i32
        %mul3A_524 = arith.constant 128 : i32
        %mul3A_525 = arith.muli %add3A_523, %mul3A_524 : i32
        %add3A_526 = arith.addi %mul3A_2, %mul3A_525 : i32
        %dma_start3A_527 = tpu.memref_slice %arg2[%add3A_526] : memref<802816xi32, #tpu.memory_space<hbm>> -> memref<128xi32, #tpu.memory_space<hbm>>
        %dma_start3A_528 = tpu.memref_slice %arg2[%add3A_526] : memref<802816xi32, #tpu.memory_space<hbm>> -> memref<128xi32, #tpu.memory_space<hbm>>
        tpu.enqueue_dma source(%dma_start3A_528 : memref<128xi32, #tpu.memory_space<hbm>>) target(%arg17 : memref<128xi32, #tpu.memory_space<vmem>>) target_semaphore(%arg27 : memref<!tpu.dma_semaphore, #tpu.memory_space<semaphore_mem>>)
        %dma_start3A_529 = tpu.memref_slice %arg3[%add3A_526] : memref<802816xi32, #tpu.memory_space<hbm>> -> memref<128xi32, #tpu.memory_space<hbm>>
        %dma_start3A_530 = tpu.memref_slice %arg3[%add3A_526] : memref<802816xi32, #tpu.memory_space<hbm>> -> memref<128xi32, #tpu.memory_space<hbm>>
        tpu.enqueue_dma source(%dma_start3A_530 : memref<128xi32, #tpu.memory_space<hbm>>) target(%arg18 : memref<128xi32, #tpu.memory_space<vmem>>) target_semaphore(%arg27 : memref<!tpu.dma_semaphore, #tpu.memory_space<semaphore_mem>>)
        %dma_start3A_531 = tpu.memref_slice %arg4[%add3A_526] : memref<802816xf32, #tpu.memory_space<hbm>> -> memref<128xf32, #tpu.memory_space<hbm>>
        %dma_start3A_532 = tpu.memref_slice %arg4[%add3A_526] : memref<802816xf32, #tpu.memory_space<hbm>> -> memref<128xf32, #tpu.memory_space<hbm>>
        tpu.enqueue_dma source(%dma_start3A_532 : memref<128xf32, #tpu.memory_space<hbm>>) target(%arg19 : memref<128xf32, #tpu.memory_space<vmem>>) target_semaphore(%arg27 : memref<!tpu.dma_semaphore, #tpu.memory_space<semaphore_mem>>)
      } else {
      }
      %ge3A_504 = arith.constant 2 : i32
      %ge3A_505 = arith.cmpi sge, %add3A_483, %ge3A_504 : i32
      %convert_element_type3A_506 = arith.extui %ge3A_505 : i1 to i32
      %cond3A_507 = arith.constant 0 : i32
      %cond3A_508 = arith.cmpi ne, %convert_element_type3A_506, %cond3A_507 : i32
      scf.if %cond3A_508 {
        %sub3A_522 = arith.constant 2 : i32
        %sub3A_523 = arith.subi %add3A_483, %sub3A_522 : i32
        %mul3A_524 = arith.constant 128 : i32
        %mul3A_525 = arith.muli %sub3A_523, %mul3A_524 : i32
        %add3A_526 = arith.addi %mul3A_2, %mul3A_525 : i32
        %dma_wait3A_527 = tpu.memref_slice %arg10[%add3A_526] : memref<802816xf32, #tpu.memory_space<hbm>> -> memref<128xf32, #tpu.memory_space<hbm>>
        %dma_wait3A_528 = tpu.memref_slice %arg10[%add3A_526] : memref<802816xf32, #tpu.memory_space<hbm>> -> memref<128xf32, #tpu.memory_space<hbm>>
        tpu.wait_dma2 semaphore(%arg31 : memref<!tpu.dma_semaphore, #tpu.memory_space<semaphore_mem>>) src(%arg22 : memref<128xf32, #tpu.memory_space<vmem>>) dst(%dma_wait3A_528 : memref<128xf32, #tpu.memory_space<hbm>>)
      } else {
      }
      %scan3A_509 = arith.constant 0 : i32
      %scan3A_510 = arith.constant 0 : i32
      %scan3A_511 = arith.constant 8 : i32
      %scan3A_512 = arith.addi %scan3A_510, %scan3A_511 : i32
      %scan3A_513 = arith.constant 1 : i32
      %scan3A_514 = scf.for %scan3A_522 = %scan3A_510 to %scan3A_512 step %scan3A_513 iter_args(%scan3A_523 = %scan3A_509) -> (i32)  : i32 {
        %iota3A = tpu.iota {dimensions = array<i32: 0>} : vector<16xi32>
        %mul3A_524 = arith.constant 16 : i32
        %mul3A_525 = arith.muli %scan3A_522, %mul3A_524 : i32
        %add3A_526 = vector.broadcast %mul3A_525 : i32 to vector<16xi32>
        %add3A_527 = arith.addi %iota3A, %add3A_526 : vector<16xi32>
        %mul3A_528 = arith.constant 16 : i32
        %mul3A_529 = arith.muli %scan3A_522, %mul3A_528 : i32
        %get3A_530 = arith.index_cast %mul3A_529 : i32 to index
        %get3A_531 = tpu.vector_load %arg19[%get3A_530] {strides = array<i32>} : memref<128xf32, #tpu.memory_space<vmem>>, vector<16xf32>,
        %sub3A_532 = vector.broadcast %reduce_max3A_100 : f32 to vector<16xf32>
        %sub3A_533 = arith.subf %get3A_531, %sub3A_532 : vector<16xf32>
        %exp3A_534 = math.exp %sub3A_533 : vector<16xf32>
        %mul3A_535 = vector.broadcast %squeeze3A : f32 to vector<16xf32>
        %mul3A_536 = arith.mulf %exp3A_534, %mul3A_535 : vector<16xf32>
        %broadcast_in_dim3A_537 = arith.constant 0.000000e+00 : f32
        %broadcast_in_dim3A_538 = vector.broadcast %broadcast_in_dim3A_537 : f32 to vector<16xf32>
        %broadcast_in_dim3A_539 = arith.constant 0.000000e+00 : f32
        %broadcast_in_dim3A_540 = vector.broadcast %broadcast_in_dim3A_539 : f32 to vector<16xf32>
        %broadcast_in_dim3A_541 = arith.constant 0.000000e+00 : f32
        %broadcast_in_dim3A_542 = vector.broadcast %broadcast_in_dim3A_541 : f32 to vector<16xf32>
        %broadcast_in_dim3A_543 = arith.constant 0.000000e+00 : f32
        %broadcast_in_dim3A_544 = vector.broadcast %broadcast_in_dim3A_543 : f32 to vector<16xf32>
        %get3A_545 = arith.constant 0 : index
        %get3A_546 = tpu.vector_load %arg23[%get3A_545] {strides = array<i32>} : memref<144xf32, #tpu.memory_space<vmem>>, vector<16xf32>,
        %get3A_547 = arith.constant 64 : index
        %get3A_548 = tpu.vector_load %arg23[%get3A_547] {strides = array<i32>} : memref<144xf32, #tpu.memory_space<vmem>>, vector<16xf32>,
        %broadcast_in_dim3A_549 = arith.constant 0 : i32
        %broadcast_in_dim3A_550 = vector.broadcast %broadcast_in_dim3A_549 : i32 to vector<16xi32>
        %gather3A = tpu.vector_load_idx %arg20[%add3A_527, %broadcast_in_dim3A_550] : memref<128x64xf32, #tpu.memory_space<vmem>>[vector<16xi32>, vector<16xi32>], vector<16xf32>,
        %gather3A_551 = tpu.vector_load_idx %arg21[%add3A_527, %broadcast_in_dim3A_550] : memref<128x64xf32, #tpu.memory_space<vmem>>[vector<16xi32>, vector<16xi32>], vector<16xf32>,
        %add3A_552 = arith.addf %gather3A, %gather3A_551 : vector<16xf32>
        %mul3A_553 = arith.mulf %add3A_552, %mul3A_536 : vector<16xf32>
        %slice3A_554 = vector.extract_strided_slice %get3A_546 {offsets = [0], sizes = [1], strides = [1]} : vector<16xf32> to vector<1xf32>
        %squeeze3A_555 = vector.extract %slice3A_554[0] : f32 from vector<1xf32>
        %add3A_556 = vector.broadcast %squeeze3A_555 : f32 to vector<16xf32>
        %add3A_557 = arith.addf %mul3A_553, %add3A_556 : vector<16xf32>
        %max3A_558 = arith.constant 0.000000e+00 : f32
        %max3A_559 = vector.broadcast %max3A_558 : f32 to vector<16xf32>
        %max3A_560 = arith.maximumf %add3A_557, %max3A_559 : vector<16xf32>
        %slice3A_561 = vector.extract_strided_slice %get3A_548 {offsets = [0], sizes = [1], strides = [1]} : vector<16xf32> to vector<1xf32>
        %squeeze3A_562 = vector.extract %slice3A_561[0] : f32 from vector<1xf32>
        %mul3A_563 = vector.broadcast %squeeze3A_562 : f32 to vector<16xf32>
        %mul3A_564 = arith.mulf %max3A_560, %mul3A_563 : vector<16xf32>
        %add3A_565 = arith.addf %broadcast_in_dim3A_538, %mul3A_564 : vector<16xf32>
        %broadcast_in_dim3A_566 = arith.constant 1 : i32
        %broadcast_in_dim3A_567 = vector.broadcast %broadcast_in_dim3A_566 : i32 to vector<16xi32>
        %gather3A_568 = tpu.vector_load_idx %arg20[%add3A_527, %broadcast_in_dim3A_567] : memref<128x64xf32, #tpu.memory_space<vmem>>[vector<16xi32>, vector<16xi32>], vector<16xf32>,
        %gather3A_569 = tpu.vector_load_idx %arg21[%add3A_527, %broadcast_in_dim3A_567] : memref<128x64xf32, #tpu.memory_space<vmem>>[vector<16xi32>, vector<16xi32>], vector<16xf32>,
        %add3A_570 = arith.addf %gather3A_568, %gather3A_569 : vector<16xf32>
        %mul3A_571 = arith.mulf %add3A_570, %mul3A_536 : vector<16xf32>
        %slice3A_572 = vector.extract_strided_slice %get3A_546 {offsets = [1], sizes = [1], strides = [1]} : vector<16xf32> to vector<1xf32>
        %squeeze3A_573 = vector.extract %slice3A_572[0] : f32 from vector<1xf32>
        %add3A_574 = vector.broadcast %squeeze3A_573 : f32 to vector<16xf32>
        %add3A_575 = arith.addf %mul3A_571, %add3A_574 : vector<16xf32>
        %max3A_576 = arith.constant 0.000000e+00 : f32
        %max3A_577 = vector.broadcast %max3A_576 : f32 to vector<16xf32>
        %max3A_578 = arith.maximumf %add3A_575, %max3A_577 : vector<16xf32>
        %slice3A_579 = vector.extract_strided_slice %get3A_548 {offsets = [1], sizes = [1], strides = [1]} : vector<16xf32> to vector<1xf32>
        %squeeze3A_580 = vector.extract %slice3A_579[0] : f32 from vector<1xf32>
        %mul3A_581 = vector.broadcast %squeeze3A_580 : f32 to vector<16xf32>
        %mul3A_582 = arith.mulf %max3A_578, %mul3A_581 : vector<16xf32>
        %add3A_583 = arith.addf %broadcast_in_dim3A_540, %mul3A_582 : vector<16xf32>
        %broadcast_in_dim3A_584 = arith.constant 2 : i32
        %broadcast_in_dim3A_585 = vector.broadcast %broadcast_in_dim3A_584 : i32 to vector<16xi32>
        %gather3A_586 = tpu.vector_load_idx %arg20[%add3A_527, %broadcast_in_dim3A_585] : memref<128x64xf32, #tpu.memory_space<vmem>>[vector<16xi32>, vector<16xi32>], vector<16xf32>,
        %gather3A_587 = tpu.vector_load_idx %arg21[%add3A_527, %broadcast_in_dim3A_585] : memref<128x64xf32, #tpu.memory_space<vmem>>[vector<16xi32>, vector<16xi32>], vector<16xf32>,
        %add3A_588 = arith.addf %gather3A_586, %gather3A_587 : vector<16xf32>
        %mul3A_589 = arith.mulf %add3A_588, %mul3A_536 : vector<16xf32>
        %slice3A_590 = vector.extract_strided_slice %get3A_546 {offsets = [2], sizes = [1], strides = [1]} : vector<16xf32> to vector<1xf32>
        %squeeze3A_591 = vector.extract %slice3A_590[0] : f32 from vector<1xf32>
        %add3A_592 = vector.broadcast %squeeze3A_591 : f32 to vector<16xf32>
        %add3A_593 = arith.addf %mul3A_589, %add3A_592 : vector<16xf32>
        %max3A_594 = arith.constant 0.000000e+00 : f32
        %max3A_595 = vector.broadcast %max3A_594 : f32 to vector<16xf32>
        %max3A_596 = arith.maximumf %add3A_593, %max3A_595 : vector<16xf32>
        %slice3A_597 = vector.extract_strided_slice %get3A_548 {offsets = [2], sizes = [1], strides = [1]} : vector<16xf32> to vector<1xf32>
        %squeeze3A_598 = vector.extract %slice3A_597[0] : f32 from vector<1xf32>
        %mul3A_599 = vector.broadcast %squeeze3A_598 : f32 to vector<16xf32>
        %mul3A_600 = arith.mulf %max3A_596, %mul3A_599 : vector<16xf32>
        %add3A_601 = arith.addf %broadcast_in_dim3A_542, %mul3A_600 : vector<16xf32>
        %broadcast_in_dim3A_602 = arith.constant 3 : i32
        %broadcast_in_dim3A_603 = vector.broadcast %broadcast_in_dim3A_602 : i32 to vector<16xi32>
        %gather3A_604 = tpu.vector_load_idx %arg20[%add3A_527, %broadcast_in_dim3A_603] : memref<128x64xf32, #tpu.memory_space<vmem>>[vector<16xi32>, vector<16xi32>], vector<16xf32>,
        %gather3A_605 = tpu.vector_load_idx %arg21[%add3A_527, %broadcast_in_dim3A_603] : memref<128x64xf32, #tpu.memory_space<vmem>>[vector<16xi32>, vector<16xi32>], vector<16xf32>,
        %add3A_606 = arith.addf %gather3A_604, %gather3A_605 : vector<16xf32>
        %mul3A_607 = arith.mulf %add3A_606, %mul3A_536 : vector<16xf32>
        %slice3A_608 = vector.extract_strided_slice %get3A_546 {offsets = [3], sizes = [1], strides = [1]} : vector<16xf32> to vector<1xf32>
        %squeeze3A_609 = vector.extract %slice3A_608[0] : f32 from vector<1xf32>
        %add3A_610 = vector.broadcast %squeeze3A_609 : f32 to vector<16xf32>
        %add3A_611 = arith.addf %mul3A_607, %add3A_610 : vector<16xf32>
        %max3A_612 = arith.constant 0.000000e+00 : f32
        %max3A_613 = vector.broadcast %max3A_612 : f32 to vector<16xf32>
        %max3A_614 = arith.maximumf %add3A_611, %max3A_613 : vector<16xf32>
        %slice3A_615 = vector.extract_strided_slice %get3A_548 {offsets = [3], sizes = [1], strides = [1]} : vector<16xf32> to vector<1xf32>
        %squeeze3A_616 = vector.extract %slice3A_615[0] : f32 from vector<1xf32>
        %mul3A_617 = vector.broadcast %squeeze3A_616 : f32 to vector<16xf32>
        %mul3A_618 = arith.mulf %max3A_614, %mul3A_617 : vector<16xf32>
        %add3A_619 = arith.addf %broadcast_in_dim3A_544, %mul3A_618 : vector<16xf32>
        %broadcast_in_dim3A_620 = arith.constant 4 : i32
        %broadcast_in_dim3A_621 = vector.broadcast %broadcast_in_dim3A_620 : i32 to vector<16xi32>
        %gather3A_622 = tpu.vector_load_idx %arg20[%add3A_527, %broadcast_in_dim3A_621] : memref<128x64xf32, #tpu.memory_space<vmem>>[vector<16xi32>, vector<16xi32>], vector<16xf32>,
        %gather3A_623 = tpu.vector_load_idx %arg21[%add3A_527, %broadcast_in_dim3A_621] : memref<128x64xf32, #tpu.memory_space<vmem>>[vector<16xi32>, vector<16xi32>], vector<16xf32>,
        %add3A_624 = arith.addf %gather3A_622, %gather3A_623 : vector<16xf32>
        %mul3A_625 = arith.mulf %add3A_624, %mul3A_536 : vector<16xf32>
        %slice3A_626 = vector.extract_strided_slice %get3A_546 {offsets = [4], sizes = [1], strides = [1]} : vector<16xf32> to vector<1xf32>
        %squeeze3A_627 = vector.extract %slice3A_626[0] : f32 from vector<1xf32>
        %add3A_628 = vector.broadcast %squeeze3A_627 : f32 to vector<16xf32>
        %add3A_629 = arith.addf %mul3A_625, %add3A_628 : vector<16xf32>
        %max3A_630 = arith.constant 0.000000e+00 : f32
        %max3A_631 = vector.broadcast %max3A_630 : f32 to vector<16xf32>
        %max3A_632 = arith.maximumf %add3A_629, %max3A_631 : vector<16xf32>
        %slice3A_633 = vector.extract_strided_slice %get3A_548 {offsets = [4], sizes = [1], strides = [1]} : vector<16xf32> to vector<1xf32>
        %squeeze3A_634 = vector.extract %slice3A_633[0] : f32 from vector<1xf32>
        %mul3A_635 = vector.broadcast %squeeze3A_634 : f32 to vector<16xf32>
        %mul3A_636 = arith.mulf %max3A_632, %mul3A_635 : vector<16xf32>
        %add3A_637 = arith.addf %add3A_565, %mul3A_636 : vector<16xf32>
        %broadcast_in_dim3A_638 = arith.constant 5 : i32
        %broadcast_in_dim3A_639 = vector.broadcast %broadcast_in_dim3A_638 : i32 to vector<16xi32>
        %gather3A_640 = tpu.vector_load_idx %arg20[%add3A_527, %broadcast_in_dim3A_639] : memref<128x64xf32, #tpu.memory_space<vmem>>[vector<16xi32>, vector<16xi32>], vector<16xf32>,
        %gather3A_641 = tpu.vector_load_idx %arg21[%add3A_527, %broadcast_in_dim3A_639] : memref<128x64xf32, #tpu.memory_space<vmem>>[vector<16xi32>, vector<16xi32>], vector<16xf32>,
        %add3A_642 = arith.addf %gather3A_640, %gather3A_641 : vector<16xf32>
        %mul3A_643 = arith.mulf %add3A_642, %mul3A_536 : vector<16xf32>
        %slice3A_644 = vector.extract_strided_slice %get3A_546 {offsets = [5], sizes = [1], strides = [1]} : vector<16xf32> to vector<1xf32>
        %squeeze3A_645 = vector.extract %slice3A_644[0] : f32 from vector<1xf32>
        %add3A_646 = vector.broadcast %squeeze3A_645 : f32 to vector<16xf32>
        %add3A_647 = arith.addf %mul3A_643, %add3A_646 : vector<16xf32>
        %max3A_648 = arith.constant 0.000000e+00 : f32
        %max3A_649 = vector.broadcast %max3A_648 : f32 to vector<16xf32>
        %max3A_650 = arith.maximumf %add3A_647, %max3A_649 : vector<16xf32>
        %slice3A_651 = vector.extract_strided_slice %get3A_548 {offsets = [5], sizes = [1], strides = [1]} : vector<16xf32> to vector<1xf32>
        %squeeze3A_652 = vector.extract %slice3A_651[0] : f32 from vector<1xf32>
        %mul3A_653 = vector.broadcast %squeeze3A_652 : f32 to vector<16xf32>
        %mul3A_654 = arith.mulf %max3A_650, %mul3A_653 : vector<16xf32>
        %add3A_655 = arith.addf %add3A_583, %mul3A_654 : vector<16xf32>
        %broadcast_in_dim3A_656 = arith.constant 6 : i32
        %broadcast_in_dim3A_657 = vector.broadcast %broadcast_in_dim3A_656 : i32 to vector<16xi32>
        %gather3A_658 = tpu.vector_load_idx %arg20[%add3A_527, %broadcast_in_dim3A_657] : memref<128x64xf32, #tpu.memory_space<vmem>>[vector<16xi32>, vector<16xi32>], vector<16xf32>,
        %gather3A_659 = tpu.vector_load_idx %arg21[%add3A_527, %broadcast_in_dim3A_657] : memref<128x64xf32, #tpu.memory_space<vmem>>[vector<16xi32>, vector<16xi32>], vector<16xf32>,
        %add3A_660 = arith.addf %gather3A_658, %gather3A_659 : vector<16xf32>
        %mul3A_661 = arith.mulf %add3A_660, %mul3A_536 : vector<16xf32>
        %slice3A_662 = vector.extract_strided_slice %get3A_546 {offsets = [6], sizes = [1], strides = [1]} : vector<16xf32> to vector<1xf32>
        %squeeze3A_663 = vector.extract %slice3A_662[0] : f32 from vector<1xf32>
        %add3A_664 = vector.broadcast %squeeze3A_663 : f32 to vector<16xf32>
        %add3A_665 = arith.addf %mul3A_661, %add3A_664 : vector<16xf32>
        %max3A_666 = arith.constant 0.000000e+00 : f32
        %max3A_667 = vector.broadcast %max3A_666 : f32 to vector<16xf32>
        %max3A_668 = arith.maximumf %add3A_665, %max3A_667 : vector<16xf32>
        %slice3A_669 = vector.extract_strided_slice %get3A_548 {offsets = [6], sizes = [1], strides = [1]} : vector<16xf32> to vector<1xf32>
        %squeeze3A_670 = vector.extract %slice3A_669[0] : f32 from vector<1xf32>
        %mul3A_671 = vector.broadcast %squeeze3A_670 : f32 to vector<16xf32>
        %mul3A_672 = arith.mulf %max3A_668, %mul3A_671 : vector<16xf32>
        %add3A_673 = arith.addf %add3A_601, %mul3A_672 : vector<16xf32>
        %broadcast_in_dim3A_674 = arith.constant 7 : i32
        %broadcast_in_dim3A_675 = vector.broadcast %broadcast_in_dim3A_674 : i32 to vector<16xi32>
        %gather3A_676 = tpu.vector_load_idx %arg20[%add3A_527, %broadcast_in_dim3A_675] : memref<128x64xf32, #tpu.memory_space<vmem>>[vector<16xi32>, vector<16xi32>], vector<16xf32>,
        %gather3A_677 = tpu.vector_load_idx %arg21[%add3A_527, %broadcast_in_dim3A_675] : memref<128x64xf32, #tpu.memory_space<vmem>>[vector<16xi32>, vector<16xi32>], vector<16xf32>,
        %add3A_678 = arith.addf %gather3A_676, %gather3A_677 : vector<16xf32>
        %mul3A_679 = arith.mulf %add3A_678, %mul3A_536 : vector<16xf32>
        %slice3A_680 = vector.extract_strided_slice %get3A_546 {offsets = [7], sizes = [1], strides = [1]} : vector<16xf32> to vector<1xf32>
        %squeeze3A_681 = vector.extract %slice3A_680[0] : f32 from vector<1xf32>
        %add3A_682 = vector.broadcast %squeeze3A_681 : f32 to vector<16xf32>
        %add3A_683 = arith.addf %mul3A_679, %add3A_682 : vector<16xf32>
        %max3A_684 = arith.constant 0.000000e+00 : f32
        %max3A_685 = vector.broadcast %max3A_684 : f32 to vector<16xf32>
        %max3A_686 = arith.maximumf %add3A_683, %max3A_685 : vector<16xf32>
        %slice3A_687 = vector.extract_strided_slice %get3A_548 {offsets = [7], sizes = [1], strides = [1]} : vector<16xf32> to vector<1xf32>
        %squeeze3A_688 = vector.extract %slice3A_687[0] : f32 from vector<1xf32>
        %mul3A_689 = vector.broadcast %squeeze3A_688 : f32 to vector<16xf32>
        %mul3A_690 = arith.mulf %max3A_686, %mul3A_689 : vector<16xf32>
        %add3A_691 = arith.addf %add3A_619, %mul3A_690 : vector<16xf32>
        %broadcast_in_dim3A_692 = arith.constant 8 : i32
        %broadcast_in_dim3A_693 = vector.broadcast %broadcast_in_dim3A_692 : i32 to vector<16xi32>
        %gather3A_694 = tpu.vector_load_idx %arg20[%add3A_527, %broadcast_in_dim3A_693] : memref<128x64xf32, #tpu.memory_space<vmem>>[vector<16xi32>, vector<16xi32>], vector<16xf32>,
        %gather3A_695 = tpu.vector_load_idx %arg21[%add3A_527, %broadcast_in_dim3A_693] : memref<128x64xf32, #tpu.memory_space<vmem>>[vector<16xi32>, vector<16xi32>], vector<16xf32>,
        %add3A_696 = arith.addf %gather3A_694, %gather3A_695 : vector<16xf32>
        %mul3A_697 = arith.mulf %add3A_696, %mul3A_536 : vector<16xf32>
        %slice3A_698 = vector.extract_strided_slice %get3A_546 {offsets = [8], sizes = [1], strides = [1]} : vector<16xf32> to vector<1xf32>
        %squeeze3A_699 = vector.extract %slice3A_698[0] : f32 from vector<1xf32>
        %add3A_700 = vector.broadcast %squeeze3A_699 : f32 to vector<16xf32>
        %add3A_701 = arith.addf %mul3A_697, %add3A_700 : vector<16xf32>
        %max3A_702 = arith.constant 0.000000e+00 : f32
        %max3A_703 = vector.broadcast %max3A_702 : f32 to vector<16xf32>
        %max3A_704 = arith.maximumf %add3A_701, %max3A_703 : vector<16xf32>
        %slice3A_705 = vector.extract_strided_slice %get3A_548 {offsets = [8], sizes = [1], strides = [1]} : vector<16xf32> to vector<1xf32>
        %squeeze3A_706 = vector.extract %slice3A_705[0] : f32 from vector<1xf32>
        %mul3A_707 = vector.broadcast %squeeze3A_706 : f32 to vector<16xf32>
        %mul3A_708 = arith.mulf %max3A_704, %mul3A_707 : vector<16xf32>
        %add3A_709 = arith.addf %add3A_637, %mul3A_708 : vector<16xf32>
        %broadcast_in_dim3A_710 = arith.constant 9 : i32
        %broadcast_in_dim3A_711 = vector.broadcast %broadcast_in_dim3A_710 : i32 to vector<16xi32>
        %gather3A_712 = tpu.vector_load_idx %arg20[%add3A_527, %broadcast_in_dim3A_711] : memref<128x64xf32, #tpu.memory_space<vmem>>[vector<16xi32>, vector<16xi32>], vector<16xf32>,
        %gather3A_713 = tpu.vector_load_idx %arg21[%add3A_527, %broadcast_in_dim3A_711] : memref<128x64xf32, #tpu.memory_space<vmem>>[vector<16xi32>, vector<16xi32>], vector<16xf32>,
        %add3A_714 = arith.addf %gather3A_712, %gather3A_713 : vector<16xf32>
        %mul3A_715 = arith.mulf %add3A_714, %mul3A_536 : vector<16xf32>
        %slice3A_716 = vector.extract_strided_slice %get3A_546 {offsets = [9], sizes = [1], strides = [1]} : vector<16xf32> to vector<1xf32>
        %squeeze3A_717 = vector.extract %slice3A_716[0] : f32 from vector<1xf32>
        %add3A_718 = vector.broadcast %squeeze3A_717 : f32 to vector<16xf32>
        %add3A_719 = arith.addf %mul3A_715, %add3A_718 : vector<16xf32>
        %max3A_720 = arith.constant 0.000000e+00 : f32
        %max3A_721 = vector.broadcast %max3A_720 : f32 to vector<16xf32>
        %max3A_722 = arith.maximumf %add3A_719, %max3A_721 : vector<16xf32>
        %slice3A_723 = vector.extract_strided_slice %get3A_548 {offsets = [9], sizes = [1], strides = [1]} : vector<16xf32> to vector<1xf32>
        %squeeze3A_724 = vector.extract %slice3A_723[0] : f32 from vector<1xf32>
        %mul3A_725 = vector.broadcast %squeeze3A_724 : f32 to vector<16xf32>
        %mul3A_726 = arith.mulf %max3A_722, %mul3A_725 : vector<16xf32>
        %add3A_727 = arith.addf %add3A_655, %mul3A_726 : vector<16xf32>
        %broadcast_in_dim3A_728 = arith.constant 10 : i32
        %broadcast_in_dim3A_729 = vector.broadcast %broadcast_in_dim3A_728 : i32 to vector<16xi32>
        %gather3A_730 = tpu.vector_load_idx %arg20[%add3A_527, %broadcast_in_dim3A_729] : memref<128x64xf32, #tpu.memory_space<vmem>>[vector<16xi32>, vector<16xi32>], vector<16xf32>,
        %gather3A_731 = tpu.vector_load_idx %arg21[%add3A_527, %broadcast_in_dim3A_729] : memref<128x64xf32, #tpu.memory_space<vmem>>[vector<16xi32>, vector<16xi32>], vector<16xf32>,
        %add3A_732 = arith.addf %gather3A_730, %gather3A_731 : vector<16xf32>
        %mul3A_733 = arith.mulf %add3A_732, %mul3A_536 : vector<16xf32>
        %slice3A_734 = vector.extract_strided_slice %get3A_546 {offsets = [10], sizes = [1], strides = [1]} : vector<16xf32> to vector<1xf32>
        %squeeze3A_735 = vector.extract %slice3A_734[0] : f32 from vector<1xf32>
        %add3A_736 = vector.broadcast %squeeze3A_735 : f32 to vector<16xf32>
        %add3A_737 = arith.addf %mul3A_733, %add3A_736 : vector<16xf32>
        %max3A_738 = arith.constant 0.000000e+00 : f32
        %max3A_739 = vector.broadcast %max3A_738 : f32 to vector<16xf32>
        %max3A_740 = arith.maximumf %add3A_737, %max3A_739 : vector<16xf32>
        %slice3A_741 = vector.extract_strided_slice %get3A_548 {offsets = [10], sizes = [1], strides = [1]} : vector<16xf32> to vector<1xf32>
        %squeeze3A_742 = vector.extract %slice3A_741[0] : f32 from vector<1xf32>
        %mul3A_743 = vector.broadcast %squeeze3A_742 : f32 to vector<16xf32>
        %mul3A_744 = arith.mulf %max3A_740, %mul3A_743 : vector<16xf32>
        %add3A_745 = arith.addf %add3A_673, %mul3A_744 : vector<16xf32>
        %broadcast_in_dim3A_746 = arith.constant 11 : i32
        %broadcast_in_dim3A_747 = vector.broadcast %broadcast_in_dim3A_746 : i32 to vector<16xi32>
        %gather3A_748 = tpu.vector_load_idx %arg20[%add3A_527, %broadcast_in_dim3A_747] : memref<128x64xf32, #tpu.memory_space<vmem>>[vector<16xi32>, vector<16xi32>], vector<16xf32>,
        %gather3A_749 = tpu.vector_load_idx %arg21[%add3A_527, %broadcast_in_dim3A_747] : memref<128x64xf32, #tpu.memory_space<vmem>>[vector<16xi32>, vector<16xi32>], vector<16xf32>,
        %add3A_750 = arith.addf %gather3A_748, %gather3A_749 : vector<16xf32>
        %mul3A_751 = arith.mulf %add3A_750, %mul3A_536 : vector<16xf32>
        %slice3A_752 = vector.extract_strided_slice %get3A_546 {offsets = [11], sizes = [1], strides = [1]} : vector<16xf32> to vector<1xf32>
        %squeeze3A_753 = vector.extract %slice3A_752[0] : f32 from vector<1xf32>
        %add3A_754 = vector.broadcast %squeeze3A_753 : f32 to vector<16xf32>
        %add3A_755 = arith.addf %mul3A_751, %add3A_754 : vector<16xf32>
        %max3A_756 = arith.constant 0.000000e+00 : f32
        %max3A_757 = vector.broadcast %max3A_756 : f32 to vector<16xf32>
        %max3A_758 = arith.maximumf %add3A_755, %max3A_757 : vector<16xf32>
        %slice3A_759 = vector.extract_strided_slice %get3A_548 {offsets = [11], sizes = [1], strides = [1]} : vector<16xf32> to vector<1xf32>
        %squeeze3A_760 = vector.extract %slice3A_759[0] : f32 from vector<1xf32>
        %mul3A_761 = vector.broadcast %squeeze3A_760 : f32 to vector<16xf32>
        %mul3A_762 = arith.mulf %max3A_758, %mul3A_761 : vector<16xf32>
        %add3A_763 = arith.addf %add3A_691, %mul3A_762 : vector<16xf32>
        %broadcast_in_dim3A_764 = arith.constant 12 : i32
        %broadcast_in_dim3A_765 = vector.broadcast %broadcast_in_dim3A_764 : i32 to vector<16xi32>
        %gather3A_766 = tpu.vector_load_idx %arg20[%add3A_527, %broadcast_in_dim3A_765] : memref<128x64xf32, #tpu.memory_space<vmem>>[vector<16xi32>, vector<16xi32>], vector<16xf32>,
        %gather3A_767 = tpu.vector_load_idx %arg21[%add3A_527, %broadcast_in_dim3A_765] : memref<128x64xf32, #tpu.memory_space<vmem>>[vector<16xi32>, vector<16xi32>], vector<16xf32>,
        %add3A_768 = arith.addf %gather3A_766, %gather3A_767 : vector<16xf32>
        %mul3A_769 = arith.mulf %add3A_768, %mul3A_536 : vector<16xf32>
        %slice3A_770 = vector.extract_strided_slice %get3A_546 {offsets = [12], sizes = [1], strides = [1]} : vector<16xf32> to vector<1xf32>
        %squeeze3A_771 = vector.extract %slice3A_770[0] : f32 from vector<1xf32>
        %add3A_772 = vector.broadcast %squeeze3A_771 : f32 to vector<16xf32>
        %add3A_773 = arith.addf %mul3A_769, %add3A_772 : vector<16xf32>
        %max3A_774 = arith.constant 0.000000e+00 : f32
        %max3A_775 = vector.broadcast %max3A_774 : f32 to vector<16xf32>
        %max3A_776 = arith.maximumf %add3A_773, %max3A_775 : vector<16xf32>
        %slice3A_777 = vector.extract_strided_slice %get3A_548 {offsets = [12], sizes = [1], strides = [1]} : vector<16xf32> to vector<1xf32>
        %squeeze3A_778 = vector.extract %slice3A_777[0] : f32 from vector<1xf32>
        %mul3A_779 = vector.broadcast %squeeze3A_778 : f32 to vector<16xf32>
        %mul3A_780 = arith.mulf %max3A_776, %mul3A_779 : vector<16xf32>
        %add3A_781 = arith.addf %add3A_709, %mul3A_780 : vector<16xf32>
        %broadcast_in_dim3A_782 = arith.constant 13 : i32
        %broadcast_in_dim3A_783 = vector.broadcast %broadcast_in_dim3A_782 : i32 to vector<16xi32>
        %gather3A_784 = tpu.vector_load_idx %arg20[%add3A_527, %broadcast_in_dim3A_783] : memref<128x64xf32, #tpu.memory_space<vmem>>[vector<16xi32>, vector<16xi32>], vector<16xf32>,
        %gather3A_785 = tpu.vector_load_idx %arg21[%add3A_527, %broadcast_in_dim3A_783] : memref<128x64xf32, #tpu.memory_space<vmem>>[vector<16xi32>, vector<16xi32>], vector<16xf32>,
        %add3A_786 = arith.addf %gather3A_784, %gather3A_785 : vector<16xf32>
        %mul3A_787 = arith.mulf %add3A_786, %mul3A_536 : vector<16xf32>
        %slice3A_788 = vector.extract_strided_slice %get3A_546 {offsets = [13], sizes = [1], strides = [1]} : vector<16xf32> to vector<1xf32>
        %squeeze3A_789 = vector.extract %slice3A_788[0] : f32 from vector<1xf32>
        %add3A_790 = vector.broadcast %squeeze3A_789 : f32 to vector<16xf32>
        %add3A_791 = arith.addf %mul3A_787, %add3A_790 : vector<16xf32>
        %max3A_792 = arith.constant 0.000000e+00 : f32
        %max3A_793 = vector.broadcast %max3A_792 : f32 to vector<16xf32>
        %max3A_794 = arith.maximumf %add3A_791, %max3A_793 : vector<16xf32>
        %slice3A_795 = vector.extract_strided_slice %get3A_548 {offsets = [13], sizes = [1], strides = [1]} : vector<16xf32> to vector<1xf32>
        %squeeze3A_796 = vector.extract %slice3A_795[0] : f32 from vector<1xf32>
        %mul3A_797 = vector.broadcast %squeeze3A_796 : f32 to vector<16xf32>
        %mul3A_798 = arith.mulf %max3A_794, %mul3A_797 : vector<16xf32>
        %add3A_799 = arith.addf %add3A_727, %mul3A_798 : vector<16xf32>
        %broadcast_in_dim3A_800 = arith.constant 14 : i32
        %broadcast_in_dim3A_801 = vector.broadcast %broadcast_in_dim3A_800 : i32 to vector<16xi32>
        %gather3A_802 = tpu.vector_load_idx %arg20[%add3A_527, %broadcast_in_dim3A_801] : memref<128x64xf32, #tpu.memory_space<vmem>>[vector<16xi32>, vector<16xi32>], vector<16xf32>,
        %gather3A_803 = tpu.vector_load_idx %arg21[%add3A_527, %broadcast_in_dim3A_801] : memref<128x64xf32, #tpu.memory_space<vmem>>[vector<16xi32>, vector<16xi32>], vector<16xf32>,
        %add3A_804 = arith.addf %gather3A_802, %gather3A_803 : vector<16xf32>
        %mul3A_805 = arith.mulf %add3A_804, %mul3A_536 : vector<16xf32>
        %slice3A_806 = vector.extract_strided_slice %get3A_546 {offsets = [14], sizes = [1], strides = [1]} : vector<16xf32> to vector<1xf32>
        %squeeze3A_807 = vector.extract %slice3A_806[0] : f32 from vector<1xf32>
        %add3A_808 = vector.broadcast %squeeze3A_807 : f32 to vector<16xf32>
        %add3A_809 = arith.addf %mul3A_805, %add3A_808 : vector<16xf32>
        %max3A_810 = arith.constant 0.000000e+00 : f32
        %max3A_811 = vector.broadcast %max3A_810 : f32 to vector<16xf32>
        %max3A_812 = arith.maximumf %add3A_809, %max3A_811 : vector<16xf32>
        %slice3A_813 = vector.extract_strided_slice %get3A_548 {offsets = [14], sizes = [1], strides = [1]} : vector<16xf32> to vector<1xf32>
        %squeeze3A_814 = vector.extract %slice3A_813[0] : f32 from vector<1xf32>
        %mul3A_815 = vector.broadcast %squeeze3A_814 : f32 to vector<16xf32>
        %mul3A_816 = arith.mulf %max3A_812, %mul3A_815 : vector<16xf32>
        %add3A_817 = arith.addf %add3A_745, %mul3A_816 : vector<16xf32>
        %broadcast_in_dim3A_818 = arith.constant 15 : i32
        %broadcast_in_dim3A_819 = vector.broadcast %broadcast_in_dim3A_818 : i32 to vector<16xi32>
        %gather3A_820 = tpu.vector_load_idx %arg20[%add3A_527, %broadcast_in_dim3A_819] : memref<128x64xf32, #tpu.memory_space<vmem>>[vector<16xi32>, vector<16xi32>], vector<16xf32>,
        %gather3A_821 = tpu.vector_load_idx %arg21[%add3A_527, %broadcast_in_dim3A_819] : memref<128x64xf32, #tpu.memory_space<vmem>>[vector<16xi32>, vector<16xi32>], vector<16xf32>,
        %add3A_822 = arith.addf %gather3A_820, %gather3A_821 : vector<16xf32>
        %mul3A_823 = arith.mulf %add3A_822, %mul3A_536 : vector<16xf32>
        %slice3A_824 = vector.extract_strided_slice %get3A_546 {offsets = [15], sizes = [1], strides = [1]} : vector<16xf32> to vector<1xf32>
        %squeeze3A_825 = vector.extract %slice3A_824[0] : f32 from vector<1xf32>
        %add3A_826 = vector.broadcast %squeeze3A_825 : f32 to vector<16xf32>
        %add3A_827 = arith.addf %mul3A_823, %add3A_826 : vector<16xf32>
        %max3A_828 = arith.constant 0.000000e+00 : f32
        %max3A_829 = vector.broadcast %max3A_828 : f32 to vector<16xf32>
        %max3A_830 = arith.maximumf %add3A_827, %max3A_829 : vector<16xf32>
        %slice3A_831 = vector.extract_strided_slice %get3A_548 {offsets = [15], sizes = [1], strides = [1]} : vector<16xf32> to vector<1xf32>
        %squeeze3A_832 = vector.extract %slice3A_831[0] : f32 from vector<1xf32>
        %mul3A_833 = vector.broadcast %squeeze3A_832 : f32 to vector<16xf32>
        %mul3A_834 = arith.mulf %max3A_830, %mul3A_833 : vector<16xf32>
        %add3A_835 = arith.addf %add3A_763, %mul3A_834 : vector<16xf32>
        %get3A_836 = arith.constant 16 : index
        %get3A_837 = tpu.vector_load %arg23[%get3A_836] {strides = array<i32>} : memref<144xf32, #tpu.memory_space<vmem>>, vector<16xf32>,
        %get3A_838 = arith.constant 80 : index
        %get3A_839 = tpu.vector_load %arg23[%get3A_838] {strides = array<i32>} : memref<144xf32, #tpu.memory_space<vmem>>, vector<16xf32>,
        %broadcast_in_dim3A_840 = arith.constant 16 : i32
        %broadcast_in_dim3A_841 = vector.broadcast %broadcast_in_dim3A_840 : i32 to vector<16xi32>
        %gather3A_842 = tpu.vector_load_idx %arg20[%add3A_527, %broadcast_in_dim3A_841] : memref<128x64xf32, #tpu.memory_space<vmem>>[vector<16xi32>, vector<16xi32>], vector<16xf32>,
        %gather3A_843 = tpu.vector_load_idx %arg21[%add3A_527, %broadcast_in_dim3A_841] : memref<128x64xf32, #tpu.memory_space<vmem>>[vector<16xi32>, vector<16xi32>], vector<16xf32>,
        %add3A_844 = arith.addf %gather3A_842, %gather3A_843 : vector<16xf32>
        %mul3A_845 = arith.mulf %add3A_844, %mul3A_536 : vector<16xf32>
        %slice3A_846 = vector.extract_strided_slice %get3A_837 {offsets = [0], sizes = [1], strides = [1]} : vector<16xf32> to vector<1xf32>
        %squeeze3A_847 = vector.extract %slice3A_846[0] : f32 from vector<1xf32>
        %add3A_848 = vector.broadcast %squeeze3A_847 : f32 to vector<16xf32>
        %add3A_849 = arith.addf %mul3A_845, %add3A_848 : vector<16xf32>
        %max3A_850 = arith.constant 0.000000e+00 : f32
        %max3A_851 = vector.broadcast %max3A_850 : f32 to vector<16xf32>
        %max3A_852 = arith.maximumf %add3A_849, %max3A_851 : vector<16xf32>
        %slice3A_853 = vector.extract_strided_slice %get3A_839 {offsets = [0], sizes = [1], strides = [1]} : vector<16xf32> to vector<1xf32>
        %squeeze3A_854 = vector.extract %slice3A_853[0] : f32 from vector<1xf32>
        %mul3A_855 = vector.broadcast %squeeze3A_854 : f32 to vector<16xf32>
        %mul3A_856 = arith.mulf %max3A_852, %mul3A_855 : vector<16xf32>
        %add3A_857 = arith.addf %add3A_781, %mul3A_856 : vector<16xf32>
        %broadcast_in_dim3A_858 = arith.constant 17 : i32
        %broadcast_in_dim3A_859 = vector.broadcast %broadcast_in_dim3A_858 : i32 to vector<16xi32>
        %gather3A_860 = tpu.vector_load_idx %arg20[%add3A_527, %broadcast_in_dim3A_859] : memref<128x64xf32, #tpu.memory_space<vmem>>[vector<16xi32>, vector<16xi32>], vector<16xf32>,
        %gather3A_861 = tpu.vector_load_idx %arg21[%add3A_527, %broadcast_in_dim3A_859] : memref<128x64xf32, #tpu.memory_space<vmem>>[vector<16xi32>, vector<16xi32>], vector<16xf32>,
        %add3A_862 = arith.addf %gather3A_860, %gather3A_861 : vector<16xf32>
        %mul3A_863 = arith.mulf %add3A_862, %mul3A_536 : vector<16xf32>
        %slice3A_864 = vector.extract_strided_slice %get3A_837 {offsets = [1], sizes = [1], strides = [1]} : vector<16xf32> to vector<1xf32>
        %squeeze3A_865 = vector.extract %slice3A_864[0] : f32 from vector<1xf32>
        %add3A_866 = vector.broadcast %squeeze3A_865 : f32 to vector<16xf32>
        %add3A_867 = arith.addf %mul3A_863, %add3A_866 : vector<16xf32>
        %max3A_868 = arith.constant 0.000000e+00 : f32
        %max3A_869 = vector.broadcast %max3A_868 : f32 to vector<16xf32>
        %max3A_870 = arith.maximumf %add3A_867, %max3A_869 : vector<16xf32>
        %slice3A_871 = vector.extract_strided_slice %get3A_839 {offsets = [1], sizes = [1], strides = [1]} : vector<16xf32> to vector<1xf32>
        %squeeze3A_872 = vector.extract %slice3A_871[0] : f32 from vector<1xf32>
        %mul3A_873 = vector.broadcast %squeeze3A_872 : f32 to vector<16xf32>
        %mul3A_874 = arith.mulf %max3A_870, %mul3A_873 : vector<16xf32>
        %add3A_875 = arith.addf %add3A_799, %mul3A_874 : vector<16xf32>
        %broadcast_in_dim3A_876 = arith.constant 18 : i32
        %broadcast_in_dim3A_877 = vector.broadcast %broadcast_in_dim3A_876 : i32 to vector<16xi32>
        %gather3A_878 = tpu.vector_load_idx %arg20[%add3A_527, %broadcast_in_dim3A_877] : memref<128x64xf32, #tpu.memory_space<vmem>>[vector<16xi32>, vector<16xi32>], vector<16xf32>,
        %gather3A_879 = tpu.vector_load_idx %arg21[%add3A_527, %broadcast_in_dim3A_877] : memref<128x64xf32, #tpu.memory_space<vmem>>[vector<16xi32>, vector<16xi32>], vector<16xf32>,
        %add3A_880 = arith.addf %gather3A_878, %gather3A_879 : vector<16xf32>
        %mul3A_881 = arith.mulf %add3A_880, %mul3A_536 : vector<16xf32>
        %slice3A_882 = vector.extract_strided_slice %get3A_837 {offsets = [2], sizes = [1], strides = [1]} : vector<16xf32> to vector<1xf32>
        %squeeze3A_883 = vector.extract %slice3A_882[0] : f32 from vector<1xf32>
        %add3A_884 = vector.broadcast %squeeze3A_883 : f32 to vector<16xf32>
        %add3A_885 = arith.addf %mul3A_881, %add3A_884 : vector<16xf32>
        %max3A_886 = arith.constant 0.000000e+00 : f32
        %max3A_887 = vector.broadcast %max3A_886 : f32 to vector<16xf32>
        %max3A_888 = arith.maximumf %add3A_885, %max3A_887 : vector<16xf32>
        %slice3A_889 = vector.extract_strided_slice %get3A_839 {offsets = [2], sizes = [1], strides = [1]} : vector<16xf32> to vector<1xf32>
        %squeeze3A_890 = vector.extract %slice3A_889[0] : f32 from vector<1xf32>
        %mul3A_891 = vector.broadcast %squeeze3A_890 : f32 to vector<16xf32>
        %mul3A_892 = arith.mulf %max3A_888, %mul3A_891 : vector<16xf32>
        %add3A_893 = arith.addf %add3A_817, %mul3A_892 : vector<16xf32>
        %broadcast_in_dim3A_894 = arith.constant 19 : i32
        %broadcast_in_dim3A_895 = vector.broadcast %broadcast_in_dim3A_894 : i32 to vector<16xi32>
        %gather3A_896 = tpu.vector_load_idx %arg20[%add3A_527, %broadcast_in_dim3A_895] : memref<128x64xf32, #tpu.memory_space<vmem>>[vector<16xi32>, vector<16xi32>], vector<16xf32>,
        %gather3A_897 = tpu.vector_load_idx %arg21[%add3A_527, %broadcast_in_dim3A_895] : memref<128x64xf32, #tpu.memory_space<vmem>>[vector<16xi32>, vector<16xi32>], vector<16xf32>,
        %add3A_898 = arith.addf %gather3A_896, %gather3A_897 : vector<16xf32>
        %mul3A_899 = arith.mulf %add3A_898, %mul3A_536 : vector<16xf32>
        %slice3A_900 = vector.extract_strided_slice %get3A_837 {offsets = [3], sizes = [1], strides = [1]} : vector<16xf32> to vector<1xf32>
        %squeeze3A_901 = vector.extract %slice3A_900[0] : f32 from vector<1xf32>
        %add3A_902 = vector.broadcast %squeeze3A_901 : f32 to vector<16xf32>
        %add3A_903 = arith.addf %mul3A_899, %add3A_902 : vector<16xf32>
        %max3A_904 = arith.constant 0.000000e+00 : f32
        %max3A_905 = vector.broadcast %max3A_904 : f32 to vector<16xf32>
        %max3A_906 = arith.maximumf %add3A_903, %max3A_905 : vector<16xf32>
        %slice3A_907 = vector.extract_strided_slice %get3A_839 {offsets = [3], sizes = [1], strides = [1]} : vector<16xf32> to vector<1xf32>
        %squeeze3A_908 = vector.extract %slice3A_907[0] : f32 from vector<1xf32>
        %mul3A_909 = vector.broadcast %squeeze3A_908 : f32 to vector<16xf32>
        %mul3A_910 = arith.mulf %max3A_906, %mul3A_909 : vector<16xf32>
        %add3A_911 = arith.addf %add3A_835, %mul3A_910 : vector<16xf32>
        %broadcast_in_dim3A_912 = arith.constant 20 : i32
        %broadcast_in_dim3A_913 = vector.broadcast %broadcast_in_dim3A_912 : i32 to vector<16xi32>
        %gather3A_914 = tpu.vector_load_idx %arg20[%add3A_527, %broadcast_in_dim3A_913] : memref<128x64xf32, #tpu.memory_space<vmem>>[vector<16xi32>, vector<16xi32>], vector<16xf32>,
        %gather3A_915 = tpu.vector_load_idx %arg21[%add3A_527, %broadcast_in_dim3A_913] : memref<128x64xf32, #tpu.memory_space<vmem>>[vector<16xi32>, vector<16xi32>], vector<16xf32>,
        %add3A_916 = arith.addf %gather3A_914, %gather3A_915 : vector<16xf32>
        %mul3A_917 = arith.mulf %add3A_916, %mul3A_536 : vector<16xf32>
        %slice3A_918 = vector.extract_strided_slice %get3A_837 {offsets = [4], sizes = [1], strides = [1]} : vector<16xf32> to vector<1xf32>
        %squeeze3A_919 = vector.extract %slice3A_918[0] : f32 from vector<1xf32>
        %add3A_920 = vector.broadcast %squeeze3A_919 : f32 to vector<16xf32>
        %add3A_921 = arith.addf %mul3A_917, %add3A_920 : vector<16xf32>
        %max3A_922 = arith.constant 0.000000e+00 : f32
        %max3A_923 = vector.broadcast %max3A_922 : f32 to vector<16xf32>
        %max3A_924 = arith.maximumf %add3A_921, %max3A_923 : vector<16xf32>
        %slice3A_925 = vector.extract_strided_slice %get3A_839 {offsets = [4], sizes = [1], strides = [1]} : vector<16xf32> to vector<1xf32>
        %squeeze3A_926 = vector.extract %slice3A_925[0] : f32 from vector<1xf32>
        %mul3A_927 = vector.broadcast %squeeze3A_926 : f32 to vector<16xf32>
        %mul3A_928 = arith.mulf %max3A_924, %mul3A_927 : vector<16xf32>
        %add3A_929 = arith.addf %add3A_857, %mul3A_928 : vector<16xf32>
        %broadcast_in_dim3A_930 = arith.constant 21 : i32
        %broadcast_in_dim3A_931 = vector.broadcast %broadcast_in_dim3A_930 : i32 to vector<16xi32>
        %gather3A_932 = tpu.vector_load_idx %arg20[%add3A_527, %broadcast_in_dim3A_931] : memref<128x64xf32, #tpu.memory_space<vmem>>[vector<16xi32>, vector<16xi32>], vector<16xf32>,
        %gather3A_933 = tpu.vector_load_idx %arg21[%add3A_527, %broadcast_in_dim3A_931] : memref<128x64xf32, #tpu.memory_space<vmem>>[vector<16xi32>, vector<16xi32>], vector<16xf32>,
        %add3A_934 = arith.addf %gather3A_932, %gather3A_933 : vector<16xf32>
        %mul3A_935 = arith.mulf %add3A_934, %mul3A_536 : vector<16xf32>
        %slice3A_936 = vector.extract_strided_slice %get3A_837 {offsets = [5], sizes = [1], strides = [1]} : vector<16xf32> to vector<1xf32>
        %squeeze3A_937 = vector.extract %slice3A_936[0] : f32 from vector<1xf32>
        %add3A_938 = vector.broadcast %squeeze3A_937 : f32 to vector<16xf32>
        %add3A_939 = arith.addf %mul3A_935, %add3A_938 : vector<16xf32>
        %max3A_940 = arith.constant 0.000000e+00 : f32
        %max3A_941 = vector.broadcast %max3A_940 : f32 to vector<16xf32>
        %max3A_942 = arith.maximumf %add3A_939, %max3A_941 : vector<16xf32>
        %slice3A_943 = vector.extract_strided_slice %get3A_839 {offsets = [5], sizes = [1], strides = [1]} : vector<16xf32> to vector<1xf32>
        %squeeze3A_944 = vector.extract %slice3A_943[0] : f32 from vector<1xf32>
        %mul3A_945 = vector.broadcast %squeeze3A_944 : f32 to vector<16xf32>
        %mul3A_946 = arith.mulf %max3A_942, %mul3A_945 : vector<16xf32>
        %add3A_947 = arith.addf %add3A_875, %mul3A_946 : vector<16xf32>
        %broadcast_in_dim3A_948 = arith.constant 22 : i32
        %broadcast_in_dim3A_949 = vector.broadcast %broadcast_in_dim3A_948 : i32 to vector<16xi32>
        %gather3A_950 = tpu.vector_load_idx %arg20[%add3A_527, %broadcast_in_dim3A_949] : memref<128x64xf32, #tpu.memory_space<vmem>>[vector<16xi32>, vector<16xi32>], vector<16xf32>,
        %gather3A_951 = tpu.vector_load_idx %arg21[%add3A_527, %broadcast_in_dim3A_949] : memref<128x64xf32, #tpu.memory_space<vmem>>[vector<16xi32>, vector<16xi32>], vector<16xf32>,
        %add3A_952 = arith.addf %gather3A_950, %gather3A_951 : vector<16xf32>
        %mul3A_953 = arith.mulf %add3A_952, %mul3A_536 : vector<16xf32>
        %slice3A_954 = vector.extract_strided_slice %get3A_837 {offsets = [6], sizes = [1], strides = [1]} : vector<16xf32> to vector<1xf32>
        %squeeze3A_955 = vector.extract %slice3A_954[0] : f32 from vector<1xf32>
        %add3A_956 = vector.broadcast %squeeze3A_955 : f32 to vector<16xf32>
        %add3A_957 = arith.addf %mul3A_953, %add3A_956 : vector<16xf32>
        %max3A_958 = arith.constant 0.000000e+00 : f32
        %max3A_959 = vector.broadcast %max3A_958 : f32 to vector<16xf32>
        %max3A_960 = arith.maximumf %add3A_957, %max3A_959 : vector<16xf32>
        %slice3A_961 = vector.extract_strided_slice %get3A_839 {offsets = [6], sizes = [1], strides = [1]} : vector<16xf32> to vector<1xf32>
        %squeeze3A_962 = vector.extract %slice3A_961[0] : f32 from vector<1xf32>
        %mul3A_963 = vector.broadcast %squeeze3A_962 : f32 to vector<16xf32>
        %mul3A_964 = arith.mulf %max3A_960, %mul3A_963 : vector<16xf32>
        %add3A_965 = arith.addf %add3A_893, %mul3A_964 : vector<16xf32>
        %broadcast_in_dim3A_966 = arith.constant 23 : i32
        %broadcast_in_dim3A_967 = vector.broadcast %broadcast_in_dim3A_966 : i32 to vector<16xi32>
        %gather3A_968 = tpu.vector_load_idx %arg20[%add3A_527, %broadcast_in_dim3A_967] : memref<128x64xf32, #tpu.memory_space<vmem>>[vector<16xi32>, vector<16xi32>], vector<16xf32>,
        %gather3A_969 = tpu.vector_load_idx %arg21[%add3A_527, %broadcast_in_dim3A_967] : memref<128x64xf32, #tpu.memory_space<vmem>>[vector<16xi32>, vector<16xi32>], vector<16xf32>,
        %add3A_970 = arith.addf %gather3A_968, %gather3A_969 : vector<16xf32>
        %mul3A_971 = arith.mulf %add3A_970, %mul3A_536 : vector<16xf32>
        %slice3A_972 = vector.extract_strided_slice %get3A_837 {offsets = [7], sizes = [1], strides = [1]} : vector<16xf32> to vector<1xf32>
        %squeeze3A_973 = vector.extract %slice3A_972[0] : f32 from vector<1xf32>
        %add3A_974 = vector.broadcast %squeeze3A_973 : f32 to vector<16xf32>
        %add3A_975 = arith.addf %mul3A_971, %add3A_974 : vector<16xf32>
        %max3A_976 = arith.constant 0.000000e+00 : f32
        %max3A_977 = vector.broadcast %max3A_976 : f32 to vector<16xf32>
        %max3A_978 = arith.maximumf %add3A_975, %max3A_977 : vector<16xf32>
        %slice3A_979 = vector.extract_strided_slice %get3A_839 {offsets = [7], sizes = [1], strides = [1]} : vector<16xf32> to vector<1xf32>
        %squeeze3A_980 = vector.extract %slice3A_979[0] : f32 from vector<1xf32>
        %mul3A_981 = vector.broadcast %squeeze3A_980 : f32 to vector<16xf32>
        %mul3A_982 = arith.mulf %max3A_978, %mul3A_981 : vector<16xf32>
        %add3A_983 = arith.addf %add3A_911, %mul3A_982 : vector<16xf32>
        %broadcast_in_dim3A_984 = arith.constant 24 : i32
        %broadcast_in_dim3A_985 = vector.broadcast %broadcast_in_dim3A_984 : i32 to vector<16xi32>
        %gather3A_986 = tpu.vector_load_idx %arg20[%add3A_527, %broadcast_in_dim3A_985] : memref<128x64xf32, #tpu.memory_space<vmem>>[vector<16xi32>, vector<16xi32>], vector<16xf32>,
        %gather3A_987 = tpu.vector_load_idx %arg21[%add3A_527, %broadcast_in_dim3A_985] : memref<128x64xf32, #tpu.memory_space<vmem>>[vector<16xi32>, vector<16xi32>], vector<16xf32>,
        %add3A_988 = arith.addf %gather3A_986, %gather3A_987 : vector<16xf32>
        %mul3A_989 = arith.mulf %add3A_988, %mul3A_536 : vector<16xf32>
        %slice3A_990 = vector.extract_strided_slice %get3A_837 {offsets = [8], sizes = [1], strides = [1]} : vector<16xf32> to vector<1xf32>
        %squeeze3A_991 = vector.extract %slice3A_990[0] : f32 from vector<1xf32>
        %add3A_992 = vector.broadcast %squeeze3A_991 : f32 to vector<16xf32>
        %add3A_993 = arith.addf %mul3A_989, %add3A_992 : vector<16xf32>
        %max3A_994 = arith.constant 0.000000e+00 : f32
        %max3A_995 = vector.broadcast %max3A_994 : f32 to vector<16xf32>
        %max3A_996 = arith.maximumf %add3A_993, %max3A_995 : vector<16xf32>
        %slice3A_997 = vector.extract_strided_slice %get3A_839 {offsets = [8], sizes = [1], strides = [1]} : vector<16xf32> to vector<1xf32>
        %squeeze3A_998 = vector.extract %slice3A_997[0] : f32 from vector<1xf32>
        %mul3A_999 = vector.broadcast %squeeze3A_998 : f32 to vector<16xf32>
        %mul3A_1000 = arith.mulf %max3A_996, %mul3A_999 : vector<16xf32>
        %add3A_1001 = arith.addf %add3A_929, %mul3A_1000 : vector<16xf32>
        %broadcast_in_dim3A_1002 = arith.constant 25 : i32
        %broadcast_in_dim3A_1003 = vector.broadcast %broadcast_in_dim3A_1002 : i32 to vector<16xi32>
        %gather3A_1004 = tpu.vector_load_idx %arg20[%add3A_527, %broadcast_in_dim3A_1003] : memref<128x64xf32, #tpu.memory_space<vmem>>[vector<16xi32>, vector<16xi32>], vector<16xf32>,
        %gather3A_1005 = tpu.vector_load_idx %arg21[%add3A_527, %broadcast_in_dim3A_1003] : memref<128x64xf32, #tpu.memory_space<vmem>>[vector<16xi32>, vector<16xi32>], vector<16xf32>,
        %add3A_1006 = arith.addf %gather3A_1004, %gather3A_1005 : vector<16xf32>
        %mul3A_1007 = arith.mulf %add3A_1006, %mul3A_536 : vector<16xf32>
        %slice3A_1008 = vector.extract_strided_slice %get3A_837 {offsets = [9], sizes = [1], strides = [1]} : vector<16xf32> to vector<1xf32>
        %squeeze3A_1009 = vector.extract %slice3A_1008[0] : f32 from vector<1xf32>
        %add3A_1010 = vector.broadcast %squeeze3A_1009 : f32 to vector<16xf32>
        %add3A_1011 = arith.addf %mul3A_1007, %add3A_1010 : vector<16xf32>
        %max3A_1012 = arith.constant 0.000000e+00 : f32
        %max3A_1013 = vector.broadcast %max3A_1012 : f32 to vector<16xf32>
        %max3A_1014 = arith.maximumf %add3A_1011, %max3A_1013 : vector<16xf32>
        %slice3A_1015 = vector.extract_strided_slice %get3A_839 {offsets = [9], sizes = [1], strides = [1]} : vector<16xf32> to vector<1xf32>
        %squeeze3A_1016 = vector.extract %slice3A_1015[0] : f32 from vector<1xf32>
        %mul3A_1017 = vector.broadcast %squeeze3A_1016 : f32 to vector<16xf32>
        %mul3A_1018 = arith.mulf %max3A_1014, %mul3A_1017 : vector<16xf32>
        %add3A_1019 = arith.addf %add3A_947, %mul3A_1018 : vector<16xf32>
        %broadcast_in_dim3A_1020 = arith.constant 26 : i32
        %broadcast_in_dim3A_1021 = vector.broadcast %broadcast_in_dim3A_1020 : i32 to vector<16xi32>
        %gather3A_1022 = tpu.vector_load_idx %arg20[%add3A_527, %broadcast_in_dim3A_1021] : memref<128x64xf32, #tpu.memory_space<vmem>>[vector<16xi32>, vector<16xi32>], vector<16xf32>,
        %gather3A_1023 = tpu.vector_load_idx %arg21[%add3A_527, %broadcast_in_dim3A_1021] : memref<128x64xf32, #tpu.memory_space<vmem>>[vector<16xi32>, vector<16xi32>], vector<16xf32>,
        %add3A_1024 = arith.addf %gather3A_1022, %gather3A_1023 : vector<16xf32>
        %mul3A_1025 = arith.mulf %add3A_1024, %mul3A_536 : vector<16xf32>
        %slice3A_1026 = vector.extract_strided_slice %get3A_837 {offsets = [10], sizes = [1], strides = [1]} : vector<16xf32> to vector<1xf32>
        %squeeze3A_1027 = vector.extract %slice3A_1026[0] : f32 from vector<1xf32>
        %add3A_1028 = vector.broadcast %squeeze3A_1027 : f32 to vector<16xf32>
        %add3A_1029 = arith.addf %mul3A_1025, %add3A_1028 : vector<16xf32>
        %max3A_1030 = arith.constant 0.000000e+00 : f32
        %max3A_1031 = vector.broadcast %max3A_1030 : f32 to vector<16xf32>
        %max3A_1032 = arith.maximumf %add3A_1029, %max3A_1031 : vector<16xf32>
        %slice3A_1033 = vector.extract_strided_slice %get3A_839 {offsets = [10], sizes = [1], strides = [1]} : vector<16xf32> to vector<1xf32>
        %squeeze3A_1034 = vector.extract %slice3A_1033[0] : f32 from vector<1xf32>
        %mul3A_1035 = vector.broadcast %squeeze3A_1034 : f32 to vector<16xf32>
        %mul3A_1036 = arith.mulf %max3A_1032, %mul3A_1035 : vector<16xf32>
        %add3A_1037 = arith.addf %add3A_965, %mul3A_1036 : vector<16xf32>
        %broadcast_in_dim3A_1038 = arith.constant 27 : i32
        %broadcast_in_dim3A_1039 = vector.broadcast %broadcast_in_dim3A_1038 : i32 to vector<16xi32>
        %gather3A_1040 = tpu.vector_load_idx %arg20[%add3A_527, %broadcast_in_dim3A_1039] : memref<128x64xf32, #tpu.memory_space<vmem>>[vector<16xi32>, vector<16xi32>], vector<16xf32>,
        %gather3A_1041 = tpu.vector_load_idx %arg21[%add3A_527, %broadcast_in_dim3A_1039] : memref<128x64xf32, #tpu.memory_space<vmem>>[vector<16xi32>, vector<16xi32>], vector<16xf32>,
        %add3A_1042 = arith.addf %gather3A_1040, %gather3A_1041 : vector<16xf32>
        %mul3A_1043 = arith.mulf %add3A_1042, %mul3A_536 : vector<16xf32>
        %slice3A_1044 = vector.extract_strided_slice %get3A_837 {offsets = [11], sizes = [1], strides = [1]} : vector<16xf32> to vector<1xf32>
        %squeeze3A_1045 = vector.extract %slice3A_1044[0] : f32 from vector<1xf32>
        %add3A_1046 = vector.broadcast %squeeze3A_1045 : f32 to vector<16xf32>
        %add3A_1047 = arith.addf %mul3A_1043, %add3A_1046 : vector<16xf32>
        %max3A_1048 = arith.constant 0.000000e+00 : f32
        %max3A_1049 = vector.broadcast %max3A_1048 : f32 to vector<16xf32>
        %max3A_1050 = arith.maximumf %add3A_1047, %max3A_1049 : vector<16xf32>
        %slice3A_1051 = vector.extract_strided_slice %get3A_839 {offsets = [11], sizes = [1], strides = [1]} : vector<16xf32> to vector<1xf32>
        %squeeze3A_1052 = vector.extract %slice3A_1051[0] : f32 from vector<1xf32>
        %mul3A_1053 = vector.broadcast %squeeze3A_1052 : f32 to vector<16xf32>
        %mul3A_1054 = arith.mulf %max3A_1050, %mul3A_1053 : vector<16xf32>
        %add3A_1055 = arith.addf %add3A_983, %mul3A_1054 : vector<16xf32>
        %broadcast_in_dim3A_1056 = arith.constant 28 : i32
        %broadcast_in_dim3A_1057 = vector.broadcast %broadcast_in_dim3A_1056 : i32 to vector<16xi32>
        %gather3A_1058 = tpu.vector_load_idx %arg20[%add3A_527, %broadcast_in_dim3A_1057] : memref<128x64xf32, #tpu.memory_space<vmem>>[vector<16xi32>, vector<16xi32>], vector<16xf32>,
        %gather3A_1059 = tpu.vector_load_idx %arg21[%add3A_527, %broadcast_in_dim3A_1057] : memref<128x64xf32, #tpu.memory_space<vmem>>[vector<16xi32>, vector<16xi32>], vector<16xf32>,
        %add3A_1060 = arith.addf %gather3A_1058, %gather3A_1059 : vector<16xf32>
        %mul3A_1061 = arith.mulf %add3A_1060, %mul3A_536 : vector<16xf32>
        %slice3A_1062 = vector.extract_strided_slice %get3A_837 {offsets = [12], sizes = [1], strides = [1]} : vector<16xf32> to vector<1xf32>
        %squeeze3A_1063 = vector.extract %slice3A_1062[0] : f32 from vector<1xf32>
        %add3A_1064 = vector.broadcast %squeeze3A_1063 : f32 to vector<16xf32>
        %add3A_1065 = arith.addf %mul3A_1061, %add3A_1064 : vector<16xf32>
        %max3A_1066 = arith.constant 0.000000e+00 : f32
        %max3A_1067 = vector.broadcast %max3A_1066 : f32 to vector<16xf32>
        %max3A_1068 = arith.maximumf %add3A_1065, %max3A_1067 : vector<16xf32>
        %slice3A_1069 = vector.extract_strided_slice %get3A_839 {offsets = [12], sizes = [1], strides = [1]} : vector<16xf32> to vector<1xf32>
        %squeeze3A_1070 = vector.extract %slice3A_1069[0] : f32 from vector<1xf32>
        %mul3A_1071 = vector.broadcast %squeeze3A_1070 : f32 to vector<16xf32>
        %mul3A_1072 = arith.mulf %max3A_1068, %mul3A_1071 : vector<16xf32>
        %add3A_1073 = arith.addf %add3A_1001, %mul3A_1072 : vector<16xf32>
        %broadcast_in_dim3A_1074 = arith.constant 29 : i32
        %broadcast_in_dim3A_1075 = vector.broadcast %broadcast_in_dim3A_1074 : i32 to vector<16xi32>
        %gather3A_1076 = tpu.vector_load_idx %arg20[%add3A_527, %broadcast_in_dim3A_1075] : memref<128x64xf32, #tpu.memory_space<vmem>>[vector<16xi32>, vector<16xi32>], vector<16xf32>,
        %gather3A_1077 = tpu.vector_load_idx %arg21[%add3A_527, %broadcast_in_dim3A_1075] : memref<128x64xf32, #tpu.memory_space<vmem>>[vector<16xi32>, vector<16xi32>], vector<16xf32>,
        %add3A_1078 = arith.addf %gather3A_1076, %gather3A_1077 : vector<16xf32>
        %mul3A_1079 = arith.mulf %add3A_1078, %mul3A_536 : vector<16xf32>
        %slice3A_1080 = vector.extract_strided_slice %get3A_837 {offsets = [13], sizes = [1], strides = [1]} : vector<16xf32> to vector<1xf32>
        %squeeze3A_1081 = vector.extract %slice3A_1080[0] : f32 from vector<1xf32>
        %add3A_1082 = vector.broadcast %squeeze3A_1081 : f32 to vector<16xf32>
        %add3A_1083 = arith.addf %mul3A_1079, %add3A_1082 : vector<16xf32>
        %max3A_1084 = arith.constant 0.000000e+00 : f32
        %max3A_1085 = vector.broadcast %max3A_1084 : f32 to vector<16xf32>
        %max3A_1086 = arith.maximumf %add3A_1083, %max3A_1085 : vector<16xf32>
        %slice3A_1087 = vector.extract_strided_slice %get3A_839 {offsets = [13], sizes = [1], strides = [1]} : vector<16xf32> to vector<1xf32>
        %squeeze3A_1088 = vector.extract %slice3A_1087[0] : f32 from vector<1xf32>
        %mul3A_1089 = vector.broadcast %squeeze3A_1088 : f32 to vector<16xf32>
        %mul3A_1090 = arith.mulf %max3A_1086, %mul3A_1089 : vector<16xf32>
        %add3A_1091 = arith.addf %add3A_1019, %mul3A_1090 : vector<16xf32>
        %broadcast_in_dim3A_1092 = arith.constant 30 : i32
        %broadcast_in_dim3A_1093 = vector.broadcast %broadcast_in_dim3A_1092 : i32 to vector<16xi32>
        %gather3A_1094 = tpu.vector_load_idx %arg20[%add3A_527, %broadcast_in_dim3A_1093] : memref<128x64xf32, #tpu.memory_space<vmem>>[vector<16xi32>, vector<16xi32>], vector<16xf32>,
        %gather3A_1095 = tpu.vector_load_idx %arg21[%add3A_527, %broadcast_in_dim3A_1093] : memref<128x64xf32, #tpu.memory_space<vmem>>[vector<16xi32>, vector<16xi32>], vector<16xf32>,
        %add3A_1096 = arith.addf %gather3A_1094, %gather3A_1095 : vector<16xf32>
        %mul3A_1097 = arith.mulf %add3A_1096, %mul3A_536 : vector<16xf32>
        %slice3A_1098 = vector.extract_strided_slice %get3A_837 {offsets = [14], sizes = [1], strides = [1]} : vector<16xf32> to vector<1xf32>
        %squeeze3A_1099 = vector.extract %slice3A_1098[0] : f32 from vector<1xf32>
        %add3A_1100 = vector.broadcast %squeeze3A_1099 : f32 to vector<16xf32>
        %add3A_1101 = arith.addf %mul3A_1097, %add3A_1100 : vector<16xf32>
        %max3A_1102 = arith.constant 0.000000e+00 : f32
        %max3A_1103 = vector.broadcast %max3A_1102 : f32 to vector<16xf32>
        %max3A_1104 = arith.maximumf %add3A_1101, %max3A_1103 : vector<16xf32>
        %slice3A_1105 = vector.extract_strided_slice %get3A_839 {offsets = [14], sizes = [1], strides = [1]} : vector<16xf32> to vector<1xf32>
        %squeeze3A_1106 = vector.extract %slice3A_1105[0] : f32 from vector<1xf32>
        %mul3A_1107 = vector.broadcast %squeeze3A_1106 : f32 to vector<16xf32>
        %mul3A_1108 = arith.mulf %max3A_1104, %mul3A_1107 : vector<16xf32>
        %add3A_1109 = arith.addf %add3A_1037, %mul3A_1108 : vector<16xf32>
        %broadcast_in_dim3A_1110 = arith.constant 31 : i32
        %broadcast_in_dim3A_1111 = vector.broadcast %broadcast_in_dim3A_1110 : i32 to vector<16xi32>
        %gather3A_1112 = tpu.vector_load_idx %arg20[%add3A_527, %broadcast_in_dim3A_1111] : memref<128x64xf32, #tpu.memory_space<vmem>>[vector<16xi32>, vector<16xi32>], vector<16xf32>,
        %gather3A_1113 = tpu.vector_load_idx %arg21[%add3A_527, %broadcast_in_dim3A_1111] : memref<128x64xf32, #tpu.memory_space<vmem>>[vector<16xi32>, vector<16xi32>], vector<16xf32>,
        %add3A_1114 = arith.addf %gather3A_1112, %gather3A_1113 : vector<16xf32>
        %mul3A_1115 = arith.mulf %add3A_1114, %mul3A_536 : vector<16xf32>
        %slice3A_1116 = vector.extract_strided_slice %get3A_837 {offsets = [15], sizes = [1], strides = [1]} : vector<16xf32> to vector<1xf32>
        %squeeze3A_1117 = vector.extract %slice3A_1116[0] : f32 from vector<1xf32>
        %add3A_1118 = vector.broadcast %squeeze3A_1117 : f32 to vector<16xf32>
        %add3A_1119 = arith.addf %mul3A_1115, %add3A_1118 : vector<16xf32>
        %max3A_1120 = arith.constant 0.000000e+00 : f32
        %max3A_1121 = vector.broadcast %max3A_1120 : f32 to vector<16xf32>
        %max3A_1122 = arith.maximumf %add3A_1119, %max3A_1121 : vector<16xf32>
        %slice3A_1123 = vector.extract_strided_slice %get3A_839 {offsets = [15], sizes = [1], strides = [1]} : vector<16xf32> to vector<1xf32>
        %squeeze3A_1124 = vector.extract %slice3A_1123[0] : f32 from vector<1xf32>
        %mul3A_1125 = vector.broadcast %squeeze3A_1124 : f32 to vector<16xf32>
        %mul3A_1126 = arith.mulf %max3A_1122, %mul3A_1125 : vector<16xf32>
        %add3A_1127 = arith.addf %add3A_1055, %mul3A_1126 : vector<16xf32>
        %get3A_1128 = arith.constant 32 : index
        %get3A_1129 = tpu.vector_load %arg23[%get3A_1128] {strides = array<i32>} : memref<144xf32, #tpu.memory_space<vmem>>, vector<16xf32>,
        %get3A_1130 = arith.constant 96 : index
        %get3A_1131 = tpu.vector_load %arg23[%get3A_1130] {strides = array<i32>} : memref<144xf32, #tpu.memory_space<vmem>>, vector<16xf32>,
        %broadcast_in_dim3A_1132 = arith.constant 32 : i32
        %broadcast_in_dim3A_1133 = vector.broadcast %broadcast_in_dim3A_1132 : i32 to vector<16xi32>
        %gather3A_1134 = tpu.vector_load_idx %arg20[%add3A_527, %broadcast_in_dim3A_1133] : memref<128x64xf32, #tpu.memory_space<vmem>>[vector<16xi32>, vector<16xi32>], vector<16xf32>,
        %gather3A_1135 = tpu.vector_load_idx %arg21[%add3A_527, %broadcast_in_dim3A_1133] : memref<128x64xf32, #tpu.memory_space<vmem>>[vector<16xi32>, vector<16xi32>], vector<16xf32>,
        %add3A_1136 = arith.addf %gather3A_1134, %gather3A_1135 : vector<16xf32>
        %mul3A_1137 = arith.mulf %add3A_1136, %mul3A_536 : vector<16xf32>
        %slice3A_1138 = vector.extract_strided_slice %get3A_1129 {offsets = [0], sizes = [1], strides = [1]} : vector<16xf32> to vector<1xf32>
        %squeeze3A_1139 = vector.extract %slice3A_1138[0] : f32 from vector<1xf32>
        %add3A_1140 = vector.broadcast %squeeze3A_1139 : f32 to vector<16xf32>
        %add3A_1141 = arith.addf %mul3A_1137, %add3A_1140 : vector<16xf32>
        %max3A_1142 = arith.constant 0.000000e+00 : f32
        %max3A_1143 = vector.broadcast %max3A_1142 : f32 to vector<16xf32>
        %max3A_1144 = arith.maximumf %add3A_1141, %max3A_1143 : vector<16xf32>
        %slice3A_1145 = vector.extract_strided_slice %get3A_1131 {offsets = [0], sizes = [1], strides = [1]} : vector<16xf32> to vector<1xf32>
        %squeeze3A_1146 = vector.extract %slice3A_1145[0] : f32 from vector<1xf32>
        %mul3A_1147 = vector.broadcast %squeeze3A_1146 : f32 to vector<16xf32>
        %mul3A_1148 = arith.mulf %max3A_1144, %mul3A_1147 : vector<16xf32>
        %add3A_1149 = arith.addf %add3A_1073, %mul3A_1148 : vector<16xf32>
        %broadcast_in_dim3A_1150 = arith.constant 33 : i32
        %broadcast_in_dim3A_1151 = vector.broadcast %broadcast_in_dim3A_1150 : i32 to vector<16xi32>
        %gather3A_1152 = tpu.vector_load_idx %arg20[%add3A_527, %broadcast_in_dim3A_1151] : memref<128x64xf32, #tpu.memory_space<vmem>>[vector<16xi32>, vector<16xi32>], vector<16xf32>,
        %gather3A_1153 = tpu.vector_load_idx %arg21[%add3A_527, %broadcast_in_dim3A_1151] : memref<128x64xf32, #tpu.memory_space<vmem>>[vector<16xi32>, vector<16xi32>], vector<16xf32>,
        %add3A_1154 = arith.addf %gather3A_1152, %gather3A_1153 : vector<16xf32>
        %mul3A_1155 = arith.mulf %add3A_1154, %mul3A_536 : vector<16xf32>
        %slice3A_1156 = vector.extract_strided_slice %get3A_1129 {offsets = [1], sizes = [1], strides = [1]} : vector<16xf32> to vector<1xf32>
        %squeeze3A_1157 = vector.extract %slice3A_1156[0] : f32 from vector<1xf32>
        %add3A_1158 = vector.broadcast %squeeze3A_1157 : f32 to vector<16xf32>
        %add3A_1159 = arith.addf %mul3A_1155, %add3A_1158 : vector<16xf32>
        %max3A_1160 = arith.constant 0.000000e+00 : f32
        %max3A_1161 = vector.broadcast %max3A_1160 : f32 to vector<16xf32>
        %max3A_1162 = arith.maximumf %add3A_1159, %max3A_1161 : vector<16xf32>
        %slice3A_1163 = vector.extract_strided_slice %get3A_1131 {offsets = [1], sizes = [1], strides = [1]} : vector<16xf32> to vector<1xf32>
        %squeeze3A_1164 = vector.extract %slice3A_1163[0] : f32 from vector<1xf32>
        %mul3A_1165 = vector.broadcast %squeeze3A_1164 : f32 to vector<16xf32>
        %mul3A_1166 = arith.mulf %max3A_1162, %mul3A_1165 : vector<16xf32>
        %add3A_1167 = arith.addf %add3A_1091, %mul3A_1166 : vector<16xf32>
        %broadcast_in_dim3A_1168 = arith.constant 34 : i32
        %broadcast_in_dim3A_1169 = vector.broadcast %broadcast_in_dim3A_1168 : i32 to vector<16xi32>
        %gather3A_1170 = tpu.vector_load_idx %arg20[%add3A_527, %broadcast_in_dim3A_1169] : memref<128x64xf32, #tpu.memory_space<vmem>>[vector<16xi32>, vector<16xi32>], vector<16xf32>,
        %gather3A_1171 = tpu.vector_load_idx %arg21[%add3A_527, %broadcast_in_dim3A_1169] : memref<128x64xf32, #tpu.memory_space<vmem>>[vector<16xi32>, vector<16xi32>], vector<16xf32>,
        %add3A_1172 = arith.addf %gather3A_1170, %gather3A_1171 : vector<16xf32>
        %mul3A_1173 = arith.mulf %add3A_1172, %mul3A_536 : vector<16xf32>
        %slice3A_1174 = vector.extract_strided_slice %get3A_1129 {offsets = [2], sizes = [1], strides = [1]} : vector<16xf32> to vector<1xf32>
        %squeeze3A_1175 = vector.extract %slice3A_1174[0] : f32 from vector<1xf32>
        %add3A_1176 = vector.broadcast %squeeze3A_1175 : f32 to vector<16xf32>
        %add3A_1177 = arith.addf %mul3A_1173, %add3A_1176 : vector<16xf32>
        %max3A_1178 = arith.constant 0.000000e+00 : f32
        %max3A_1179 = vector.broadcast %max3A_1178 : f32 to vector<16xf32>
        %max3A_1180 = arith.maximumf %add3A_1177, %max3A_1179 : vector<16xf32>
        %slice3A_1181 = vector.extract_strided_slice %get3A_1131 {offsets = [2], sizes = [1], strides = [1]} : vector<16xf32> to vector<1xf32>
        %squeeze3A_1182 = vector.extract %slice3A_1181[0] : f32 from vector<1xf32>
        %mul3A_1183 = vector.broadcast %squeeze3A_1182 : f32 to vector<16xf32>
        %mul3A_1184 = arith.mulf %max3A_1180, %mul3A_1183 : vector<16xf32>
        %add3A_1185 = arith.addf %add3A_1109, %mul3A_1184 : vector<16xf32>
        %broadcast_in_dim3A_1186 = arith.constant 35 : i32
        %broadcast_in_dim3A_1187 = vector.broadcast %broadcast_in_dim3A_1186 : i32 to vector<16xi32>
        %gather3A_1188 = tpu.vector_load_idx %arg20[%add3A_527, %broadcast_in_dim3A_1187] : memref<128x64xf32, #tpu.memory_space<vmem>>[vector<16xi32>, vector<16xi32>], vector<16xf32>,
        %gather3A_1189 = tpu.vector_load_idx %arg21[%add3A_527, %broadcast_in_dim3A_1187] : memref<128x64xf32, #tpu.memory_space<vmem>>[vector<16xi32>, vector<16xi32>], vector<16xf32>,
        %add3A_1190 = arith.addf %gather3A_1188, %gather3A_1189 : vector<16xf32>
        %mul3A_1191 = arith.mulf %add3A_1190, %mul3A_536 : vector<16xf32>
        %slice3A_1192 = vector.extract_strided_slice %get3A_1129 {offsets = [3], sizes = [1], strides = [1]} : vector<16xf32> to vector<1xf32>
        %squeeze3A_1193 = vector.extract %slice3A_1192[0] : f32 from vector<1xf32>
        %add3A_1194 = vector.broadcast %squeeze3A_1193 : f32 to vector<16xf32>
        %add3A_1195 = arith.addf %mul3A_1191, %add3A_1194 : vector<16xf32>
        %max3A_1196 = arith.constant 0.000000e+00 : f32
        %max3A_1197 = vector.broadcast %max3A_1196 : f32 to vector<16xf32>
        %max3A_1198 = arith.maximumf %add3A_1195, %max3A_1197 : vector<16xf32>
        %slice3A_1199 = vector.extract_strided_slice %get3A_1131 {offsets = [3], sizes = [1], strides = [1]} : vector<16xf32> to vector<1xf32>
        %squeeze3A_1200 = vector.extract %slice3A_1199[0] : f32 from vector<1xf32>
        %mul3A_1201 = vector.broadcast %squeeze3A_1200 : f32 to vector<16xf32>
        %mul3A_1202 = arith.mulf %max3A_1198, %mul3A_1201 : vector<16xf32>
        %add3A_1203 = arith.addf %add3A_1127, %mul3A_1202 : vector<16xf32>
        %broadcast_in_dim3A_1204 = arith.constant 36 : i32
        %broadcast_in_dim3A_1205 = vector.broadcast %broadcast_in_dim3A_1204 : i32 to vector<16xi32>
        %gather3A_1206 = tpu.vector_load_idx %arg20[%add3A_527, %broadcast_in_dim3A_1205] : memref<128x64xf32, #tpu.memory_space<vmem>>[vector<16xi32>, vector<16xi32>], vector<16xf32>,
        %gather3A_1207 = tpu.vector_load_idx %arg21[%add3A_527, %broadcast_in_dim3A_1205] : memref<128x64xf32, #tpu.memory_space<vmem>>[vector<16xi32>, vector<16xi32>], vector<16xf32>,
        %add3A_1208 = arith.addf %gather3A_1206, %gather3A_1207 : vector<16xf32>
        %mul3A_1209 = arith.mulf %add3A_1208, %mul3A_536 : vector<16xf32>
        %slice3A_1210 = vector.extract_strided_slice %get3A_1129 {offsets = [4], sizes = [1], strides = [1]} : vector<16xf32> to vector<1xf32>
        %squeeze3A_1211 = vector.extract %slice3A_1210[0] : f32 from vector<1xf32>
        %add3A_1212 = vector.broadcast %squeeze3A_1211 : f32 to vector<16xf32>
        %add3A_1213 = arith.addf %mul3A_1209, %add3A_1212 : vector<16xf32>
        %max3A_1214 = arith.constant 0.000000e+00 : f32
        %max3A_1215 = vector.broadcast %max3A_1214 : f32 to vector<16xf32>
        %max3A_1216 = arith.maximumf %add3A_1213, %max3A_1215 : vector<16xf32>
        %slice3A_1217 = vector.extract_strided_slice %get3A_1131 {offsets = [4], sizes = [1], strides = [1]} : vector<16xf32> to vector<1xf32>
        %squeeze3A_1218 = vector.extract %slice3A_1217[0] : f32 from vector<1xf32>
        %mul3A_1219 = vector.broadcast %squeeze3A_1218 : f32 to vector<16xf32>
        %mul3A_1220 = arith.mulf %max3A_1216, %mul3A_1219 : vector<16xf32>
        %add3A_1221 = arith.addf %add3A_1149, %mul3A_1220 : vector<16xf32>
        %broadcast_in_dim3A_1222 = arith.constant 37 : i32
        %broadcast_in_dim3A_1223 = vector.broadcast %broadcast_in_dim3A_1222 : i32 to vector<16xi32>
        %gather3A_1224 = tpu.vector_load_idx %arg20[%add3A_527, %broadcast_in_dim3A_1223] : memref<128x64xf32, #tpu.memory_space<vmem>>[vector<16xi32>, vector<16xi32>], vector<16xf32>,
        %gather3A_1225 = tpu.vector_load_idx %arg21[%add3A_527, %broadcast_in_dim3A_1223] : memref<128x64xf32, #tpu.memory_space<vmem>>[vector<16xi32>, vector<16xi32>], vector<16xf32>,
        %add3A_1226 = arith.addf %gather3A_1224, %gather3A_1225 : vector<16xf32>
        %mul3A_1227 = arith.mulf %add3A_1226, %mul3A_536 : vector<16xf32>
        %slice3A_1228 = vector.extract_strided_slice %get3A_1129 {offsets = [5], sizes = [1], strides = [1]} : vector<16xf32> to vector<1xf32>
        %squeeze3A_1229 = vector.extract %slice3A_1228[0] : f32 from vector<1xf32>
        %add3A_1230 = vector.broadcast %squeeze3A_1229 : f32 to vector<16xf32>
        %add3A_1231 = arith.addf %mul3A_1227, %add3A_1230 : vector<16xf32>
        %max3A_1232 = arith.constant 0.000000e+00 : f32
        %max3A_1233 = vector.broadcast %max3A_1232 : f32 to vector<16xf32>
        %max3A_1234 = arith.maximumf %add3A_1231, %max3A_1233 : vector<16xf32>
        %slice3A_1235 = vector.extract_strided_slice %get3A_1131 {offsets = [5], sizes = [1], strides = [1]} : vector<16xf32> to vector<1xf32>
        %squeeze3A_1236 = vector.extract %slice3A_1235[0] : f32 from vector<1xf32>
        %mul3A_1237 = vector.broadcast %squeeze3A_1236 : f32 to vector<16xf32>
        %mul3A_1238 = arith.mulf %max3A_1234, %mul3A_1237 : vector<16xf32>
        %add3A_1239 = arith.addf %add3A_1167, %mul3A_1238 : vector<16xf32>
        %broadcast_in_dim3A_1240 = arith.constant 38 : i32
        %broadcast_in_dim3A_1241 = vector.broadcast %broadcast_in_dim3A_1240 : i32 to vector<16xi32>
        %gather3A_1242 = tpu.vector_load_idx %arg20[%add3A_527, %broadcast_in_dim3A_1241] : memref<128x64xf32, #tpu.memory_space<vmem>>[vector<16xi32>, vector<16xi32>], vector<16xf32>,
        %gather3A_1243 = tpu.vector_load_idx %arg21[%add3A_527, %broadcast_in_dim3A_1241] : memref<128x64xf32, #tpu.memory_space<vmem>>[vector<16xi32>, vector<16xi32>], vector<16xf32>,
        %add3A_1244 = arith.addf %gather3A_1242, %gather3A_1243 : vector<16xf32>
        %mul3A_1245 = arith.mulf %add3A_1244, %mul3A_536 : vector<16xf32>
        %slice3A_1246 = vector.extract_strided_slice %get3A_1129 {offsets = [6], sizes = [1], strides = [1]} : vector<16xf32> to vector<1xf32>
        %squeeze3A_1247 = vector.extract %slice3A_1246[0] : f32 from vector<1xf32>
        %add3A_1248 = vector.broadcast %squeeze3A_1247 : f32 to vector<16xf32>
        %add3A_1249 = arith.addf %mul3A_1245, %add3A_1248 : vector<16xf32>
        %max3A_1250 = arith.constant 0.000000e+00 : f32
        %max3A_1251 = vector.broadcast %max3A_1250 : f32 to vector<16xf32>
        %max3A_1252 = arith.maximumf %add3A_1249, %max3A_1251 : vector<16xf32>
        %slice3A_1253 = vector.extract_strided_slice %get3A_1131 {offsets = [6], sizes = [1], strides = [1]} : vector<16xf32> to vector<1xf32>
        %squeeze3A_1254 = vector.extract %slice3A_1253[0] : f32 from vector<1xf32>
        %mul3A_1255 = vector.broadcast %squeeze3A_1254 : f32 to vector<16xf32>
        %mul3A_1256 = arith.mulf %max3A_1252, %mul3A_1255 : vector<16xf32>
        %add3A_1257 = arith.addf %add3A_1185, %mul3A_1256 : vector<16xf32>
        %broadcast_in_dim3A_1258 = arith.constant 39 : i32
        %broadcast_in_dim3A_1259 = vector.broadcast %broadcast_in_dim3A_1258 : i32 to vector<16xi32>
        %gather3A_1260 = tpu.vector_load_idx %arg20[%add3A_527, %broadcast_in_dim3A_1259] : memref<128x64xf32, #tpu.memory_space<vmem>>[vector<16xi32>, vector<16xi32>], vector<16xf32>,
        %gather3A_1261 = tpu.vector_load_idx %arg21[%add3A_527, %broadcast_in_dim3A_1259] : memref<128x64xf32, #tpu.memory_space<vmem>>[vector<16xi32>, vector<16xi32>], vector<16xf32>,
        %add3A_1262 = arith.addf %gather3A_1260, %gather3A_1261 : vector<16xf32>
        %mul3A_1263 = arith.mulf %add3A_1262, %mul3A_536 : vector<16xf32>
        %slice3A_1264 = vector.extract_strided_slice %get3A_1129 {offsets = [7], sizes = [1], strides = [1]} : vector<16xf32> to vector<1xf32>
        %squeeze3A_1265 = vector.extract %slice3A_1264[0] : f32 from vector<1xf32>
        %add3A_1266 = vector.broadcast %squeeze3A_1265 : f32 to vector<16xf32>
        %add3A_1267 = arith.addf %mul3A_1263, %add3A_1266 : vector<16xf32>
        %max3A_1268 = arith.constant 0.000000e+00 : f32
        %max3A_1269 = vector.broadcast %max3A_1268 : f32 to vector<16xf32>
        %max3A_1270 = arith.maximumf %add3A_1267, %max3A_1269 : vector<16xf32>
        %slice3A_1271 = vector.extract_strided_slice %get3A_1131 {offsets = [7], sizes = [1], strides = [1]} : vector<16xf32> to vector<1xf32>
        %squeeze3A_1272 = vector.extract %slice3A_1271[0] : f32 from vector<1xf32>
        %mul3A_1273 = vector.broadcast %squeeze3A_1272 : f32 to vector<16xf32>
        %mul3A_1274 = arith.mulf %max3A_1270, %mul3A_1273 : vector<16xf32>
        %add3A_1275 = arith.addf %add3A_1203, %mul3A_1274 : vector<16xf32>
        %broadcast_in_dim3A_1276 = arith.constant 40 : i32
        %broadcast_in_dim3A_1277 = vector.broadcast %broadcast_in_dim3A_1276 : i32 to vector<16xi32>
        %gather3A_1278 = tpu.vector_load_idx %arg20[%add3A_527, %broadcast_in_dim3A_1277] : memref<128x64xf32, #tpu.memory_space<vmem>>[vector<16xi32>, vector<16xi32>], vector<16xf32>,
        %gather3A_1279 = tpu.vector_load_idx %arg21[%add3A_527, %broadcast_in_dim3A_1277] : memref<128x64xf32, #tpu.memory_space<vmem>>[vector<16xi32>, vector<16xi32>], vector<16xf32>,
        %add3A_1280 = arith.addf %gather3A_1278, %gather3A_1279 : vector<16xf32>
        %mul3A_1281 = arith.mulf %add3A_1280, %mul3A_536 : vector<16xf32>
        %slice3A_1282 = vector.extract_strided_slice %get3A_1129 {offsets = [8], sizes = [1], strides = [1]} : vector<16xf32> to vector<1xf32>
        %squeeze3A_1283 = vector.extract %slice3A_1282[0] : f32 from vector<1xf32>
        %add3A_1284 = vector.broadcast %squeeze3A_1283 : f32 to vector<16xf32>
        %add3A_1285 = arith.addf %mul3A_1281, %add3A_1284 : vector<16xf32>
        %max3A_1286 = arith.constant 0.000000e+00 : f32
        %max3A_1287 = vector.broadcast %max3A_1286 : f32 to vector<16xf32>
        %max3A_1288 = arith.maximumf %add3A_1285, %max3A_1287 : vector<16xf32>
        %slice3A_1289 = vector.extract_strided_slice %get3A_1131 {offsets = [8], sizes = [1], strides = [1]} : vector<16xf32> to vector<1xf32>
        %squeeze3A_1290 = vector.extract %slice3A_1289[0] : f32 from vector<1xf32>
        %mul3A_1291 = vector.broadcast %squeeze3A_1290 : f32 to vector<16xf32>
        %mul3A_1292 = arith.mulf %max3A_1288, %mul3A_1291 : vector<16xf32>
        %add3A_1293 = arith.addf %add3A_1221, %mul3A_1292 : vector<16xf32>
        %broadcast_in_dim3A_1294 = arith.constant 41 : i32
        %broadcast_in_dim3A_1295 = vector.broadcast %broadcast_in_dim3A_1294 : i32 to vector<16xi32>
        %gather3A_1296 = tpu.vector_load_idx %arg20[%add3A_527, %broadcast_in_dim3A_1295] : memref<128x64xf32, #tpu.memory_space<vmem>>[vector<16xi32>, vector<16xi32>], vector<16xf32>,
        %gather3A_1297 = tpu.vector_load_idx %arg21[%add3A_527, %broadcast_in_dim3A_1295] : memref<128x64xf32, #tpu.memory_space<vmem>>[vector<16xi32>, vector<16xi32>], vector<16xf32>,
        %add3A_1298 = arith.addf %gather3A_1296, %gather3A_1297 : vector<16xf32>
        %mul3A_1299 = arith.mulf %add3A_1298, %mul3A_536 : vector<16xf32>
        %slice3A_1300 = vector.extract_strided_slice %get3A_1129 {offsets = [9], sizes = [1], strides = [1]} : vector<16xf32> to vector<1xf32>
        %squeeze3A_1301 = vector.extract %slice3A_1300[0] : f32 from vector<1xf32>
        %add3A_1302 = vector.broadcast %squeeze3A_1301 : f32 to vector<16xf32>
        %add3A_1303 = arith.addf %mul3A_1299, %add3A_1302 : vector<16xf32>
        %max3A_1304 = arith.constant 0.000000e+00 : f32
        %max3A_1305 = vector.broadcast %max3A_1304 : f32 to vector<16xf32>
        %max3A_1306 = arith.maximumf %add3A_1303, %max3A_1305 : vector<16xf32>
        %slice3A_1307 = vector.extract_strided_slice %get3A_1131 {offsets = [9], sizes = [1], strides = [1]} : vector<16xf32> to vector<1xf32>
        %squeeze3A_1308 = vector.extract %slice3A_1307[0] : f32 from vector<1xf32>
        %mul3A_1309 = vector.broadcast %squeeze3A_1308 : f32 to vector<16xf32>
        %mul3A_1310 = arith.mulf %max3A_1306, %mul3A_1309 : vector<16xf32>
        %add3A_1311 = arith.addf %add3A_1239, %mul3A_1310 : vector<16xf32>
        %broadcast_in_dim3A_1312 = arith.constant 42 : i32
        %broadcast_in_dim3A_1313 = vector.broadcast %broadcast_in_dim3A_1312 : i32 to vector<16xi32>
        %gather3A_1314 = tpu.vector_load_idx %arg20[%add3A_527, %broadcast_in_dim3A_1313] : memref<128x64xf32, #tpu.memory_space<vmem>>[vector<16xi32>, vector<16xi32>], vector<16xf32>,
        %gather3A_1315 = tpu.vector_load_idx %arg21[%add3A_527, %broadcast_in_dim3A_1313] : memref<128x64xf32, #tpu.memory_space<vmem>>[vector<16xi32>, vector<16xi32>], vector<16xf32>,
        %add3A_1316 = arith.addf %gather3A_1314, %gather3A_1315 : vector<16xf32>
        %mul3A_1317 = arith.mulf %add3A_1316, %mul3A_536 : vector<16xf32>
        %slice3A_1318 = vector.extract_strided_slice %get3A_1129 {offsets = [10], sizes = [1], strides = [1]} : vector<16xf32> to vector<1xf32>
        %squeeze3A_1319 = vector.extract %slice3A_1318[0] : f32 from vector<1xf32>
        %add3A_1320 = vector.broadcast %squeeze3A_1319 : f32 to vector<16xf32>
        %add3A_1321 = arith.addf %mul3A_1317, %add3A_1320 : vector<16xf32>
        %max3A_1322 = arith.constant 0.000000e+00 : f32
        %max3A_1323 = vector.broadcast %max3A_1322 : f32 to vector<16xf32>
        %max3A_1324 = arith.maximumf %add3A_1321, %max3A_1323 : vector<16xf32>
        %slice3A_1325 = vector.extract_strided_slice %get3A_1131 {offsets = [10], sizes = [1], strides = [1]} : vector<16xf32> to vector<1xf32>
        %squeeze3A_1326 = vector.extract %slice3A_1325[0] : f32 from vector<1xf32>
        %mul3A_1327 = vector.broadcast %squeeze3A_1326 : f32 to vector<16xf32>
        %mul3A_1328 = arith.mulf %max3A_1324, %mul3A_1327 : vector<16xf32>
        %add3A_1329 = arith.addf %add3A_1257, %mul3A_1328 : vector<16xf32>
        %broadcast_in_dim3A_1330 = arith.constant 43 : i32
        %broadcast_in_dim3A_1331 = vector.broadcast %broadcast_in_dim3A_1330 : i32 to vector<16xi32>
        %gather3A_1332 = tpu.vector_load_idx %arg20[%add3A_527, %broadcast_in_dim3A_1331] : memref<128x64xf32, #tpu.memory_space<vmem>>[vector<16xi32>, vector<16xi32>], vector<16xf32>,
        %gather3A_1333 = tpu.vector_load_idx %arg21[%add3A_527, %broadcast_in_dim3A_1331] : memref<128x64xf32, #tpu.memory_space<vmem>>[vector<16xi32>, vector<16xi32>], vector<16xf32>,
        %add3A_1334 = arith.addf %gather3A_1332, %gather3A_1333 : vector<16xf32>
        %mul3A_1335 = arith.mulf %add3A_1334, %mul3A_536 : vector<16xf32>
        %slice3A_1336 = vector.extract_strided_slice %get3A_1129 {offsets = [11], sizes = [1], strides = [1]} : vector<16xf32> to vector<1xf32>
        %squeeze3A_1337 = vector.extract %slice3A_1336[0] : f32 from vector<1xf32>
        %add3A_1338 = vector.broadcast %squeeze3A_1337 : f32 to vector<16xf32>
        %add3A_1339 = arith.addf %mul3A_1335, %add3A_1338 : vector<16xf32>
        %max3A_1340 = arith.constant 0.000000e+00 : f32
        %max3A_1341 = vector.broadcast %max3A_1340 : f32 to vector<16xf32>
        %max3A_1342 = arith.maximumf %add3A_1339, %max3A_1341 : vector<16xf32>
        %slice3A_1343 = vector.extract_strided_slice %get3A_1131 {offsets = [11], sizes = [1], strides = [1]} : vector<16xf32> to vector<1xf32>
        %squeeze3A_1344 = vector.extract %slice3A_1343[0] : f32 from vector<1xf32>
        %mul3A_1345 = vector.broadcast %squeeze3A_1344 : f32 to vector<16xf32>
        %mul3A_1346 = arith.mulf %max3A_1342, %mul3A_1345 : vector<16xf32>
        %add3A_1347 = arith.addf %add3A_1275, %mul3A_1346 : vector<16xf32>
        %broadcast_in_dim3A_1348 = arith.constant 44 : i32
        %broadcast_in_dim3A_1349 = vector.broadcast %broadcast_in_dim3A_1348 : i32 to vector<16xi32>
        %gather3A_1350 = tpu.vector_load_idx %arg20[%add3A_527, %broadcast_in_dim3A_1349] : memref<128x64xf32, #tpu.memory_space<vmem>>[vector<16xi32>, vector<16xi32>], vector<16xf32>,
        %gather3A_1351 = tpu.vector_load_idx %arg21[%add3A_527, %broadcast_in_dim3A_1349] : memref<128x64xf32, #tpu.memory_space<vmem>>[vector<16xi32>, vector<16xi32>], vector<16xf32>,
        %add3A_1352 = arith.addf %gather3A_1350, %gather3A_1351 : vector<16xf32>
        %mul3A_1353 = arith.mulf %add3A_1352, %mul3A_536 : vector<16xf32>
        %slice3A_1354 = vector.extract_strided_slice %get3A_1129 {offsets = [12], sizes = [1], strides = [1]} : vector<16xf32> to vector<1xf32>
        %squeeze3A_1355 = vector.extract %slice3A_1354[0] : f32 from vector<1xf32>
        %add3A_1356 = vector.broadcast %squeeze3A_1355 : f32 to vector<16xf32>
        %add3A_1357 = arith.addf %mul3A_1353, %add3A_1356 : vector<16xf32>
        %max3A_1358 = arith.constant 0.000000e+00 : f32
        %max3A_1359 = vector.broadcast %max3A_1358 : f32 to vector<16xf32>
        %max3A_1360 = arith.maximumf %add3A_1357, %max3A_1359 : vector<16xf32>
        %slice3A_1361 = vector.extract_strided_slice %get3A_1131 {offsets = [12], sizes = [1], strides = [1]} : vector<16xf32> to vector<1xf32>
        %squeeze3A_1362 = vector.extract %slice3A_1361[0] : f32 from vector<1xf32>
        %mul3A_1363 = vector.broadcast %squeeze3A_1362 : f32 to vector<16xf32>
        %mul3A_1364 = arith.mulf %max3A_1360, %mul3A_1363 : vector<16xf32>
        %add3A_1365 = arith.addf %add3A_1293, %mul3A_1364 : vector<16xf32>
        %broadcast_in_dim3A_1366 = arith.constant 45 : i32
        %broadcast_in_dim3A_1367 = vector.broadcast %broadcast_in_dim3A_1366 : i32 to vector<16xi32>
        %gather3A_1368 = tpu.vector_load_idx %arg20[%add3A_527, %broadcast_in_dim3A_1367] : memref<128x64xf32, #tpu.memory_space<vmem>>[vector<16xi32>, vector<16xi32>], vector<16xf32>,
        %gather3A_1369 = tpu.vector_load_idx %arg21[%add3A_527, %broadcast_in_dim3A_1367] : memref<128x64xf32, #tpu.memory_space<vmem>>[vector<16xi32>, vector<16xi32>], vector<16xf32>,
        %add3A_1370 = arith.addf %gather3A_1368, %gather3A_1369 : vector<16xf32>
        %mul3A_1371 = arith.mulf %add3A_1370, %mul3A_536 : vector<16xf32>
        %slice3A_1372 = vector.extract_strided_slice %get3A_1129 {offsets = [13], sizes = [1], strides = [1]} : vector<16xf32> to vector<1xf32>
        %squeeze3A_1373 = vector.extract %slice3A_1372[0] : f32 from vector<1xf32>
        %add3A_1374 = vector.broadcast %squeeze3A_1373 : f32 to vector<16xf32>
        %add3A_1375 = arith.addf %mul3A_1371, %add3A_1374 : vector<16xf32>
        %max3A_1376 = arith.constant 0.000000e+00 : f32
        %max3A_1377 = vector.broadcast %max3A_1376 : f32 to vector<16xf32>
        %max3A_1378 = arith.maximumf %add3A_1375, %max3A_1377 : vector<16xf32>
        %slice3A_1379 = vector.extract_strided_slice %get3A_1131 {offsets = [13], sizes = [1], strides = [1]} : vector<16xf32> to vector<1xf32>
        %squeeze3A_1380 = vector.extract %slice3A_1379[0] : f32 from vector<1xf32>
        %mul3A_1381 = vector.broadcast %squeeze3A_1380 : f32 to vector<16xf32>
        %mul3A_1382 = arith.mulf %max3A_1378, %mul3A_1381 : vector<16xf32>
        %add3A_1383 = arith.addf %add3A_1311, %mul3A_1382 : vector<16xf32>
        %broadcast_in_dim3A_1384 = arith.constant 46 : i32
        %broadcast_in_dim3A_1385 = vector.broadcast %broadcast_in_dim3A_1384 : i32 to vector<16xi32>
        %gather3A_1386 = tpu.vector_load_idx %arg20[%add3A_527, %broadcast_in_dim3A_1385] : memref<128x64xf32, #tpu.memory_space<vmem>>[vector<16xi32>, vector<16xi32>], vector<16xf32>,
        %gather3A_1387 = tpu.vector_load_idx %arg21[%add3A_527, %broadcast_in_dim3A_1385] : memref<128x64xf32, #tpu.memory_space<vmem>>[vector<16xi32>, vector<16xi32>], vector<16xf32>,
        %add3A_1388 = arith.addf %gather3A_1386, %gather3A_1387 : vector<16xf32>
        %mul3A_1389 = arith.mulf %add3A_1388, %mul3A_536 : vector<16xf32>
        %slice3A_1390 = vector.extract_strided_slice %get3A_1129 {offsets = [14], sizes = [1], strides = [1]} : vector<16xf32> to vector<1xf32>
        %squeeze3A_1391 = vector.extract %slice3A_1390[0] : f32 from vector<1xf32>
        %add3A_1392 = vector.broadcast %squeeze3A_1391 : f32 to vector<16xf32>
        %add3A_1393 = arith.addf %mul3A_1389, %add3A_1392 : vector<16xf32>
        %max3A_1394 = arith.constant 0.000000e+00 : f32
        %max3A_1395 = vector.broadcast %max3A_1394 : f32 to vector<16xf32>
        %max3A_1396 = arith.maximumf %add3A_1393, %max3A_1395 : vector<16xf32>
        %slice3A_1397 = vector.extract_strided_slice %get3A_1131 {offsets = [14], sizes = [1], strides = [1]} : vector<16xf32> to vector<1xf32>
        %squeeze3A_1398 = vector.extract %slice3A_1397[0] : f32 from vector<1xf32>
        %mul3A_1399 = vector.broadcast %squeeze3A_1398 : f32 to vector<16xf32>
        %mul3A_1400 = arith.mulf %max3A_1396, %mul3A_1399 : vector<16xf32>
        %add3A_1401 = arith.addf %add3A_1329, %mul3A_1400 : vector<16xf32>
        %broadcast_in_dim3A_1402 = arith.constant 47 : i32
        %broadcast_in_dim3A_1403 = vector.broadcast %broadcast_in_dim3A_1402 : i32 to vector<16xi32>
        %gather3A_1404 = tpu.vector_load_idx %arg20[%add3A_527, %broadcast_in_dim3A_1403] : memref<128x64xf32, #tpu.memory_space<vmem>>[vector<16xi32>, vector<16xi32>], vector<16xf32>,
        %gather3A_1405 = tpu.vector_load_idx %arg21[%add3A_527, %broadcast_in_dim3A_1403] : memref<128x64xf32, #tpu.memory_space<vmem>>[vector<16xi32>, vector<16xi32>], vector<16xf32>,
        %add3A_1406 = arith.addf %gather3A_1404, %gather3A_1405 : vector<16xf32>
        %mul3A_1407 = arith.mulf %add3A_1406, %mul3A_536 : vector<16xf32>
        %slice3A_1408 = vector.extract_strided_slice %get3A_1129 {offsets = [15], sizes = [1], strides = [1]} : vector<16xf32> to vector<1xf32>
        %squeeze3A_1409 = vector.extract %slice3A_1408[0] : f32 from vector<1xf32>
        %add3A_1410 = vector.broadcast %squeeze3A_1409 : f32 to vector<16xf32>
        %add3A_1411 = arith.addf %mul3A_1407, %add3A_1410 : vector<16xf32>
        %max3A_1412 = arith.constant 0.000000e+00 : f32
        %max3A_1413 = vector.broadcast %max3A_1412 : f32 to vector<16xf32>
        %max3A_1414 = arith.maximumf %add3A_1411, %max3A_1413 : vector<16xf32>
        %slice3A_1415 = vector.extract_strided_slice %get3A_1131 {offsets = [15], sizes = [1], strides = [1]} : vector<16xf32> to vector<1xf32>
        %squeeze3A_1416 = vector.extract %slice3A_1415[0] : f32 from vector<1xf32>
        %mul3A_1417 = vector.broadcast %squeeze3A_1416 : f32 to vector<16xf32>
        %mul3A_1418 = arith.mulf %max3A_1414, %mul3A_1417 : vector<16xf32>
        %add3A_1419 = arith.addf %add3A_1347, %mul3A_1418 : vector<16xf32>
        %get3A_1420 = arith.constant 48 : index
        %get3A_1421 = tpu.vector_load %arg23[%get3A_1420] {strides = array<i32>} : memref<144xf32, #tpu.memory_space<vmem>>, vector<16xf32>,
        %get3A_1422 = arith.constant 112 : index
        %get3A_1423 = tpu.vector_load %arg23[%get3A_1422] {strides = array<i32>} : memref<144xf32, #tpu.memory_space<vmem>>, vector<16xf32>,
        %broadcast_in_dim3A_1424 = arith.constant 48 : i32
        %broadcast_in_dim3A_1425 = vector.broadcast %broadcast_in_dim3A_1424 : i32 to vector<16xi32>
        %gather3A_1426 = tpu.vector_load_idx %arg20[%add3A_527, %broadcast_in_dim3A_1425] : memref<128x64xf32, #tpu.memory_space<vmem>>[vector<16xi32>, vector<16xi32>], vector<16xf32>,
        %gather3A_1427 = tpu.vector_load_idx %arg21[%add3A_527, %broadcast_in_dim3A_1425] : memref<128x64xf32, #tpu.memory_space<vmem>>[vector<16xi32>, vector<16xi32>], vector<16xf32>,
        %add3A_1428 = arith.addf %gather3A_1426, %gather3A_1427 : vector<16xf32>
        %mul3A_1429 = arith.mulf %add3A_1428, %mul3A_536 : vector<16xf32>
        %slice3A_1430 = vector.extract_strided_slice %get3A_1421 {offsets = [0], sizes = [1], strides = [1]} : vector<16xf32> to vector<1xf32>
        %squeeze3A_1431 = vector.extract %slice3A_1430[0] : f32 from vector<1xf32>
        %add3A_1432 = vector.broadcast %squeeze3A_1431 : f32 to vector<16xf32>
        %add3A_1433 = arith.addf %mul3A_1429, %add3A_1432 : vector<16xf32>
        %max3A_1434 = arith.constant 0.000000e+00 : f32
        %max3A_1435 = vector.broadcast %max3A_1434 : f32 to vector<16xf32>
        %max3A_1436 = arith.maximumf %add3A_1433, %max3A_1435 : vector<16xf32>
        %slice3A_1437 = vector.extract_strided_slice %get3A_1423 {offsets = [0], sizes = [1], strides = [1]} : vector<16xf32> to vector<1xf32>
        %squeeze3A_1438 = vector.extract %slice3A_1437[0] : f32 from vector<1xf32>
        %mul3A_1439 = vector.broadcast %squeeze3A_1438 : f32 to vector<16xf32>
        %mul3A_1440 = arith.mulf %max3A_1436, %mul3A_1439 : vector<16xf32>
        %add3A_1441 = arith.addf %add3A_1365, %mul3A_1440 : vector<16xf32>
        %broadcast_in_dim3A_1442 = arith.constant 49 : i32
        %broadcast_in_dim3A_1443 = vector.broadcast %broadcast_in_dim3A_1442 : i32 to vector<16xi32>
        %gather3A_1444 = tpu.vector_load_idx %arg20[%add3A_527, %broadcast_in_dim3A_1443] : memref<128x64xf32, #tpu.memory_space<vmem>>[vector<16xi32>, vector<16xi32>], vector<16xf32>,
        %gather3A_1445 = tpu.vector_load_idx %arg21[%add3A_527, %broadcast_in_dim3A_1443] : memref<128x64xf32, #tpu.memory_space<vmem>>[vector<16xi32>, vector<16xi32>], vector<16xf32>,
        %add3A_1446 = arith.addf %gather3A_1444, %gather3A_1445 : vector<16xf32>
        %mul3A_1447 = arith.mulf %add3A_1446, %mul3A_536 : vector<16xf32>
        %slice3A_1448 = vector.extract_strided_slice %get3A_1421 {offsets = [1], sizes = [1], strides = [1]} : vector<16xf32> to vector<1xf32>
        %squeeze3A_1449 = vector.extract %slice3A_1448[0] : f32 from vector<1xf32>
        %add3A_1450 = vector.broadcast %squeeze3A_1449 : f32 to vector<16xf32>
        %add3A_1451 = arith.addf %mul3A_1447, %add3A_1450 : vector<16xf32>
        %max3A_1452 = arith.constant 0.000000e+00 : f32
        %max3A_1453 = vector.broadcast %max3A_1452 : f32 to vector<16xf32>
        %max3A_1454 = arith.maximumf %add3A_1451, %max3A_1453 : vector<16xf32>
        %slice3A_1455 = vector.extract_strided_slice %get3A_1423 {offsets = [1], sizes = [1], strides = [1]} : vector<16xf32> to vector<1xf32>
        %squeeze3A_1456 = vector.extract %slice3A_1455[0] : f32 from vector<1xf32>
        %mul3A_1457 = vector.broadcast %squeeze3A_1456 : f32 to vector<16xf32>
        %mul3A_1458 = arith.mulf %max3A_1454, %mul3A_1457 : vector<16xf32>
        %add3A_1459 = arith.addf %add3A_1383, %mul3A_1458 : vector<16xf32>
        %broadcast_in_dim3A_1460 = arith.constant 50 : i32
        %broadcast_in_dim3A_1461 = vector.broadcast %broadcast_in_dim3A_1460 : i32 to vector<16xi32>
        %gather3A_1462 = tpu.vector_load_idx %arg20[%add3A_527, %broadcast_in_dim3A_1461] : memref<128x64xf32, #tpu.memory_space<vmem>>[vector<16xi32>, vector<16xi32>], vector<16xf32>,
        %gather3A_1463 = tpu.vector_load_idx %arg21[%add3A_527, %broadcast_in_dim3A_1461] : memref<128x64xf32, #tpu.memory_space<vmem>>[vector<16xi32>, vector<16xi32>], vector<16xf32>,
        %add3A_1464 = arith.addf %gather3A_1462, %gather3A_1463 : vector<16xf32>
        %mul3A_1465 = arith.mulf %add3A_1464, %mul3A_536 : vector<16xf32>
        %slice3A_1466 = vector.extract_strided_slice %get3A_1421 {offsets = [2], sizes = [1], strides = [1]} : vector<16xf32> to vector<1xf32>
        %squeeze3A_1467 = vector.extract %slice3A_1466[0] : f32 from vector<1xf32>
        %add3A_1468 = vector.broadcast %squeeze3A_1467 : f32 to vector<16xf32>
        %add3A_1469 = arith.addf %mul3A_1465, %add3A_1468 : vector<16xf32>
        %max3A_1470 = arith.constant 0.000000e+00 : f32
        %max3A_1471 = vector.broadcast %max3A_1470 : f32 to vector<16xf32>
        %max3A_1472 = arith.maximumf %add3A_1469, %max3A_1471 : vector<16xf32>
        %slice3A_1473 = vector.extract_strided_slice %get3A_1423 {offsets = [2], sizes = [1], strides = [1]} : vector<16xf32> to vector<1xf32>
        %squeeze3A_1474 = vector.extract %slice3A_1473[0] : f32 from vector<1xf32>
        %mul3A_1475 = vector.broadcast %squeeze3A_1474 : f32 to vector<16xf32>
        %mul3A_1476 = arith.mulf %max3A_1472, %mul3A_1475 : vector<16xf32>
        %add3A_1477 = arith.addf %add3A_1401, %mul3A_1476 : vector<16xf32>
        %broadcast_in_dim3A_1478 = arith.constant 51 : i32
        %broadcast_in_dim3A_1479 = vector.broadcast %broadcast_in_dim3A_1478 : i32 to vector<16xi32>
        %gather3A_1480 = tpu.vector_load_idx %arg20[%add3A_527, %broadcast_in_dim3A_1479] : memref<128x64xf32, #tpu.memory_space<vmem>>[vector<16xi32>, vector<16xi32>], vector<16xf32>,
        %gather3A_1481 = tpu.vector_load_idx %arg21[%add3A_527, %broadcast_in_dim3A_1479] : memref<128x64xf32, #tpu.memory_space<vmem>>[vector<16xi32>, vector<16xi32>], vector<16xf32>,
        %add3A_1482 = arith.addf %gather3A_1480, %gather3A_1481 : vector<16xf32>
        %mul3A_1483 = arith.mulf %add3A_1482, %mul3A_536 : vector<16xf32>
        %slice3A_1484 = vector.extract_strided_slice %get3A_1421 {offsets = [3], sizes = [1], strides = [1]} : vector<16xf32> to vector<1xf32>
        %squeeze3A_1485 = vector.extract %slice3A_1484[0] : f32 from vector<1xf32>
        %add3A_1486 = vector.broadcast %squeeze3A_1485 : f32 to vector<16xf32>
        %add3A_1487 = arith.addf %mul3A_1483, %add3A_1486 : vector<16xf32>
        %max3A_1488 = arith.constant 0.000000e+00 : f32
        %max3A_1489 = vector.broadcast %max3A_1488 : f32 to vector<16xf32>
        %max3A_1490 = arith.maximumf %add3A_1487, %max3A_1489 : vector<16xf32>
        %slice3A_1491 = vector.extract_strided_slice %get3A_1423 {offsets = [3], sizes = [1], strides = [1]} : vector<16xf32> to vector<1xf32>
        %squeeze3A_1492 = vector.extract %slice3A_1491[0] : f32 from vector<1xf32>
        %mul3A_1493 = vector.broadcast %squeeze3A_1492 : f32 to vector<16xf32>
        %mul3A_1494 = arith.mulf %max3A_1490, %mul3A_1493 : vector<16xf32>
        %add3A_1495 = arith.addf %add3A_1419, %mul3A_1494 : vector<16xf32>
        %broadcast_in_dim3A_1496 = arith.constant 52 : i32
        %broadcast_in_dim3A_1497 = vector.broadcast %broadcast_in_dim3A_1496 : i32 to vector<16xi32>
        %gather3A_1498 = tpu.vector_load_idx %arg20[%add3A_527, %broadcast_in_dim3A_1497] : memref<128x64xf32, #tpu.memory_space<vmem>>[vector<16xi32>, vector<16xi32>], vector<16xf32>,
        %gather3A_1499 = tpu.vector_load_idx %arg21[%add3A_527, %broadcast_in_dim3A_1497] : memref<128x64xf32, #tpu.memory_space<vmem>>[vector<16xi32>, vector<16xi32>], vector<16xf32>,
        %add3A_1500 = arith.addf %gather3A_1498, %gather3A_1499 : vector<16xf32>
        %mul3A_1501 = arith.mulf %add3A_1500, %mul3A_536 : vector<16xf32>
        %slice3A_1502 = vector.extract_strided_slice %get3A_1421 {offsets = [4], sizes = [1], strides = [1]} : vector<16xf32> to vector<1xf32>
        %squeeze3A_1503 = vector.extract %slice3A_1502[0] : f32 from vector<1xf32>
        %add3A_1504 = vector.broadcast %squeeze3A_1503 : f32 to vector<16xf32>
        %add3A_1505 = arith.addf %mul3A_1501, %add3A_1504 : vector<16xf32>
        %max3A_1506 = arith.constant 0.000000e+00 : f32
        %max3A_1507 = vector.broadcast %max3A_1506 : f32 to vector<16xf32>
        %max3A_1508 = arith.maximumf %add3A_1505, %max3A_1507 : vector<16xf32>
        %slice3A_1509 = vector.extract_strided_slice %get3A_1423 {offsets = [4], sizes = [1], strides = [1]} : vector<16xf32> to vector<1xf32>
        %squeeze3A_1510 = vector.extract %slice3A_1509[0] : f32 from vector<1xf32>
        %mul3A_1511 = vector.broadcast %squeeze3A_1510 : f32 to vector<16xf32>
        %mul3A_1512 = arith.mulf %max3A_1508, %mul3A_1511 : vector<16xf32>
        %add3A_1513 = arith.addf %add3A_1441, %mul3A_1512 : vector<16xf32>
        %broadcast_in_dim3A_1514 = arith.constant 53 : i32
        %broadcast_in_dim3A_1515 = vector.broadcast %broadcast_in_dim3A_1514 : i32 to vector<16xi32>
        %gather3A_1516 = tpu.vector_load_idx %arg20[%add3A_527, %broadcast_in_dim3A_1515] : memref<128x64xf32, #tpu.memory_space<vmem>>[vector<16xi32>, vector<16xi32>], vector<16xf32>,
        %gather3A_1517 = tpu.vector_load_idx %arg21[%add3A_527, %broadcast_in_dim3A_1515] : memref<128x64xf32, #tpu.memory_space<vmem>>[vector<16xi32>, vector<16xi32>], vector<16xf32>,
        %add3A_1518 = arith.addf %gather3A_1516, %gather3A_1517 : vector<16xf32>
        %mul3A_1519 = arith.mulf %add3A_1518, %mul3A_536 : vector<16xf32>
        %slice3A_1520 = vector.extract_strided_slice %get3A_1421 {offsets = [5], sizes = [1], strides = [1]} : vector<16xf32> to vector<1xf32>
        %squeeze3A_1521 = vector.extract %slice3A_1520[0] : f32 from vector<1xf32>
        %add3A_1522 = vector.broadcast %squeeze3A_1521 : f32 to vector<16xf32>
        %add3A_1523 = arith.addf %mul3A_1519, %add3A_1522 : vector<16xf32>
        %max3A_1524 = arith.constant 0.000000e+00 : f32
        %max3A_1525 = vector.broadcast %max3A_1524 : f32 to vector<16xf32>
        %max3A_1526 = arith.maximumf %add3A_1523, %max3A_1525 : vector<16xf32>
        %slice3A_1527 = vector.extract_strided_slice %get3A_1423 {offsets = [5], sizes = [1], strides = [1]} : vector<16xf32> to vector<1xf32>
        %squeeze3A_1528 = vector.extract %slice3A_1527[0] : f32 from vector<1xf32>
        %mul3A_1529 = vector.broadcast %squeeze3A_1528 : f32 to vector<16xf32>
        %mul3A_1530 = arith.mulf %max3A_1526, %mul3A_1529 : vector<16xf32>
        %add3A_1531 = arith.addf %add3A_1459, %mul3A_1530 : vector<16xf32>
        %broadcast_in_dim3A_1532 = arith.constant 54 : i32
        %broadcast_in_dim3A_1533 = vector.broadcast %broadcast_in_dim3A_1532 : i32 to vector<16xi32>
        %gather3A_1534 = tpu.vector_load_idx %arg20[%add3A_527, %broadcast_in_dim3A_1533] : memref<128x64xf32, #tpu.memory_space<vmem>>[vector<16xi32>, vector<16xi32>], vector<16xf32>,
        %gather3A_1535 = tpu.vector_load_idx %arg21[%add3A_527, %broadcast_in_dim3A_1533] : memref<128x64xf32, #tpu.memory_space<vmem>>[vector<16xi32>, vector<16xi32>], vector<16xf32>,
        %add3A_1536 = arith.addf %gather3A_1534, %gather3A_1535 : vector<16xf32>
        %mul3A_1537 = arith.mulf %add3A_1536, %mul3A_536 : vector<16xf32>
        %slice3A_1538 = vector.extract_strided_slice %get3A_1421 {offsets = [6], sizes = [1], strides = [1]} : vector<16xf32> to vector<1xf32>
        %squeeze3A_1539 = vector.extract %slice3A_1538[0] : f32 from vector<1xf32>
        %add3A_1540 = vector.broadcast %squeeze3A_1539 : f32 to vector<16xf32>
        %add3A_1541 = arith.addf %mul3A_1537, %add3A_1540 : vector<16xf32>
        %max3A_1542 = arith.constant 0.000000e+00 : f32
        %max3A_1543 = vector.broadcast %max3A_1542 : f32 to vector<16xf32>
        %max3A_1544 = arith.maximumf %add3A_1541, %max3A_1543 : vector<16xf32>
        %slice3A_1545 = vector.extract_strided_slice %get3A_1423 {offsets = [6], sizes = [1], strides = [1]} : vector<16xf32> to vector<1xf32>
        %squeeze3A_1546 = vector.extract %slice3A_1545[0] : f32 from vector<1xf32>
        %mul3A_1547 = vector.broadcast %squeeze3A_1546 : f32 to vector<16xf32>
        %mul3A_1548 = arith.mulf %max3A_1544, %mul3A_1547 : vector<16xf32>
        %add3A_1549 = arith.addf %add3A_1477, %mul3A_1548 : vector<16xf32>
        %broadcast_in_dim3A_1550 = arith.constant 55 : i32
        %broadcast_in_dim3A_1551 = vector.broadcast %broadcast_in_dim3A_1550 : i32 to vector<16xi32>
        %gather3A_1552 = tpu.vector_load_idx %arg20[%add3A_527, %broadcast_in_dim3A_1551] : memref<128x64xf32, #tpu.memory_space<vmem>>[vector<16xi32>, vector<16xi32>], vector<16xf32>,
        %gather3A_1553 = tpu.vector_load_idx %arg21[%add3A_527, %broadcast_in_dim3A_1551] : memref<128x64xf32, #tpu.memory_space<vmem>>[vector<16xi32>, vector<16xi32>], vector<16xf32>,
        %add3A_1554 = arith.addf %gather3A_1552, %gather3A_1553 : vector<16xf32>
        %mul3A_1555 = arith.mulf %add3A_1554, %mul3A_536 : vector<16xf32>
        %slice3A_1556 = vector.extract_strided_slice %get3A_1421 {offsets = [7], sizes = [1], strides = [1]} : vector<16xf32> to vector<1xf32>
        %squeeze3A_1557 = vector.extract %slice3A_1556[0] : f32 from vector<1xf32>
        %add3A_1558 = vector.broadcast %squeeze3A_1557 : f32 to vector<16xf32>
        %add3A_1559 = arith.addf %mul3A_1555, %add3A_1558 : vector<16xf32>
        %max3A_1560 = arith.constant 0.000000e+00 : f32
        %max3A_1561 = vector.broadcast %max3A_1560 : f32 to vector<16xf32>
        %max3A_1562 = arith.maximumf %add3A_1559, %max3A_1561 : vector<16xf32>
        %slice3A_1563 = vector.extract_strided_slice %get3A_1423 {offsets = [7], sizes = [1], strides = [1]} : vector<16xf32> to vector<1xf32>
        %squeeze3A_1564 = vector.extract %slice3A_1563[0] : f32 from vector<1xf32>
        %mul3A_1565 = vector.broadcast %squeeze3A_1564 : f32 to vector<16xf32>
        %mul3A_1566 = arith.mulf %max3A_1562, %mul3A_1565 : vector<16xf32>
        %add3A_1567 = arith.addf %add3A_1495, %mul3A_1566 : vector<16xf32>
        %broadcast_in_dim3A_1568 = arith.constant 56 : i32
        %broadcast_in_dim3A_1569 = vector.broadcast %broadcast_in_dim3A_1568 : i32 to vector<16xi32>
        %gather3A_1570 = tpu.vector_load_idx %arg20[%add3A_527, %broadcast_in_dim3A_1569] : memref<128x64xf32, #tpu.memory_space<vmem>>[vector<16xi32>, vector<16xi32>], vector<16xf32>,
        %gather3A_1571 = tpu.vector_load_idx %arg21[%add3A_527, %broadcast_in_dim3A_1569] : memref<128x64xf32, #tpu.memory_space<vmem>>[vector<16xi32>, vector<16xi32>], vector<16xf32>,
        %add3A_1572 = arith.addf %gather3A_1570, %gather3A_1571 : vector<16xf32>
        %mul3A_1573 = arith.mulf %add3A_1572, %mul3A_536 : vector<16xf32>
        %slice3A_1574 = vector.extract_strided_slice %get3A_1421 {offsets = [8], sizes = [1], strides = [1]} : vector<16xf32> to vector<1xf32>
        %squeeze3A_1575 = vector.extract %slice3A_1574[0] : f32 from vector<1xf32>
        %add3A_1576 = vector.broadcast %squeeze3A_1575 : f32 to vector<16xf32>
        %add3A_1577 = arith.addf %mul3A_1573, %add3A_1576 : vector<16xf32>
        %max3A_1578 = arith.constant 0.000000e+00 : f32
        %max3A_1579 = vector.broadcast %max3A_1578 : f32 to vector<16xf32>
        %max3A_1580 = arith.maximumf %add3A_1577, %max3A_1579 : vector<16xf32>
        %slice3A_1581 = vector.extract_strided_slice %get3A_1423 {offsets = [8], sizes = [1], strides = [1]} : vector<16xf32> to vector<1xf32>
        %squeeze3A_1582 = vector.extract %slice3A_1581[0] : f32 from vector<1xf32>
        %mul3A_1583 = vector.broadcast %squeeze3A_1582 : f32 to vector<16xf32>
        %mul3A_1584 = arith.mulf %max3A_1580, %mul3A_1583 : vector<16xf32>
        %add3A_1585 = arith.addf %add3A_1513, %mul3A_1584 : vector<16xf32>
        %broadcast_in_dim3A_1586 = arith.constant 57 : i32
        %broadcast_in_dim3A_1587 = vector.broadcast %broadcast_in_dim3A_1586 : i32 to vector<16xi32>
        %gather3A_1588 = tpu.vector_load_idx %arg20[%add3A_527, %broadcast_in_dim3A_1587] : memref<128x64xf32, #tpu.memory_space<vmem>>[vector<16xi32>, vector<16xi32>], vector<16xf32>,
        %gather3A_1589 = tpu.vector_load_idx %arg21[%add3A_527, %broadcast_in_dim3A_1587] : memref<128x64xf32, #tpu.memory_space<vmem>>[vector<16xi32>, vector<16xi32>], vector<16xf32>,
        %add3A_1590 = arith.addf %gather3A_1588, %gather3A_1589 : vector<16xf32>
        %mul3A_1591 = arith.mulf %add3A_1590, %mul3A_536 : vector<16xf32>
        %slice3A_1592 = vector.extract_strided_slice %get3A_1421 {offsets = [9], sizes = [1], strides = [1]} : vector<16xf32> to vector<1xf32>
        %squeeze3A_1593 = vector.extract %slice3A_1592[0] : f32 from vector<1xf32>
        %add3A_1594 = vector.broadcast %squeeze3A_1593 : f32 to vector<16xf32>
        %add3A_1595 = arith.addf %mul3A_1591, %add3A_1594 : vector<16xf32>
        %max3A_1596 = arith.constant 0.000000e+00 : f32
        %max3A_1597 = vector.broadcast %max3A_1596 : f32 to vector<16xf32>
        %max3A_1598 = arith.maximumf %add3A_1595, %max3A_1597 : vector<16xf32>
        %slice3A_1599 = vector.extract_strided_slice %get3A_1423 {offsets = [9], sizes = [1], strides = [1]} : vector<16xf32> to vector<1xf32>
        %squeeze3A_1600 = vector.extract %slice3A_1599[0] : f32 from vector<1xf32>
        %mul3A_1601 = vector.broadcast %squeeze3A_1600 : f32 to vector<16xf32>
        %mul3A_1602 = arith.mulf %max3A_1598, %mul3A_1601 : vector<16xf32>
        %add3A_1603 = arith.addf %add3A_1531, %mul3A_1602 : vector<16xf32>
        %broadcast_in_dim3A_1604 = arith.constant 58 : i32
        %broadcast_in_dim3A_1605 = vector.broadcast %broadcast_in_dim3A_1604 : i32 to vector<16xi32>
        %gather3A_1606 = tpu.vector_load_idx %arg20[%add3A_527, %broadcast_in_dim3A_1605] : memref<128x64xf32, #tpu.memory_space<vmem>>[vector<16xi32>, vector<16xi32>], vector<16xf32>,
        %gather3A_1607 = tpu.vector_load_idx %arg21[%add3A_527, %broadcast_in_dim3A_1605] : memref<128x64xf32, #tpu.memory_space<vmem>>[vector<16xi32>, vector<16xi32>], vector<16xf32>,
        %add3A_1608 = arith.addf %gather3A_1606, %gather3A_1607 : vector<16xf32>
        %mul3A_1609 = arith.mulf %add3A_1608, %mul3A_536 : vector<16xf32>
        %slice3A_1610 = vector.extract_strided_slice %get3A_1421 {offsets = [10], sizes = [1], strides = [1]} : vector<16xf32> to vector<1xf32>
        %squeeze3A_1611 = vector.extract %slice3A_1610[0] : f32 from vector<1xf32>
        %add3A_1612 = vector.broadcast %squeeze3A_1611 : f32 to vector<16xf32>
        %add3A_1613 = arith.addf %mul3A_1609, %add3A_1612 : vector<16xf32>
        %max3A_1614 = arith.constant 0.000000e+00 : f32
        %max3A_1615 = vector.broadcast %max3A_1614 : f32 to vector<16xf32>
        %max3A_1616 = arith.maximumf %add3A_1613, %max3A_1615 : vector<16xf32>
        %slice3A_1617 = vector.extract_strided_slice %get3A_1423 {offsets = [10], sizes = [1], strides = [1]} : vector<16xf32> to vector<1xf32>
        %squeeze3A_1618 = vector.extract %slice3A_1617[0] : f32 from vector<1xf32>
        %mul3A_1619 = vector.broadcast %squeeze3A_1618 : f32 to vector<16xf32>
        %mul3A_1620 = arith.mulf %max3A_1616, %mul3A_1619 : vector<16xf32>
        %add3A_1621 = arith.addf %add3A_1549, %mul3A_1620 : vector<16xf32>
        %broadcast_in_dim3A_1622 = arith.constant 59 : i32
        %broadcast_in_dim3A_1623 = vector.broadcast %broadcast_in_dim3A_1622 : i32 to vector<16xi32>
        %gather3A_1624 = tpu.vector_load_idx %arg20[%add3A_527, %broadcast_in_dim3A_1623] : memref<128x64xf32, #tpu.memory_space<vmem>>[vector<16xi32>, vector<16xi32>], vector<16xf32>,
        %gather3A_1625 = tpu.vector_load_idx %arg21[%add3A_527, %broadcast_in_dim3A_1623] : memref<128x64xf32, #tpu.memory_space<vmem>>[vector<16xi32>, vector<16xi32>], vector<16xf32>,
        %add3A_1626 = arith.addf %gather3A_1624, %gather3A_1625 : vector<16xf32>
        %mul3A_1627 = arith.mulf %add3A_1626, %mul3A_536 : vector<16xf32>
        %slice3A_1628 = vector.extract_strided_slice %get3A_1421 {offsets = [11], sizes = [1], strides = [1]} : vector<16xf32> to vector<1xf32>
        %squeeze3A_1629 = vector.extract %slice3A_1628[0] : f32 from vector<1xf32>
        %add3A_1630 = vector.broadcast %squeeze3A_1629 : f32 to vector<16xf32>
        %add3A_1631 = arith.addf %mul3A_1627, %add3A_1630 : vector<16xf32>
        %max3A_1632 = arith.constant 0.000000e+00 : f32
        %max3A_1633 = vector.broadcast %max3A_1632 : f32 to vector<16xf32>
        %max3A_1634 = arith.maximumf %add3A_1631, %max3A_1633 : vector<16xf32>
        %slice3A_1635 = vector.extract_strided_slice %get3A_1423 {offsets = [11], sizes = [1], strides = [1]} : vector<16xf32> to vector<1xf32>
        %squeeze3A_1636 = vector.extract %slice3A_1635[0] : f32 from vector<1xf32>
        %mul3A_1637 = vector.broadcast %squeeze3A_1636 : f32 to vector<16xf32>
        %mul3A_1638 = arith.mulf %max3A_1634, %mul3A_1637 : vector<16xf32>
        %add3A_1639 = arith.addf %add3A_1567, %mul3A_1638 : vector<16xf32>
        %broadcast_in_dim3A_1640 = arith.constant 60 : i32
        %broadcast_in_dim3A_1641 = vector.broadcast %broadcast_in_dim3A_1640 : i32 to vector<16xi32>
        %gather3A_1642 = tpu.vector_load_idx %arg20[%add3A_527, %broadcast_in_dim3A_1641] : memref<128x64xf32, #tpu.memory_space<vmem>>[vector<16xi32>, vector<16xi32>], vector<16xf32>,
        %gather3A_1643 = tpu.vector_load_idx %arg21[%add3A_527, %broadcast_in_dim3A_1641] : memref<128x64xf32, #tpu.memory_space<vmem>>[vector<16xi32>, vector<16xi32>], vector<16xf32>,
        %add3A_1644 = arith.addf %gather3A_1642, %gather3A_1643 : vector<16xf32>
        %mul3A_1645 = arith.mulf %add3A_1644, %mul3A_536 : vector<16xf32>
        %slice3A_1646 = vector.extract_strided_slice %get3A_1421 {offsets = [12], sizes = [1], strides = [1]} : vector<16xf32> to vector<1xf32>
        %squeeze3A_1647 = vector.extract %slice3A_1646[0] : f32 from vector<1xf32>
        %add3A_1648 = vector.broadcast %squeeze3A_1647 : f32 to vector<16xf32>
        %add3A_1649 = arith.addf %mul3A_1645, %add3A_1648 : vector<16xf32>
        %max3A_1650 = arith.constant 0.000000e+00 : f32
        %max3A_1651 = vector.broadcast %max3A_1650 : f32 to vector<16xf32>
        %max3A_1652 = arith.maximumf %add3A_1649, %max3A_1651 : vector<16xf32>
        %slice3A_1653 = vector.extract_strided_slice %get3A_1423 {offsets = [12], sizes = [1], strides = [1]} : vector<16xf32> to vector<1xf32>
        %squeeze3A_1654 = vector.extract %slice3A_1653[0] : f32 from vector<1xf32>
        %mul3A_1655 = vector.broadcast %squeeze3A_1654 : f32 to vector<16xf32>
        %mul3A_1656 = arith.mulf %max3A_1652, %mul3A_1655 : vector<16xf32>
        %add3A_1657 = arith.addf %add3A_1585, %mul3A_1656 : vector<16xf32>
        %broadcast_in_dim3A_1658 = arith.constant 61 : i32
        %broadcast_in_dim3A_1659 = vector.broadcast %broadcast_in_dim3A_1658 : i32 to vector<16xi32>
        %gather3A_1660 = tpu.vector_load_idx %arg20[%add3A_527, %broadcast_in_dim3A_1659] : memref<128x64xf32, #tpu.memory_space<vmem>>[vector<16xi32>, vector<16xi32>], vector<16xf32>,
        %gather3A_1661 = tpu.vector_load_idx %arg21[%add3A_527, %broadcast_in_dim3A_1659] : memref<128x64xf32, #tpu.memory_space<vmem>>[vector<16xi32>, vector<16xi32>], vector<16xf32>,
        %add3A_1662 = arith.addf %gather3A_1660, %gather3A_1661 : vector<16xf32>
        %mul3A_1663 = arith.mulf %add3A_1662, %mul3A_536 : vector<16xf32>
        %slice3A_1664 = vector.extract_strided_slice %get3A_1421 {offsets = [13], sizes = [1], strides = [1]} : vector<16xf32> to vector<1xf32>
        %squeeze3A_1665 = vector.extract %slice3A_1664[0] : f32 from vector<1xf32>
        %add3A_1666 = vector.broadcast %squeeze3A_1665 : f32 to vector<16xf32>
        %add3A_1667 = arith.addf %mul3A_1663, %add3A_1666 : vector<16xf32>
        %max3A_1668 = arith.constant 0.000000e+00 : f32
        %max3A_1669 = vector.broadcast %max3A_1668 : f32 to vector<16xf32>
        %max3A_1670 = arith.maximumf %add3A_1667, %max3A_1669 : vector<16xf32>
        %slice3A_1671 = vector.extract_strided_slice %get3A_1423 {offsets = [13], sizes = [1], strides = [1]} : vector<16xf32> to vector<1xf32>
        %squeeze3A_1672 = vector.extract %slice3A_1671[0] : f32 from vector<1xf32>
        %mul3A_1673 = vector.broadcast %squeeze3A_1672 : f32 to vector<16xf32>
        %mul3A_1674 = arith.mulf %max3A_1670, %mul3A_1673 : vector<16xf32>
        %add3A_1675 = arith.addf %add3A_1603, %mul3A_1674 : vector<16xf32>
        %broadcast_in_dim3A_1676 = arith.constant 62 : i32
        %broadcast_in_dim3A_1677 = vector.broadcast %broadcast_in_dim3A_1676 : i32 to vector<16xi32>
        %gather3A_1678 = tpu.vector_load_idx %arg20[%add3A_527, %broadcast_in_dim3A_1677] : memref<128x64xf32, #tpu.memory_space<vmem>>[vector<16xi32>, vector<16xi32>], vector<16xf32>,
        %gather3A_1679 = tpu.vector_load_idx %arg21[%add3A_527, %broadcast_in_dim3A_1677] : memref<128x64xf32, #tpu.memory_space<vmem>>[vector<16xi32>, vector<16xi32>], vector<16xf32>,
        %add3A_1680 = arith.addf %gather3A_1678, %gather3A_1679 : vector<16xf32>
        %mul3A_1681 = arith.mulf %add3A_1680, %mul3A_536 : vector<16xf32>
        %slice3A_1682 = vector.extract_strided_slice %get3A_1421 {offsets = [14], sizes = [1], strides = [1]} : vector<16xf32> to vector<1xf32>
        %squeeze3A_1683 = vector.extract %slice3A_1682[0] : f32 from vector<1xf32>
        %add3A_1684 = vector.broadcast %squeeze3A_1683 : f32 to vector<16xf32>
        %add3A_1685 = arith.addf %mul3A_1681, %add3A_1684 : vector<16xf32>
        %max3A_1686 = arith.constant 0.000000e+00 : f32
        %max3A_1687 = vector.broadcast %max3A_1686 : f32 to vector<16xf32>
        %max3A_1688 = arith.maximumf %add3A_1685, %max3A_1687 : vector<16xf32>
        %slice3A_1689 = vector.extract_strided_slice %get3A_1423 {offsets = [14], sizes = [1], strides = [1]} : vector<16xf32> to vector<1xf32>
        %squeeze3A_1690 = vector.extract %slice3A_1689[0] : f32 from vector<1xf32>
        %mul3A_1691 = vector.broadcast %squeeze3A_1690 : f32 to vector<16xf32>
        %mul3A_1692 = arith.mulf %max3A_1688, %mul3A_1691 : vector<16xf32>
        %add3A_1693 = arith.addf %add3A_1621, %mul3A_1692 : vector<16xf32>
        %broadcast_in_dim3A_1694 = arith.constant 63 : i32
        %broadcast_in_dim3A_1695 = vector.broadcast %broadcast_in_dim3A_1694 : i32 to vector<16xi32>
        %gather3A_1696 = tpu.vector_load_idx %arg20[%add3A_527, %broadcast_in_dim3A_1695] : memref<128x64xf32, #tpu.memory_space<vmem>>[vector<16xi32>, vector<16xi32>], vector<16xf32>,
        %gather3A_1697 = tpu.vector_load_idx %arg21[%add3A_527, %broadcast_in_dim3A_1695] : memref<128x64xf32, #tpu.memory_space<vmem>>[vector<16xi32>, vector<16xi32>], vector<16xf32>,
        %add3A_1698 = arith.addf %gather3A_1696, %gather3A_1697 : vector<16xf32>
        %mul3A_1699 = arith.mulf %add3A_1698, %mul3A_536 : vector<16xf32>
        %slice3A_1700 = vector.extract_strided_slice %get3A_1421 {offsets = [15], sizes = [1], strides = [1]} : vector<16xf32> to vector<1xf32>
        %squeeze3A_1701 = vector.extract %slice3A_1700[0] : f32 from vector<1xf32>
        %add3A_1702 = vector.broadcast %squeeze3A_1701 : f32 to vector<16xf32>
        %add3A_1703 = arith.addf %mul3A_1699, %add3A_1702 : vector<16xf32>
        %max3A_1704 = arith.constant 0.000000e+00 : f32
        %max3A_1705 = vector.broadcast %max3A_1704 : f32 to vector<16xf32>
        %max3A_1706 = arith.maximumf %add3A_1703, %max3A_1705 : vector<16xf32>
        %slice3A_1707 = vector.extract_strided_slice %get3A_1423 {offsets = [15], sizes = [1], strides = [1]} : vector<16xf32> to vector<1xf32>
        %squeeze3A_1708 = vector.extract %slice3A_1707[0] : f32 from vector<1xf32>
        %mul3A_1709 = vector.broadcast %squeeze3A_1708 : f32 to vector<16xf32>
        %mul3A_1710 = arith.mulf %max3A_1706, %mul3A_1709 : vector<16xf32>
        %add3A_1711 = arith.addf %add3A_1639, %mul3A_1710 : vector<16xf32>
        %add3A_1712 = arith.addf %add3A_1657, %add3A_1675 : vector<16xf32>
        %add3A_1713 = arith.addf %add3A_1693, %add3A_1711 : vector<16xf32>
        %add3A_1714 = arith.addf %add3A_1712, %add3A_1713 : vector<16xf32>
        %add3A_1715 = vector.broadcast %squeeze3A_398 : f32 to vector<16xf32>
        %add3A_1716 = arith.addf %add3A_1714, %add3A_1715 : vector<16xf32>
        %neg3A = arith.constant 0.000000e+00 : f32
        %neg3A_1717 = vector.broadcast %neg3A : f32 to vector<16xf32>
        %neg3A_1718 = arith.subf %neg3A_1717, %add3A_1716 : vector<16xf32>
        %exp3A_1719 = math.exp %neg3A_1718 : vector<16xf32>
        %add3A_1720 = arith.constant 1.000000e+00 : f32
        %add3A_1721 = vector.broadcast %add3A_1720 : f32 to vector<16xf32>
        %add3A_1722 = arith.addf %add3A_1721, %exp3A_1719 : vector<16xf32>
        %div3A_1723 = arith.constant 1.000000e+00 : f32
        %div3A_1724 = vector.broadcast %div3A_1723 : f32 to vector<16xf32>
        %div3A_1725 = arith.divf %div3A_1724, %add3A_1722 : vector<16xf32>
        %mul3A_1726 = arith.constant 16 : i32
        %mul3A_1727 = arith.muli %scan3A_522, %mul3A_1726 : i32
        %swap3A = arith.index_cast %mul3A_1727 : i32 to index
        %swap3A_1728 = tpu.vector_load %arg22[%swap3A] {strides = array<i32>} : memref<128xf32, #tpu.memory_space<vmem>>, vector<16xf32>,
        tpu.vector_store %arg22[%swap3A], %div3A_1725 {strides = array<i32>} : memref<128xf32, #tpu.memory_space<vmem>>, vector<16xf32>,
        %scan3A_1729 = arith.constant 0 : i32
        scf.yield %scan3A_1729 : i32
      }
      %scan3A_515 = arith.constant 8 : i32
      %mul3A_516 = arith.constant 128 : i32
      %mul3A_517 = arith.muli %add3A_483, %mul3A_516 : i32
      %add3A_518 = arith.addi %mul3A_2, %mul3A_517 : i32
      %dma_start3A_519 = tpu.memref_slice %arg10[%add3A_518] : memref<802816xf32, #tpu.memory_space<hbm>> -> memref<128xf32, #tpu.memory_space<hbm>>
      %dma_start3A_520 = tpu.memref_slice %arg10[%add3A_518] : memref<802816xf32, #tpu.memory_space<hbm>> -> memref<128xf32, #tpu.memory_space<hbm>>
      tpu.enqueue_dma source(%arg22 : memref<128xf32, #tpu.memory_space<vmem>>) target(%dma_start3A_520 : memref<128xf32, #tpu.memory_space<hbm>>) target_semaphore(%arg31 : memref<!tpu.dma_semaphore, #tpu.memory_space<semaphore_mem>>)
      %scan3A_521 = arith.constant 0 : i32
      scf.yield %scan3A_521 : i32
    }
    %scan3A_432 = arith.constant 98 : i32
    %add3A_433 = arith.constant 24832 : i32
    %add3A_434 = arith.addi %mul3A_2, %add3A_433 : i32
    %dma_wait3A_435 = tpu.memref_slice %arg10[%add3A_434] : memref<802816xf32, #tpu.memory_space<hbm>> -> memref<128xf32, #tpu.memory_space<hbm>>
    %dma_wait3A_436 = tpu.memref_slice %arg10[%add3A_434] : memref<802816xf32, #tpu.memory_space<hbm>> -> memref<128xf32, #tpu.memory_space<hbm>>
    tpu.wait_dma2 semaphore(%arg30 : memref<!tpu.dma_semaphore, #tpu.memory_space<semaphore_mem>>) src(%arg16 : memref<128xf32, #tpu.memory_space<vmem>>) dst(%dma_wait3A_436 : memref<128xf32, #tpu.memory_space<hbm>>)
    %add3A_437 = arith.constant 24960 : i32
    %add3A_438 = arith.addi %mul3A_2, %add3A_437 : i32
    %dma_wait3A_439 = tpu.memref_slice %arg10[%add3A_438] : memref<802816xf32, #tpu.memory_space<hbm>> -> memref<128xf32, #tpu.memory_space<hbm>>
    %dma_wait3A_440 = tpu.memref_slice %arg10[%add3A_438] : memref<802816xf32, #tpu.memory_space<hbm>> -> memref<128xf32, #tpu.memory_space<hbm>>
    tpu.wait_dma2 semaphore(%arg31 : memref<!tpu.dma_semaphore, #tpu.memory_space<semaphore_mem>>) src(%arg22 : memref<128xf32, #tpu.memory_space<vmem>>) dst(%dma_wait3A_440 : memref<128xf32, #tpu.memory_space<hbm>>)
    return
  }
}

#map = affine_map<(d0, d1) -> (0)>
module attributes {stable_mosaic.version = 14 : i64} {
  func.func @_logits_body(%arg0: i32, %arg1: i32, %arg2: memref<802816xi32, #tpu.memory_space<hbm>>, %arg3: memref<802816xi32, #tpu.memory_space<hbm>>, %arg4: memref<50048xf32, #tpu.memory_space<hbm>>, %arg5: memref<50048xf32, #tpu.memory_space<hbm>>, %arg6: memref<802816xf32, #tpu.memory_space<hbm>>, %arg7: memref<512xf32, #tpu.memory_space<hbm>>, %arg8: memref<512xf32, #tpu.memory_space<hbm>>, %arg9: memref<50048xf32, #tpu.memory_space<vmem>>, %arg10: memref<50048xf32, #tpu.memory_space<vmem>>, %arg11: memref<3136xi32, #tpu.memory_space<vmem>>, %arg12: memref<3136xi32, #tpu.memory_space<vmem>>, %arg13: memref<3136xf32, #tpu.memory_space<vmem>>, %arg14: memref<16xf32, #tpu.memory_space<vmem>>) attributes {dimension_semantics = [#tpu.dimension_semantics<core_parallel>, #tpu.dimension_semantics<subcore_parallel>], iteration_bounds = array<i64: 2, 16>, scalar_prefetch = 0 : i64, scratch_operands = 6 : i64, tpu.core_type = #tpu.core_type<sc_vector_subcore>, window_params = [{transform_indices = #map}, {transform_indices = #map}, {transform_indices = #map}, {transform_indices = #map}, {transform_indices = #map}, {transform_indices = #map}, {transform_indices = #map}]} {
    %mul3A = arith.constant 2 : i32
    %mul3A_0 = arith.muli %arg1, %mul3A : i32
    %add3A = arith.addi %mul3A_0, %arg0 : i32
    %mul3A_1 = arith.constant 25088 : i32
    %mul3A_2 = arith.muli %add3A, %mul3A_1 : i32
    "tpu.region"() ({
      %run_scoped3A = tpu.sem_alloc : memref<!tpu.dma_semaphore, #tpu.memory_space<semaphore_mem>>
      tpu.enqueue_dma source(%arg4 : memref<50048xf32, #tpu.memory_space<hbm>>) target(%arg9 : memref<50048xf32, #tpu.memory_space<vmem>>) target_semaphore(%run_scoped3A : memref<!tpu.dma_semaphore, #tpu.memory_space<semaphore_mem>>)
      tpu.wait_dma2 semaphore(%run_scoped3A : memref<!tpu.dma_semaphore, #tpu.memory_space<semaphore_mem>>) src(%arg4 : memref<50048xf32, #tpu.memory_space<hbm>>) dst(%arg9 : memref<50048xf32, #tpu.memory_space<vmem>>)
      tpu.yield
    }) : () -> ()
    "tpu.region"() ({
      %run_scoped3A = tpu.sem_alloc : memref<!tpu.dma_semaphore, #tpu.memory_space<semaphore_mem>>
      tpu.enqueue_dma source(%arg5 : memref<50048xf32, #tpu.memory_space<hbm>>) target(%arg10 : memref<50048xf32, #tpu.memory_space<vmem>>) target_semaphore(%run_scoped3A : memref<!tpu.dma_semaphore, #tpu.memory_space<semaphore_mem>>)
      tpu.wait_dma2 semaphore(%run_scoped3A : memref<!tpu.dma_semaphore, #tpu.memory_space<semaphore_mem>>) src(%arg5 : memref<50048xf32, #tpu.memory_space<hbm>>) dst(%arg10 : memref<50048xf32, #tpu.memory_space<vmem>>)
      tpu.yield
    }) : () -> ()
    %broadcast_in_dim3A = arith.constant -1.000000e+30 : f32
    %broadcast_in_dim3A_3 = vector.broadcast %broadcast_in_dim3A : f32 to vector<16xf32>
    %broadcast_in_dim3A_4 = arith.constant 0.000000e+00 : f32
    %broadcast_in_dim3A_5 = vector.broadcast %broadcast_in_dim3A_4 : f32 to vector<16xf32>
    %scan3A = arith.constant 0 : i32
    %scan3A_6 = arith.constant 8 : i32
    %scan3A_7 = arith.addi %scan3A, %scan3A_6 : i32
    %scan3A_8 = arith.constant 1 : i32
    %scan3A_9:2 = scf.for %scan3A_18 = %scan3A to %scan3A_7 step %scan3A_8 iter_args(%scan3A_19 = %broadcast_in_dim3A_3, %scan3A_20 = %broadcast_in_dim3A_5) -> (vector<16xf32>, vector<16xf32>)  : i32 {
      %mul3A_21 = arith.constant 3136 : i32
      %mul3A_22 = arith.muli %scan3A_18, %mul3A_21 : i32
      %add3A_23 = arith.addi %mul3A_2, %mul3A_22 : i32
      "tpu.region"() ({
        %run_scoped3A = tpu.sem_alloc : memref<!tpu.dma_semaphore, #tpu.memory_space<semaphore_mem>>
        %dma_start3A = tpu.memref_slice %arg2[%add3A_23] : memref<802816xi32, #tpu.memory_space<hbm>> -> memref<3136xi32, #tpu.memory_space<hbm>>
        %dma_start3A_30 = tpu.memref_slice %arg2[%add3A_23] : memref<802816xi32, #tpu.memory_space<hbm>> -> memref<3136xi32, #tpu.memory_space<hbm>>
        tpu.enqueue_dma source(%dma_start3A_30 : memref<3136xi32, #tpu.memory_space<hbm>>) target(%arg11 : memref<3136xi32, #tpu.memory_space<vmem>>) target_semaphore(%run_scoped3A : memref<!tpu.dma_semaphore, #tpu.memory_space<semaphore_mem>>)
        %dma_wait3A = tpu.memref_slice %arg2[%add3A_23] : memref<802816xi32, #tpu.memory_space<hbm>> -> memref<3136xi32, #tpu.memory_space<hbm>>
        %dma_wait3A_31 = tpu.memref_slice %arg2[%add3A_23] : memref<802816xi32, #tpu.memory_space<hbm>> -> memref<3136xi32, #tpu.memory_space<hbm>>
        tpu.wait_dma2 semaphore(%run_scoped3A : memref<!tpu.dma_semaphore, #tpu.memory_space<semaphore_mem>>) src(%dma_wait3A_31 : memref<3136xi32, #tpu.memory_space<hbm>>) dst(%arg11 : memref<3136xi32, #tpu.memory_space<vmem>>)
        tpu.yield
      }) : () -> ()
      "tpu.region"() ({
        %run_scoped3A = tpu.sem_alloc : memref<!tpu.dma_semaphore, #tpu.memory_space<semaphore_mem>>
        %dma_start3A = tpu.memref_slice %arg3[%add3A_23] : memref<802816xi32, #tpu.memory_space<hbm>> -> memref<3136xi32, #tpu.memory_space<hbm>>
        %dma_start3A_30 = tpu.memref_slice %arg3[%add3A_23] : memref<802816xi32, #tpu.memory_space<hbm>> -> memref<3136xi32, #tpu.memory_space<hbm>>
        tpu.enqueue_dma source(%dma_start3A_30 : memref<3136xi32, #tpu.memory_space<hbm>>) target(%arg12 : memref<3136xi32, #tpu.memory_space<vmem>>) target_semaphore(%run_scoped3A : memref<!tpu.dma_semaphore, #tpu.memory_space<semaphore_mem>>)
        %dma_wait3A = tpu.memref_slice %arg3[%add3A_23] : memref<802816xi32, #tpu.memory_space<hbm>> -> memref<3136xi32, #tpu.memory_space<hbm>>
        %dma_wait3A_31 = tpu.memref_slice %arg3[%add3A_23] : memref<802816xi32, #tpu.memory_space<hbm>> -> memref<3136xi32, #tpu.memory_space<hbm>>
        tpu.wait_dma2 semaphore(%run_scoped3A : memref<!tpu.dma_semaphore, #tpu.memory_space<semaphore_mem>>) src(%dma_wait3A_31 : memref<3136xi32, #tpu.memory_space<hbm>>) dst(%arg12 : memref<3136xi32, #tpu.memory_space<vmem>>)
        tpu.yield
      }) : () -> ()
      %scan3A_24 = arith.constant 0 : i32
      %scan3A_25 = arith.constant 196 : i32
      %scan3A_26 = arith.addi %scan3A_24, %scan3A_25 : i32
      %scan3A_27 = arith.constant 1 : i32
      %scan3A_28:2 = scf.for %scan3A_30 = %scan3A_24 to %scan3A_26 step %scan3A_27 iter_args(%scan3A_31 = %scan3A_19, %scan3A_32 = %scan3A_20) -> (vector<16xf32>, vector<16xf32>)  : i32 {
        %mul3A_33 = arith.constant 16 : i32
        %mul3A_34 = arith.muli %scan3A_30, %mul3A_33 : i32
        %get3A = arith.index_cast %mul3A_34 : i32 to index
        %get3A_35 = tpu.vector_load %arg11[%get3A] {strides = array<i32>} : memref<3136xi32, #tpu.memory_space<vmem>>, vector<16xi32>,
        %mul3A_36 = arith.constant 16 : i32
        %mul3A_37 = arith.muli %scan3A_30, %mul3A_36 : i32
        %get3A_38 = arith.index_cast %mul3A_37 : i32 to index
        %get3A_39 = tpu.vector_load %arg12[%get3A_38] {strides = array<i32>} : memref<3136xi32, #tpu.memory_space<vmem>>, vector<16xi32>,
        %gather3A = tpu.vector_load_idx %arg9[%get3A_35] : memref<50048xf32, #tpu.memory_space<vmem>>[vector<16xi32>], vector<16xf32>,
        %gather3A_40 = tpu.vector_load_idx %arg10[%get3A_39] : memref<50048xf32, #tpu.memory_space<vmem>>[vector<16xi32>], vector<16xf32>,
        %add3A_41 = arith.addf %gather3A, %gather3A_40 : vector<16xf32>
        %mul3A_42 = arith.constant 16 : i32
        %mul3A_43 = arith.muli %scan3A_30, %mul3A_42 : i32
        %swap3A_44 = arith.index_cast %mul3A_43 : i32 to index
        %swap3A_45 = tpu.vector_load %arg13[%swap3A_44] {strides = array<i32>} : memref<3136xf32, #tpu.memory_space<vmem>>, vector<16xf32>,
        tpu.vector_store %arg13[%swap3A_44], %add3A_41 {strides = array<i32>} : memref<3136xf32, #tpu.memory_space<vmem>>, vector<16xf32>,
        %max3A = arith.maximumf %scan3A_31, %add3A_41 : vector<16xf32>
        %sub3A = arith.subf %scan3A_31, %max3A : vector<16xf32>
        %exp3A = math.exp %sub3A : vector<16xf32>
        %mul3A_46 = arith.mulf %scan3A_32, %exp3A : vector<16xf32>
        %sub3A_47 = arith.subf %add3A_41, %max3A : vector<16xf32>
        %exp3A_48 = math.exp %sub3A_47 : vector<16xf32>
        %add3A_49 = arith.addf %mul3A_46, %exp3A_48 : vector<16xf32>
        scf.yield %max3A, %add3A_49 : vector<16xf32>, vector<16xf32>
      }
      %scan3A_29 = arith.constant 196 : i32
      "tpu.region"() ({
        %run_scoped3A = tpu.sem_alloc : memref<!tpu.dma_semaphore, #tpu.memory_space<semaphore_mem>>
        %dma_start3A = tpu.memref_slice %arg6[%add3A_23] : memref<802816xf32, #tpu.memory_space<hbm>> -> memref<3136xf32, #tpu.memory_space<hbm>>
        %dma_start3A_30 = tpu.memref_slice %arg6[%add3A_23] : memref<802816xf32, #tpu.memory_space<hbm>> -> memref<3136xf32, #tpu.memory_space<hbm>>
        tpu.enqueue_dma source(%arg13 : memref<3136xf32, #tpu.memory_space<vmem>>) target(%dma_start3A_30 : memref<3136xf32, #tpu.memory_space<hbm>>) target_semaphore(%run_scoped3A : memref<!tpu.dma_semaphore, #tpu.memory_space<semaphore_mem>>)
        %dma_wait3A = tpu.memref_slice %arg6[%add3A_23] : memref<802816xf32, #tpu.memory_space<hbm>> -> memref<3136xf32, #tpu.memory_space<hbm>>
        %dma_wait3A_31 = tpu.memref_slice %arg6[%add3A_23] : memref<802816xf32, #tpu.memory_space<hbm>> -> memref<3136xf32, #tpu.memory_space<hbm>>
        tpu.wait_dma2 semaphore(%run_scoped3A : memref<!tpu.dma_semaphore, #tpu.memory_space<semaphore_mem>>) src(%arg13 : memref<3136xf32, #tpu.memory_space<vmem>>) dst(%dma_wait3A_31 : memref<3136xf32, #tpu.memory_space<hbm>>)
        tpu.yield
      }) : () -> ()
      scf.yield %scan3A_28#0, %scan3A_28#1 : vector<16xf32>, vector<16xf32>
    }
    %scan3A_10 = arith.constant 8 : i32
    %swap3A = arith.constant 0 : index
    %swap3A_11 = tpu.vector_load %arg14[%swap3A] {strides = array<i32>} : memref<16xf32, #tpu.memory_space<vmem>>, vector<16xf32>,
    tpu.vector_store %arg14[%swap3A], %scan3A_9#0 {strides = array<i32>} : memref<16xf32, #tpu.memory_space<vmem>>, vector<16xf32>,
    %mul3A_12 = arith.constant 16 : i32
    %mul3A_13 = arith.muli %add3A, %mul3A_12 : i32
    "tpu.region"() ({
      %run_scoped3A = tpu.sem_alloc : memref<!tpu.dma_semaphore, #tpu.memory_space<semaphore_mem>>
      %dma_start3A = tpu.memref_slice %arg7[%mul3A_13] : memref<512xf32, #tpu.memory_space<hbm>> -> memref<16xf32, #tpu.memory_space<hbm>>
      %dma_start3A_18 = tpu.memref_slice %arg7[%mul3A_13] : memref<512xf32, #tpu.memory_space<hbm>> -> memref<16xf32, #tpu.memory_space<hbm>>
      tpu.enqueue_dma source(%arg14 : memref<16xf32, #tpu.memory_space<vmem>>) target(%dma_start3A_18 : memref<16xf32, #tpu.memory_space<hbm>>) target_semaphore(%run_scoped3A : memref<!tpu.dma_semaphore, #tpu.memory_space<semaphore_mem>>)
      %dma_wait3A = tpu.memref_slice %arg7[%mul3A_13] : memref<512xf32, #tpu.memory_space<hbm>> -> memref<16xf32, #tpu.memory_space<hbm>>
      %dma_wait3A_19 = tpu.memref_slice %arg7[%mul3A_13] : memref<512xf32, #tpu.memory_space<hbm>> -> memref<16xf32, #tpu.memory_space<hbm>>
      tpu.wait_dma2 semaphore(%run_scoped3A : memref<!tpu.dma_semaphore, #tpu.memory_space<semaphore_mem>>) src(%arg14 : memref<16xf32, #tpu.memory_space<vmem>>) dst(%dma_wait3A_19 : memref<16xf32, #tpu.memory_space<hbm>>)
      tpu.yield
    }) : () -> ()
    %swap3A_14 = arith.constant 0 : index
    %swap3A_15 = tpu.vector_load %arg14[%swap3A_14] {strides = array<i32>} : memref<16xf32, #tpu.memory_space<vmem>>, vector<16xf32>,
    tpu.vector_store %arg14[%swap3A_14], %scan3A_9#1 {strides = array<i32>} : memref<16xf32, #tpu.memory_space<vmem>>, vector<16xf32>,
    %mul3A_16 = arith.constant 16 : i32
    %mul3A_17 = arith.muli %add3A, %mul3A_16 : i32
    "tpu.region"() ({
      %run_scoped3A = tpu.sem_alloc : memref<!tpu.dma_semaphore, #tpu.memory_space<semaphore_mem>>
      %dma_start3A = tpu.memref_slice %arg8[%mul3A_17] : memref<512xf32, #tpu.memory_space<hbm>> -> memref<16xf32, #tpu.memory_space<hbm>>
      %dma_start3A_18 = tpu.memref_slice %arg8[%mul3A_17] : memref<512xf32, #tpu.memory_space<hbm>> -> memref<16xf32, #tpu.memory_space<hbm>>
      tpu.enqueue_dma source(%arg14 : memref<16xf32, #tpu.memory_space<vmem>>) target(%dma_start3A_18 : memref<16xf32, #tpu.memory_space<hbm>>) target_semaphore(%run_scoped3A : memref<!tpu.dma_semaphore, #tpu.memory_space<semaphore_mem>>)
      %dma_wait3A = tpu.memref_slice %arg8[%mul3A_17] : memref<512xf32, #tpu.memory_space<hbm>> -> memref<16xf32, #tpu.memory_space<hbm>>
      %dma_wait3A_19 = tpu.memref_slice %arg8[%mul3A_17] : memref<512xf32, #tpu.memory_space<hbm>> -> memref<16xf32, #tpu.memory_space<hbm>>
      tpu.wait_dma2 semaphore(%run_scoped3A : memref<!tpu.dma_semaphore, #tpu.memory_space<semaphore_mem>>) src(%arg14 : memref<16xf32, #tpu.memory_space<vmem>>) dst(%dma_wait3A_19 : memref<16xf32, #tpu.memory_space<hbm>>)
      tpu.yield
    }) : () -> ()
    return
  }
}

module attributes {stable_mosaic.version = 14 : i64} {
  func.func @_precompute_body(%arg0: i32, %arg1: memref<512x64xf32, #tpu.memory_space<vmem>>, %arg2: memref<512x64xf32, #tpu.memory_space<vmem>>, %arg3: memref<128x64xf32, #tpu.memory_space<vmem>>, %arg4: memref<1x128xf32, #tpu.memory_space<vmem>>, %arg5: memref<512x64xf32, #tpu.memory_space<vmem>>, %arg6: memref<512x64xf32, #tpu.memory_space<vmem>>, %arg7: memref<512x1xf32, #tpu.memory_space<vmem>>, %arg8: memref<512x1xf32, #tpu.memory_space<vmem>>) attributes {dimension_semantics = [#tpu.dimension_semantics<arbitrary>], iteration_bounds = array<i64: 98>, scalar_prefetch = 0 : i64, scratch_operands = 0 : i64, tpu.core_type = #tpu.core_type<tc>, window_params = [{transform_indices = @transform_0, window_bounds = array<i64: 512, 64>}, {transform_indices = @transform_1, window_bounds = array<i64: 512, 64>}, {pipeline_mode = #tpu.pipeline_mode<synchronous>, transform_indices = @transform_2, window_bounds = array<i64: 128, 64>}, {pipeline_mode = #tpu.pipeline_mode<synchronous>, transform_indices = @transform_3, window_bounds = array<i64: 1, 128>}, {transform_indices = @transform_4, window_bounds = array<i64: 512, 64>}, {transform_indices = @transform_5, window_bounds = array<i64: 512, 64>}, {transform_indices = @transform_6, window_bounds = array<i64: 512, 1>}, {transform_indices = @transform_7, window_bounds = array<i64: 512, 1>}]} {
    %get3A = arith.constant 0 : index
    %get3A_0 = arith.constant 0 : index
    %get3A_1 = vector.load %arg1[%get3A, %get3A_0] : memref<512x64xf32, #tpu.memory_space<vmem>>, vector<512x64xf32>
    %get3A_2 = arith.constant 0 : index
    %get3A_3 = arith.constant 0 : index
    %get3A_4 = vector.load %arg2[%get3A_2, %get3A_3] : memref<512x64xf32, #tpu.memory_space<vmem>>, vector<512x64xf32>
    %get3A_5 = arith.constant 0 : index
    %get3A_6 = arith.constant 0 : index
    %get3A_7 = vector.load %arg3[%get3A_5, %get3A_6] : memref<128x64xf32, #tpu.memory_space<vmem>>, vector<128x64xf32>
    %get3A_8 = arith.constant 0 : index
    %get3A_9 = arith.constant 0 : index
    %get3A_10 = vector.load %arg4[%get3A_8, %get3A_9] : memref<1x128xf32, #tpu.memory_space<vmem>>, vector<1x128xf32>
    %slice3A = vector.extract_strided_slice %get3A_7 {offsets = [0, 0], sizes = [64, 64], strides = [1, 1]} : vector<128x64xf32> to vector<64x64xf32>
    %dot_general3A = arith.constant dense<0.000000e+00> : vector<512x64xf32>
    %dot_general3A_11 = tpu.matmul %get3A_1, %slice3A, %dot_general3A {dimension_numbers = #tpu.dot_dimension_numbers<[1], [0], [0], [1], [0, 0, 1, 1], [], []>, transpose_lhs_hint = false} : vector<512x64xf32>, vector<64x64xf32>, vector<512x64xf32> -> vector<512x64xf32>
    %swap3A = arith.constant 0 : index
    %swap3A_12 = arith.constant 0 : index
    %swap3A_13 = vector.load %arg5[%swap3A, %swap3A_12] : memref<512x64xf32, #tpu.memory_space<vmem>>, vector<512x64xf32>
    tpu.vector_store %arg5[%swap3A, %swap3A_12], %dot_general3A_11 {strides = array<i32>} : memref<512x64xf32, #tpu.memory_space<vmem>>, vector<512x64xf32>,
    %slice3A_14 = vector.extract_strided_slice %get3A_7 {offsets = [64, 0], sizes = [64, 64], strides = [1, 1]} : vector<128x64xf32> to vector<64x64xf32>
    %dot_general3A_15 = arith.constant dense<0.000000e+00> : vector<512x64xf32>
    %dot_general3A_16 = tpu.matmul %get3A_4, %slice3A_14, %dot_general3A_15 {dimension_numbers = #tpu.dot_dimension_numbers<[1], [0], [0], [1], [0, 0, 1, 1], [], []>, transpose_lhs_hint = false} : vector<512x64xf32>, vector<64x64xf32>, vector<512x64xf32> -> vector<512x64xf32>
    %swap3A_17 = arith.constant 0 : index
    %swap3A_18 = arith.constant 0 : index
    %swap3A_19 = vector.load %arg6[%swap3A_17, %swap3A_18] : memref<512x64xf32, #tpu.memory_space<vmem>>, vector<512x64xf32>
    tpu.vector_store %arg6[%swap3A_17, %swap3A_18], %dot_general3A_16 {strides = array<i32>} : memref<512x64xf32, #tpu.memory_space<vmem>>, vector<512x64xf32>,
    %slice3A_20 = vector.extract_strided_slice %get3A_10 {offsets = [0, 0], sizes = [1, 64], strides = [1, 1]} : vector<1x128xf32> to vector<1x64xf32>
    %squeeze3A = vector.shape_cast %slice3A_20 : vector<1x64xf32> to vector<64xf32>
    %broadcast_in_dim3A = vector.shape_cast %squeeze3A : vector<64xf32> to vector<1x64xf32>
    %mul3A = vector.broadcast %broadcast_in_dim3A : vector<1x64xf32> to vector<512x64xf32>
    %mul3A_21 = arith.mulf %get3A_1, %mul3A : vector<512x64xf32>
    %reduce_sum3A = arith.constant dense<0.000000e+00> : vector<512xf32>
    %reduce_sum3A_22 = vector.multi_reduction <add>, %mul3A_21, %reduce_sum3A [1] : vector<512x64xf32> to vector<512xf32>
    %broadcast_in_dim3A_23 = vector.shape_cast %reduce_sum3A_22 : vector<512xf32> to vector<512x1xf32>
    %swap3A_24 = arith.constant 0 : index
    %swap3A_25 = arith.constant 0 : index
    %swap3A_26 = vector.load %arg7[%swap3A_24, %swap3A_25] : memref<512x1xf32, #tpu.memory_space<vmem>>, vector<512x1xf32>
    tpu.vector_store %arg7[%swap3A_24, %swap3A_25], %broadcast_in_dim3A_23 {strides = array<i32>} : memref<512x1xf32, #tpu.memory_space<vmem>>, vector<512x1xf32>,
    %slice3A_27 = vector.extract_strided_slice %get3A_10 {offsets = [0, 64], sizes = [1, 64], strides = [1, 1]} : vector<1x128xf32> to vector<1x64xf32>
    %squeeze3A_28 = vector.shape_cast %slice3A_27 : vector<1x64xf32> to vector<64xf32>
    %broadcast_in_dim3A_29 = vector.shape_cast %squeeze3A_28 : vector<64xf32> to vector<1x64xf32>
    %mul3A_30 = vector.broadcast %broadcast_in_dim3A_29 : vector<1x64xf32> to vector<512x64xf32>
    %mul3A_31 = arith.mulf %get3A_4, %mul3A_30 : vector<512x64xf32>
    %reduce_sum3A_32 = arith.constant dense<0.000000e+00> : vector<512xf32>
    %reduce_sum3A_33 = vector.multi_reduction <add>, %mul3A_31, %reduce_sum3A_32 [1] : vector<512x64xf32> to vector<512xf32>
    %broadcast_in_dim3A_34 = vector.shape_cast %reduce_sum3A_33 : vector<512xf32> to vector<512x1xf32>
    %swap3A_35 = arith.constant 0 : index
    %swap3A_36 = arith.constant 0 : index
    %swap3A_37 = vector.load %arg8[%swap3A_35, %swap3A_36] : memref<512x1xf32, #tpu.memory_space<vmem>>, vector<512x1xf32>
    tpu.vector_store %arg8[%swap3A_35, %swap3A_36], %broadcast_in_dim3A_34 {strides = array<i32>} : memref<512x1xf32, #tpu.memory_space<vmem>>, vector<512x1xf32>,
    return
  }
  func.func @transform_0(%arg0: i32) -> (i32, i32) {
    %c0_i32 = arith.constant 0 : i32
    %c0_i32_0 = arith.constant 0 : i32
    return %arg0, %c0_i32 : i32, i32
  }
  func.func @transform_1(%arg0: i32) -> (i32, i32) {
    %c0_i32 = arith.constant 0 : i32
    %c0_i32_0 = arith.constant 0 : i32
    return %arg0, %c0_i32 : i32, i32
  }
  func.func @transform_2(%arg0: i32) -> (i32, i32) {
    %c0_i32 = arith.constant 0 : i32
    %c0_i32_0 = arith.constant 0 : i32
    %c0_i32_1 = arith.constant 0 : i32
    return %c0_i32, %c0_i32_0 : i32, i32
  }
  func.func @transform_3(%arg0: i32) -> (i32, i32) {
    %c0_i32 = arith.constant 0 : i32
    %c0_i32_0 = arith.constant 0 : i32
    %c0_i32_1 = arith.constant 0 : i32
    return %c0_i32, %c0_i32_0 : i32, i32
  }
  func.func @transform_4(%arg0: i32) -> (i32, i32) {
    %c0_i32 = arith.constant 0 : i32
    %c0_i32_0 = arith.constant 0 : i32
    return %arg0, %c0_i32 : i32, i32
  }
  func.func @transform_5(%arg0: i32) -> (i32, i32) {
    %c0_i32 = arith.constant 0 : i32
    %c0_i32_0 = arith.constant 0 : i32
    return %arg0, %c0_i32 : i32, i32
  }
  func.func @transform_6(%arg0: i32) -> (i32, i32) {
    %c0_i32 = arith.constant 0 : i32
    %c0_i32_0 = arith.constant 0 : i32
    return %arg0, %c0_i32 : i32, i32
  }
  func.func @transform_7(%arg0: i32) -> (i32, i32) {
    %c0_i32 = arith.constant 0 : i32
    %c0_i32_0 = arith.constant 0 : i32
    return %arg0, %c0_i32 : i32, i32
  }
}

</mosaic_0001>

<sc_bundles>
// kernel: kernel.5.cloned.1.call-start
scs
__scs_entry_jumppad:
0x0: {  	(pc) =	sbr.rel $0x88, $3  }
0x1: {  	(tag) =	ssettag $0x0;
	lr =	simm.s32 $0x1  }
0x2: {  	[smem:$0x3F99] =	sst lr;
	_ =	strace $0xD0000000  }
0x3: {  	_ = 	snop  }
0x4: {  	_ = 	snop  }
0x5: {  	_ = 	snop  }
0x6: {  	_ = 	snop  }
0x7: {  	_ = 	snop  }
__scs_overlays_trampoline_lowered:
0x8: {  	[smem:$0x3FA8] =	sst s0  }
0x9: {  	[smem:$0x3FA9] =	sst s1  }
0xa: {  	[smem:$0x3FAA] =	sst s2  }
0xb: {  	[smem:$0x3FAB] =	sst s3  }
0xc: {  	[smem:$0x3FAC] =	sst s4  }
0xd: {  	[smem:$0x3FAD] =	sst s5  }
0xe: {  	[smem:$0x3FAE] =	sst s6  }
0xf: {  	[smem:$0x3FAF] =	sst s7  }
0x10: {  	[smem:$0x3FB0] =	sst s8  }
0x11: {  	[smem:$0x3FB1] =	sst s9;
	s0 =	simm.s32 @!p0 $0x0  }
0x12: {  	s1 =	sld [smem:$0x3F97];
	s0 =	simm.s32 @p0 $0x1  }
0x13: {  	[smem:$0x3FB2] =	sst s0;
	s0 =	simm.s32 @!p1 $0x0  }
0x14: {  	s2 =	sld [smem:$0x3F96];
	s0 =	simm.s32 @p1 $0x1  }
0x15: {  	[smem:$0x3FB3] =	sst s0;
	s0 =	simm.s32 @!p2 $0x0  }
0x16: {  	s3 =	sld [smem:$0x3FDB];
	s0 =	simm.s32 @p2 $0x1  }
0x17: {  	s4 =	simm.s32 $0x1BF5;
	[smem:$0x3FB5] =	sst s0  }
0x18: {  	s0 =	sld [smem:$0x3F98];
	_ =	swait.ge [sflag:s4], $0x0  }
0x19: {  	s7 =	sld [smem:$0x3F99]  }
0x1a: {  	s8 =	sadd.s32 $0xFFFFE003, lr  }
0x1b: {  	s9 =	sadd.s32 $0xFFFFFEF7, lr;
	s5 =	simm.s32 $0xFFFFFFFF;
	p2 =	slt.u32 s8, $0xFFFFF086  }
0x1c: {  	p1 =	slt.u32 s9, $0xF7A;
	s5 =	simm.s32 @!p2 $0x0  }
0x1d: {  	s5 =	simm.s32 @p1 $0x1;
	p0 =	seq.s32 s7, s2  }
0x1e: {  	s7 =	smul.u32 @!p0 $0xF7A, s2;
	p2 =	seq.s32 @!p0 s5, $0x0  }
0x1f: {  	s9 =	smul.u32 $0xF7A, s1;
	s8 =	simm.s32 @!p0 $0x1BF5;
	p2 =	por !p2, p0  }
0x20: {  	[sflag:s8] =	ssyncset.s32 @!p0 $0xFFFFF086;
	s6 =	sadd.s32 @!p0 s3, s7;
	s7 =	simm.s32 @!p0 $0x108  }
0x21: {  	s3 =	sadd.s32 s3, s9;
	s6 =	sadd.s32 @!p0 $0x88, s6;
	s7 =	simm.s32 @p2 $0x1082  }
0x22: {  	[simem:s7], [sflag:s8] =	dma.local @!p0 [hbm:s6], $0xF7A  }
0x23: {  	s9 =	sor.u32 $0xD0000000, s2;
	s6 =	simm.s32 $0x108;
	_ =	swait.ge @!p0 [sflag:s8], $0x0  }
0x24: {  	s3 =	sadd.s32 $0x88, s3;
	s6 =	simm.s32 @!p1 $0x1082;
	[sflag:s4] =	ssyncset.s32 $0xFFFFF086  }
0x25: {  	[simem:s6], [sflag:s4] =	dma.local [hbm:s3], $0xF7A  }
0x26: {  	[smem:$0x3F99] =	sst s1;
	(tag) =	ssettag s2;
	_ =	strace s9  }
0x27: {  	s1 =	sld [smem:$0x3FA9]  }
0x28: {  	s2 =	sld [smem:$0x3FAA]  }
0x29: {  	s4 =	sld [smem:$0x3FAC]  }
0x2a: {  	p0 =	seq.s32 s5, $0x0;
	s5 =	sld [smem:$0x3FAD]  }
0x2b: {  	s6 =	sld [smem:$0x3FAE]  }
0x2c: {  	s7 =	sld [smem:$0x3FAF]  }
0x2d: {  	s3 =	simm.s32 $0x108;
	s8 =	sld [smem:$0x3FB0]  }
0x2e: {  	s3 =	simm.s32 @!p0 $0x1082;
	s9 =	sld [smem:$0x3FB1]  }
0x2f: {  	lr =	sadd.s32 s0, s3;
	s0 =	sld [smem:$0x3FA8]  }
0x30: {  	s3 =	sld [smem:$0x3FAB]  }
0x31: {  	[smem:$0x3FB4] =	sst s10  }
0x32: {  	s10 =	sld [smem:$0x3FB2];
	_ =	sdelay $0x3  }
0x33: {  	p0 =	seq.s32 s10, $0x1;
	s10 =	sld [smem:$0x3FB4];
	_ =	sdelay $0x3  }
0x34: {  	[smem:$0x3FB4] =	sst s10  }
0x35: {  	s10 =	sld [smem:$0x3FB3];
	_ =	sdelay $0x3  }
0x36: {  	p1 =	seq.s32 s10, $0x1;
	s10 =	sld [smem:$0x3FB4];
	_ =	sdelay $0x3  }
0x37: {  	[smem:$0x3FB4] =	sst s10  }
0x38: {  	s10 =	sld [smem:$0x3FB5]  }
0x39: {  	_ = 	snop;
	(pc) =	sbr.ind lr, $3  }
0x3a: {  	_ = 	snop  }
0x3b: {  	_ = 	snop  }
0x3c: {  	p2 =	seq.s32 s10, $0x1;
	s10 =	sld [smem:$0x3FB4]  }
0x3d: {  	_ =	shalt  }
0x3e: {  	_ =	shalt  }
0x3f: {  	_ =	shalt  }
0x40: {  	_ =	shalt  }
0x41: {  	_ =	shalt  }
0x42: {  	_ =	shalt  }
0x43: {  	_ =	shalt  }
0x44: {  	_ =	shalt  }
0x45: {  	_ =	shalt  }
0x46: {  	_ =	shalt  }
0x47: {  	_ =	shalt  }
0x48: {  	_ =	shalt  }
0x49: {  	_ =	shalt  }
0x4a: {  	_ =	shalt  }
0x4b: {  	_ =	shalt  }
0x4c: {  	_ =	shalt  }
0x4d: {  	_ =	shalt  }
0x4e: {  	_ =	shalt  }
0x4f: {  	_ =	shalt  }
0x50: {  	_ =	shalt  }
0x51: {  	_ =	shalt  }
0x52: {  	_ =	shalt  }
0x53: {  	_ =	shalt  }
0x54: {  	_ =	shalt  }
0x55: {  	_ =	shalt  }
0x56: {  	_ =	shalt  }
0x57: {  	_ =	shalt  }
0x58: {  	_ =	shalt  }
0x59: {  	_ =	shalt  }
0x5a: {  	_ =	shalt  }
0x5b: {  	_ =	shalt  }
0x5c: {  	_ =	shalt  }
0x5d: {  	_ =	shalt  }
0x5e: {  	_ =	shalt  }
0x5f: {  	_ =	shalt  }
0x60: {  	_ =	shalt  }
0x61: {  	_ =	shalt  }
0x62: {  	_ =	shalt  }
0x63: {  	_ =	shalt  }
0x64: {  	_ =	shalt  }
0x65: {  	_ =	shalt  }
0x66: {  	_ =	shalt  }
0x67: {  	_ =	shalt  }
0x68: {  	_ =	shalt  }
0x69: {  	_ =	shalt  }
0x6a: {  	_ =	shalt  }
0x6b: {  	_ =	shalt  }
0x6c: {  	_ =	shalt  }
0x6d: {  	_ =	shalt  }
0x6e: {  	_ =	shalt  }
0x6f: {  	_ =	shalt  }
0x70: {  	_ =	shalt  }
0x71: {  	_ =	shalt  }
0x72: {  	_ =	shalt  }
0x73: {  	_ =	shalt  }
0x74: {  	_ =	shalt  }
0x75: {  	_ =	shalt  }
0x76: {  	_ =	shalt  }
0x77: {  	_ =	shalt  }
0x78: {  	_ =	shalt  }
0x79: {  	_ =	shalt  }
0x7a: {  	_ =	shalt  }
0x7b: {  	_ =	shalt  }
0x7c: {  	_ =	shalt  }
0x7d: {  	_ =	shalt  }
0x7e: {  	_ =	shalt  }
0x7f: {  	_ =	shalt  }
0x80: {  	_ =	shalt  }
0x81: {  	_ =	shalt  }
0x82: {  	_ =	shalt  }
0x83: {  	_ =	shalt  }
0x84: {  	_ =	shalt  }
0x85: {  	_ =	shalt  }
0x86: {  	_ =	shalt  }
0x87: {  	_ =	shalt  }
.Lfunc_end0:
.L_simem_size_0:
called_computation_lowered:
.L_overlay_start_0:
0x88: {  	s2 =	sld [smem:$0x3FD9]  }
0x89: {  	s3 =	sld [smem:$0x3FFE];
	_ =	sdelay $0x1  }
0x8a: {  	s1 =	srdreg.scid  }
0x8b: {  	s0 =	sand.u32 $0x1, s1  }
0x8c: {  	s17 =	sshll.u32 s0, $0xA;
	s2 =	sadd.s32 s3, s2  }
0x8d: {  	s2 =	sadd.s32 s2, s17  }
0x8e: {  	[smem:$0x3FC0] =	sst s2  }
0x8f: {  	_ = 	snop  }
0x90: {  	s2 =	sld [smem:$0x3FD0];
	(tm) =	ssettm $0x1  }
0x91: {  	s18 =	sld [smem:$0x3FFB];
	_ =	sdelay $0x3  }
0x92: {  	_ =	strace s18  }
0x93: {  	s3 =	sld [smem:$0x3FFC];
	_ =	sdelay $0x3  }
0x94: {  	_ =	strace s3  }
0x95: {  	s3 =	sld [smem:$0x3FFD];
	_ =	sdelay $0x3  }
0x96: {  	_ =	strace s3  }
0x97: {  	_ =	strace $0x8FFFFFFF  }
0x98: {  	s19 =	sld [smem:$0x3FDB];
	_ =	sdelay $0x1  }
0x99: {  	s4 =	simm.s32 $_scs_section_size  }
0x9a: {  	s5 =	simm.s32 $_size__tile_overlayer_lowered;
	s6 =	simm.s32 $_tile_overlayer_lowered  }
0x9b: {  	s22 =	simm.s32 $0x1BFF;
	s21 =	sshll.u32 s6, $0x1;
	s3 =	sadd.s32 s4, s19  }
0x9c: {  	s7 =	simm.s32 $0x0;
	s20 =	sshll.u32 s5, $0x1;
	s5 =	sadd.s32 s21, s3  }
0x9d: {  	[timem:s7], [sflag:s22] =	dma.local [hbm:s5], s20  }
0x9e: {  	_ =	swait.ge [sflag:s22], s20  }
0x9f: {  	s4 =	ssub.s32 $0x0, s20;
	[sflag:s22] =	ssyncset.done $0x0  }
0xa0: {  	[sflag:s22] =	ssyncadd.s32 s4;
	_ =	sdelay $0x1  }
0xa1: {  	s23 =	simm.s32 $0x1B8B  }
0xa2: {  	_ =	swait.ge [sflag:s23], $0x1  }
0xa3: {  	[sflag:s23] =	ssyncset.done $0x0  }
0xa4: {  	s25 =	simm.s32 $0x1B8E;
	s24 =	sld [smem:$0x3FFE];
	[sflag:s23] =	ssyncadd.s32 $0xFFFFFFFF  }
0xa5: {  	s26 =	simm.s32 $execute0_lowered;
	[smem:$0x3FD2] =	sst s25  }
0xa6: {  	s5 =	sshll.u32 s26, $0x1;
	_ =	strace $0x80000046;
	[dreg:$0x1] =	wrdreg $0xFFFFFFFF  }
0xa7: {  	s28 =	simm.s32 $_size_execute0_lowered;
	s3 =	sadd.s32 s3, s5;
	[dreg:$0x0] =	wrdreg $0x0  }
0xa8: {  	s5 =	sshll.u32 s28, $0x1;
	[dreg:$0x2] =	wrdreg s3  }
0xa9: {  	[dreg:$0x3] =	wrdreg s5  }
0xaa: {  	[dreg:$0x4] =	wrdreg $0xC0  }
0xab: {  	_ =	task [dreg:s7], $0x5FFFF  }
0xac: {  	[dreg:$0x1] =	wrdreg $0xFFFFFFFF  }
0xad: {  	[dreg:$0x0] =	wrdreg $0x60  }
0xae: {  	[dreg:$0x2] =	wrdreg s24  }
0xaf: {  	[dreg:$0x3] =	wrdreg s2  }
0xb0: {  	[dreg:$0x4] =	wrdreg $0x9  }
0xb1: {  	_ =	task.clear_ibuf [dreg:s7], $0x5FFFF;
	_ =	strace $0x90000046  }
0xb2: {  	s29 =	simm.s32 $0x9;
	_ =	strace $0x80000048  }
0xb3: {  	_ =	swait.ge [sflag:s29], $0x1  }
0xb4: {  	[sflag:s29] =	ssyncadd.s32 $0xFFFFFFFF  }
0xb5: {  	_ =	strace $0x90000048  }
0xb6: {  	_ =	sfence  }
0xb7: {  	s30 =	sld [smem:$0x0];
	_ =	sdelay $0x2  }
0xb8: {  	s31 =	sshll.u32 s1, $0xD;
	s1 =	sshrl.u32 s1, $0x2  }
0xb9: {  	s3 =	sand.u32 $0x4000, s31;
	s1 =	sadd.s32 s1, s30  }
0xba: {  	s0 =	sor.u32 s3, s0;
	s1 =	sshll.u32 s1, $0x11  }
0xbb: {  	s0 =	sor.u32 s1, s0  }
0xbc: {  	s0 =	sadd.s32 $0x8F2B, s0  }
0xbd: {  	[sflag:s0] =	ssyncadd.remote.s32 $0x1  }
0xbe: {  	_ =	sfence.sel $0xFFFF  }
0xbf: {  	[dreg:$0x0] =	wrdreg $0xFFFFFFFF;
	(pc) =	sbr.abs _section_cstart, $3  }
0xc0: {  	[dreg:$0x1] =	wrdreg $0xFFFFFFFF  }
0xc1: {  	_ =	task.clear_ibuf [dreg:s7], $0x2FFFF;
	_ =	strace $0x9FFFFFFF  }
0xc2: {  	(tm) =	ssettm $0x7FFFFFFF  }
0xc3: {  	_ =	shalt  }
tec
execute0_lowered:
.L_overlay_start_1:
0x0: {  	(tag) =	ssettag $0x1  }
0x1: {  	s8 =	rddreg [dreg:$0x0]  }
0x2: {  	s1 =	rddreg [dreg:$0x1]  }
0x3: {  	s0 =	rddreg [dreg:$0x2];
	s3 =	simm.s32 $0x0  }
0x4: {  	s4 =	srdreg.scid;
	s2 =	stileid.u32;
	s12 =	simm.s32 $0x1  }
0x5: {  	s13 =	simm.s32 $0xC380;
	s14 =	simm.s32 $0x18700;
	s15 =	simm.s32 $0x19340  }
0x6: {  	s16 =	simm.s32 $0x19F80;
	s17 =	simm.s32 $0x1ABC0;
	s18 =	simm.s32 $0x0  }
0x7: {  	[smem:$0x7FF] =	sst s3;
	s7 =	sand.u32 $0x1, s4;
	s6 =	sshll.u32 s2, $0x1  }
0x8: {  	s4 =	sadd.s32 $0x1CC00, s8;
	s5 =	sadd.s32 $0x4400, s8;
	_ =	strace $0x80000047  }
0x9: {  	s9 =	sor.u32 s7, s6;
	s6 =	sadd.s32 $0x2A00, s8;
	s11 =	ssub.s32 $0x2, s7  }
0xa: {  	s7 =	sadd.s32 $0x35400, s8;
	s10 =	sshll.u32 s9, $0x1;
	s31 =	sshrl.u32 s11, $0x1  }
0xb: {  	s10 =	sadd.s32 s10, s8;
	s11 =	ssub.s32 s11, s31;
	s8 =	smul.u32 $0x6200, s9  }
0xc: {  	s9 =	sadd.s32 $0x4DC00, s10;
	s10 =	sadd.s32 $0x4DE00, s10;
	s11 =	smax.u32 s11, $0x1  }
.LBB2_1:
0xd: {  	[tilespmem:s3], [sflag:$0x1] =	stream.linear.gather [hbm4b:s1+s3], $0xC380, $0x38;
	[tilespmem:$0x1ABD0] =	vst v63  }
0xe: {  	_ =	swait.ge [sflag:s12], $0xC380  }
0xf: {  	[sflag:s12] =	ssyncset.done $0x0  }
0x10: {  	[sflag:s12] =	ssyncadd.s32 $0xFFFF3C80  }
0x11: {  	[tilespmem:s13], [sflag:$0x1] =	stream.linear.gather [hbm4b:s6+s3], $0xC380, $0x38;
	[tilespmem:$0x1ABD0] =	vst v63  }
0x12: {  	_ =	swait.ge [sflag:s12], $0xC380  }
0x13: {  	[sflag:s12] =	ssyncset.done $0x0  }
0x14: {  	v0 =	vimm.f32 $-1.000000020e+30;
	v1 =	vimm.f32 $0.0e+00;
	s19 =	simm.s32 $0x0;
	[sflag:s12] =	ssyncadd.s32 $0xFFFF3C80  }
.LBB2_2:
0x15: {  	s20 =	smul.u32 $0xC40, s19;
	_ =	sdelay $0x1  }
0x16: {  	s20 =	sadd.s32 s8, s20  }
0x17: {  	s20 =	sshrl.u32 s20, $0x3  }
0x18: {  	s22 =	simm.s32 $0x0;
	s21 =	sadd.s32 s4, s20  }
0x19: {  	[tilespmem:s14], [sflag:$0x1] =	stream.linear.gather [hbm4b:s21+s22], $0xC40, $0x38;
	[tilespmem:$0x1ABD0] =	vst v63  }
0x1a: {  	_ =	swait.ge [sflag:s12], $0xC40  }
0x1b: {  	[sflag:s12] =	ssyncset.done $0x0  }
0x1c: {  	s29 =	sadd.s32 s5, s20;
	[sflag:s12] =	ssyncadd.s32 $0xFFFFF3C0  }
0x1d: {  	[tilespmem:s15], [sflag:$0x1] =	stream.linear.gather [hbm4b:s29+s22], $0xC40, $0x38;
	[tilespmem:$0x1ABD0] =	vst v63  }
0x1e: {  	_ =	swait.ge [sflag:s12], $0xC40  }
0x1f: {  	[sflag:s12] =	ssyncset.done $0x0  }
0x20: {  	s30 =	simm.s32 $0x0;
	[sflag:s12] =	ssyncadd.s32 $0xFFFFF3C0  }
0x21: {  	v2 =	vld [tilespmem:s30+$0x19340]  }
0x22: {  	v3 =	vld [tilespmem:s30+$0x18700];
	_ =	sdelay $0x4  }
0x23: {  	s31 =	simm.s32 $0x10  }
0x24: {  	v4 =	vld [tilespmem:s31+$0x19340]  }
0x25: {  	v2 =	vld.idx.msk [tilespmem:v2+s13+$0x0], $0xffff  }
0x26: {  	v3 =	vld.idx.msk [tilespmem:v3+s3+$0x0], $0xffff  }
0x27: {  	v5 =	vld [tilespmem:s31+$0x18700];
	_ =	sdelay $0x3  }
0x28: {  	v2 =	vadd.f32 v2, v3;
	_ =	sdelay $0x1  }
0x29: {  	[tilespmem:s30+$0x19F80] =	vst v2;
	v3 =	vmax.f32 v0, v2  }
0x2a: {  	v4 =	vld.idx.msk [tilespmem:v4+s13+$0x0], $0xffff;
	v0 =	vsub.f32 v0, v3  }
0x2b: {  	s21 =	simm.s32 $0x20;
	v5 =	vld.idx.msk [tilespmem:v5+s3+$0x0], $0xffff  }
0x2c: {  	v2 =	vsub.f32 v2, v3;
	v6 =	vld [tilespmem:s21+$0x19340];
	v0 =	vmul.f32 $1.442695020e+00, v0  }
0x2d: {  	v7 =	vld [tilespmem:s21+$0x18700]  }
0x2e: {  	v2 =	vmul.f32 $1.442695020e+00, v2;
	(erf) = vpow2.f32 v0;
	_ =	sdelay $0x1  }
0x2f: {  	(erf) = vpow2.f32 v2;
	v2 =	vadd.f32 v4, v5;
	_ =	sdelay $0x1  }
0x30: {  	v0 =	vmax.f32 v3, v2  }
0x31: {  	[tilespmem:s31+$0x19F80] =	vst v2;
	v4 =	vsub.f32 v2, v0  }
0x32: {  	v3 =	vsub.f32 v3, v0;
	v2 =	vld.idx.msk [tilespmem:v6+s13+$0x0], $0xffff  }
0x33: {  	s22 =	simm.s32 $0x30;
	v7 =	vld.idx.msk [tilespmem:v7+s3+$0x0], $0xffff  }
0x34: {  	v5 =	vld [tilespmem:s22+$0x19340];
	v3 =	vmul.f32 $1.442695020e+00, v3  }
0x35: {  	v6 =	vld [tilespmem:s22+$0x18700];
	v8 =	vmul.f32 $1.442695020e+00, v4;
	v4 =	vpop (erf)  }
0x36: {  	(erf) = vpow2.f32 v3;
	v3 =	vmul.f32 v4, v1  }
0x37: {  	s24 =	simm.s32 $0x100;
	s23 =	simm.s32 $0x140;
	s25 =	simm.s32 $0x180;
	v4 =	vpop (erf);
	(erf) = vpow2.f32 v8;
	v1 =	vmov v0  }
.LBB2_3:
0x38: {  	p0 =	sne.s32 s25, $0x30C0;
	v3 =	vadd.f32 v3, v4  }
0x39: {  	v4 =	vadd.f32 v2, v7;
	_ =	sdelay $0x1  }
0x3a: {  	v0 =	vmax.f32 v0, v4;
	[tilespmem:s21+$0x19F80] =	vst v4;
	s21 =	smov.u32 s22  }
0x3b: {  	v8 =	vsub.f32 v1, v0;
	v10 =	vsub.f32 v4, v0;
	v1 =	vmov v0;
	v2 =	vld.idx.msk [tilespmem:v5+s13+$0x0], $0xffff  }
.Ltmp0:
0x3c: {  	s22 =	sshra.s32 s24, $0x2;
	s24 =	smov.u32 s23;
	v7 =	vld.idx.msk [tilespmem:v6+s3+$0x0], $0xffff;
	(pc) =	sbr.rel @p0 .LBB2_3-.Ltmp0, $4  }
0x3d: {  	s23 =	smov.u32 s25;
	v8 =	vmul.f32 $1.442695020e+00, v8;
	v9 =	vmul.f32 $1.442695020e+00, v10;
	v5 =	vld [tilespmem:s22+$0x19340]  }
0x3e: {  	v6 =	vld [tilespmem:s22+$0x18700];
	v4 =	vpop (erf)  }
0x3f: {  	(erf) = vpow2.f32 v8;
	v3 =	vmul.f32 v4, v3;
	v4 =	vpop (erf)  }
0x40: {  	s25 =	sadd.s32 $0x40, s25;
	(erf) = vpow2.f32 v9  }
0x41: {  	_ =	sdelay $0x1  }
0x42: {  	v2 =	vadd.f32 v2, v7;
	_ =	sdelay $0x1  }
0x43: {  	[tilespmem:s21+$0x19F80] =	vst v2  }
0x44: {  	v5 =	vld.idx.msk [tilespmem:v5+s13+$0x0], $0xffff  }
0x45: {  	s30 =	sshra.s32 s24, $0x2;
	v6 =	vld.idx.msk [tilespmem:v6+s3+$0x0], $0xffff  }
0x46: {  	v50 =	vld [tilespmem:s30+$0x19340]  }
0x47: {  	v8 =	vld [tilespmem:s30+$0x18700];
	_ =	sdelay $0x3  }
0x48: {  	v5 =	vadd.f32 v5, v6;
	_ =	sdelay $0x1  }
0x49: {  	[tilespmem:s22+$0x19F80] =	vst v5  }
0x4a: {  	v51 =	vld.idx.msk [tilespmem:v50+s13+$0x0], $0xffff  }
0x4b: {  	s31 =	sshra.s32 s23, $0x2;
	v52 =	vld.idx.msk [tilespmem:v8+s3+$0x0], $0xffff  }
0x4c: {  	v53 =	vld [tilespmem:s31+$0x19340]  }
0x4d: {  	v9 =	vld [tilespmem:s31+$0x18700];
	_ =	sdelay $0x2  }
0x4e: {  	v0 =	vmax.f32 v0, v2  }
0x4f: {  	v1 =	vsub.f32 v1, v0;
	v6 =	vadd.f32 v51, v52;
	_ =	sdelay $0x1  }
0x50: {  	v2 =	vsub.f32 v2, v0;
	v1 =	vmul.f32 $1.442695020e+00, v1;
	[tilespmem:s30+$0x19F80] =	vst v6  }
0x51: {  	v54 =	vld.idx.msk [tilespmem:v53+s13+$0x0], $0xffff  }
0x52: {  	v2 =	vmul.f32 $1.442695020e+00, v2;
	(erf) = vpow2.f32 v1;
	v1 =	vmax.f32 v0, v5;
	v55 =	vld.idx.msk [tilespmem:v9+s3+$0x0], $0xffff  }
0x53: {  	v0 =	vsub.f32 v0, v1;
	v5 =	vsub.f32 v5, v1  }
0x54: {  	(erf) = vpow2.f32 v2  }
0x55: {  	v2 =	vadd.f32 v3, v4;
	v0 =	vmul.f32 $1.442695020e+00, v0;
	v3 =	vmul.f32 $1.442695020e+00, v5  }
0x56: {  	v56 =	vmax.f32 v1, v6  }
0x57: {  	v57 =	vpop (erf);
	(erf) = vpow2.f32 v0;
	v0 =	vsub.f32 v1, v56;
	v1 =	vadd.f32 v54, v55  }
0x58: {  	v2 =	vmul.f32 v57, v2  }
0x59: {  	(erf) = vpow2.f32 v3;
	v3 =	vpop (erf);
	v59 =	vmul.f32 $1.442695020e+00, v0;
	v0 =	vmax.f32 v56, v1  }
0x5a: {  	v2 =	vadd.f32 v2, v3;
	v3 =	vsub.f32 v56, v0  }
0x5b: {  	v58 =	vsub.f32 v6, v56;
	(erf) = vpow2.f32 v59  }
0x5c: {  	v60 =	vpop (erf);
	v3 =	vmul.f32 $1.442695020e+00, v3  }
0x5d: {  	v2 =	vmul.f32 v60, v2;
	v5 =	vmul.f32 $1.442695020e+00, v58;
	v61 =	vsub.f32 v1, v0  }
0x5e: {  	v63 =	vpop (erf)  }
0x5f: {  	v2 =	vadd.f32 v2, v63;
	(erf) = vpow2.f32 v5;
	v62 =	vmul.f32 $1.442695020e+00, v61  }
0x60: {  	(erf) = vpow2.f32 v3;
	v3 =	vpop (erf)  }
0x61: {  	(erf) = vpow2.f32 v62;
	v2 =	vmul.f32 v3, v2  }
0x62: {  	v3 =	vpop (erf)  }
0x63: {  	v2 =	vadd.f32 v2, v3  }
0x64: {  	v3 =	vpop (erf)  }
0x65: {  	v2 =	vmul.f32 v3, v2;
	_ =	sdelay $0x1  }
0x66: {  	s19 =	sadd.s32 $0x1, s19  }
0x67: {  	p0 =	sne.s32 s19, $0x8;
	v3 =	vpop (erf)  }
.Ltmp1:
0x68: {  	s20 =	sadd.s32 s7, s20;
	[tilespmem:s31+$0x19F80] =	vst v1;
	v1 =	vadd.f32 v2, v3;
	v2 =	vpop (erf);
	(pc) =	sbr.rel @p0 .LBB2_2-.Ltmp1, $4  }
0x69: {  	[hbm4b:s20+s3] =	stream.linear.scatter [tilespmem:s16], [sflag:$0x1], $0xC40, $0x38;
	v3 =	vpop (erf);
	[tilespmem:$0x1ABD0] =	vst v63  }
0x6a: {  	v1 =	vmul.f32 v2, v1;
	_ =	swait.ge [sflag:s12], $0xC40  }
0x6b: {  	[sflag:s12] =	ssyncset.done $0x0  }
0x6c: {  	v1 =	vadd.f32 v1, v3;
	[sflag:s12] =	ssyncadd.s32 $0xFFFFF3C0  }
0x6d: {  	[tilespmem:$0x1ABC0] =	vst v0  }
0x6e: {  	[hbm4b:s9+s3] =	stream.linear.scatter [tilespmem:s17], [sflag:$0x1], $0x10, $0x38;
	[tilespmem:$0x1ABD0] =	vst v63  }
0x6f: {  	_ =	swait.ge [sflag:s12], $0x10  }
0x70: {  	s18 =	sadd.s32 $0x1, s18;
	[sflag:s12] =	ssyncset.done $0x0  }
0x71: {  	p0 =	sne.s32 s18, s11;
	[sflag:s12] =	ssyncadd.s32 $0xFFFFFFF0  }
.Ltmp2:
0x72: {  	[tilespmem:$0x1ABC0] =	vst v1;
	(pc) =	sbr.rel @p0 .LBB2_1-.Ltmp2, $4  }
0x73: {  	[hbm4b:s10+s3] =	stream.linear.scatter [tilespmem:s17], [sflag:$0x1], $0x10, $0x38;
	[tilespmem:$0x1ABD0] =	vst v63  }
0x74: {  	_ =	swait.ge [sflag:s12], $0x10  }
0x75: {  	[sflag:s12] =	ssyncset.done $0x0  }
0x76: {  	[sflag:s12] =	ssyncadd.s32 $0xFFFFFFF0  }
0x77: {  	_ =	sfence.sel $0x180000  }
0x78: {  	[bflag:$0x0] =	sbarrier.arrive $0xFFFF  }
0x79: {  	p0 =	sne.s32 s2, $0x0;
	_ =	strace $0x90000047  }
0x7a: {  	s0 =	sadd.s32 @!p0 $0x100000, s0;
	[bflag:$0x2] =	sbarrier.arrive $0xFFFF  }
0x7b: {  	[sflag:s0] =	ssyncadd.tile.s32 @!p0 $0x1;
	_ =	shalt  }
.Lfunc_end2:
_tile_overlayer_lowered:
.L_overlay_start_2:
0x7c: {  	(tag) =	ssettag $0x2  }
0x7d: {  	s0 =	rddreg [dreg:$0x0];
	s2 =	stileid.u32  }
0x7e: {  	s1 =	rddreg [dreg:$0x1];
	p0 =	sne.s32 s2, $0x0  }
0x7f: {  	s3 =	rddreg [dreg:$0x2];
	[bflag:$0x3] =	sbarrier.arrive $0xFFFF;
	s2 =	simm.s32 @!p0 $0x1C01  }
0x80: {  	[timem:s3], [sflag:s2] =	dma.local @!p0 [hbm:s0], s1  }
0x81: {  	s0 =	simm.s32 @!p0 $0x1  }
0x82: {  	_ =	swait.ge @!p0 [sflag:s0], s1  }
0x83: {  	s1 =	ssub.s32 @!p0 $0x0, s1;
	[sflag:s0] =	ssyncset.done @!p0 $0x0  }
0x84: {  	[sflag:s0] =	ssyncadd.s32 @!p0 s1  }
0x85: {  	[bflag:$0x3] =	sbarrier.arrive $0xFFFF  }
0x86: {  	_ =	shalt  }

// kernel: kernel.8.cloned.1.call-start
scs
__scs_entry_jumppad:
0x0: {  	(pc) =	sbr.rel $0x88, $3  }
0x1: {  	(tag) =	ssettag $0x0;
	lr =	simm.s32 $0x1  }
0x2: {  	[smem:$0x3F99] =	sst lr;
	_ =	strace $0xD0000000  }
0x3: {  	_ = 	snop  }
0x4: {  	_ = 	snop  }
0x5: {  	_ = 	snop  }
0x6: {  	_ = 	snop  }
0x7: {  	_ = 	snop  }
__scs_overlays_trampoline_lowered:
0x8: {  	[smem:$0x3FA8] =	sst s0  }
0x9: {  	[smem:$0x3FA9] =	sst s1  }
0xa: {  	[smem:$0x3FAA] =	sst s2  }
0xb: {  	[smem:$0x3FAB] =	sst s3  }
0xc: {  	[smem:$0x3FAC] =	sst s4  }
0xd: {  	[smem:$0x3FAD] =	sst s5  }
0xe: {  	[smem:$0x3FAE] =	sst s6  }
0xf: {  	[smem:$0x3FAF] =	sst s7  }
0x10: {  	[smem:$0x3FB0] =	sst s8  }
0x11: {  	[smem:$0x3FB1] =	sst s9;
	s0 =	simm.s32 @!p0 $0x0  }
0x12: {  	s1 =	sld [smem:$0x3F97];
	s0 =	simm.s32 @p0 $0x1  }
0x13: {  	[smem:$0x3FB2] =	sst s0;
	s0 =	simm.s32 @!p1 $0x0  }
0x14: {  	s2 =	sld [smem:$0x3F96];
	s0 =	simm.s32 @p1 $0x1  }
0x15: {  	[smem:$0x3FB3] =	sst s0;
	s0 =	simm.s32 @!p2 $0x0  }
0x16: {  	s3 =	sld [smem:$0x3FDB];
	s0 =	simm.s32 @p2 $0x1  }
0x17: {  	s4 =	simm.s32 $0x1BF5;
	[smem:$0x3FB5] =	sst s0  }
0x18: {  	s0 =	sld [smem:$0x3F98];
	_ =	swait.ge [sflag:s4], $0x0  }
0x19: {  	s7 =	sld [smem:$0x3F99]  }
0x1a: {  	s8 =	sadd.s32 $0xFFFFE003, lr  }
0x1b: {  	s9 =	sadd.s32 $0xFFFFFEF7, lr;
	s5 =	simm.s32 $0xFFFFFFFF;
	p2 =	slt.u32 s8, $0xFFFFF086  }
0x1c: {  	p1 =	slt.u32 s9, $0xF7A;
	s5 =	simm.s32 @!p2 $0x0  }
0x1d: {  	s5 =	simm.s32 @p1 $0x1;
	p0 =	seq.s32 s7, s2  }
0x1e: {  	s7 =	smul.u32 @!p0 $0xF7A, s2;
	p2 =	seq.s32 @!p0 s5, $0x0  }
0x1f: {  	s9 =	smul.u32 $0xF7A, s1;
	s8 =	simm.s32 @!p0 $0x1BF5;
	p2 =	por !p2, p0  }
0x20: {  	[sflag:s8] =	ssyncset.s32 @!p0 $0xFFFFF086;
	s6 =	sadd.s32 @!p0 s3, s7;
	s7 =	simm.s32 @!p0 $0x108  }
0x21: {  	s3 =	sadd.s32 s3, s9;
	s6 =	sadd.s32 @!p0 $0x88, s6;
	s7 =	simm.s32 @p2 $0x1082  }
0x22: {  	[simem:s7], [sflag:s8] =	dma.local @!p0 [hbm:s6], $0xF7A  }
0x23: {  	s9 =	sor.u32 $0xD0000000, s2;
	s6 =	simm.s32 $0x108;
	_ =	swait.ge @!p0 [sflag:s8], $0x0  }
0x24: {  	s3 =	sadd.s32 $0x88, s3;
	s6 =	simm.s32 @!p1 $0x1082;
	[sflag:s4] =	ssyncset.s32 $0xFFFFF086  }
0x25: {  	[simem:s6], [sflag:s4] =	dma.local [hbm:s3], $0xF7A  }
0x26: {  	[smem:$0x3F99] =	sst s1;
	(tag) =	ssettag s2;
	_ =	strace s9  }
0x27: {  	s1 =	sld [smem:$0x3FA9]  }
0x28: {  	s2 =	sld [smem:$0x3FAA]  }
0x29: {  	s4 =	sld [smem:$0x3FAC]  }
0x2a: {  	p0 =	seq.s32 s5, $0x0;
	s5 =	sld [smem:$0x3FAD]  }
0x2b: {  	s6 =	sld [smem:$0x3FAE]  }
0x2c: {  	s7 =	sld [smem:$0x3FAF]  }
0x2d: {  	s3 =	simm.s32 $0x108;
	s8 =	sld [smem:$0x3FB0]  }
0x2e: {  	s3 =	simm.s32 @!p0 $0x1082;
	s9 =	sld [smem:$0x3FB1]  }
0x2f: {  	lr =	sadd.s32 s0, s3;
	s0 =	sld [smem:$0x3FA8]  }
0x30: {  	s3 =	sld [smem:$0x3FAB]  }
0x31: {  	[smem:$0x3FB4] =	sst s10  }
0x32: {  	s10 =	sld [smem:$0x3FB2];
	_ =	sdelay $0x3  }
0x33: {  	p0 =	seq.s32 s10, $0x1;
	s10 =	sld [smem:$0x3FB4];
	_ =	sdelay $0x3  }
0x34: {  	[smem:$0x3FB4] =	sst s10  }
0x35: {  	s10 =	sld [smem:$0x3FB3];
	_ =	sdelay $0x3  }
0x36: {  	p1 =	seq.s32 s10, $0x1;
	s10 =	sld [smem:$0x3FB4];
	_ =	sdelay $0x3  }
0x37: {  	[smem:$0x3FB4] =	sst s10  }
0x38: {  	s10 =	sld [smem:$0x3FB5]  }
0x39: {  	_ = 	snop;
	(pc) =	sbr.ind lr, $3  }
0x3a: {  	_ = 	snop  }
0x3b: {  	_ = 	snop  }
0x3c: {  	p2 =	seq.s32 s10, $0x1;
	s10 =	sld [smem:$0x3FB4]  }
0x3d: {  	_ =	shalt  }
0x3e: {  	_ =	shalt  }
0x3f: {  	_ =	shalt  }
0x40: {  	_ =	shalt  }
0x41: {  	_ =	shalt  }
0x42: {  	_ =	shalt  }
0x43: {  	_ =	shalt  }
0x44: {  	_ =	shalt  }
0x45: {  	_ =	shalt  }
0x46: {  	_ =	shalt  }
0x47: {  	_ =	shalt  }
0x48: {  	_ =	shalt  }
0x49: {  	_ =	shalt  }
0x4a: {  	_ =	shalt  }
0x4b: {  	_ =	shalt  }
0x4c: {  	_ =	shalt  }
0x4d: {  	_ =	shalt  }
0x4e: {  	_ =	shalt  }
0x4f: {  	_ =	shalt  }
0x50: {  	_ =	shalt  }
0x51: {  	_ =	shalt  }
0x52: {  	_ =	shalt  }
0x53: {  	_ =	shalt  }
0x54: {  	_ =	shalt  }
0x55: {  	_ =	shalt  }
0x56: {  	_ =	shalt  }
0x57: {  	_ =	shalt  }
0x58: {  	_ =	shalt  }
0x59: {  	_ =	shalt  }
0x5a: {  	_ =	shalt  }
0x5b: {  	_ =	shalt  }
0x5c: {  	_ =	shalt  }
0x5d: {  	_ =	shalt  }
0x5e: {  	_ =	shalt  }
0x5f: {  	_ =	shalt  }
0x60: {  	_ =	shalt  }
0x61: {  	_ =	shalt  }
0x62: {  	_ =	shalt  }
0x63: {  	_ =	shalt  }
0x64: {  	_ =	shalt  }
0x65: {  	_ =	shalt  }
0x66: {  	_ =	shalt  }
0x67: {  	_ =	shalt  }
0x68: {  	_ =	shalt  }
0x69: {  	_ =	shalt  }
0x6a: {  	_ =	shalt  }
0x6b: {  	_ =	shalt  }
0x6c: {  	_ =	shalt  }
0x6d: {  	_ =	shalt  }
0x6e: {  	_ =	shalt  }
0x6f: {  	_ =	shalt  }
0x70: {  	_ =	shalt  }
0x71: {  	_ =	shalt  }
0x72: {  	_ =	shalt  }
0x73: {  	_ =	shalt  }
0x74: {  	_ =	shalt  }
0x75: {  	_ =	shalt  }
0x76: {  	_ =	shalt  }
0x77: {  	_ =	shalt  }
0x78: {  	_ =	shalt  }
0x79: {  	_ =	shalt  }
0x7a: {  	_ =	shalt  }
0x7b: {  	_ =	shalt  }
0x7c: {  	_ =	shalt  }
0x7d: {  	_ =	shalt  }
0x7e: {  	_ =	shalt  }
0x7f: {  	_ =	shalt  }
0x80: {  	_ =	shalt  }
0x81: {  	_ =	shalt  }
0x82: {  	_ =	shalt  }
0x83: {  	_ =	shalt  }
0x84: {  	_ =	shalt  }
0x85: {  	_ =	shalt  }
0x86: {  	_ =	shalt  }
0x87: {  	_ =	shalt  }
.Lfunc_end0:
.L_simem_size_0:
called_computation.1_lowered:
.L_overlay_start_0:
0x88: {  	s2 =	sld [smem:$0x3FD9]  }
0x89: {  	s3 =	sld [smem:$0x3FFE];
	_ =	sdelay $0x1  }
0x8a: {  	s1 =	srdreg.scid  }
0x8b: {  	s0 =	sand.u32 $0x1, s1  }
0x8c: {  	s16 =	sshll.u32 s0, $0xA;
	s2 =	sadd.s32 s3, s2  }
0x8d: {  	s2 =	sadd.s32 s2, s16  }
0x8e: {  	[smem:$0x3FC0] =	sst s2  }
0x8f: {  	_ = 	snop  }
0x90: {  	(tm) =	ssettm $0x1  }
0x91: {  	s17 =	sld [smem:$0x3FFB];
	_ =	sdelay $0x3  }
0x92: {  	_ =	strace s17  }
0x93: {  	s2 =	sld [smem:$0x3FFC];
	_ =	sdelay $0x3  }
0x94: {  	_ =	strace s2  }
0x95: {  	s2 =	sld [smem:$0x3FFD];
	_ =	sdelay $0x3  }
0x96: {  	_ =	strace s2  }
0x97: {  	_ =	strace $0x8FFFFFFF  }
0x98: {  	s18 =	sld [smem:$0x3FDB];
	_ =	sdelay $0x1  }
0x99: {  	s19 =	simm.s32 $_scs_section_size  }
0x9a: {  	s4 =	simm.s32 $_size__tile_overlayer_lowered;
	s5 =	simm.s32 $_tile_overlayer_lowered  }
0x9b: {  	s22 =	simm.s32 $0x1BFF;
	s21 =	sshll.u32 s5, $0x1;
	s2 =	sadd.s32 s19, s18  }
0x9c: {  	s6 =	simm.s32 $0x0;
	s20 =	sshll.u32 s4, $0x1;
	s4 =	sadd.s32 s21, s2  }
0x9d: {  	[timem:s6], [sflag:s22] =	dma.local [hbm:s4], s20  }
0x9e: {  	_ =	swait.ge [sflag:s22], s20  }
0x9f: {  	s3 =	ssub.s32 $0x0, s20;
	[sflag:s22] =	ssyncset.done $0x0  }
0xa0: {  	[sflag:s22] =	ssyncadd.s32 s3;
	_ =	sdelay $0x1  }
0xa1: {  	s23 =	simm.s32 $0x1B8B  }
0xa2: {  	_ =	swait.ge [sflag:s23], $0x1  }
0xa3: {  	[sflag:s23] =	ssyncset.done $0x0  }
0xa4: {  	s25 =	simm.s32 $0x1B8E;
	s24 =	sld [smem:$0x3FFE];
	[sflag:s23] =	ssyncadd.s32 $0xFFFFFFFF  }
0xa5: {  	s26 =	simm.s32 $execute0_lowered;
	[smem:$0x3FD2] =	sst s25  }
0xa6: {  	s4 =	sshll.u32 s26, $0x1;
	_ =	strace $0x80000049;
	[dreg:$0x1] =	wrdreg $0xFFFFFFFF  }
0xa7: {  	s28 =	simm.s32 $_size_execute0_lowered;
	s2 =	sadd.s32 s2, s4;
	[dreg:$0x0] =	wrdreg $0x0  }
0xa8: {  	s4 =	sshll.u32 s28, $0x1;
	[dreg:$0x2] =	wrdreg s2  }
0xa9: {  	[dreg:$0x3] =	wrdreg s4  }
0xaa: {  	[dreg:$0x4] =	wrdreg $0xC0  }
0xab: {  	_ =	task [dreg:s6], $0x5FFFF  }
0xac: {  	[dreg:$0x1] =	wrdreg $0xFFFFFFFF  }
0xad: {  	[dreg:$0x0] =	wrdreg $0x60  }
0xae: {  	[dreg:$0x2] =	wrdreg s24  }
0xaf: {  	[dreg:$0x3] =	wrdreg $0x9  }
0xb0: {  	_ =	task.clear_ibuf [dreg:s6], $0x4FFFF;
	_ =	strace $0x90000049  }
0xb1: {  	s29 =	simm.s32 $0x9;
	_ =	strace $0x8000004B  }
0xb2: {  	_ =	swait.ge [sflag:s29], $0x1  }
0xb3: {  	[sflag:s29] =	ssyncadd.s32 $0xFFFFFFFF  }
0xb4: {  	_ =	strace $0x9000004B  }
0xb5: {  	_ =	sfence  }
0xb6: {  	s30 =	sld [smem:$0x0];
	_ =	sdelay $0x2  }
0xb7: {  	s31 =	sshll.u32 s1, $0xD;
	s1 =	sshrl.u32 s1, $0x2  }
0xb8: {  	s3 =	sand.u32 $0x4000, s31;
	s1 =	sadd.s32 s1, s30  }
0xb9: {  	s0 =	sor.u32 s3, s0;
	s1 =	sshll.u32 s1, $0x11  }
0xba: {  	s0 =	sor.u32 s1, s0  }
0xbb: {  	s0 =	sadd.s32 $0x8F2B, s0  }
0xbc: {  	[sflag:s0] =	ssyncadd.remote.s32 $0x1  }
0xbd: {  	_ =	sfence.sel $0xFFFF  }
0xbe: {  	[dreg:$0x0] =	wrdreg $0xFFFFFFFF;
	(pc) =	sbr.abs _section_cstart, $3  }
0xbf: {  	[dreg:$0x1] =	wrdreg $0xFFFFFFFF  }
0xc0: {  	_ =	task.clear_ibuf [dreg:s6], $0x2FFFF;
	_ =	strace $0x9FFFFFFF  }
0xc1: {  	(tm) =	ssettm $0x7FFFFFFF  }
tec
execute0_lowered:
.L_overlay_start_1:
0x0: {  	(tag) =	ssettag $0x1  }
0x1: {  	s0 =	rddreg [dreg:$0x0]  }
0x2: {  	s1 =	simm.s32 $0x0;
	s2 =	srdreg.scid;
	s6 =	stileid.u32  }
0x3: {  	s28 =	simm.s32 $0x80;
	s30 =	simm.s32 $0x4200;
	s31 =	simm.s32 $0x4280  }
0x4: {  	s29 =	simm.s32 $0x4380;
	s11 =	simm.s32 $0x4180;
	s13 =	simm.s32 $0x4  }
0x5: {  	s14 =	simm.s32 $0x6;
	[smem:$0x7FF] =	sst s1;
	s3 =	sadd.s32 $0x1CC00, s0  }
0x6: {  	s4 =	sadd.s32 $0x4400, s0;
	s5 =	sadd.s32 $0x35400, s0;
	s2 =	sand.u32 $0x1, s2  }
0x7: {  	s6 =	sshll.u32 s6, $0x1;
	s7 =	sadd.s32 $0x4DC00, s0;
	s15 =	sadd.s32 $0x4DE00, s0  }
0x8: {  	s8 =	sadd.s32 $0xAFC00, s0;
	s10 =	sadd.s32 $0x4E000, s0;
	s16 =	sadd.s32 $0x111800, s0  }
0x9: {  	s12 =	sadd.s32 $0x111A00, s0;
	_ =	strace $0x8000004A;
	[dreg:$0x2] =	wrdreg s7  }
0xa: {  	[dreg:$0x3] =	wrdreg s15;
	s6 =	sor.u32 s2, s6;
	s2 =	ssub.s32 $0x2, s2  }
0xb: {  	[dreg:$0x4] =	wrdreg s16;
	s7 =	simm.s32 $0x3;
	s9 =	smul.u32 $0x6200, s6  }
0xc: {  	s15 =	simm.s32 $0x8380;
	s16 =	simm.s32 $0x5;
	s17 =	sshrl.u32 s2, $0x1  }
0xd: {  	s6 =	simm.s32 $0x6380;
	s18 =	ssub.s32 s2, s17;
	s26 =	sor.u32 $0x180, s9  }
0xe: {  	s19 =	sshrl.u32 s9, $0x3;
	s0 =	smax.u32 s18, $0x1;
	[dreg:$0xb] =	wrdreg s26  }
0xf: {  	s17 =	simm.s32 $0x0;
	s20 =	sadd.s32 s3, s19;
	[dreg:$0xc] =	wrdreg s0  }
0x10: {  	s21 =	sadd.s32 s4, s19;
	s22 =	sor.u32 $0x10, s19;
	[dreg:$0x5] =	wrdreg s20  }
0x11: {  	s2 =	sadd.s32 s5, s19;
	s19 =	sor.u32 $0x100, s9;
	[dreg:$0x6] =	wrdreg s21  }
0x12: {  	s26 =	simm.s32 $0x2;
	[dreg:$0x7] =	wrdreg s2;
	s23 =	sadd.s32 s3, s22  }
0x13: {  	s24 =	sadd.s32 s4, s22;
	s25 =	sadd.s32 s5, s22;
	[dreg:$0x8] =	wrdreg s23  }
0x14: {  	v0 =	vlaneseq.u32;
	s21 =	sor.u32 $0x80, s9;
	s2 =	simm.s32 $0x1;
	[dreg:$0x9] =	wrdreg s24  }
0x15: {  	v0 =	vmul.u32 $0x40, v0;
	[dreg:$0xa] =	wrdreg s25;
	s23 =	simm.s32 $0x180;
	s25 =	simm.s32 $0x2180  }
.LBB2_1:
0x16: {  	[dreg:$0xd] =	wrdreg s17  }
0x17: {  	s0 =	rddreg [dreg:$0x4];
	s18 =	simm.s32 $0x8400;
	s17 =	simm.s32 $0x7  }
0x18: {  	[tilespmem:s18], [sflag:$0x7] =	stream.linear.gather [hbm4b:s0+s1], $0x90, $0x38;
	[tilespmem:$0x8890] =	vst v63  }
0x19: {  	_ =	swait.ge [sflag:s17], $0x90  }
0x1a: {  	[sflag:s17] =	ssyncset.done $0x0  }
0x1b: {  	s18 =	simm.s32 $0x8490;
	s20 =	rddreg [dreg:$0x2];
	[sflag:s17] =	ssyncadd.s32 $0xFFFFFF70  }
0x1c: {  	[tilespmem:s18], [sflag:$0x7] =	stream.linear.gather [hbm4b:s20+s1], $0x200, $0x38;
	[tilespmem:$0x8890] =	vst v63  }
0x1d: {  	_ =	swait.ge [sflag:s17], $0x200  }
0x1e: {  	[sflag:s17] =	ssyncset.done $0x0  }
0x1f: {  	s24 =	simm.s32 $0x8690;
	s22 =	rddreg [dreg:$0x3];
	[sflag:s17] =	ssyncadd.s32 $0xFFFFFE00  }
0x20: {  	[tilespmem:s24], [sflag:$0x7] =	stream.linear.gather [hbm4b:s22+s1], $0x200, $0x38;
	[tilespmem:$0x8890] =	vst v63  }
0x21: {  	_ =	swait.ge [sflag:s17], $0x200  }
0x22: {  	[sflag:s17] =	ssyncset.done $0x0  }
0x23: {  	[sflag:s17] =	ssyncadd.s32 $0xFFFFFE00  }
0x24: {  	v18 =	vld [tilespmem:$0x8490]  }
0x25: {  	v19 =	vld [tilespmem:$0x84A0]  }
0x26: {  	v20 =	vld [tilespmem:$0x84B0]  }
0x27: {  	v21 =	vld [tilespmem:$0x84C0]  }
0x28: {  	v22 =	vld [tilespmem:$0x84D0]  }
0x29: {  	v23 =	vld [tilespmem:$0x84E0];
	v1 =	vmax.f32 v18, $-1.000000020e+30  }
0x2a: {  	v24 =	vld [tilespmem:$0x84F0];
	v1 =	vmax.f32 v1, v19  }
0x2b: {  	v25 =	vld [tilespmem:$0x8500];
	v1 =	vmax.f32 v1, v20  }
0x2c: {  	v26 =	vld [tilespmem:$0x8510];
	v1 =	vmax.f32 v1, v21  }
0x2d: {  	v27 =	vld [tilespmem:$0x8520];
	v1 =	vmax.f32 v1, v22  }
0x2e: {  	v28 =	vld [tilespmem:$0x8530];
	v1 =	vmax.f32 v1, v23  }
0x2f: {  	v29 =	vld [tilespmem:$0x8540];
	v1 =	vmax.f32 v1, v24  }
0x30: {  	v30 =	vld [tilespmem:$0x8550];
	v1 =	vmax.f32 v1, v25  }
0x31: {  	v31 =	vld [tilespmem:$0x8560];
	v1 =	vmax.f32 v1, v26  }
0x32: {  	v32 =	vld [tilespmem:$0x8570];
	v1 =	vmax.f32 v1, v27  }
0x33: {  	v33 =	vld [tilespmem:$0x8580];
	v1 =	vmax.f32 v1, v28  }
0x34: {  	v17 =	vld [tilespmem:$0x8590];
	v1 =	vmax.f32 v1, v29  }
0x35: {  	v16 =	vld [tilespmem:$0x85A0];
	v1 =	vmax.f32 v1, v30  }
0x36: {  	v15 =	vld [tilespmem:$0x85B0];
	v1 =	vmax.f32 v1, v31  }
0x37: {  	v14 =	vld [tilespmem:$0x85C0];
	v1 =	vmax.f32 v1, v32  }
0x38: {  	v13 =	vld [tilespmem:$0x85D0];
	v1 =	vmax.f32 v1, v33  }
0x39: {  	v12 =	vld [tilespmem:$0x85E0];
	v1 =	vmax.f32 v1, v17  }
0x3a: {  	v11 =	vld [tilespmem:$0x85F0];
	v1 =	vmax.f32 v1, v16  }
0x3b: {  	v10 =	vld [tilespmem:$0x8600];
	v1 =	vmax.f32 v1, v15  }
0x3c: {  	v9 =	vld [tilespmem:$0x8610];
	v1 =	vmax.f32 v1, v14  }
0x3d: {  	v8 =	vld [tilespmem:$0x8620];
	v1 =	vmax.f32 v1, v13  }
0x3e: {  	v7 =	vld [tilespmem:$0x8630];
	v1 =	vmax.f32 v1, v12  }
0x3f: {  	v6 =	vld [tilespmem:$0x8640];
	v1 =	vmax.f32 v1, v11  }
0x40: {  	v5 =	vld [tilespmem:$0x8650];
	v1 =	vmax.f32 v1, v10  }
0x41: {  	v4 =	vld [tilespmem:$0x8660];
	v1 =	vmax.f32 v1, v9  }
0x42: {  	v3 =	vld [tilespmem:$0x8670];
	v1 =	vmax.f32 v1, v8  }
0x43: {  	v2 =	vld [tilespmem:$0x8680];
	v1 =	vmax.f32 v1, v7  }
0x44: {  	v1 =	vmax.f32 v1, v6  }
0x45: {  	v1 =	vmax.f32 v1, v5  }
0x46: {  	v1 =	vmax.f32 v1, v4  }
0x47: {  	v1 =	vmax.f32 v1, v3  }
0x48: {  	v1 =	vmax.f32 v1, v2  }
0x49: {  	(xrf0) =	vmax.scan.msk.f32 $0xffff, v1;
	_ =	sdelay $0x5  }
0x4a: {  	v1, _, _ =	vpop (xrf0)  }
0x4b: {  	v1 =	vbroadcast v1, $0xF;
	_ =	sdelay $0x1  }
0x4c: {  	v18 =	vsub.f32 v18, v1;
	_ =	sdelay $0x1  }
0x4d: {  	v18 =	vmul.f32 $1.442695020e+00, v18  }
0x4e: {  	v19 =	vsub.f32 v19, v1  }
0x4f: {  	(erf) = vpow2.f32 v18  }
0x50: {  	v60 =	vmul.f32 $1.442695020e+00, v19  }
0x51: {  	v61 =	vsub.f32 v20, v1  }
0x52: {  	(erf) = vpow2.f32 v60  }
0x53: {  	v63 =	vsub.f32 v21, v1;
	v62 =	vmul.f32 $1.442695020e+00, v61  }
0x54: {  	v36 =	vsub.f32 v22, v1  }
0x55: {  	v35 =	vmul.f32 $1.442695020e+00, v63;
	(erf) = vpow2.f32 v62  }
0x56: {  	v38 =	vmul.f32 $1.442695020e+00, v36  }
0x57: {  	v34 =	vld [tilespmem:$0x8690];
	v39 =	vsub.f32 v23, v1;
	(erf) = vpow2.f32 v35  }
0x58: {  	v40 =	vpop (erf);
	(erf) = vpow2.f32 v38  }
0x59: {  	v37 =	vld [tilespmem:$0x86A0];
	v42 =	vsub.f32 v24, v1;
	v41 =	vmul.f32 $1.442695020e+00, v39  }
0x5a: {  	v46 =	vsub.f32 v25, v1  }
0x5b: {  	v43 =	vld [tilespmem:$0x86B0];
	v45 =	vmul.f32 $1.442695020e+00, v42;
	v44 =	vpop (erf);
	(erf) = vpow2.f32 v41  }
0x5c: {  	v48 =	vmul.f32 $1.442695020e+00, v46;
	v20 =	vmul.f32 v40, v34  }
0x5d: {  	v47 =	vld [tilespmem:$0x86C0];
	v51 =	vsub.f32 v26, v1;
	(erf) = vpow2.f32 v45  }
0x5e: {  	v21 =	vmul.f32 v44, v37;
	v49 =	vpop (erf);
	v20 =	vadd.f32 $0.0e+00, v20;
	(erf) = vpow2.f32 v48  }
0x5f: {  	v50 =	vld [tilespmem:$0x86D0];
	v54 =	vmul.f32 $1.442695020e+00, v51  }
0x60: {  	v55 =	vsub.f32 v27, v1;
	v19 =	vmul.f32 v49, v43;
	v52 =	vpop (erf);
	v20 =	vadd.f32 v20, v21  }
0x61: {  	v53 =	vld [tilespmem:$0x86E0];
	v59 =	vsub.f32 v28, v1;
	v56 =	vpop (erf);
	(erf) = vpow2.f32 v54  }
0x62: {  	v58 =	vmul.f32 $1.442695020e+00, v55;
	v18 =	vmul.f32 v52, v47;
	v19 =	vadd.f32 v20, v19  }
0x63: {  	v57 =	vld [tilespmem:$0x86F0];
	v28 =	vsub.f32 v29, v1;
	v63 =	vmul.f32 $1.442695020e+00, v59  }
0x64: {  	v18 =	vadd.f32 v19, v18;
	v60 =	vmul.f32 v56, v50;
	v61 =	vpop (erf);
	(erf) = vpow2.f32 v58  }
0x65: {  	v36 =	vsub.f32 v30, v1;
	v62 =	vld [tilespmem:$0x8700];
	v35 =	vmul.f32 $1.442695020e+00, v28;
	v41 =	vsub.f32 v31, v1  }
0x66: {  	v29 =	vmul.f32 v61, v53;
	v34 =	vpop (erf);
	(erf) = vpow2.f32 v63;
	v18 =	vadd.f32 v18, v60  }
0x67: {  	v38 =	vld [tilespmem:$0x8710];
	v40 =	vmul.f32 $1.442695020e+00, v36;
	v39 =	vpop (erf);
	(erf) = vpow2.f32 v35  }
0x68: {  	v43 =	vmul.f32 $1.442695020e+00, v41;
	v37 =	vmul.f32 v34, v57;
	v18 =	vadd.f32 v18, v29  }
0x69: {  	v42 =	vld [tilespmem:$0x8720];
	v46 =	vsub.f32 v32, v1;
	(erf) = vpow2.f32 v40  }
0x6a: {  	v23 =	vmul.f32 v62, v39;
	v18 =	vadd.f32 v18, v37;
	v44 =	vpop (erf);
	(erf) = vpow2.f32 v43  }
0x6b: {  	v45 =	vld [tilespmem:$0x8730];
	v50 =	vsub.f32 v33, v1  }
0x6c: {  	v49 =	vmul.f32 $1.442695020e+00, v46;
	v18 =	vadd.f32 v18, v23;
	v20 =	vmul.f32 v38, v44  }
0x6d: {  	v17 =	vsub.f32 v17, v1;
	v48 =	vld [tilespmem:$0x8740];
	v53 =	vmul.f32 $1.442695020e+00, v50;
	v47 =	vpop (erf)  }
0x6e: {  	(erf) = vpow2.f32 v49;
	v19 =	vmul.f32 v42, v47;
	v18 =	vadd.f32 v18, v20  }
0x6f: {  	v16 =	vsub.f32 v16, v1;
	v17 =	vmul.f32 $1.442695020e+00, v17;
	v52 =	vld [tilespmem:$0x8750];
	v51 =	vpop (erf)  }
0x70: {  	v54 =	vmul.f32 v45, v51;
	v55 =	vpop (erf);
	(erf) = vpow2.f32 v53;
	v18 =	vadd.f32 v18, v19  }
0x71: {  	v15 =	vsub.f32 v15, v1;
	v16 =	vmul.f32 $1.442695020e+00, v16;
	v56 =	vld [tilespmem:$0x8760]  }
0x72: {  	v57 =	vmul.f32 v48, v55;
	v58 =	vpop (erf);
	(erf) = vpow2.f32 v17;
	v18 =	vadd.f32 v18, v54  }
0x73: {  	v14 =	vsub.f32 v14, v1;
	v61 =	vld [tilespmem:$0x8770];
	v62 =	vpop (erf);
	(erf) = vpow2.f32 v16  }
0x74: {  	v15 =	vmul.f32 $1.442695020e+00, v15;
	v60 =	vmul.f32 v52, v58;
	v59 =	vadd.f32 v18, v57  }
0x75: {  	v24 =	vld [tilespmem:$0x8780];
	v13 =	vsub.f32 v13, v1;
	v14 =	vmul.f32 $1.442695020e+00, v14  }
0x76: {  	v63 =	vmul.f32 v56, v62;
	(erf) = vpow2.f32 v15;
	v17 =	vadd.f32 v59, v60  }
0x77: {  	v26 =	vld [tilespmem:$0x8790];
	v12 =	vsub.f32 v12, v1;
	v25 =	vpop (erf);
	(erf) = vpow2.f32 v14  }
0x78: {  	v13 =	vmul.f32 $1.442695020e+00, v13;
	v15 =	vmul.f32 v61, v25;
	v16 =	vadd.f32 v17, v63  }
0x79: {  	v11 =	vsub.f32 v11, v1;
	v12 =	vmul.f32 $1.442695020e+00, v12;
	v28 =	vld [tilespmem:$0x87A0];
	v27 =	vpop (erf)  }
0x7a: {  	(erf) = vpow2.f32 v13;
	v14 =	vmul.f32 v24, v27;
	v15 =	vadd.f32 v16, v15  }
0x7b: {  	v10 =	vsub.f32 v10, v1;
	v30 =	vld [tilespmem:$0x87B0];
	v11 =	vmul.f32 $1.442695020e+00, v11;
	v29 =	vpop (erf)  }
0x7c: {  	v32 =	vmul.f32 v26, v29;
	v31 =	vadd.f32 v15, v14;
	v33 =	vpop (erf);
	(erf) = vpow2.f32 v12  }
0x7d: {  	v9 =	vsub.f32 v9, v1;
	v10 =	vmul.f32 $1.442695020e+00, v10;
	v34 =	vld [tilespmem:$0x87C0]  }
0x7e: {  	v35 =	vadd.f32 v31, v32;
	v36 =	vmul.f32 v28, v33;
	(erf) = vpow2.f32 v11  }
0x7f: {  	v8 =	vsub.f32 v8, v1;
	v9 =	vmul.f32 $1.442695020e+00, v9;
	v40 =	vld [tilespmem:$0x87D0];
	v37 =	vpop (erf)  }
0x80: {  	v39 =	vmul.f32 v30, v37;
	v41 =	vpop (erf);
	(erf) = vpow2.f32 v10;
	v38 =	vadd.f32 v35, v36  }
0x81: {  	v8 =	vmul.f32 $1.442695020e+00, v8;
	v43 =	vld [tilespmem:$0x87E0]  }
0x82: {  	v42 =	vmul.f32 v34, v41;
	(erf) = vpow2.f32 v9;
	v11 =	vadd.f32 v38, v39  }
0x83: {  	v7 =	vsub.f32 v7, v1;
	v45 =	vld [tilespmem:$0x87F0];
	v44 =	vpop (erf)  }
0x84: {  	v9 =	vmul.f32 v40, v44;
	(erf) = vpow2.f32 v8;
	v10 =	vadd.f32 v11, v42  }
0x85: {  	v6 =	vsub.f32 v6, v1;
	v7 =	vmul.f32 $1.442695020e+00, v7;
	v47 =	vld [tilespmem:$0x8800];
	v46 =	vpop (erf)  }
0x86: {  	v9 =	vadd.f32 v10, v9;
	v8 =	vmul.f32 v43, v46  }
0x87: {  	v5 =	vsub.f32 v5, v1;
	v6 =	vmul.f32 $1.442695020e+00, v6;
	v49 =	vld [tilespmem:$0x8810];
	(erf) = vpow2.f32 v7;
	v48 =	vpop (erf)  }
0x88: {  	v51 =	vmul.f32 v45, v48;
	v50 =	vadd.f32 v9, v8  }
0x89: {  	v4 =	vsub.f32 v4, v1;
	v5 =	vmul.f32 $1.442695020e+00, v5;
	v53 =	vld [tilespmem:$0x8820];
	v52 =	vpop (erf);
	(erf) = vpow2.f32 v6  }
0x8a: {  	v3 =	vsub.f32 v3, v1;
	v55 =	vmul.f32 v47, v52;
	v54 =	vadd.f32 v50, v51  }
0x8b: {  	v2 =	vsub.f32 v2, v1;
	v4 =	vmul.f32 $1.442695020e+00, v4;
	v56 =	vpop (erf);
	(erf) = vpow2.f32 v5  }
0x8c: {  	v3 =	vmul.f32 $1.442695020e+00, v3;
	v58 =	vld [tilespmem:$0x8830];
	v57 =	vmul.f32 v49, v56;
	v5 =	vadd.f32 v54, v55  }
0x8d: {  	v59 =	vpop (erf);
	(erf) = vpow2.f32 v4  }
0x8e: {  	v2 =	vmul.f32 $1.442695020e+00, v2;
	v60 =	vld [tilespmem:$0x8840];
	v4 =	vmul.f32 v53, v59;
	v5 =	vadd.f32 v5, v57  }
0x8f: {  	(erf) = vpow2.f32 v3  }
0x90: {  	v61 =	vld [tilespmem:$0x8850];
	v3 =	vpop (erf);
	v4 =	vadd.f32 v5, v4  }
0x91: {  	(erf) = vpow2.f32 v2;
	v3 =	vmul.f32 v58, v3  }
0x92: {  	v2 =	vpop (erf);
	v5 =	vld [tilespmem:$0x8860]  }
0x93: {  	v2 =	vmul.f32 v60, v2;
	v3 =	vadd.f32 v4, v3  }
0x94: {  	v62 =	vld [tilespmem:$0x8870];
	v4 =	vpop (erf)  }
0x95: {  	v2 =	vadd.f32 v3, v2;
	v3 =	vmul.f32 v61, v4  }
0x96: {  	v63 =	vld [tilespmem:$0x8880];
	v4 =	vpop (erf)  }
0x97: {  	v2 =	vadd.f32 v2, v3;
	v3 =	vmul.f32 v5, v4  }
0x98: {  	v4 =	vpop (erf)  }
0x99: {  	v2 =	vadd.f32 v2, v3;
	v3 =	vmul.f32 v62, v4  }
0x9a: {  	v4 =	vpop (erf)  }
0x9b: {  	v2 =	vadd.f32 v2, v3;
	v3 =	vmul.f32 v63, v4;
	_ =	sdelay $0x1  }
0x9c: {  	v2 =	vadd.f32 v2, v3;
	_ =	sdelay $0x1  }
0x9d: {  	(xrf2) =	vadd.scan.msk.f32 $0xffff, v2;
	_ =	sdelay $0x9  }
0x9e: {  	v2, _, _ =	vpop (xrf2)  }
0x9f: {  	s18 =	rddreg [dreg:$0x5];
	v3 =	vbroadcast v2, $0xF  }
0xa0: {  	v2 =	vld.msk [tilespmem:$0x8480 ss:$0x0], $0xffff;
	[tilespmem:s1], [sflag:$0x1] =	stream.linear.gather [hbm4b:s18+s1], $0x80, $0x38  }
0xa1: {  	s20 =	rddreg [dreg:$0x6];
	(erf) = vrcp.f32 v3  }
0xa2: {  	[tilespmem:s28], [sflag:$0x1] =	stream.linear.gather [hbm4b:s20+s1], $0x80, $0x38;
	[tilespmem:$0x8890] =	vst v63  }
0xa3: {  	s24 =	simm.s32 $0x100;
	s22 =	rddreg [dreg:$0x7]  }
0xa4: {  	[tilespmem:s24], [sflag:$0x1] =	stream.linear.gather [hbm4b:s22+s1], $0x80, $0x38;
	[tilespmem:$0x8890] =	vst v63  }
0xa5: {  	s18 =	rddreg [dreg:$0x8]  }
0xa6: {  	[tilespmem:s30], [sflag:$0x2] =	stream.linear.gather [hbm4b:s18+s1], $0x80, $0x38;
	[tilespmem:$0x8890] =	vst v63  }
0xa7: {  	s20 =	rddreg [dreg:$0x9]  }
0xa8: {  	[tilespmem:s31], [sflag:$0x2] =	stream.linear.gather [hbm4b:s20+s1], $0x80, $0x38;
	[tilespmem:$0x8890] =	vst v63  }
0xa9: {  	s22 =	rddreg [dreg:$0xa];
	s24 =	simm.s32 $0x4300  }
0xaa: {  	[tilespmem:s24], [sflag:$0x2] =	stream.linear.gather [hbm4b:s22+s1], $0x80, $0x38;
	v3 =	vpop (erf);
	[tilespmem:$0x8890] =	vst v63  }
0xab: {  	_ =	swait.ge [sflag:s2], $0x80  }
0xac: {  	[sflag:s2] =	ssyncset.done $0x0  }
0xad: {  	[sflag:s2] =	ssyncadd.s32 $0xFFFFFF80  }
0xae: {  	_ =	swait.ge [sflag:s2], $0x80  }
0xaf: {  	[sflag:s2] =	ssyncset.done $0x0  }
0xb0: {  	[sflag:s2] =	ssyncadd.s32 $0xFFFFFF80  }
0xb1: {  	_ =	swait.ge [sflag:s2], $0x80  }
0xb2: {  	[sflag:s2] =	ssyncset.done $0x0  }
0xb3: {  	[sflag:s2] =	ssyncadd.s32 $0xFFFFFF80  }
0xb4: {  	[tilespmem:s23], [sflag:$0x3] =	stream.indirect.gather [hbm4b:s8+s28], $0x40, s1, s28, $0xb8;
	[tilespmem:$0x8890] =	vst v63  }
0xb5: {  	s18 =	simm.s32 $0x0  }
0xb6: {  	v3 =	vbroadcast v3, $0x0;
	[tilespmem:s25], [sflag:$0x3] =	stream.indirect.gather [hbm4b:s10+s28], $0x40, s28, s28, $0xb8;
	[tilespmem:$0x8890] =	vst v63  }
.LBB2_2:
0xb7: {  	_ =	swait.ge [sflag:s26], $0x80  }
0xb8: {  	[sflag:s26] =	ssyncset.done $0x0  }
0xb9: {  	[sflag:s26] =	ssyncadd.s32 $0xFFFFFF80  }
0xba: {  	_ =	swait.ge [sflag:s26], $0x80  }
0xbb: {  	[sflag:s26] =	ssyncset.done $0x0  }
0xbc: {  	[sflag:s26] =	ssyncadd.s32 $0xFFFFFF80  }
0xbd: {  	_ =	swait.ge [sflag:s26], $0x80  }
0xbe: {  	[sflag:s26] =	ssyncset.done $0x0  }
0xbf: {  	[sflag:s26] =	ssyncadd.s32 $0xFFFFFF80  }
0xc0: {  	[tilespmem:s29], [sflag:$0x4] =	stream.indirect.gather [hbm4b:s8+s28], $0x40, s30, s28, $0xb8;
	[tilespmem:$0x8890] =	vst v63  }
0xc1: {  	_ = 	snop  }
0xc2: {  	[tilespmem:s6], [sflag:$0x4] =	stream.indirect.gather [hbm4b:s10+s28], $0x40, s31, s28, $0xb8;
	[tilespmem:$0x8890] =	vst v63  }
0xc3: {  	_ =	swait.ge [sflag:s7], $0x2000  }
0xc4: {  	[sflag:s7] =	ssyncset.done $0x0  }
0xc5: {  	s22 =	sshll.u32 s18, $0x8;
	p1 =	seq.s32 s18, $0x61;
	[sflag:s7] =	ssyncadd.s32 $0xFFFFE000  }
0xc6: {  	s0 =	sadd.s32 @!p1 s22, s19;
	s24 =	simm.s32 @!p1 $0x0;
	_ =	swait.ge [sflag:s7], $0x2000  }
0xc7: {  	p0 =	seq.s32 @!p1 s18, $0x0;
	s0 =	sshrl.u32 @!p1 s0, $0x3;
	[sflag:s7] =	ssyncset.done $0x0  }
0xc8: {  	p0 =	por p1, !p0;
	s17 =	sadd.s32 @!p1 s3, s0;
	[sflag:s7] =	ssyncadd.s32 $0xFFFFE000  }
0xc9: {  	[tilespmem:s24], [sflag:$0x1] =	stream.linear.gather @!p1 [hbm4b:s17+s24], $0x80, $0x38;
	[tilespmem:$0x8890] =	vst v63  }
.Ltmp0:
0xca: {  	_ = 	snop;
	(pc) =	sbr.rel @!p0 .LBB2_3-.Ltmp0, $4  }
0xcb: {  	s20 =	simm.s32 @!p1 $0x80;
	s17 =	sadd.s32 @!p1 s4, s0  }
0xcc: {  	[tilespmem:s20], [sflag:$0x1] =	stream.linear.gather @!p1 [hbm4b:s17+s24], $0x80, $0x38;
	[tilespmem:$0x8890] =	vst v63  }
0xcd: {  	s0 =	sadd.s32 @!p1 s5, s0;
	s17 =	simm.s32 @!p1 $0x100  }
0xce: {  	[tilespmem:s17], [sflag:$0x1] =	stream.linear.gather @!p1 [hbm4b:s0+s24], $0x80, $0x38;
	[tilespmem:$0x8890] =	vst v63  }
.Ltmp1:
0xcf: {  	(pc) =	sbr.rel .LBB2_5-.Ltmp1, $4  }
0xd0: {  	_ = 	snop  }
0xd1: {  	_ =	swait.ge [sflag:s16], $0x80  }
0xd2: {  	[sflag:s16] =	ssyncset.done $0x0  }
0xd3: {  	p0 =	por $0x0, $0x0;
	[sflag:s16] =	ssyncadd.s32 $0xFFFFFF80  }
.LBB2_3:
0xd4: {  	p0 =	por @!p1 $0x1, $0x1  }
.LBB2_5:
0xd5: {  	s24 =	simm.s32 $0x0;
	s17 =	simm.s32 $0x100;
	s0 =	simm.s32 $0x4180  }
.LBB2_6:
0xd6: {  	v5 =	vmov s24  }
0xd7: {  	v5 =	vshll.u32 v5, $0x6  }
0xd8: {  	v5 =	vor.u32 v0, v5;
	_ =	sdelay $0x1  }
0xd9: {  	v4 =	vld [tilespmem:s17+$0x0];
	v8 =	vor.u32 $0x2, v5  }
0xda: {  	v9 =	vld [tilespmem:$0x8400]  }
0xdb: {  	v7 =	vld [tilespmem:$0x8440];
	v14 =	vor.u32 $0x3, v5  }
0xdc: {  	v6 =	vld.idx.msk [tilespmem:v5+s23+$0x0], $0xffff  }
0xdd: {  	v26 =	vor.u32 $0x4, v5;
	v10 =	vld.idx.msk [tilespmem:v5+s25+$0x0], $0xffff  }
0xde: {  	v19 =	vor.u32 $0x6, v5;
	v13 =	vld.idx.msk [tilespmem:v8+s23+$0x0], $0xffff  }
0xdf: {  	v8 =	vld.idx.msk [tilespmem:v8+s25+$0x0], $0xffff  }
0xe0: {  	v35 =	vor.u32 $0x8, v5;
	v4 =	vsub.f32 v4, v1;
	v27 =	vld.idx.msk [tilespmem:v14+s23+$0x0], $0xffff  }
0xe1: {  	v29 =	vld.idx.msk [tilespmem:v14+s25+$0x0], $0xffff  }
0xe2: {  	v39 =	vor.u32 $0x9, v5;
	v15 =	vbroadcast v9, $0x0;
	v4 =	vmul.f32 $1.442695020e+00, v4;
	v17 =	vld.idx.msk [tilespmem:v26+s23+$0x0], $0xffff  }
0xe3: {  	v16 =	vbroadcast v7, $0x0;
	v30 =	vbroadcast v9, $0x1;
	v34 =	vld.idx.msk [tilespmem:v19+s23+$0x0], $0xffff  }
0xe4: {  	v18 =	vbroadcast v9, $0x2;
	v19 =	vld.idx.msk [tilespmem:v19+s25+$0x0], $0xffff;
	(erf) = vpow2.f32 v4;
	v4 =	vor.u32 $0x1, v5  }
0xe5: {  	v28 =	vor.u32 $0x5, v5;
	v31 =	vbroadcast v7, $0x1;
	v20 =	vbroadcast v7, $0x2;
	v23 =	vld.idx.msk [tilespmem:v35+s23+$0x0], $0xffff  }
0xe6: {  	v33 =	vor.u32 $0x7, v5;
	v36 =	vbroadcast v9, $0x3;
	v37 =	vbroadcast v9, $0x4;
	v14 =	vld.idx.msk [tilespmem:v35+s25+$0x0], $0xffff  }
0xe7: {  	v46 =	vor.u32 $0xB, v5;
	v40 =	vbroadcast v7, $0x3;
	v41 =	vbroadcast v7, $0x4;
	v44 =	vld.idx.msk [tilespmem:v39+s23+$0x0], $0xffff  }
0xe8: {  	v22 =	vbroadcast v9, $0x5;
	v43 =	vbroadcast v9, $0x6;
	v6 =	vadd.f32 v10, v6;
	v10 =	vld.idx.msk [tilespmem:v26+s25+$0x0], $0xffff  }
0xe9: {  	v42 =	vor.u32 $0xA, v5;
	v47 =	vbroadcast v9, $0x7;
	v49 =	vbroadcast v7, $0x5;
	v11 =	vld.idx.msk [tilespmem:v4+s23+$0x0], $0xffff  }
0xea: {  	v48 =	vor.u32 $0xC, v5;
	v50 =	vbroadcast v7, $0x6;
	v51 =	vbroadcast v9, $0x8;
	v12 =	vld.idx.msk [tilespmem:v4+s25+$0x0], $0xffff  }
0xeb: {  	v25 =	vor.u32 $0xD, v5;
	v53 =	vbroadcast v7, $0x7;
	v54 =	vbroadcast v9, $0x9;
	v45 =	vld.idx.msk [tilespmem:v39+s25+$0x0], $0xffff  }
0xec: {  	v61 =	vor.u32 $0xE, v5;
	v57 =	vbroadcast v7, $0x8;
	v60 =	vbroadcast v7, $0x9;
	v52 =	vld.idx.msk [tilespmem:v46+s23+$0x0], $0xffff  }
0xed: {  	v62 =	vbroadcast v9, $0xA;
	v39 =	vbroadcast v7, $0xC;
	v10 =	vadd.f32 v10, v17;
	v17 =	vld.idx.msk [tilespmem:v46+s25+$0x0], $0xffff;
	v4 =	vpop (erf)  }
0xee: {  	v8 =	vadd.f32 v8, v13;
	v13 =	vadd.f32 v19, v34;
	v4 =	vmul.f32 v4, v3  }
0xef: {  	v26 =	vor.u32 $0xF, v5;
	v14 =	vadd.f32 v14, v23;
	v11 =	vadd.f32 v12, v11  }
0xf0: {  	v32 =	vld.idx.msk [tilespmem:v28+s23+$0x0], $0xffff;
	v12 =	vadd.f32 v29, v27;
	v27 =	vbroadcast v9, $0xB;
	v6 =	vmul.f32 v6, v4  }
0xf1: {  	v63 =	vld.idx.msk [tilespmem:v25+s23+$0x0], $0xffff;
	v46 =	vor.u32 $0x12, v5;
	v11 =	vmul.f32 v11, v4;
	v8 =	vmul.f32 v8, v4  }
0xf2: {  	v25 =	vld.idx.msk [tilespmem:v25+s25+$0x0], $0xffff;
	v12 =	vmul.f32 v12, v4;
	v10 =	vmul.f32 v10, v4;
	v17 =	vadd.f32 v17, v52  }
0xf3: {  	v21 =	vld.idx.msk [tilespmem:v33+s23+$0x0], $0xffff;
	v13 =	vmul.f32 v13, v4;
	v6 =	vadd.f32 v6, v15;
	v11 =	vadd.f32 v11, v30  }
0xf4: {  	v38 =	vld.idx.msk [tilespmem:v33+s25+$0x0], $0xffff;
	v14 =	vmul.f32 v14, v4;
	v8 =	vadd.f32 v8, v18;
	v12 =	vadd.f32 v12, v36  }
0xf5: {  	v24 =	vld.idx.msk [tilespmem:v42+s23+$0x0], $0xffff;
	v29 =	vor.u32 $0x10, v5;
	v10 =	vadd.f32 v10, v37;
	v13 =	vadd.f32 v13, v43  }
0xf6: {  	v15 =	vld.idx.msk [tilespmem:v28+s25+$0x0], $0xffff;
	v14 =	vadd.f32 v14, v51;
	v28 =	vbroadcast v9, $0xC;
	v30 =	vbroadcast v7, $0xA  }
0xf7: {  	v18 =	vld.idx.msk [tilespmem:v42+s25+$0x0], $0xffff;
	v36 =	vadd.f32 v25, v63;
	v42 =	vor.u32 $0x11, v5;
	v51 =	vbroadcast v7, $0xE  }
0xf8: {  	v17 =	vmul.f32 v17, v4;
	v6 =	vmax.f32 v6, $0.0e+00;
	v11 =	vmax.f32 v11, $0.0e+00  }
0xf9: {  	v8 =	vmax.f32 v8, $0.0e+00;
	v12 =	vmax.f32 v12, $0.0e+00;
	v10 =	vmax.f32 v10, $0.0e+00  }
0xfa: {  	v13 =	vmax.f32 v13, $0.0e+00;
	v6 =	vmul.f32 v6, v16;
	v11 =	vmul.f32 v11, v31  }
0xfb: {  	v58 =	vmax.f32 v14, $0.0e+00;
	v8 =	vmul.f32 v8, v20;
	v12 =	vmul.f32 v12, v40  }
0xfc: {  	v10 =	vmul.f32 v10, v41;
	v16 =	vadd.f32 v38, v21;
	v13 =	vmul.f32 v13, v50  }
0xfd: {  	v55 =	vld.idx.msk [tilespmem:v48+s23+$0x0], $0xffff;
	v17 =	vadd.f32 v17, v27;
	v38 =	vbroadcast v7, $0xB;
	v40 =	vbroadcast v9, $0xD  }
0xfe: {  	v21 =	vld.idx.msk [tilespmem:v48+s25+$0x0], $0xffff;
	v48 =	vbroadcast v9, $0xE;
	v50 =	vor.u32 $0x13, v5;
	v6 =	vadd.f32 $0.0e+00, v6  }
0xff: {  	v34 =	vld.idx.msk [tilespmem:v61+s25+$0x0], $0xffff;
	v9 =	vbroadcast v9, $0xF;
	v11 =	vadd.f32 $0.0e+00, v11;
	v8 =	vadd.f32 $0.0e+00, v8  }
0x100: {  	v37 =	vld.idx.msk [tilespmem:v26+s23+$0x0], $0xffff;
	v15 =	vadd.f32 v15, v32;
	v12 =	vadd.f32 $0.0e+00, v12;
	v35 =	vmax.f32 v17, $0.0e+00  }
0x101: {  	v31 =	vld.idx.msk [tilespmem:v61+s23+$0x0], $0xffff;
	v16 =	vmul.f32 v16, v4;
	v59 =	vadd.f32 v18, v24;
	v43 =	vmul.f32 v35, v38  }
0x102: {  	v41 =	vld.idx.msk [tilespmem:v29+s23+$0x0], $0xffff;
	v35 =	vor.u32 $0x17, v5;
	v15 =	vmul.f32 v15, v4;
	v6 =	vadd.f32 v10, v6  }
0x103: {  	v52 =	vld.idx.msk [tilespmem:v42+s25+$0x0], $0xffff;
	v16 =	vadd.f32 v16, v47;
	v8 =	vadd.f32 v13, v8;
	v13 =	vmul.f32 v58, v57  }
0x104: {  	v18 =	vld.idx.msk [tilespmem:v46+s25+$0x0], $0xffff;
	v10 =	vadd.f32 v45, v44;
	v14 =	vmul.f32 v59, v4;
	v47 =	vbroadcast v7, $0xD  }
0x105: {  	v45 =	vld.idx.msk [tilespmem:v29+s25+$0x0], $0xffff;
	v7 =	vbroadcast v7, $0xF;
	v59 =	vor.u32 $0x15, v5;
	v29 =	vor.u32 $0x16, v5  }
0x106: {  	v24 =	vadd.f32 v21, v55;
	v21 =	vld.idx.msk [tilespmem:v26+s25+$0x0], $0xffff;
	v55 =	vor.u32 $0x14, v5;
	v15 =	vadd.f32 v15, v22  }
0x107: {  	v58 =	vld.idx.msk [tilespmem:v50+s25+$0x0], $0xffff;
	v16 =	vmax.f32 v16, $0.0e+00;
	v10 =	vmul.f32 v10, v4;
	v14 =	vadd.f32 v14, v62  }
0x108: {  	v6 =	vadd.f32 v13, v6;
	v56 =	vmul.f32 v16, v53;
	v16 =	vmul.f32 v36, v4;
	v53 =	vld.idx.msk [tilespmem:v46+s23+$0x0], $0xffff  }
0x109: {  	v15 =	vmax.f32 v15, $0.0e+00;
	v10 =	vadd.f32 v10, v54;
	v32 =	vmax.f32 v14, $0.0e+00;
	v20 =	vld.idx.msk [tilespmem:v35+s25+$0x0], $0xffff  }
0x10a: {  	v15 =	vmul.f32 v15, v49;
	v12 =	vadd.f32 v56, v12;
	v16 =	vadd.f32 v16, v40;
	v49 =	vld.idx.msk [tilespmem:v42+s23+$0x0], $0xffff  }
0x10b: {  	v56 =	vld.idx.msk [tilespmem:v50+s23+$0x0], $0xffff;
	v40 =	vor.u32 $0x18, v5;
	v10 =	vmax.f32 v10, $0.0e+00;
	v17 =	vadd.f32 v21, v37  }
0x10c: {  	v42 =	vld.idx.msk [tilespmem:v35+s23+$0x0], $0xffff;
	v11 =	vadd.f32 v15, v11;
	v10 =	vmul.f32 v10, v60;
	v16 =	vmax.f32 v16, $0.0e+00  }
0x10d: {  	v63 =	vld.idx.msk [tilespmem:v55+s23+$0x0], $0xffff;
	v15 =	vmul.f32 v24, v4;
	v12 =	vadd.f32 v43, v12;
	v16 =	vmul.f32 v16, v47  }
0x10e: {  	v27 =	vld.idx.msk [tilespmem:v55+s25+$0x0], $0xffff;
	v17 =	vmul.f32 v17, v4;
	v62 =	vadd.f32 v18, v53;
	v10 =	vadd.f32 v10, v11  }
0x10f: {  	v38 =	vld.idx.msk [tilespmem:v29+s23+$0x0], $0xffff;
	v53 =	vor.u32 $0x1A, v5;
	v33 =	vadd.f32 v15, v28;
	v15 =	vadd.f32 v34, v31  }
0x110: {  	v21 =	vld.idx.msk [tilespmem:v29+s25+$0x0], $0xffff;
	v11 =	vmul.f32 v32, v30;
	v9 =	vadd.f32 v17, v9;
	v61 =	vadd.f32 v52, v49  }
0x111: {  	v31 =	vld.idx.msk [tilespmem:v59+s23+$0x0], $0xffff;
	v30 =	vadd.f32 v58, v56;
	v55 =	vadd.f32 v20, v42;
	v14 =	vmax.f32 v33, $0.0e+00  }
0x112: {  	v11 =	vadd.f32 v11, v8;
	v8 =	vld [tilespmem:$0x8410];
	v15 =	vmul.f32 v15, v4;
	v10 =	vadd.f32 v16, v10  }
0x113: {  	v33 =	vld.idx.msk [tilespmem:v59+s25+$0x0], $0xffff;
	v17 =	vadd.f32 v27, v63;
	v59 =	vor.u32 $0x1B, v5;
	v44 =	vmul.f32 v14, v39  }
0x114: {  	v49 =	vld.idx.msk [tilespmem:v40+s23+$0x0], $0xffff;
	v14 =	vadd.f32 v45, v41;
	v9 =	vmax.f32 v9, $0.0e+00;
	v15 =	vadd.f32 v15, v48  }
0x115: {  	v52 =	vld.idx.msk [tilespmem:v40+s25+$0x0], $0xffff;
	v63 =	vor.u32 $0x1C, v5;
	v24 =	vmul.f32 v61, v4;
	v7 =	vmul.f32 v9, v7  }
0x116: {  	v17 =	vmul.f32 v17, v4;
	v14 =	vmul.f32 v14, v4;
	v15 =	vmax.f32 v15, $0.0e+00  }
0x117: {  	v48 =	vadd.f32 v21, v38;
	v54 =	vbroadcast v8, $0x0;
	v15 =	vmul.f32 v15, v51  }
0x118: {  	v13 =	vadd.f32 v44, v6;
	v6 =	vld [tilespmem:$0x8450];
	v26 =	vbroadcast v8, $0x1;
	v28 =	vbroadcast v8, $0x2  }
0x119: {  	v38 =	vor.u32 $0x1E, v5;
	v34 =	vbroadcast v8, $0x3;
	v39 =	vbroadcast v8, $0x4  }
0x11a: {  	v16 =	vadd.f32 v52, v49;
	v43 =	vbroadcast v8, $0x5;
	v61 =	vbroadcast v8, $0x7  }
0x11b: {  	v44 =	vor.u32 $0x19, v5;
	v40 =	vbroadcast v8, $0xA;
	v49 =	vbroadcast v8, $0xC  }
0x11c: {  	v27 =	vmul.f32 v16, v4;
	v11 =	vadd.f32 v15, v11;
	v15 =	vmul.f32 v62, v4  }
0x11d: {  	v14 =	vadd.f32 v14, v54;
	v54 =	vbroadcast v8, $0x6;
	v57 =	vbroadcast v6, $0x0  }
0x11e: {  	v7 =	vadd.f32 v7, v12;
	v36 =	vbroadcast v6, $0x1;
	v37 =	vbroadcast v6, $0x2  }
0x11f: {  	v12 =	vadd.f32 v24, v26;
	v41 =	vbroadcast v6, $0x3;
	v50 =	vbroadcast v6, $0x4  }
0x120: {  	v17 =	vadd.f32 v17, v39;
	v51 =	vbroadcast v6, $0x5;
	v52 =	vbroadcast v6, $0xB  }
0x121: {  	v60 =	vmax.f32 v14, $0.0e+00;
	v32 =	vadd.f32 v15, v28;
	v12 =	vmax.f32 v12, $0.0e+00  }
0x122: {  	v56 =	vld.idx.msk [tilespmem:v44+s23+$0x0], $0xffff;
	v15 =	vadd.f32 v33, v31;
	v28 =	vbroadcast v8, $0x8;
	v31 =	vbroadcast v6, $0x7  }
0x123: {  	v58 =	vld.idx.msk [tilespmem:v44+s25+$0x0], $0xffff;
	v44 =	vor.u32 $0x1F, v5;
	v9 =	vmul.f32 v60, v57;
	v12 =	vmul.f32 v12, v36  }
0x124: {  	v35 =	vld.idx.msk [tilespmem:v63+s23+$0x0], $0xffff;
	v46 =	vmax.f32 v17, $0.0e+00;
	v57 =	vbroadcast v6, $0x6;
	v60 =	vmul.f32 v55, v4  }
0x125: {  	v62 =	vld.idx.msk [tilespmem:v53+s23+$0x0], $0xffff;
	v36 =	vor.u32 $0x1D, v5;
	v55 =	vor.u32 $0x21, v5;
	v14 =	vmax.f32 v32, $0.0e+00  }
0x126: {  	v16 =	vld.idx.msk [tilespmem:v38+s25+$0x0], $0xffff;
	v15 =	vmul.f32 v15, v4;
	v32 =	vbroadcast v6, $0x8;
	v9 =	vadd.f32 v9, v13  }
0x127: {  	v33 =	vld.idx.msk [tilespmem:v59+s25+$0x0], $0xffff;
	v13 =	vmul.f32 v30, v4;
	v14 =	vmul.f32 v14, v37;
	v10 =	vadd.f32 v12, v10  }
0x128: {  	v12 =	vadd.f32 v60, v61;
	v30 =	vld.idx.msk [tilespmem:v59+s23+$0x0], $0xffff;
	v60 =	vor.u32 $0x22, v5;
	v47 =	vadd.f32 v15, v43  }
0x129: {  	v15 =	vmul.f32 v48, v4;
	v29 =	vadd.f32 v58, v56;
	v48 =	vld.idx.msk [tilespmem:v38+s23+$0x0], $0xffff;
	v38 =	vor.u32 $0x24, v5  }
0x12a: {  	v37 =	vld.idx.msk [tilespmem:v63+s25+$0x0], $0xffff;
	v13 =	vadd.f32 v13, v34;
	v11 =	vadd.f32 v14, v11;
	v12 =	vmax.f32 v12, $0.0e+00  }
0x12b: {  	v26 =	vld.idx.msk [tilespmem:v53+s25+$0x0], $0xffff;
	v34 =	vbroadcast v8, $0x9;
	v14 =	vmax.f32 v47, $0.0e+00;
	v15 =	vadd.f32 v15, v54  }
0x12c: {  	v19 =	vld.idx.msk [tilespmem:v44+s25+$0x0], $0xffff;
	v12 =	vmul.f32 v12, v31;
	v47 =	vbroadcast v8, $0xB;
	v13 =	vmax.f32 v13, $0.0e+00  }
0x12d: {  	v54 =	vld.idx.msk [tilespmem:v44+s23+$0x0], $0xffff;
	v44 =	vor.u32 $0x26, v5;
	v14 =	vmul.f32 v14, v51;
	v45 =	vmul.f32 v13, v41  }
0x12e: {  	v13 =	vmul.f32 v46, v50;
	v15 =	vmax.f32 v15, $0.0e+00;
	v41 =	vbroadcast v6, $0x9  }
0x12f: {  	v42 =	vadd.f32 v33, v30;
	v18 =	vadd.f32 v37, v35;
	v50 =	vor.u32 $0x20, v5  }
0x130: {  	v33 =	vor.u32 $0x23, v5;
	v35 =	vbroadcast v6, $0xE;
	v10 =	vadd.f32 v14, v10  }
0x131: {  	v25 =	vmul.f32 v15, v57;
	v14 =	vadd.f32 v27, v28;
	v15 =	vadd.f32 v26, v62  }
0x132: {  	v57 =	vbroadcast v6, $0xC;
	v58 =	vadd.f32 v16, v48;
	v62 =	vbroadcast v8, $0xD  }
0x133: {  	v43 =	vld.idx.msk [tilespmem:v36+s23+$0x0], $0xffff;
	v26 =	vor.u32 $0x29, v5;
	v9 =	vadd.f32 v13, v9;
	v13 =	vmul.f32 v29, v4  }
0x134: {  	v46 =	vld.idx.msk [tilespmem:v36+s25+$0x0], $0xffff;
	v7 =	vadd.f32 v45, v7;
	v45 =	vbroadcast v6, $0xA;
	v18 =	vmul.f32 v18, v4  }
0x135: {  	v36 =	vld.idx.msk [tilespmem:v60+s23+$0x0], $0xffff;
	v29 =	vbroadcast v8, $0xE;
	v8 =	vbroadcast v8, $0xF;
	v11 =	vadd.f32 v25, v11  }
0x136: {  	v20 =	vld.idx.msk [tilespmem:v60+s25+$0x0], $0xffff;
	v14 =	vmax.f32 v14, $0.0e+00;
	v39 =	vmul.f32 v15, v4;
	v15 =	vmul.f32 v42, v4  }
0x137: {  	v28 =	vmul.f32 v58, v4;
	v31 =	vadd.f32 v19, v54;
	v42 =	vor.u32 $0x25, v5  }
0x138: {  	v54 =	vor.u32 $0x27, v5;
	v14 =	vmul.f32 v14, v32;
	v13 =	vadd.f32 v13, v34  }
0x139: {  	v30 =	vld.idx.msk [tilespmem:v55+s23+$0x0], $0xffff;
	v12 =	vadd.f32 v12, v7;
	v53 =	vadd.f32 v18, v49;
	v34 =	vbroadcast v6, $0xD  }
0x13a: {  	v32 =	vld.idx.msk [tilespmem:v55+s25+$0x0], $0xffff;
	v6 =	vbroadcast v6, $0xF;
	v7 =	vadd.f32 v39, v40;
	v51 =	vadd.f32 v15, v47  }
0x13b: {  	v17 =	vadd.f32 v46, v43;
	v59 =	vld.idx.msk [tilespmem:v50+s23+$0x0], $0xffff;
	v20 =	vadd.f32 v20, v36;
	v13 =	vmax.f32 v13, $0.0e+00  }
0x13c: {  	v63 =	vld.idx.msk [tilespmem:v50+s25+$0x0], $0xffff;
	v9 =	vadd.f32 v14, v9;
	v13 =	vmul.f32 v13, v41;
	v7 =	vmax.f32 v7, $0.0e+00  }
0x13d: {  	v56 =	vmax.f32 v51, $0.0e+00;
	v61 =	vmul.f32 v17, v4;
	v17 =	vmul.f32 v31, v4  }
0x13e: {  	v21 =	vld.idx.msk [tilespmem:v44+s25+$0x0], $0xffff;
	v7 =	vmul.f32 v7, v45;
	v14 =	vmul.f32 v56, v52;
	v10 =	vadd.f32 v13, v10  }
0x13f: {  	v15 =	vmax.f32 v53, $0.0e+00;
	v53 =	vld.idx.msk [tilespmem:v44+s23+$0x0], $0xffff;
	v37 =	vadd.f32 v17, v8;
	v18 =	vadd.f32 v32, v30  }
0x140: {  	v13 =	vmul.f32 v15, v57;
	v8 =	vld [tilespmem:$0x8460];
	v11 =	vadd.f32 v7, v11;
	v12 =	vadd.f32 v14, v12  }
0x141: {  	v46 =	vld.idx.msk [tilespmem:v38+s23+$0x0], $0xffff;
	v47 =	vmul.f32 v20, v4;
	v14 =	vadd.f32 v61, v62;
	v16 =	vadd.f32 v63, v59  }
0x142: {  	v17 =	vld.idx.msk [tilespmem:v38+s25+$0x0], $0xffff;
	v9 =	vadd.f32 v13, v9;
	v13 =	vadd.f32 v28, v29;
	v15 =	vmax.f32 v37, $0.0e+00  }
0x143: {  	v18 =	vmul.f32 v18, v4;
	v14 =	vmax.f32 v14, $0.0e+00;
	v16 =	vmul.f32 v16, v4  }
0x144: {  	v7 =	vld [tilespmem:$0x8420];
	v6 =	vmul.f32 v15, v6;
	v14 =	vmul.f32 v14, v34;
	v13 =	vmax.f32 v13, $0.0e+00  }
0x145: {  	v24 =	vadd.f32 v21, v53;
	v13 =	vmul.f32 v13, v35;
	v45 =	vbroadcast v8, $0x0  }
0x146: {  	v25 =	vld.idx.msk [tilespmem:v54+s25+$0x0], $0xffff;
	v61 =	vor.u32 $0x28, v5;
	v51 =	vbroadcast v8, $0x1;
	v56 =	vbroadcast v8, $0x2  }
0x147: {  	v63 =	vld.idx.msk [tilespmem:v54+s23+$0x0], $0xffff;
	v59 =	vadd.f32 v17, v46;
	v60 =	vbroadcast v8, $0x3;
	v17 =	vmul.f32 v24, v4  }
0x148: {  	v40 =	vld.idx.msk [tilespmem:v33+s23+$0x0], $0xffff;
	v29 =	vor.u32 $0x2A, v5;
	v30 =	vbroadcast v8, $0x4;
	v38 =	vbroadcast v8, $0x5  }
0x149: {  	v41 =	vld.idx.msk [tilespmem:v33+s25+$0x0], $0xffff;
	v6 =	vadd.f32 v6, v12;
	v39 =	vbroadcast v7, $0x0;
	v43 =	vbroadcast v7, $0x1  }
0x14a: {  	v46 =	vor.u32 $0x2C, v5;
	v48 =	vbroadcast v7, $0x2;
	v52 =	vbroadcast v7, $0x3  }
0x14b: {  	v50 =	vld.idx.msk [tilespmem:v42+s23+$0x0], $0xffff;
	v10 =	vadd.f32 v14, v10;
	v62 =	vbroadcast v7, $0x4;
	v27 =	vbroadcast v7, $0x5  }
0x14c: {  	v14 =	vld.idx.msk [tilespmem:v42+s25+$0x0], $0xffff;
	v28 =	vbroadcast v7, $0x6;
	v36 =	vadd.f32 v25, v63;
	v42 =	vor.u32 $0x2B, v5  }
0x14d: {  	v54 =	vbroadcast v7, $0x9;
	v63 =	vor.u32 $0x2F, v5;
	v11 =	vadd.f32 v13, v11  }
0x14e: {  	v37 =	vld.idx.msk [tilespmem:v26+s23+$0x0], $0xffff;
	v13 =	vadd.f32 v41, v40;
	v15 =	vmul.f32 v59, v4;
	v40 =	vbroadcast v7, $0x7  }
0x14f: {  	v31 =	vld.idx.msk [tilespmem:v61+s23+$0x0], $0xffff;
	v59 =	vbroadcast v8, $0x9;
	v16 =	vadd.f32 v16, v39;
	v18 =	vadd.f32 v18, v43  }
0x150: {  	v34 =	vld.idx.msk [tilespmem:v61+s25+$0x0], $0xffff;
	v19 =	vadd.f32 v47, v48;
	v39 =	vbroadcast v8, $0x6;
	v48 =	vbroadcast v8, $0x7  }
0x151: {  	v21 =	vld.idx.msk [tilespmem:v26+s25+$0x0], $0xffff;
	v33 =	vadd.f32 v17, v28;
	v28 =	vbroadcast v8, $0xA;
	v13 =	vmul.f32 v13, v4  }
0x152: {  	v15 =	vadd.f32 v15, v62;
	v16 =	vmax.f32 v16, $0.0e+00;
	v18 =	vmax.f32 v18, $0.0e+00  }
0x153: {  	v57 =	vmax.f32 v19, $0.0e+00;
	v49 =	vmul.f32 v16, v45;
	v55 =	vmul.f32 v18, v51  }
0x154: {  	v13 =	vadd.f32 v13, v52;
	v58 =	vmul.f32 v57, v56;
	v14 =	vadd.f32 v14, v50  }
0x155: {  	v41 =	vld.idx.msk [tilespmem:v29+s23+$0x0], $0xffff;
	v32 =	vmax.f32 v15, $0.0e+00;
	v15 =	vmax.f32 v33, $0.0e+00;
	v17 =	vadd.f32 v34, v31  }
0x156: {  	v45 =	vld.idx.msk [tilespmem:v29+s25+$0x0], $0xffff;
	v16 =	vadd.f32 v21, v37;
	v51 =	vor.u32 $0x2D, v5;
	v52 =	vbroadcast v8, $0x8  }
0x157: {  	v50 =	vld.idx.msk [tilespmem:v42+s23+$0x0], $0xffff;
	v57 =	vor.u32 $0x2E, v5;
	v29 =	vbroadcast v7, $0xB;
	v31 =	vor.u32 $0x30, v5  }
0x158: {  	v53 =	vld.idx.msk [tilespmem:v42+s25+$0x0], $0xffff;
	v42 =	vor.u32 $0x31, v5;
	v12 =	vmul.f32 v32, v30;
	v44 =	vmul.f32 v15, v39  }
0x159: {  	v56 =	vld.idx.msk [tilespmem:v46+s23+$0x0], $0xffff;
	v9 =	vadd.f32 v49, v9;
	v10 =	vadd.f32 v55, v10;
	v14 =	vmul.f32 v14, v4  }
0x15a: {  	v37 =	vld.idx.msk [tilespmem:v63+s23+$0x0], $0xffff;
	v13 =	vmax.f32 v13, $0.0e+00;
	v11 =	vadd.f32 v58, v11;
	v17 =	vmul.f32 v17, v4  }
0x15b: {  	v39 =	vld.idx.msk [tilespmem:v63+s25+$0x0], $0xffff;
	v49 =	vbroadcast v7, $0x8;
	v16 =	vmul.f32 v16, v4;
	v14 =	vadd.f32 v14, v27  }
0x15c: {  	v13 =	vmul.f32 v13, v60;
	v9 =	vadd.f32 v12, v9;
	v11 =	vadd.f32 v44, v11;
	v12 =	vld.idx.msk [tilespmem:v46+s25+$0x0], $0xffff  }
0x15d: {  	v55 =	vbroadcast v7, $0xA;
	v17 =	vadd.f32 v17, v49;
	v16 =	vadd.f32 v16, v54;
	v60 =	vld.idx.msk [tilespmem:v51+s23+$0x0], $0xffff  }
0x15e: {  	v46 =	vbroadcast v8, $0xC;
	v49 =	vbroadcast v7, $0xE;
	v6 =	vadd.f32 v13, v6;
	v62 =	vld.idx.msk [tilespmem:v51+s25+$0x0], $0xffff  }
0x15f: {  	v27 =	vor.u32 $0x34, v5;
	v15 =	vadd.f32 v45, v41;
	v61 =	vadd.f32 v53, v50;
	v30 =	vld.idx.msk [tilespmem:v57+s23+$0x0], $0xffff  }
0x160: {  	v33 =	vld.idx.msk [tilespmem:v57+s25+$0x0], $0xffff;
	v51 =	vor.u32 $0x33, v5;
	v53 =	vbroadcast v8, $0xE;
	v57 =	vor.u32 $0x35, v5  }
0x161: {  	v35 =	vmax.f32 v14, $0.0e+00;
	v14 =	vmul.f32 v36, v4;
	v58 =	vmax.f32 v17, $0.0e+00  }
0x162: {  	v41 =	vld.idx.msk [tilespmem:v31+s23+$0x0], $0xffff;
	v16 =	vmax.f32 v16, $0.0e+00;
	v17 =	vadd.f32 v39, v37;
	v43 =	vmul.f32 v35, v38  }
0x163: {  	v50 =	vld.idx.msk [tilespmem:v42+s23+$0x0], $0xffff;
	v39 =	vor.u32 $0x39, v5;
	v15 =	vmul.f32 v15, v4;
	v18 =	vmul.f32 v61, v4  }
0x164: {  	v54 =	vld.idx.msk [tilespmem:v42+s25+$0x0], $0xffff;
	v35 =	vbroadcast v8, $0xB;
	v38 =	vbroadcast v7, $0xC;
	v14 =	vadd.f32 v14, v40  }
0x165: {  	v45 =	vld.idx.msk [tilespmem:v31+s25+$0x0], $0xffff;
	v40 =	vbroadcast v7, $0xD;
	v17 =	vmul.f32 v17, v4;
	v10 =	vadd.f32 v43, v10  }
0x166: {  	v7 =	vbroadcast v7, $0xF;
	v15 =	vadd.f32 v15, v55;
	v34 =	vadd.f32 v18, v29;
	v61 =	vld.idx.msk [tilespmem:v27+s23+$0x0], $0xffff  }
0x167: {  	v12 =	vadd.f32 v12, v56;
	v24 =	vld.idx.msk [tilespmem:v27+s25+$0x0], $0xffff;
	v27 =	vor.u32 $0x36, v5;
	v47 =	vmax.f32 v14, $0.0e+00  }
0x168: {  	v14 =	vmul.f32 v16, v59;
	v36 =	vadd.f32 v62, v60;
	v44 =	vadd.f32 v33, v30  }
0x169: {  	v7 =	vadd.f32 v17, v7;
	v19 =	vadd.f32 v54, v50;
	v54 =	vor.u32 $0x3B, v5  }
0x16a: {  	v13 =	vmul.f32 v47, v48;
	v15 =	vmax.f32 v15, $0.0e+00;
	v12 =	vmul.f32 v12, v4  }
0x16b: {  	v47 =	vor.u32 $0x32, v5;
	v10 =	vadd.f32 v14, v10;
	v32 =	vmul.f32 v15, v28  }
0x16c: {  	v15 =	vmax.f32 v34, $0.0e+00;
	v16 =	vmul.f32 v36, v4;
	v14 =	vadd.f32 v45, v41  }
0x16d: {  	v56 =	vld.idx.msk [tilespmem:v51+s23+$0x0], $0xffff;
	v7 =	vmax.f32 v7, $0.0e+00;
	v62 =	vmul.f32 v19, v4;
	v36 =	vor.u32 $0x38, v5  }
0x16e: {  	v22 =	vld.idx.msk [tilespmem:v51+s25+$0x0], $0xffff;
	v6 =	vadd.f32 v13, v6;
	v13 =	vmul.f32 v58, v52;
	v15 =	vmul.f32 v15, v35  }
0x16f: {  	v43 =	vadd.f32 v12, v38;
	v12 =	vmul.f32 v44, v4;
	v52 =	vbroadcast v8, $0xD  }
0x170: {  	v8 =	vbroadcast v8, $0xF;
	v11 =	vadd.f32 v32, v11;
	v13 =	vadd.f32 v13, v9;
	v9 =	vld [tilespmem:$0x8430]  }
0x171: {  	v44 =	vor.u32 $0x3A, v5;
	v16 =	vadd.f32 v16, v40;
	v15 =	vadd.f32 v15, v6;
	v6 =	vld [tilespmem:$0x8470]  }
0x172: {  	v14 =	vmul.f32 v14, v4;
	v48 =	vmax.f32 v43, $0.0e+00;
	v12 =	vadd.f32 v12, v49  }
0x173: {  	v7 =	vmul.f32 v7, v8;
	v17 =	vadd.f32 v22, v56;
	v16 =	vmax.f32 v16, $0.0e+00  }
0x174: {  	v35 =	vld.idx.msk [tilespmem:v27+s23+$0x0], $0xffff;
	v18 =	vmul.f32 v48, v46;
	v12 =	vmax.f32 v12, $0.0e+00;
	v16 =	vmul.f32 v16, v52  }
0x175: {  	v32 =	vor.u32 $0x37, v5;
	v19 =	vld.idx.msk [tilespmem:v27+s25+$0x0], $0xffff;
	v29 =	vmul.f32 v17, v4;
	v12 =	vmul.f32 v12, v53  }
0x176: {  	v7 =	vadd.f32 v7, v15;
	v26 =	vbroadcast v9, $0x0;
	v58 =	vbroadcast v6, $0x0  }
0x177: {  	v55 =	vld.idx.msk [tilespmem:v47+s23+$0x0], $0xffff;
	v13 =	vadd.f32 v18, v13;
	v63 =	vbroadcast v9, $0x1;
	v25 =	vbroadcast v9, $0x2  }
0x178: {  	v20 =	vld.idx.msk [tilespmem:v47+s25+$0x0], $0xffff;
	v10 =	vadd.f32 v16, v10;
	v28 =	vbroadcast v6, $0x1;
	v30 =	vbroadcast v9, $0x3  }
0x179: {  	v47 =	vld.idx.msk [tilespmem:v36+s23+$0x0], $0xffff;
	v16 =	vadd.f32 v24, v61;
	v33 =	vbroadcast v6, $0x2;
	v34 =	vbroadcast v6, $0x3  }
0x17a: {  	v48 =	vld.idx.msk [tilespmem:v36+s25+$0x0], $0xffff;
	v19 =	vadd.f32 v19, v35;
	v37 =	vbroadcast v9, $0x4;
	v38 =	vbroadcast v9, $0x5  }
0x17b: {  	v35 =	vor.u32 $0x3E, v5;
	v45 =	vbroadcast v6, $0x4;
	v46 =	vbroadcast v6, $0x5  }
0x17c: {  	v50 =	vld.idx.msk [tilespmem:v39+s23+$0x0], $0xffff;
	v11 =	vadd.f32 v12, v11;
	v52 =	vbroadcast v9, $0x6;
	v36 =	vbroadcast v6, $0x8  }
0x17d: {  	v53 =	vld.idx.msk [tilespmem:v39+s25+$0x0], $0xffff;
	v39 =	vbroadcast v9, $0xA;
	v60 =	vadd.f32 v20, v55;
	v16 =	vmul.f32 v16, v4  }
0x17e: {  	v51 =	vmul.f32 v19, v4;
	v14 =	vadd.f32 v14, v26;
	v12 =	vadd.f32 v62, v63  }
0x17f: {  	v18 =	vld.idx.msk [tilespmem:v57+s25+$0x0], $0xffff;
	v15 =	vadd.f32 v29, v30;
	v61 =	vadd.f32 v48, v47;
	v62 =	vbroadcast v6, $0x6  }
0x180: {  	v26 =	vld.idx.msk [tilespmem:v57+s23+$0x0], $0xffff;
	v63 =	vor.u32 $0x3D, v5;
	v48 =	vbroadcast v9, $0xB;
	v16 =	vadd.f32 v16, v37  }
0x181: {  	v57 =	vadd.f32 v51, v52;
	v52 =	vbroadcast v9, $0xC;
	v14 =	vmax.f32 v14, $0.0e+00  }
0x182: {  	v12 =	vmax.f32 v12, $0.0e+00;
	v30 =	vmul.f32 v61, v4;
	v59 =	vmul.f32 v14, v58  }
0x183: {  	v15 =	vmax.f32 v15, $0.0e+00;
	v14 =	vmul.f32 v60, v4;
	v12 =	vmul.f32 v12, v28  }
0x184: {  	v56 =	vld.idx.msk [tilespmem:v44+s23+$0x0], $0xffff;
	v41 =	vmul.f32 v15, v34;
	v16 =	vmax.f32 v16, $0.0e+00;
	v8 =	vadd.f32 v59, v13  }
0x185: {  	v42 =	vld.idx.msk [tilespmem:v32+s23+$0x0], $0xffff;
	v60 =	vbroadcast v9, $0x7;
	v14 =	vadd.f32 v14, v25;
	v18 =	vadd.f32 v18, v26  }
0x186: {  	v22 =	vld.idx.msk [tilespmem:v35+s25+$0x0], $0xffff;
	v10 =	vadd.f32 v12, v10;
	v7 =	vadd.f32 v41, v7;
	v12 =	vmul.f32 v16, v45  }
0x187: {  	v58 =	vld.idx.msk [tilespmem:v44+s25+$0x0], $0xffff;
	v59 =	vor.u32 $0x3C, v5;
	v13 =	vmax.f32 v57, $0.0e+00;
	v16 =	vadd.f32 v53, v50  }
0x188: {  	v5 =	vor.u32 $0x3F, v5;
	v41 =	vld.idx.msk [tilespmem:v35+s23+$0x0], $0xffff;
	v57 =	vbroadcast v9, $0xE;
	v13 =	vmul.f32 v13, v62  }
0x189: {  	v31 =	vmax.f32 v14, $0.0e+00;
	v18 =	vmul.f32 v18, v4;
	v14 =	vld.idx.msk [tilespmem:v32+s25+$0x0], $0xffff;
	v16 =	vmul.f32 v16, v4  }
0x18a: {  	v34 =	vld.idx.msk [tilespmem:v54+s25+$0x0], $0xffff;
	v8 =	vadd.f32 v12, v8;
	v40 =	vmul.f32 v31, v33;
	v31 =	vbroadcast v9, $0x8  }
0x18b: {  	v32 =	vld.idx.msk [tilespmem:v54+s23+$0x0], $0xffff;
	v54 =	vbroadcast v6, $0xB;
	v43 =	vadd.f32 v18, v38;
	v38 =	vbroadcast v9, $0x9  }
0x18c: {  	v28 =	vld.idx.msk [tilespmem:v63+s23+$0x0], $0xffff;
	v33 =	vbroadcast v6, $0x7;
	v11 =	vadd.f32 v40, v11;
	v18 =	vadd.f32 v30, v31  }
0x18d: {  	v37 =	vld.idx.msk [tilespmem:v59+s23+$0x0], $0xffff;
	v53 =	vadd.f32 v22, v41;
	v17 =	vmax.f32 v43, $0.0e+00;
	v16 =	vadd.f32 v16, v38  }
0x18e: {  	v40 =	vld.idx.msk [tilespmem:v63+s25+$0x0], $0xffff;
	v43 =	vbroadcast v6, $0xA;
	v49 =	vmul.f32 v17, v46;
	v55 =	vadd.f32 v14, v42  }
0x18f: {  	v44 =	vld.idx.msk [tilespmem:v5+s23+$0x0], $0xffff;
	v14 =	vadd.f32 v58, v56;
	v18 =	vmax.f32 v18, $0.0e+00;
	v42 =	vbroadcast v6, $0x9  }
0x190: {  	v5 =	vld.idx.msk [tilespmem:v5+s25+$0x0], $0xffff;
	v11 =	vadd.f32 v13, v11;
	v56 =	vbroadcast v9, $0xD;
	v9 =	vbroadcast v9, $0xF  }
0x191: {  	v17 =	vld.idx.msk [tilespmem:v59+s25+$0x0], $0xffff;
	v21 =	vadd.f32 v34, v32;
	v58 =	vbroadcast v6, $0xD;
	v18 =	vmul.f32 v18, v36  }
0x192: {  	v16 =	vmax.f32 v16, $0.0e+00;
	v12 =	vmul.f32 v55, v4;
	v14 =	vmul.f32 v14, v4  }
0x193: {  	v10 =	vadd.f32 v49, v10;
	v45 =	vmul.f32 v16, v42;
	v47 =	vmul.f32 v21, v4  }
0x194: {  	v55 =	vbroadcast v6, $0xC;
	v8 =	vadd.f32 v18, v8;
	v12 =	vadd.f32 v12, v60  }
0x195: {  	v16 =	vmul.f32 v53, v4;
	v51 =	vadd.f32 v40, v28;
	v14 =	vadd.f32 v14, v39  }
0x196: {  	v5 =	vadd.f32 v5, v44;
	v15 =	vadd.f32 v17, v37;
	v12 =	vmax.f32 v12, $0.0e+00  }
0x197: {  	v10 =	vadd.f32 v45, v10;
	v14 =	vmax.f32 v14, $0.0e+00;
	v12 =	vmul.f32 v12, v33  }
0x198: {  	v49 =	vadd.f32 v47, v48;
	v46 =	vmul.f32 v14, v43;
	v50 =	vmul.f32 v15, v4  }
0x199: {  	v14 =	vmul.f32 v51, v4;
	v4 =	vmul.f32 v5, v4;
	v7 =	vadd.f32 v12, v7  }
0x19a: {  	v60 =	vbroadcast v6, $0xE;
	v11 =	vadd.f32 v46, v11;
	v13 =	vadd.f32 v50, v52  }
0x19b: {  	v6 =	vbroadcast v6, $0xF;
	v14 =	vadd.f32 v14, v56;
	v4 =	vadd.f32 v4, v9  }
0x19c: {  	v12 =	vmax.f32 v49, $0.0e+00;
	v5 =	vmax.f32 v13, $0.0e+00;
	v13 =	vadd.f32 v16, v57  }
0x19d: {  	v12 =	vmul.f32 v12, v54;
	v59 =	vmax.f32 v14, $0.0e+00;
	v4 =	vmax.f32 v4, $0.0e+00  }
0x19e: {  	v5 =	vmul.f32 v5, v55;
	v9 =	vmul.f32 v59, v58;
	v13 =	vmax.f32 v13, $0.0e+00  }
0x19f: {  	v7 =	vadd.f32 v12, v7;
	v4 =	vmul.f32 v4, v6;
	v61 =	vmul.f32 v13, v60  }
0x1a0: {  	v5 =	vadd.f32 v5, v8;
	v62 =	vadd.f32 v9, v10  }
0x1a1: {  	v4 =	vadd.f32 v4, v7;
	v63 =	vadd.f32 v61, v11;
	_ =	sdelay $0x1  }
0x1a2: {  	v5 =	vadd.f32 v62, v5;
	v4 =	vadd.f32 v4, v63;
	_ =	sdelay $0x1  }
0x1a3: {  	v4 =	vadd.f32 v4, v5;
	_ =	sdelay $0x1  }
0x1a4: {  	v4 =	vadd.f32 v4, v2;
	_ =	sdelay $0x1  }
0x1a5: {  	v4 =	vsub.f32 $0.0e+00, v4;
	_ =	sdelay $0x1  }
0x1a6: {  	v4 =	vmul.f32 $1.442695020e+00, v4;
	_ =	sdelay $0x1  }
0x1a7: {  	(erf) = vpow2.f32 v4;
	_ =	sdelay $0x8  }
0x1a8: {  	v4 =	vpop (erf)  }
0x1a9: {  	v4 =	vadd.f32 $1.000000000e+00, v4;
	_ =	sdelay $0x1  }
0x1aa: {  	(erf) = vrcp.f32 v4;
	_ =	sdelay $0x4  }
0x1ab: {  	p2 =	sne.s32 s24, $0x70  }
.Ltmp2:
0x1ac: {  	_ = 	snop;
	(pc) =	sbr.rel @p2 .LBB2_6-.Ltmp2, $3  }
0x1ad: {  	_ =	sdelay $0x1  }
0x1ae: {  	v4 =	vpop (erf)  }
0x1af: {  	s17 =	sadd.s32 $0x10, s17;
	s24 =	sadd.s32 $0x10, s24;
	[tilespmem:s0+$0x0] =	vst v4;
	s0 =	sadd.s32 $0x10, s0  }
.Ltmp3:
0x1b0: {  	(pc) =	sbr.rel @!p1 .LBB2_8-.Ltmp3, $4  }
0x1b1: {  	s0 =	sadd.s32 s9, s22  }
0x1b2: {  	s0 =	sshrl.u32 s0, $0x3  }
0x1b3: {  	s0 =	sadd.s32 s12, s0  }
0x1b4: {  	[hbm4b:s0+s1] =	stream.linear.scatter [tilespmem:s11], [sflag:$0x5], $0x80, $0x38;
	[tilespmem:$0x8890] =	vst v63  }
0x1b5: {  	_ =	swait.ge [sflag:s13], $0x2000  }
.Ltmp4:
0x1b6: {  	[sflag:s13] =	ssyncset.done $0x0;
	(pc) =	sbr.rel .LBB2_10-.Ltmp4, $4  }
0x1b7: {  	[sflag:s13] =	ssyncadd.s32 $0xFFFFE000  }
0x1b8: {  	_ =	swait.ge [sflag:s13], $0x2000  }
0x1b9: {  	[sflag:s13] =	ssyncset.done $0x0  }
0x1ba: {  	[sflag:s13] =	ssyncadd.s32 $0xFFFFE000  }
.LBB2_8:
0x1bb: {  	_ =	swait.ge [sflag:s2], $0x80  }
0x1bc: {  	[sflag:s2] =	ssyncset.done $0x0  }
0x1bd: {  	[sflag:s2] =	ssyncadd.s32 $0xFFFFFF80  }
0x1be: {  	_ =	swait.ge [sflag:s2], $0x80  }
0x1bf: {  	[sflag:s2] =	ssyncset.done $0x0  }
0x1c0: {  	[sflag:s2] =	ssyncadd.s32 $0xFFFFFF80  }
0x1c1: {  	_ =	swait.ge [sflag:s2], $0x80  }
0x1c2: {  	[sflag:s2] =	ssyncset.done $0x0  }
0x1c3: {  	[sflag:s2] =	ssyncadd.s32 $0xFFFFFF80  }
0x1c4: {  	[tilespmem:s23], [sflag:$0x3] =	stream.indirect.gather [hbm4b:s8+s28], $0x40, s1, s28, $0xb8;
	[tilespmem:$0x8890] =	vst v63  }
0x1c5: {  	_ = 	snop  }
0x1c6: {  	[tilespmem:s25], [sflag:$0x3] =	stream.indirect.gather [hbm4b:s10+s28], $0x40, s28, s28, $0xb8;
	[tilespmem:$0x8890] =	vst v63  }
0x1c7: {  	_ =	swait.ge [sflag:s13], $0x2000  }
0x1c8: {  	[sflag:s13] =	ssyncset.done $0x0  }
0x1c9: {  	[sflag:s13] =	ssyncadd.s32 $0xFFFFE000  }
0x1ca: {  	_ =	swait.ge [sflag:s13], $0x2000  }
0x1cb: {  	s0 =	rddreg [dreg:$0xb]  }
0x1cc: {  	s0 =	sadd.s32 s22, s0  }
0x1cd: {  	[sflag:s13] =	ssyncset.done $0x0;
	s0 =	sshrl.u32 s0, $0x3  }
0x1ce: {  	[sflag:s13] =	ssyncadd.s32 $0xFFFFE000;
	s17 =	sadd.s32 s3, s0  }
0x1cf: {  	[tilespmem:s30], [sflag:$0x2] =	stream.linear.gather [hbm4b:s17+s1], $0x80, $0x38;
	[tilespmem:$0x8890] =	vst v63  }
.Ltmp5:
0x1d0: {  	_ = 	snop;
	(pc) =	sbr.rel @p0 .LBB2_11-.Ltmp5, $4  }
0x1d1: {  	s20 =	sadd.s32 s4, s0  }
0x1d2: {  	[tilespmem:s31], [sflag:$0x2] =	stream.linear.gather [hbm4b:s20+s1], $0x80, $0x38;
	[tilespmem:$0x8890] =	vst v63  }
0x1d3: {  	s24 =	simm.s32 $0x4300;
	s0 =	sadd.s32 s5, s0  }
0x1d4: {  	[tilespmem:s24], [sflag:$0x2] =	stream.linear.gather [hbm4b:s0+s1], $0x80, $0x38;
	[tilespmem:$0x8890] =	vst v63  }
.LBB2_10:
0x1d5: {  	_ =	swait.ge [sflag:s14], $0x80  }
0x1d6: {  	[sflag:s14] =	ssyncset.done $0x0  }
0x1d7: {  	[sflag:s14] =	ssyncadd.s32 $0xFFFFFF80  }
.LBB2_11:
0x1d8: {  	s24 =	simm.s32 $0x0;
	s17 =	simm.s32 $0x4300;
	s0 =	simm.s32 $0x8380  }
.LBB2_12:
0x1d9: {  	v5 =	vmov s24  }
0x1da: {  	v5 =	vshll.u32 v5, $0x6  }
0x1db: {  	v5 =	vor.u32 v0, v5;
	_ =	sdelay $0x1  }
0x1dc: {  	v4 =	vld [tilespmem:s17+$0x0];
	v8 =	vor.u32 $0x2, v5  }
0x1dd: {  	v9 =	vld [tilespmem:$0x8400]  }
0x1de: {  	v7 =	vld [tilespmem:$0x8440];
	v14 =	vor.u32 $0x3, v5  }
0x1df: {  	v6 =	vld.idx.msk [tilespmem:v5+s29+$0x0], $0xffff  }
0x1e0: {  	v26 =	vor.u32 $0x4, v5;
	v10 =	vld.idx.msk [tilespmem:v5+s6+$0x0], $0xffff  }
0x1e1: {  	v19 =	vor.u32 $0x6, v5;
	v13 =	vld.idx.msk [tilespmem:v8+s29+$0x0], $0xffff  }
0x1e2: {  	v8 =	vld.idx.msk [tilespmem:v8+s6+$0x0], $0xffff  }
0x1e3: {  	v35 =	vor.u32 $0x8, v5;
	v4 =	vsub.f32 v4, v1;
	v27 =	vld.idx.msk [tilespmem:v14+s29+$0x0], $0xffff  }
0x1e4: {  	v29 =	vld.idx.msk [tilespmem:v14+s6+$0x0], $0xffff  }
0x1e5: {  	v39 =	vor.u32 $0x9, v5;
	v15 =	vbroadcast v9, $0x0;
	v4 =	vmul.f32 $1.442695020e+00, v4;
	v17 =	vld.idx.msk [tilespmem:v26+s29+$0x0], $0xffff  }
0x1e6: {  	v16 =	vbroadcast v7, $0x0;
	v30 =	vbroadcast v9, $0x1;
	v34 =	vld.idx.msk [tilespmem:v19+s29+$0x0], $0xffff  }
0x1e7: {  	v18 =	vbroadcast v9, $0x2;
	v19 =	vld.idx.msk [tilespmem:v19+s6+$0x0], $0xffff;
	(erf) = vpow2.f32 v4;
	v4 =	vor.u32 $0x1, v5  }
0x1e8: {  	v28 =	vor.u32 $0x5, v5;
	v31 =	vbroadcast v7, $0x1;
	v20 =	vbroadcast v7, $0x2;
	v23 =	vld.idx.msk [tilespmem:v35+s29+$0x0], $0xffff  }
0x1e9: {  	v33 =	vor.u32 $0x7, v5;
	v36 =	vbroadcast v9, $0x3;
	v37 =	vbroadcast v9, $0x4;
	v14 =	vld.idx.msk [tilespmem:v35+s6+$0x0], $0xffff  }
0x1ea: {  	v46 =	vor.u32 $0xB, v5;
	v40 =	vbroadcast v7, $0x3;
	v41 =	vbroadcast v7, $0x4;
	v44 =	vld.idx.msk [tilespmem:v39+s29+$0x0], $0xffff  }
0x1eb: {  	v22 =	vbroadcast v9, $0x5;
	v43 =	vbroadcast v9, $0x6;
	v6 =	vadd.f32 v10, v6;
	v10 =	vld.idx.msk [tilespmem:v26+s6+$0x0], $0xffff  }
0x1ec: {  	v42 =	vor.u32 $0xA, v5;
	v47 =	vbroadcast v9, $0x7;
	v49 =	vbroadcast v7, $0x5;
	v11 =	vld.idx.msk [tilespmem:v4+s29+$0x0], $0xffff  }
0x1ed: {  	v48 =	vor.u32 $0xC, v5;
	v50 =	vbroadcast v7, $0x6;
	v51 =	vbroadcast v9, $0x8;
	v12 =	vld.idx.msk [tilespmem:v4+s6+$0x0], $0xffff  }
0x1ee: {  	v25 =	vor.u32 $0xD, v5;
	v53 =	vbroadcast v7, $0x7;
	v54 =	vbroadcast v9, $0x9;
	v45 =	vld.idx.msk [tilespmem:v39+s6+$0x0], $0xffff  }
0x1ef: {  	v61 =	vor.u32 $0xE, v5;
	v57 =	vbroadcast v7, $0x8;
	v60 =	vbroadcast v7, $0x9;
	v52 =	vld.idx.msk [tilespmem:v46+s29+$0x0], $0xffff  }
0x1f0: {  	v62 =	vbroadcast v9, $0xA;
	v39 =	vbroadcast v7, $0xC;
	v10 =	vadd.f32 v10, v17;
	v17 =	vld.idx.msk [tilespmem:v46+s6+$0x0], $0xffff;
	v4 =	vpop (erf)  }
0x1f1: {  	v8 =	vadd.f32 v8, v13;
	v13 =	vadd.f32 v19, v34;
	v4 =	vmul.f32 v4, v3  }
0x1f2: {  	v26 =	vor.u32 $0xF, v5;
	v14 =	vadd.f32 v14, v23;
	v11 =	vadd.f32 v12, v11  }
0x1f3: {  	v32 =	vld.idx.msk [tilespmem:v28+s29+$0x0], $0xffff;
	v12 =	vadd.f32 v29, v27;
	v27 =	vbroadcast v9, $0xB;
	v6 =	vmul.f32 v6, v4  }
0x1f4: {  	v63 =	vld.idx.msk [tilespmem:v25+s29+$0x0], $0xffff;
	v46 =	vor.u32 $0x12, v5;
	v11 =	vmul.f32 v11, v4;
	v8 =	vmul.f32 v8, v4  }
0x1f5: {  	v25 =	vld.idx.msk [tilespmem:v25+s6+$0x0], $0xffff;
	v12 =	vmul.f32 v12, v4;
	v10 =	vmul.f32 v10, v4;
	v17 =	vadd.f32 v17, v52  }
0x1f6: {  	v21 =	vld.idx.msk [tilespmem:v33+s29+$0x0], $0xffff;
	v13 =	vmul.f32 v13, v4;
	v6 =	vadd.f32 v6, v15;
	v11 =	vadd.f32 v11, v30  }
0x1f7: {  	v38 =	vld.idx.msk [tilespmem:v33+s6+$0x0], $0xffff;
	v14 =	vmul.f32 v14, v4;
	v8 =	vadd.f32 v8, v18;
	v12 =	vadd.f32 v12, v36  }
0x1f8: {  	v24 =	vld.idx.msk [tilespmem:v42+s29+$0x0], $0xffff;
	v29 =	vor.u32 $0x10, v5;
	v10 =	vadd.f32 v10, v37;
	v13 =	vadd.f32 v13, v43  }
0x1f9: {  	v15 =	vld.idx.msk [tilespmem:v28+s6+$0x0], $0xffff;
	v14 =	vadd.f32 v14, v51;
	v28 =	vbroadcast v9, $0xC;
	v30 =	vbroadcast v7, $0xA  }
0x1fa: {  	v18 =	vld.idx.msk [tilespmem:v42+s6+$0x0], $0xffff;
	v36 =	vadd.f32 v25, v63;
	v42 =	vor.u32 $0x11, v5;
	v51 =	vbroadcast v7, $0xE  }
0x1fb: {  	v17 =	vmul.f32 v17, v4;
	v6 =	vmax.f32 v6, $0.0e+00;
	v11 =	vmax.f32 v11, $0.0e+00  }
0x1fc: {  	v8 =	vmax.f32 v8, $0.0e+00;
	v12 =	vmax.f32 v12, $0.0e+00;
	v10 =	vmax.f32 v10, $0.0e+00  }
0x1fd: {  	v13 =	vmax.f32 v13, $0.0e+00;
	v6 =	vmul.f32 v6, v16;
	v11 =	vmul.f32 v11, v31  }
0x1fe: {  	v58 =	vmax.f32 v14, $0.0e+00;
	v8 =	vmul.f32 v8, v20;
	v12 =	vmul.f32 v12, v40  }
0x1ff: {  	v10 =	vmul.f32 v10, v41;
	v16 =	vadd.f32 v38, v21;
	v13 =	vmul.f32 v13, v50  }
0x200: {  	v55 =	vld.idx.msk [tilespmem:v48+s29+$0x0], $0xffff;
	v17 =	vadd.f32 v17, v27;
	v38 =	vbroadcast v7, $0xB;
	v40 =	vbroadcast v9, $0xD  }
0x201: {  	v21 =	vld.idx.msk [tilespmem:v48+s6+$0x0], $0xffff;
	v48 =	vbroadcast v9, $0xE;
	v50 =	vor.u32 $0x13, v5;
	v6 =	vadd.f32 $0.0e+00, v6  }
0x202: {  	v34 =	vld.idx.msk [tilespmem:v61+s6+$0x0], $0xffff;
	v9 =	vbroadcast v9, $0xF;
	v11 =	vadd.f32 $0.0e+00, v11;
	v8 =	vadd.f32 $0.0e+00, v8  }
0x203: {  	v37 =	vld.idx.msk [tilespmem:v26+s29+$0x0], $0xffff;
	v15 =	vadd.f32 v15, v32;
	v12 =	vadd.f32 $0.0e+00, v12;
	v35 =	vmax.f32 v17, $0.0e+00  }
0x204: {  	v31 =	vld.idx.msk [tilespmem:v61+s29+$0x0], $0xffff;
	v16 =	vmul.f32 v16, v4;
	v59 =	vadd.f32 v18, v24;
	v43 =	vmul.f32 v35, v38  }
0x205: {  	v41 =	vld.idx.msk [tilespmem:v29+s29+$0x0], $0xffff;
	v35 =	vor.u32 $0x17, v5;
	v15 =	vmul.f32 v15, v4;
	v6 =	vadd.f32 v10, v6  }
0x206: {  	v52 =	vld.idx.msk [tilespmem:v42+s6+$0x0], $0xffff;
	v16 =	vadd.f32 v16, v47;
	v8 =	vadd.f32 v13, v8;
	v13 =	vmul.f32 v58, v57  }
0x207: {  	v18 =	vld.idx.msk [tilespmem:v46+s6+$0x0], $0xffff;
	v10 =	vadd.f32 v45, v44;
	v14 =	vmul.f32 v59, v4;
	v47 =	vbroadcast v7, $0xD  }
0x208: {  	v45 =	vld.idx.msk [tilespmem:v29+s6+$0x0], $0xffff;
	v7 =	vbroadcast v7, $0xF;
	v59 =	vor.u32 $0x15, v5;
	v29 =	vor.u32 $0x16, v5  }
0x209: {  	v24 =	vadd.f32 v21, v55;
	v21 =	vld.idx.msk [tilespmem:v26+s6+$0x0], $0xffff;
	v55 =	vor.u32 $0x14, v5;
	v15 =	vadd.f32 v15, v22  }
0x20a: {  	v58 =	vld.idx.msk [tilespmem:v50+s6+$0x0], $0xffff;
	v16 =	vmax.f32 v16, $0.0e+00;
	v10 =	vmul.f32 v10, v4;
	v14 =	vadd.f32 v14, v62  }
0x20b: {  	v6 =	vadd.f32 v13, v6;
	v56 =	vmul.f32 v16, v53;
	v16 =	vmul.f32 v36, v4;
	v53 =	vld.idx.msk [tilespmem:v46+s29+$0x0], $0xffff  }
0x20c: {  	v15 =	vmax.f32 v15, $0.0e+00;
	v10 =	vadd.f32 v10, v54;
	v32 =	vmax.f32 v14, $0.0e+00;
	v20 =	vld.idx.msk [tilespmem:v35+s6+$0x0], $0xffff  }
0x20d: {  	v15 =	vmul.f32 v15, v49;
	v12 =	vadd.f32 v56, v12;
	v16 =	vadd.f32 v16, v40;
	v49 =	vld.idx.msk [tilespmem:v42+s29+$0x0], $0xffff  }
0x20e: {  	v56 =	vld.idx.msk [tilespmem:v50+s29+$0x0], $0xffff;
	v40 =	vor.u32 $0x18, v5;
	v10 =	vmax.f32 v10, $0.0e+00;
	v17 =	vadd.f32 v21, v37  }
0x20f: {  	v42 =	vld.idx.msk [tilespmem:v35+s29+$0x0], $0xffff;
	v11 =	vadd.f32 v15, v11;
	v10 =	vmul.f32 v10, v60;
	v16 =	vmax.f32 v16, $0.0e+00  }
0x210: {  	v63 =	vld.idx.msk [tilespmem:v55+s29+$0x0], $0xffff;
	v15 =	vmul.f32 v24, v4;
	v12 =	vadd.f32 v43, v12;
	v16 =	vmul.f32 v16, v47  }
0x211: {  	v27 =	vld.idx.msk [tilespmem:v55+s6+$0x0], $0xffff;
	v17 =	vmul.f32 v17, v4;
	v62 =	vadd.f32 v18, v53;
	v10 =	vadd.f32 v10, v11  }
0x212: {  	v38 =	vld.idx.msk [tilespmem:v29+s29+$0x0], $0xffff;
	v53 =	vor.u32 $0x1A, v5;
	v33 =	vadd.f32 v15, v28;
	v15 =	vadd.f32 v34, v31  }
0x213: {  	v21 =	vld.idx.msk [tilespmem:v29+s6+$0x0], $0xffff;
	v11 =	vmul.f32 v32, v30;
	v9 =	vadd.f32 v17, v9;
	v61 =	vadd.f32 v52, v49  }
0x214: {  	v31 =	vld.idx.msk [tilespmem:v59+s29+$0x0], $0xffff;
	v30 =	vadd.f32 v58, v56;
	v55 =	vadd.f32 v20, v42;
	v14 =	vmax.f32 v33, $0.0e+00  }
0x215: {  	v11 =	vadd.f32 v11, v8;
	v8 =	vld [tilespmem:$0x8410];
	v15 =	vmul.f32 v15, v4;
	v10 =	vadd.f32 v16, v10  }
0x216: {  	v33 =	vld.idx.msk [tilespmem:v59+s6+$0x0], $0xffff;
	v17 =	vadd.f32 v27, v63;
	v59 =	vor.u32 $0x1B, v5;
	v44 =	vmul.f32 v14, v39  }
0x217: {  	v49 =	vld.idx.msk [tilespmem:v40+s29+$0x0], $0xffff;
	v14 =	vadd.f32 v45, v41;
	v9 =	vmax.f32 v9, $0.0e+00;
	v15 =	vadd.f32 v15, v48  }
0x218: {  	v52 =	vld.idx.msk [tilespmem:v40+s6+$0x0], $0xffff;
	v63 =	vor.u32 $0x1C, v5;
	v24 =	vmul.f32 v61, v4;
	v7 =	vmul.f32 v9, v7  }
0x219: {  	v17 =	vmul.f32 v17, v4;
	v14 =	vmul.f32 v14, v4;
	v15 =	vmax.f32 v15, $0.0e+00  }
0x21a: {  	v48 =	vadd.f32 v21, v38;
	v54 =	vbroadcast v8, $0x0;
	v15 =	vmul.f32 v15, v51  }
0x21b: {  	v13 =	vadd.f32 v44, v6;
	v6 =	vld [tilespmem:$0x8450];
	v26 =	vbroadcast v8, $0x1;
	v28 =	vbroadcast v8, $0x2  }
0x21c: {  	v38 =	vor.u32 $0x1E, v5;
	v34 =	vbroadcast v8, $0x3;
	v39 =	vbroadcast v8, $0x4  }
0x21d: {  	v16 =	vadd.f32 v52, v49;
	v43 =	vbroadcast v8, $0x5;
	v61 =	vbroadcast v8, $0x7  }
0x21e: {  	v44 =	vor.u32 $0x19, v5;
	v40 =	vbroadcast v8, $0xA;
	v49 =	vbroadcast v8, $0xC  }
0x21f: {  	v27 =	vmul.f32 v16, v4;
	v11 =	vadd.f32 v15, v11;
	v15 =	vmul.f32 v62, v4  }
0x220: {  	v14 =	vadd.f32 v14, v54;
	v54 =	vbroadcast v8, $0x6;
	v57 =	vbroadcast v6, $0x0  }
0x221: {  	v7 =	vadd.f32 v7, v12;
	v36 =	vbroadcast v6, $0x1;
	v37 =	vbroadcast v6, $0x2  }
0x222: {  	v12 =	vadd.f32 v24, v26;
	v41 =	vbroadcast v6, $0x3;
	v50 =	vbroadcast v6, $0x4  }
0x223: {  	v17 =	vadd.f32 v17, v39;
	v51 =	vbroadcast v6, $0x5;
	v52 =	vbroadcast v6, $0xB  }
0x224: {  	v60 =	vmax.f32 v14, $0.0e+00;
	v32 =	vadd.f32 v15, v28;
	v12 =	vmax.f32 v12, $0.0e+00  }
0x225: {  	v56 =	vld.idx.msk [tilespmem:v44+s29+$0x0], $0xffff;
	v15 =	vadd.f32 v33, v31;
	v28 =	vbroadcast v8, $0x8;
	v31 =	vbroadcast v6, $0x7  }
0x226: {  	v58 =	vld.idx.msk [tilespmem:v44+s6+$0x0], $0xffff;
	v44 =	vor.u32 $0x1F, v5;
	v9 =	vmul.f32 v60, v57;
	v12 =	vmul.f32 v12, v36  }
0x227: {  	v35 =	vld.idx.msk [tilespmem:v63+s29+$0x0], $0xffff;
	v46 =	vmax.f32 v17, $0.0e+00;
	v57 =	vbroadcast v6, $0x6;
	v60 =	vmul.f32 v55, v4  }
0x228: {  	v62 =	vld.idx.msk [tilespmem:v53+s29+$0x0], $0xffff;
	v36 =	vor.u32 $0x1D, v5;
	v55 =	vor.u32 $0x21, v5;
	v14 =	vmax.f32 v32, $0.0e+00  }
0x229: {  	v16 =	vld.idx.msk [tilespmem:v38+s6+$0x0], $0xffff;
	v15 =	vmul.f32 v15, v4;
	v32 =	vbroadcast v6, $0x8;
	v9 =	vadd.f32 v9, v13  }
0x22a: {  	v33 =	vld.idx.msk [tilespmem:v59+s6+$0x0], $0xffff;
	v13 =	vmul.f32 v30, v4;
	v14 =	vmul.f32 v14, v37;
	v10 =	vadd.f32 v12, v10  }
0x22b: {  	v12 =	vadd.f32 v60, v61;
	v30 =	vld.idx.msk [tilespmem:v59+s29+$0x0], $0xffff;
	v60 =	vor.u32 $0x22, v5;
	v47 =	vadd.f32 v15, v43  }
0x22c: {  	v15 =	vmul.f32 v48, v4;
	v29 =	vadd.f32 v58, v56;
	v48 =	vld.idx.msk [tilespmem:v38+s29+$0x0], $0xffff;
	v38 =	vor.u32 $0x24, v5  }
0x22d: {  	v37 =	vld.idx.msk [tilespmem:v63+s6+$0x0], $0xffff;
	v13 =	vadd.f32 v13, v34;
	v11 =	vadd.f32 v14, v11;
	v12 =	vmax.f32 v12, $0.0e+00  }
0x22e: {  	v26 =	vld.idx.msk [tilespmem:v53+s6+$0x0], $0xffff;
	v34 =	vbroadcast v8, $0x9;
	v14 =	vmax.f32 v47, $0.0e+00;
	v15 =	vadd.f32 v15, v54  }
0x22f: {  	v19 =	vld.idx.msk [tilespmem:v44+s6+$0x0], $0xffff;
	v12 =	vmul.f32 v12, v31;
	v47 =	vbroadcast v8, $0xB;
	v13 =	vmax.f32 v13, $0.0e+00  }
0x230: {  	v54 =	vld.idx.msk [tilespmem:v44+s29+$0x0], $0xffff;
	v44 =	vor.u32 $0x26, v5;
	v14 =	vmul.f32 v14, v51;
	v45 =	vmul.f32 v13, v41  }
0x231: {  	v13 =	vmul.f32 v46, v50;
	v15 =	vmax.f32 v15, $0.0e+00;
	v41 =	vbroadcast v6, $0x9  }
0x232: {  	v42 =	vadd.f32 v33, v30;
	v18 =	vadd.f32 v37, v35;
	v50 =	vor.u32 $0x20, v5  }
0x233: {  	v33 =	vor.u32 $0x23, v5;
	v35 =	vbroadcast v6, $0xE;
	v10 =	vadd.f32 v14, v10  }
0x234: {  	v25 =	vmul.f32 v15, v57;
	v14 =	vadd.f32 v27, v28;
	v15 =	vadd.f32 v26, v62  }
0x235: {  	v57 =	vbroadcast v6, $0xC;
	v58 =	vadd.f32 v16, v48;
	v62 =	vbroadcast v8, $0xD  }
0x236: {  	v43 =	vld.idx.msk [tilespmem:v36+s29+$0x0], $0xffff;
	v26 =	vor.u32 $0x29, v5;
	v9 =	vadd.f32 v13, v9;
	v13 =	vmul.f32 v29, v4  }
0x237: {  	v46 =	vld.idx.msk [tilespmem:v36+s6+$0x0], $0xffff;
	v7 =	vadd.f32 v45, v7;
	v45 =	vbroadcast v6, $0xA;
	v18 =	vmul.f32 v18, v4  }
0x238: {  	v36 =	vld.idx.msk [tilespmem:v60+s29+$0x0], $0xffff;
	v29 =	vbroadcast v8, $0xE;
	v8 =	vbroadcast v8, $0xF;
	v11 =	vadd.f32 v25, v11  }
0x239: {  	v20 =	vld.idx.msk [tilespmem:v60+s6+$0x0], $0xffff;
	v14 =	vmax.f32 v14, $0.0e+00;
	v39 =	vmul.f32 v15, v4;
	v15 =	vmul.f32 v42, v4  }
0x23a: {  	v28 =	vmul.f32 v58, v4;
	v31 =	vadd.f32 v19, v54;
	v42 =	vor.u32 $0x25, v5  }
0x23b: {  	v54 =	vor.u32 $0x27, v5;
	v14 =	vmul.f32 v14, v32;
	v13 =	vadd.f32 v13, v34  }
0x23c: {  	v30 =	vld.idx.msk [tilespmem:v55+s29+$0x0], $0xffff;
	v12 =	vadd.f32 v12, v7;
	v53 =	vadd.f32 v18, v49;
	v34 =	vbroadcast v6, $0xD  }
0x23d: {  	v32 =	vld.idx.msk [tilespmem:v55+s6+$0x0], $0xffff;
	v6 =	vbroadcast v6, $0xF;
	v7 =	vadd.f32 v39, v40;
	v51 =	vadd.f32 v15, v47  }
0x23e: {  	v17 =	vadd.f32 v46, v43;
	v59 =	vld.idx.msk [tilespmem:v50+s29+$0x0], $0xffff;
	v20 =	vadd.f32 v20, v36;
	v13 =	vmax.f32 v13, $0.0e+00  }
0x23f: {  	v63 =	vld.idx.msk [tilespmem:v50+s6+$0x0], $0xffff;
	v9 =	vadd.f32 v14, v9;
	v13 =	vmul.f32 v13, v41;
	v7 =	vmax.f32 v7, $0.0e+00  }
0x240: {  	v56 =	vmax.f32 v51, $0.0e+00;
	v61 =	vmul.f32 v17, v4;
	v17 =	vmul.f32 v31, v4  }
0x241: {  	v21 =	vld.idx.msk [tilespmem:v44+s6+$0x0], $0xffff;
	v7 =	vmul.f32 v7, v45;
	v14 =	vmul.f32 v56, v52;
	v10 =	vadd.f32 v13, v10  }
0x242: {  	v15 =	vmax.f32 v53, $0.0e+00;
	v53 =	vld.idx.msk [tilespmem:v44+s29+$0x0], $0xffff;
	v37 =	vadd.f32 v17, v8;
	v18 =	vadd.f32 v32, v30  }
0x243: {  	v13 =	vmul.f32 v15, v57;
	v8 =	vld [tilespmem:$0x8460];
	v11 =	vadd.f32 v7, v11;
	v12 =	vadd.f32 v14, v12  }
0x244: {  	v46 =	vld.idx.msk [tilespmem:v38+s29+$0x0], $0xffff;
	v47 =	vmul.f32 v20, v4;
	v14 =	vadd.f32 v61, v62;
	v16 =	vadd.f32 v63, v59  }
0x245: {  	v17 =	vld.idx.msk [tilespmem:v38+s6+$0x0], $0xffff;
	v9 =	vadd.f32 v13, v9;
	v13 =	vadd.f32 v28, v29;
	v15 =	vmax.f32 v37, $0.0e+00  }
0x246: {  	v18 =	vmul.f32 v18, v4;
	v14 =	vmax.f32 v14, $0.0e+00;
	v16 =	vmul.f32 v16, v4  }
0x247: {  	v7 =	vld [tilespmem:$0x8420];
	v6 =	vmul.f32 v15, v6;
	v14 =	vmul.f32 v14, v34;
	v13 =	vmax.f32 v13, $0.0e+00  }
0x248: {  	v24 =	vadd.f32 v21, v53;
	v13 =	vmul.f32 v13, v35;
	v45 =	vbroadcast v8, $0x0  }
0x249: {  	v25 =	vld.idx.msk [tilespmem:v54+s6+$0x0], $0xffff;
	v61 =	vor.u32 $0x28, v5;
	v51 =	vbroadcast v8, $0x1;
	v56 =	vbroadcast v8, $0x2  }
0x24a: {  	v63 =	vld.idx.msk [tilespmem:v54+s29+$0x0], $0xffff;
	v59 =	vadd.f32 v17, v46;
	v60 =	vbroadcast v8, $0x3;
	v17 =	vmul.f32 v24, v4  }
0x24b: {  	v40 =	vld.idx.msk [tilespmem:v33+s29+$0x0], $0xffff;
	v29 =	vor.u32 $0x2A, v5;
	v30 =	vbroadcast v8, $0x4;
	v38 =	vbroadcast v8, $0x5  }
0x24c: {  	v41 =	vld.idx.msk [tilespmem:v33+s6+$0x0], $0xffff;
	v6 =	vadd.f32 v6, v12;
	v39 =	vbroadcast v7, $0x0;
	v43 =	vbroadcast v7, $0x1  }
0x24d: {  	v46 =	vor.u32 $0x2C, v5;
	v48 =	vbroadcast v7, $0x2;
	v52 =	vbroadcast v7, $0x3  }
0x24e: {  	v50 =	vld.idx.msk [tilespmem:v42+s29+$0x0], $0xffff;
	v10 =	vadd.f32 v14, v10;
	v62 =	vbroadcast v7, $0x4;
	v27 =	vbroadcast v7, $0x5  }
0x24f: {  	v14 =	vld.idx.msk [tilespmem:v42+s6+$0x0], $0xffff;
	v28 =	vbroadcast v7, $0x6;
	v36 =	vadd.f32 v25, v63;
	v42 =	vor.u32 $0x2B, v5  }
0x250: {  	v54 =	vbroadcast v7, $0x9;
	v63 =	vor.u32 $0x2F, v5;
	v11 =	vadd.f32 v13, v11  }
0x251: {  	v37 =	vld.idx.msk [tilespmem:v26+s29+$0x0], $0xffff;
	v13 =	vadd.f32 v41, v40;
	v15 =	vmul.f32 v59, v4;
	v40 =	vbroadcast v7, $0x7  }
0x252: {  	v31 =	vld.idx.msk [tilespmem:v61+s29+$0x0], $0xffff;
	v59 =	vbroadcast v8, $0x9;
	v16 =	vadd.f32 v16, v39;
	v18 =	vadd.f32 v18, v43  }
0x253: {  	v34 =	vld.idx.msk [tilespmem:v61+s6+$0x0], $0xffff;
	v19 =	vadd.f32 v47, v48;
	v39 =	vbroadcast v8, $0x6;
	v48 =	vbroadcast v8, $0x7  }
0x254: {  	v21 =	vld.idx.msk [tilespmem:v26+s6+$0x0], $0xffff;
	v33 =	vadd.f32 v17, v28;
	v28 =	vbroadcast v8, $0xA;
	v13 =	vmul.f32 v13, v4  }
0x255: {  	v15 =	vadd.f32 v15, v62;
	v16 =	vmax.f32 v16, $0.0e+00;
	v18 =	vmax.f32 v18, $0.0e+00  }
0x256: {  	v57 =	vmax.f32 v19, $0.0e+00;
	v49 =	vmul.f32 v16, v45;
	v55 =	vmul.f32 v18, v51  }
0x257: {  	v13 =	vadd.f32 v13, v52;
	v58 =	vmul.f32 v57, v56;
	v14 =	vadd.f32 v14, v50  }
0x258: {  	v41 =	vld.idx.msk [tilespmem:v29+s29+$0x0], $0xffff;
	v32 =	vmax.f32 v15, $0.0e+00;
	v15 =	vmax.f32 v33, $0.0e+00;
	v17 =	vadd.f32 v34, v31  }
0x259: {  	v45 =	vld.idx.msk [tilespmem:v29+s6+$0x0], $0xffff;
	v16 =	vadd.f32 v21, v37;
	v51 =	vor.u32 $0x2D, v5;
	v52 =	vbroadcast v8, $0x8  }
0x25a: {  	v50 =	vld.idx.msk [tilespmem:v42+s29+$0x0], $0xffff;
	v57 =	vor.u32 $0x2E, v5;
	v29 =	vbroadcast v7, $0xB;
	v31 =	vor.u32 $0x30, v5  }
0x25b: {  	v53 =	vld.idx.msk [tilespmem:v42+s6+$0x0], $0xffff;
	v42 =	vor.u32 $0x31, v5;
	v12 =	vmul.f32 v32, v30;
	v44 =	vmul.f32 v15, v39  }
0x25c: {  	v56 =	vld.idx.msk [tilespmem:v46+s29+$0x0], $0xffff;
	v9 =	vadd.f32 v49, v9;
	v10 =	vadd.f32 v55, v10;
	v14 =	vmul.f32 v14, v4  }
0x25d: {  	v37 =	vld.idx.msk [tilespmem:v63+s29+$0x0], $0xffff;
	v13 =	vmax.f32 v13, $0.0e+00;
	v11 =	vadd.f32 v58, v11;
	v17 =	vmul.f32 v17, v4  }
0x25e: {  	v39 =	vld.idx.msk [tilespmem:v63+s6+$0x0], $0xffff;
	v49 =	vbroadcast v7, $0x8;
	v16 =	vmul.f32 v16, v4;
	v14 =	vadd.f32 v14, v27  }
0x25f: {  	v13 =	vmul.f32 v13, v60;
	v9 =	vadd.f32 v12, v9;
	v11 =	vadd.f32 v44, v11;
	v12 =	vld.idx.msk [tilespmem:v46+s6+$0x0], $0xffff  }
0x260: {  	v55 =	vbroadcast v7, $0xA;
	v17 =	vadd.f32 v17, v49;
	v16 =	vadd.f32 v16, v54;
	v60 =	vld.idx.msk [tilespmem:v51+s29+$0x0], $0xffff  }
0x261: {  	v46 =	vbroadcast v8, $0xC;
	v49 =	vbroadcast v7, $0xE;
	v6 =	vadd.f32 v13, v6;
	v62 =	vld.idx.msk [tilespmem:v51+s6+$0x0], $0xffff  }
0x262: {  	v27 =	vor.u32 $0x34, v5;
	v15 =	vadd.f32 v45, v41;
	v61 =	vadd.f32 v53, v50;
	v30 =	vld.idx.msk [tilespmem:v57+s29+$0x0], $0xffff  }
0x263: {  	v33 =	vld.idx.msk [tilespmem:v57+s6+$0x0], $0xffff;
	v51 =	vor.u32 $0x33, v5;
	v53 =	vbroadcast v8, $0xE;
	v57 =	vor.u32 $0x35, v5  }
0x264: {  	v35 =	vmax.f32 v14, $0.0e+00;
	v14 =	vmul.f32 v36, v4;
	v58 =	vmax.f32 v17, $0.0e+00  }
0x265: {  	v41 =	vld.idx.msk [tilespmem:v31+s29+$0x0], $0xffff;
	v16 =	vmax.f32 v16, $0.0e+00;
	v17 =	vadd.f32 v39, v37;
	v43 =	vmul.f32 v35, v38  }
0x266: {  	v50 =	vld.idx.msk [tilespmem:v42+s29+$0x0], $0xffff;
	v39 =	vor.u32 $0x39, v5;
	v15 =	vmul.f32 v15, v4;
	v18 =	vmul.f32 v61, v4  }
0x267: {  	v54 =	vld.idx.msk [tilespmem:v42+s6+$0x0], $0xffff;
	v35 =	vbroadcast v8, $0xB;
	v38 =	vbroadcast v7, $0xC;
	v14 =	vadd.f32 v14, v40  }
0x268: {  	v45 =	vld.idx.msk [tilespmem:v31+s6+$0x0], $0xffff;
	v40 =	vbroadcast v7, $0xD;
	v17 =	vmul.f32 v17, v4;
	v10 =	vadd.f32 v43, v10  }
0x269: {  	v7 =	vbroadcast v7, $0xF;
	v15 =	vadd.f32 v15, v55;
	v34 =	vadd.f32 v18, v29;
	v61 =	vld.idx.msk [tilespmem:v27+s29+$0x0], $0xffff  }
0x26a: {  	v12 =	vadd.f32 v12, v56;
	v24 =	vld.idx.msk [tilespmem:v27+s6+$0x0], $0xffff;
	v27 =	vor.u32 $0x36, v5;
	v47 =	vmax.f32 v14, $0.0e+00  }
0x26b: {  	v14 =	vmul.f32 v16, v59;
	v36 =	vadd.f32 v62, v60;
	v44 =	vadd.f32 v33, v30  }
0x26c: {  	v7 =	vadd.f32 v17, v7;
	v19 =	vadd.f32 v54, v50;
	v54 =	vor.u32 $0x3B, v5  }
0x26d: {  	v13 =	vmul.f32 v47, v48;
	v15 =	vmax.f32 v15, $0.0e+00;
	v12 =	vmul.f32 v12, v4  }
0x26e: {  	v47 =	vor.u32 $0x32, v5;
	v10 =	vadd.f32 v14, v10;
	v32 =	vmul.f32 v15, v28  }
0x26f: {  	v15 =	vmax.f32 v34, $0.0e+00;
	v16 =	vmul.f32 v36, v4;
	v14 =	vadd.f32 v45, v41  }
0x270: {  	v56 =	vld.idx.msk [tilespmem:v51+s29+$0x0], $0xffff;
	v7 =	vmax.f32 v7, $0.0e+00;
	v62 =	vmul.f32 v19, v4;
	v36 =	vor.u32 $0x38, v5  }
0x271: {  	v22 =	vld.idx.msk [tilespmem:v51+s6+$0x0], $0xffff;
	v6 =	vadd.f32 v13, v6;
	v13 =	vmul.f32 v58, v52;
	v15 =	vmul.f32 v15, v35  }
0x272: {  	v43 =	vadd.f32 v12, v38;
	v12 =	vmul.f32 v44, v4;
	v52 =	vbroadcast v8, $0xD  }
0x273: {  	v8 =	vbroadcast v8, $0xF;
	v11 =	vadd.f32 v32, v11;
	v13 =	vadd.f32 v13, v9;
	v9 =	vld [tilespmem:$0x8430]  }
0x274: {  	v44 =	vor.u32 $0x3A, v5;
	v16 =	vadd.f32 v16, v40;
	v15 =	vadd.f32 v15, v6;
	v6 =	vld [tilespmem:$0x8470]  }
0x275: {  	v14 =	vmul.f32 v14, v4;
	v48 =	vmax.f32 v43, $0.0e+00;
	v12 =	vadd.f32 v12, v49  }
0x276: {  	v7 =	vmul.f32 v7, v8;
	v17 =	vadd.f32 v22, v56;
	v16 =	vmax.f32 v16, $0.0e+00  }
0x277: {  	v35 =	vld.idx.msk [tilespmem:v27+s29+$0x0], $0xffff;
	v18 =	vmul.f32 v48, v46;
	v12 =	vmax.f32 v12, $0.0e+00;
	v16 =	vmul.f32 v16, v52  }
0x278: {  	v32 =	vor.u32 $0x37, v5;
	v19 =	vld.idx.msk [tilespmem:v27+s6+$0x0], $0xffff;
	v29 =	vmul.f32 v17, v4;
	v12 =	vmul.f32 v12, v53  }
0x279: {  	v7 =	vadd.f32 v7, v15;
	v26 =	vbroadcast v9, $0x0;
	v58 =	vbroadcast v6, $0x0  }
0x27a: {  	v55 =	vld.idx.msk [tilespmem:v47+s29+$0x0], $0xffff;
	v13 =	vadd.f32 v18, v13;
	v63 =	vbroadcast v9, $0x1;
	v25 =	vbroadcast v9, $0x2  }
0x27b: {  	v20 =	vld.idx.msk [tilespmem:v47+s6+$0x0], $0xffff;
	v10 =	vadd.f32 v16, v10;
	v28 =	vbroadcast v6, $0x1;
	v30 =	vbroadcast v9, $0x3  }
0x27c: {  	v47 =	vld.idx.msk [tilespmem:v36+s29+$0x0], $0xffff;
	v16 =	vadd.f32 v24, v61;
	v33 =	vbroadcast v6, $0x2;
	v34 =	vbroadcast v6, $0x3  }
0x27d: {  	v48 =	vld.idx.msk [tilespmem:v36+s6+$0x0], $0xffff;
	v19 =	vadd.f32 v19, v35;
	v37 =	vbroadcast v9, $0x4;
	v38 =	vbroadcast v9, $0x5  }
0x27e: {  	v35 =	vor.u32 $0x3E, v5;
	v45 =	vbroadcast v6, $0x4;
	v46 =	vbroadcast v6, $0x5  }
0x27f: {  	v50 =	vld.idx.msk [tilespmem:v39+s29+$0x0], $0xffff;
	v11 =	vadd.f32 v12, v11;
	v52 =	vbroadcast v9, $0x6;
	v36 =	vbroadcast v6, $0x8  }
0x280: {  	v53 =	vld.idx.msk [tilespmem:v39+s6+$0x0], $0xffff;
	v39 =	vbroadcast v9, $0xA;
	v60 =	vadd.f32 v20, v55;
	v16 =	vmul.f32 v16, v4  }
0x281: {  	v51 =	vmul.f32 v19, v4;
	v14 =	vadd.f32 v14, v26;
	v12 =	vadd.f32 v62, v63  }
0x282: {  	v18 =	vld.idx.msk [tilespmem:v57+s6+$0x0], $0xffff;
	v15 =	vadd.f32 v29, v30;
	v61 =	vadd.f32 v48, v47;
	v62 =	vbroadcast v6, $0x6  }
0x283: {  	v26 =	vld.idx.msk [tilespmem:v57+s29+$0x0], $0xffff;
	v63 =	vor.u32 $0x3D, v5;
	v48 =	vbroadcast v9, $0xB;
	v16 =	vadd.f32 v16, v37  }
0x284: {  	v57 =	vadd.f32 v51, v52;
	v52 =	vbroadcast v9, $0xC;
	v14 =	vmax.f32 v14, $0.0e+00  }
0x285: {  	v12 =	vmax.f32 v12, $0.0e+00;
	v30 =	vmul.f32 v61, v4;
	v59 =	vmul.f32 v14, v58  }
0x286: {  	v15 =	vmax.f32 v15, $0.0e+00;
	v14 =	vmul.f32 v60, v4;
	v12 =	vmul.f32 v12, v28  }
0x287: {  	v56 =	vld.idx.msk [tilespmem:v44+s29+$0x0], $0xffff;
	v41 =	vmul.f32 v15, v34;
	v16 =	vmax.f32 v16, $0.0e+00;
	v8 =	vadd.f32 v59, v13  }
0x288: {  	v42 =	vld.idx.msk [tilespmem:v32+s29+$0x0], $0xffff;
	v60 =	vbroadcast v9, $0x7;
	v14 =	vadd.f32 v14, v25;
	v18 =	vadd.f32 v18, v26  }
0x289: {  	v22 =	vld.idx.msk [tilespmem:v35+s6+$0x0], $0xffff;
	v10 =	vadd.f32 v12, v10;
	v7 =	vadd.f32 v41, v7;
	v12 =	vmul.f32 v16, v45  }
0x28a: {  	v58 =	vld.idx.msk [tilespmem:v44+s6+$0x0], $0xffff;
	v59 =	vor.u32 $0x3C, v5;
	v13 =	vmax.f32 v57, $0.0e+00;
	v16 =	vadd.f32 v53, v50  }
0x28b: {  	v5 =	vor.u32 $0x3F, v5;
	v41 =	vld.idx.msk [tilespmem:v35+s29+$0x0], $0xffff;
	v57 =	vbroadcast v9, $0xE;
	v13 =	vmul.f32 v13, v62  }
0x28c: {  	v31 =	vmax.f32 v14, $0.0e+00;
	v18 =	vmul.f32 v18, v4;
	v14 =	vld.idx.msk [tilespmem:v32+s6+$0x0], $0xffff;
	v16 =	vmul.f32 v16, v4  }
0x28d: {  	v34 =	vld.idx.msk [tilespmem:v54+s6+$0x0], $0xffff;
	v8 =	vadd.f32 v12, v8;
	v40 =	vmul.f32 v31, v33;
	v31 =	vbroadcast v9, $0x8  }
0x28e: {  	v32 =	vld.idx.msk [tilespmem:v54+s29+$0x0], $0xffff;
	v54 =	vbroadcast v6, $0xB;
	v43 =	vadd.f32 v18, v38;
	v38 =	vbroadcast v9, $0x9  }
0x28f: {  	v28 =	vld.idx.msk [tilespmem:v63+s29+$0x0], $0xffff;
	v33 =	vbroadcast v6, $0x7;
	v11 =	vadd.f32 v40, v11;
	v18 =	vadd.f32 v30, v31  }
0x290: {  	v37 =	vld.idx.msk [tilespmem:v59+s29+$0x0], $0xffff;
	v53 =	vadd.f32 v22, v41;
	v17 =	vmax.f32 v43, $0.0e+00;
	v16 =	vadd.f32 v16, v38  }
0x291: {  	v40 =	vld.idx.msk [tilespmem:v63+s6+$0x0], $0xffff;
	v43 =	vbroadcast v6, $0xA;
	v49 =	vmul.f32 v17, v46;
	v55 =	vadd.f32 v14, v42  }
0x292: {  	v44 =	vld.idx.msk [tilespmem:v5+s29+$0x0], $0xffff;
	v14 =	vadd.f32 v58, v56;
	v18 =	vmax.f32 v18, $0.0e+00;
	v42 =	vbroadcast v6, $0x9  }
0x293: {  	v5 =	vld.idx.msk [tilespmem:v5+s6+$0x0], $0xffff;
	v11 =	vadd.f32 v13, v11;
	v56 =	vbroadcast v9, $0xD;
	v9 =	vbroadcast v9, $0xF  }
0x294: {  	v17 =	vld.idx.msk [tilespmem:v59+s6+$0x0], $0xffff;
	v21 =	vadd.f32 v34, v32;
	v58 =	vbroadcast v6, $0xD;
	v18 =	vmul.f32 v18, v36  }
0x295: {  	v16 =	vmax.f32 v16, $0.0e+00;
	v12 =	vmul.f32 v55, v4;
	v14 =	vmul.f32 v14, v4  }
0x296: {  	v10 =	vadd.f32 v49, v10;
	v45 =	vmul.f32 v16, v42;
	v47 =	vmul.f32 v21, v4  }
0x297: {  	v55 =	vbroadcast v6, $0xC;
	v8 =	vadd.f32 v18, v8;
	v12 =	vadd.f32 v12, v60  }
0x298: {  	v16 =	vmul.f32 v53, v4;
	v51 =	vadd.f32 v40, v28;
	v14 =	vadd.f32 v14, v39  }
0x299: {  	v5 =	vadd.f32 v5, v44;
	v15 =	vadd.f32 v17, v37;
	v12 =	vmax.f32 v12, $0.0e+00  }
0x29a: {  	v10 =	vadd.f32 v45, v10;
	v14 =	vmax.f32 v14, $0.0e+00;
	v12 =	vmul.f32 v12, v33  }
0x29b: {  	v49 =	vadd.f32 v47, v48;
	v46 =	vmul.f32 v14, v43;
	v50 =	vmul.f32 v15, v4  }
0x29c: {  	v14 =	vmul.f32 v51, v4;
	v4 =	vmul.f32 v5, v4;
	v7 =	vadd.f32 v12, v7  }
0x29d: {  	v60 =	vbroadcast v6, $0xE;
	v11 =	vadd.f32 v46, v11;
	v13 =	vadd.f32 v50, v52  }
0x29e: {  	v6 =	vbroadcast v6, $0xF;
	v14 =	vadd.f32 v14, v56;
	v4 =	vadd.f32 v4, v9  }
0x29f: {  	v12 =	vmax.f32 v49, $0.0e+00;
	v5 =	vmax.f32 v13, $0.0e+00;
	v13 =	vadd.f32 v16, v57  }
0x2a0: {  	v12 =	vmul.f32 v12, v54;
	v59 =	vmax.f32 v14, $0.0e+00;
	v4 =	vmax.f32 v4, $0.0e+00  }
0x2a1: {  	v5 =	vmul.f32 v5, v55;
	v9 =	vmul.f32 v59, v58;
	v13 =	vmax.f32 v13, $0.0e+00  }
0x2a2: {  	v7 =	vadd.f32 v12, v7;
	v4 =	vmul.f32 v4, v6;
	v61 =	vmul.f32 v13, v60  }
0x2a3: {  	v5 =	vadd.f32 v5, v8;
	v62 =	vadd.f32 v9, v10  }
0x2a4: {  	v4 =	vadd.f32 v4, v7;
	v63 =	vadd.f32 v61, v11;
	_ =	sdelay $0x1  }
0x2a5: {  	v5 =	vadd.f32 v62, v5;
	v4 =	vadd.f32 v4, v63;
	_ =	sdelay $0x1  }
0x2a6: {  	v4 =	vadd.f32 v4, v5;
	_ =	sdelay $0x1  }
0x2a7: {  	v4 =	vadd.f32 v4, v2;
	_ =	sdelay $0x1  }
0x2a8: {  	v4 =	vsub.f32 $0.0e+00, v4;
	_ =	sdelay $0x1  }
0x2a9: {  	v4 =	vmul.f32 $1.442695020e+00, v4;
	_ =	sdelay $0x1  }
0x2aa: {  	(erf) = vpow2.f32 v4;
	_ =	sdelay $0x8  }
0x2ab: {  	v4 =	vpop (erf)  }
0x2ac: {  	v4 =	vadd.f32 $1.000000000e+00, v4;
	_ =	sdelay $0x1  }
0x2ad: {  	(erf) = vrcp.f32 v4;
	_ =	sdelay $0x4  }
0x2ae: {  	p0 =	sne.s32 s24, $0x70  }
.Ltmp6:
0x2af: {  	_ = 	snop;
	(pc) =	sbr.rel @p0 .LBB2_12-.Ltmp6, $3  }
0x2b0: {  	_ =	sdelay $0x1  }
0x2b1: {  	v4 =	vpop (erf)  }
0x2b2: {  	s17 =	sadd.s32 $0x10, s17;
	s24 =	sadd.s32 $0x10, s24;
	[tilespmem:s0+$0x0] =	vst v4;
	s0 =	sadd.s32 $0x10, s0  }
0x2b3: {  	s18 =	sadd.s32 $0x1, s18  }
0x2b4: {  	p0 =	sne.s32 s18, $0x62  }
.Ltmp7:
0x2b5: {  	_ = 	snop;
	(pc) =	sbr.rel @p0 .LBB2_2-.Ltmp7, $4  }
0x2b6: {  	s0 =	sadd.s32 s22, s21  }
0x2b7: {  	s0 =	sshrl.u32 s0, $0x3  }
0x2b8: {  	s0 =	sadd.s32 s12, s0  }
0x2b9: {  	[hbm4b:s0+s1] =	stream.linear.scatter [tilespmem:s15], [sflag:$0x6], $0x80, $0x38;
	[tilespmem:$0x8890] =	vst v63  }
0x2ba: {  	_ =	swait.ge [sflag:s16], $0x80  }
0x2bb: {  	[sflag:s16] =	ssyncset.done $0x0  }
0x2bc: {  	[sflag:s16] =	ssyncadd.s32 $0xFFFFFF80  }
0x2bd: {  	_ =	swait.ge [sflag:s14], $0x80  }
0x2be: {  	s17 =	rddreg [dreg:$0xd]  }
0x2bf: {  	s0 =	rddreg [dreg:$0xc];
	s17 =	sadd.s32 $0x1, s17  }
0x2c0: {  	p0 =	sne.s32 s17, s0  }
.Ltmp8:
0x2c1: {  	_ = 	snop;
	(pc) =	sbr.rel @p0 .LBB2_1-.Ltmp8, $3  }
0x2c2: {  	_ =	sdelay $0x1  }
0x2c3: {  	[sflag:s14] =	ssyncset.done $0x0  }
0x2c4: {  	[sflag:s14] =	ssyncadd.s32 $0xFFFFFF80  }
0x2c5: {  	_ =	sfence.sel $0x180000  }
0x2c6: {  	[bflag:$0x0] =	sbarrier.arrive $0xFFFF  }
0x2c7: {  	_ =	strace $0x9000004A  }
0x2c8: {  	s0 =	stileid.u32;
	[bflag:$0x2] =	sbarrier.arrive $0xFFFF  }
0x2c9: {  	p0 =	sne.s32 s0, $0x0;
	s0 =	rddreg [dreg:$0x1]  }
0x2ca: {  	s0 =	sadd.s32 @!p0 $0x100000, s0  }
0x2cb: {  	[sflag:s0] =	ssyncadd.tile.s32 @!p0 $0x1;
	_ =	shalt  }
.Lfunc_end2:
_tile_overlayer_lowered:
.L_overlay_start_2:
0x2cc: {  	(tag) =	ssettag $0x2  }
0x2cd: {  	s0 =	rddreg [dreg:$0x0];
	s2 =	stileid.u32  }
0x2ce: {  	s1 =	rddreg [dreg:$0x1];
	p0 =	sne.s32 s2, $0x0  }
0x2cf: {  	s3 =	rddreg [dreg:$0x2];
	[bflag:$0x3] =	sbarrier.arrive $0xFFFF;
	s2 =	simm.s32 @!p0 $0x1C07  }
0x2d0: {  	[timem:s3], [sflag:s2] =	dma.local @!p0 [hbm:s0], s1  }
0x2d1: {  	s0 =	simm.s32 @!p0 $0x7  }
0x2d2: {  	_ =	swait.ge @!p0 [sflag:s0], s1  }
0x2d3: {  	s1 =	ssub.s32 @!p0 $0x0, s1;
	[sflag:s0] =	ssyncset.done @!p0 $0x0  }
0x2d4: {  	[sflag:s0] =	ssyncadd.s32 @!p0 s1  }
0x2d5: {  	[bflag:$0x3] =	sbarrier.arrive $0xFFFF  }
0x2d6: {  	_ =	shalt  }

</sc_bundles>
